<compile_context>
chip_gen: v7x
topology: tpu7x:2x2x1
jax: 0.10.2.dev20260603
libtpu: 0.0.44.dev20260713+nightly
codegen_flags: <defaults>
</compile_context>

<pallas_src>
import functools
import jax
import jax.numpy as jnp
from jax import lax
from jax.experimental import pallas as pl
from jax.experimental.pallas import tpu as pltpu
from jax.experimental.pallas import tpu_sc as plsc

N_NODES = 10000
E_EDGES = 160000
IN_DIM = 256
HID = 512
OUT = 256
K_TARGET = 1024

_I32 = jnp.int32
_F32 = jnp.float32

_HALF = 128
_CHUNK = 128
_TILES = 16
_EPAD = 163840
_CPT = _EPAD // (_TILES * _CHUNK)
_NPAD = 10240
_RPT = _NPAD // _TILES
_NPAD_A = 10240
_RPT_A = _NPAD_A // _TILES


def _sc_aggregate(yA, yB, src2d, dst2d, zrows):
    mesh = plsc.VectorSubcoreMesh(core_axis_name="c", subcore_axis_name="s")

    @functools.partial(
        pl.kernel,
        out_type=[jax.ShapeDtypeStruct((_NPAD_A, _HALF), _F32),
                  jax.ShapeDtypeStruct((_NPAD_A, _HALF), _F32)],
        mesh=mesh,
        scratch_types=[
            pltpu.VMEM((_CPT, _CHUNK), _I32),
            pltpu.VMEM((_CPT, _CHUNK), _I32),
            pltpu.VMEM((_CHUNK, _HALF), _F32),
            pltpu.VMEM_SHARED((_NPAD_A, _HALF), _F32),
            pltpu.SemaphoreType.DMA,
        ],
    )
    def k(yA_h, yB_h, src_h, dst_h, z_h, outA, outB,
          src_v, dst_v, rows_v, agg_sh, sem):
        c = lax.axis_index("c")
        s = lax.axis_index("s")

        def run(y_h, out_h):
            base = s * _CPT
            pltpu.sync_copy(src_h.at[pl.ds(base, _CPT)], src_v)
            pltpu.sync_copy(dst_h.at[pl.ds(base, _CPT)], dst_v)
            pltpu.sync_copy(z_h, agg_sh.at[pl.ds(s * _RPT_A, _RPT_A)])
            plsc.subcore_barrier()

            def body(j, carry):
                pltpu.async_copy(y_h.at[src_v.at[j]], rows_v, sem).wait()
                pltpu.sync_copy(rows_v, agg_sh.at[dst_v.at[j]], add=True)
                return carry

            lax.fori_loop(_I32(0), _I32(_CPT), body, 0)
            plsc.subcore_barrier()
            pltpu.sync_copy(agg_sh.at[pl.ds(s * _RPT_A, _RPT_A)],
                            out_h.at[pl.ds(s * _RPT_A, _RPT_A)])

        @pl.when(c == 0)
        def _():
            run(yA_h, outA)

        @pl.when(c == 1)
        def _():
            run(yB_h, outB)

    return k(yA, yB, src2d, dst2d, zrows)


_BIGP = 2 * E_EDGES + 1


def _sc_cluster(src_t, dst_t, keep_p, deg_p, cr_p, bgc16):
    mesh = plsc.VectorSubcoreMesh(core_axis_name="c", subcore_axis_name="s")
    EPT = E_EDGES // _TILES
    G = EPT // 16

    @functools.partial(
        pl.kernel,
        out_type=[jax.ShapeDtypeStruct((_NPAD,), _I32),
                  jax.ShapeDtypeStruct((_TILES, E_EDGES // _TILES), _I32),
                  jax.ShapeDtypeStruct((_TILES, E_EDGES // _TILES), _I32)],
        mesh=mesh,
        compiler_params=pltpu.CompilerParams(needs_layout_passes=False),
        scratch_types=[
            pltpu.VMEM((EPT,), _I32),
            pltpu.VMEM((EPT,), _I32),
            pltpu.VMEM((_NPAD,), _I32),
            pltpu.VMEM((_NPAD,), _I32),
            pltpu.VMEM((_NPAD,), _I32),
            pltpu.VMEM((_NPAD,), _I32),
            pltpu.VMEM((_NPAD,), _I32),
            pltpu.VMEM((_NPAD,), _I32),
            pltpu.VMEM((_RPT,), _I32),
            pltpu.VMEM((_RPT,), _I32),
            pltpu.VMEM((_RPT,), _I32),
            pltpu.VMEM((_RPT,), _I32),
            pltpu.VMEM((_RPT,), _I32),
            pltpu.VMEM((16,), _I32),
            pltpu.VMEM((E_EDGES // _TILES,), _I32),
            pltpu.VMEM((E_EDGES // _TILES,), _I32),
            pltpu.VMEM_SHARED((_TILES, _NPAD), _I32),
            pltpu.VMEM_SHARED((_TILES, _NPAD), _I32),
            pltpu.VMEM_SHARED((_NPAD,), _I32),
        ],
    )
    def k(src_h, dst_h, keep_h, deg_h, cr_h, bgc_h, out_h, cu_h, cv_h,
          src_v, dst_v, keep_t, deg_t, cr_t, bd, bp, bnb,
          macc, mtmp, nacc, ntmp, cid_v, bgc_v, cu_v, cv_v,
          slab, slab2, gbd, ):
        c = lax.axis_index("c")
        s = lax.axis_index("s")

        @pl.when(c == 0)
        def _():
            pltpu.sync_copy(src_h.at[s], src_v)
            pltpu.sync_copy(dst_h.at[s], dst_v)
            pltpu.sync_copy(keep_h, keep_t)
            pltpu.sync_copy(deg_h, deg_t)
            pltpu.sync_copy(cr_h, cr_t)
            pltpu.sync_copy(bgc_h, bgc_v)
            neg1 = jnp.full((16,), -1, _I32)
            bigp = jnp.full((16,), _BIGP, _I32)
            zero = jnp.zeros((16,), _I32)

            def init(i, carry):
                bd[pl.ds(i * 16, 16)] = neg1
                bp[pl.ds(i * 16, 16)] = bigp
                bnb[pl.ds(i * 16, 16)] = zero
                return carry
            lax.fori_loop(_I32(0), _I32(_NPAD // 16), init, 0)

            def smax(node, key):
                def cond(pend):
                    return jnp.max(pend) > 0

                def body(pend):
                    cur = plsc.load_gather(bd, [node])
                    need = (pend != 0) & (key > cur)
                    plsc.store_scatter(bd, [node], key, mask=need)
                    cur2 = plsc.load_gather(bd, [node])
                    return (need & (key > cur2)).astype(_I32)
                lax.while_loop(cond, body, jnp.ones((16,), _I32))

            def g1(g, carry):
                sv = src_v[pl.ds(g * 16, 16)]
                dv = dst_v[pl.ds(g * 16, 16)]
                degs = plsc.load_gather(deg_t, [sv])
                degd = plsc.load_gather(deg_t, [dv])
                kms = plsc.load_gather(keep_t, [sv])
                kmd = plsc.load_gather(keep_t, [dv])
                smax(sv, jnp.where(kmd == 1, degd, -1))
                smax(dv, jnp.where(kms == 1, degs, -1))
                return carry
            lax.fori_loop(_I32(0), _I32(G), g1, 0)

            pltpu.sync_copy(bd, slab.at[s])
            plsc.subcore_barrier()
            nb = s * _RPT
            pltpu.sync_copy(slab.at[_I32(0), pl.ds(nb, _RPT)], macc)

            def mrg1(p, carry):
                pltpu.sync_copy(slab.at[p, pl.ds(nb, _RPT)], mtmp)

                def mx(i, carry2):
                    sl = pl.ds(i * 16, 16)
                    macc[sl] = jnp.maximum(macc[sl], mtmp[sl])
                    return carry2
                lax.fori_loop(_I32(0), _I32(_RPT // 16), mx, 0)
                return carry
            lax.fori_loop(_I32(1), _I32(_TILES), mrg1, 0)
            pltpu.sync_copy(macc, gbd.at[pl.ds(nb, _RPT)])
            plsc.subcore_barrier()
            pltpu.sync_copy(gbd, bd)

            def smin(node, key, payload):
                def cond(pend):
                    return jnp.max(pend) > 0

                def body(pend):
                    cur = plsc.load_gather(bp, [node])
                    need = (pend != 0) & (key < cur)
                    plsc.store_scatter(bp, [node], key, mask=need)
                    cur2 = plsc.load_gather(bp, [node])
                    win = need & (cur2 == key)
                    plsc.store_scatter(bnb, [node], payload, mask=win)
                    return (need & (key < cur2)).astype(_I32)
                lax.while_loop(cond, body, jnp.ones((16,), _I32))

            lane = lax.iota(_I32, 16)

            def g2(g, carry):
                sv = src_v[pl.ds(g * 16, 16)]
                dv = dst_v[pl.ds(g * 16, 16)]
                degs = plsc.load_gather(deg_t, [sv])
                degd = plsc.load_gather(deg_t, [dv])
                kms = plsc.load_gather(keep_t, [sv])
                kmd = plsc.load_gather(keep_t, [dv])
                bdA = plsc.load_gather(bd, [sv])
                bdB = plsc.load_gather(bd, [dv])
                j = s * EPT + g * 16 + lane
                smin(sv, jnp.where((kmd == 1) & (degd == bdA), 2 * j, _BIGP),
                     dv)
                smin(dv, jnp.where((kms == 1) & (degs == bdB), 2 * j + 1,
                                   _BIGP), sv)
                return carry
            lax.fori_loop(_I32(0), _I32(G), g2, 0)

            pltpu.sync_copy(bp, slab.at[s])
            pltpu.sync_copy(bnb, slab2.at[s])
            plsc.subcore_barrier()
            pltpu.sync_copy(slab.at[_I32(0), pl.ds(nb, _RPT)], macc)
            pltpu.sync_copy(slab2.at[_I32(0), pl.ds(nb, _RPT)], nacc)

            def mrg2(p, carry):
                pltpu.sync_copy(slab.at[p, pl.ds(nb, _RPT)], mtmp)
                pltpu.sync_copy(slab2.at[p, pl.ds(nb, _RPT)], ntmp)

                def mn(i, carry2):
                    sl = pl.ds(i * 16, 16)
                    take = mtmp[sl] < macc[sl]
                    macc[sl] = jnp.minimum(macc[sl], mtmp[sl])
                    nacc[sl] = jnp.where(take, ntmp[sl], nacc[sl])
                    return carry2
                lax.fori_loop(_I32(0), _I32(_RPT // 16), mn, 0)
                return carry
            lax.fori_loop(_I32(1), _I32(_TILES), mrg2, 0)

            bgc = bgc_v[pl.ds(0, 16)]

            def fin(i, carry):
                sl = pl.ds(i * 16, 16)
                gsl = pl.ds(nb + i * 16, 16)
                has_c = bd[gsl] >= 0
                crn = plsc.load_gather(cr_t, [nacc[sl]])
                assigned = jnp.where(has_c, crn, bgc)
                cid_v[sl] = jnp.where(keep_t[gsl] == 1, cr_t[gsl], assigned)
                return carry
            lax.fori_loop(_I32(0), _I32(_RPT // 16), fin, 0)
            pltpu.sync_copy(cid_v, out_h.at[pl.ds(nb, _RPT)])

            pltpu.sync_copy(cid_v, gbd.at[pl.ds(nb, _RPT)])
            plsc.subcore_barrier()
            pltpu.sync_copy(gbd, bd)

            def ge(g, carry):
                sl = pl.ds(g * 16, 16)
                cu_v[sl] = plsc.load_gather(bd, [src_v[sl]])
                cv_v[sl] = plsc.load_gather(bd, [dst_v[sl]])
                return carry
            lax.fori_loop(_I32(0), _I32(G), ge, 0)
            pltpu.sync_copy(cu_v, cu_h.at[s])
            pltpu.sync_copy(cv_v, cv_h.at[s])

    return k(src_t, dst_t, keep_p, deg_p, cr_p, bgc16)


def _dense1_body(pre_ref, x_ref, dinv_ref, w1_ref, b1_ref, wsc_ref,
                 wsk_ref, bsk_ref, x1g_ref, skip_ref, raw_ref):
    dinv = dinv_ref[...]
    h = dinv * pre_ref[...] + (dinv * dinv) * x_ref[...]
    x1 = jnp.maximum(jnp.dot(h, w1_ref[...], preferred_element_type=_F32,
                             precision=lax.Precision.HIGHEST) + b1_ref[...],
                     0.0)
    rawf = jnp.dot(x1, wsc_ref[...], preferred_element_type=_F32,
                   precision=lax.Precision.HIGHEST)
    gate = jnp.tanh(rawf[:, 0:1])
    x1g_ref[...] = x1 * gate
    skip_ref[...] = jnp.dot(x1, wsk_ref[...], preferred_element_type=_F32,
                            precision=lax.Precision.HIGHEST) + bsk_ref[...]
    raw_ref[...] = rawf


def _dense1(pre, x, dinv, W1, b1, Wscore, Wskip, bskip):
    B = 1000
    grid = (N_NODES // B,)
    _i32 = lambda v: jnp.asarray(v, _I32)
    wsc_pad = jnp.zeros((HID, 128), _F32).at[:, 0:1].set(Wscore)
    out = pl.pallas_call(
        _dense1_body,
        grid=grid,
        in_specs=[
            pl.BlockSpec((B, IN_DIM), lambda i: (_i32(i), _i32(0))),
            pl.BlockSpec((B, IN_DIM), lambda i: (_i32(i), _i32(0))),
            pl.BlockSpec((B, 1), lambda i: (_i32(i), _i32(0))),
            pl.BlockSpec((IN_DIM, HID), lambda i: (_i32(0), _i32(0))),
            pl.BlockSpec((1, HID), lambda i: (_i32(0), _i32(0))),
            pl.BlockSpec((HID, 128), lambda i: (_i32(0), _i32(0))),
            pl.BlockSpec((HID, OUT), lambda i: (_i32(0), _i32(0))),
            pl.BlockSpec((1, OUT), lambda i: (_i32(0), _i32(0))),
        ],
        out_specs=[
            pl.BlockSpec((B, HID), lambda i: (_i32(i), _i32(0))),
            pl.BlockSpec((B, OUT), lambda i: (_i32(i), _i32(0))),
            pl.BlockSpec((B, 128), lambda i: (_i32(i), _i32(0))),
        ],
        out_shape=[
            jax.ShapeDtypeStruct((N_NODES, HID), _F32),
            jax.ShapeDtypeStruct((N_NODES, OUT), _F32),
            jax.ShapeDtypeStruct((N_NODES, 128), _F32),
        ],
    )(pre, x, dinv[:, None], W1, b1[None, :], wsc_pad, Wskip, bskip[None, :])
    x1g, skip, rawf = out
    return x1g, skip, rawf[:, 0]


def _sc_adj(cu2d, cv2d):
    mesh = plsc.VectorSubcoreMesh(core_axis_name="c", subcore_axis_name="s")
    EPT = E_EDGES // _TILES
    G = EPT // 16
    ROWS = K_TARGET // 32

    @functools.partial(
        pl.kernel,
        out_type=jax.ShapeDtypeStruct((K_TARGET, K_TARGET), _F32),
        mesh=mesh,
        compiler_params=pltpu.CompilerParams(needs_layout_passes=False),
        scratch_types=[
            pltpu.VMEM((EPT,), _I32),
            pltpu.VMEM((EPT,), _I32),
            pltpu.VMEM((ROWS, K_TARGET), _F32),
        ],
    )
    def k(cu_h, cv_h, a_h, cu_v, cv_v, a_loc):
        c = lax.axis_index("c")
        s = lax.axis_index("s")
        w = s * 2 + c
        lo = w * ROWS
        zero16 = jnp.zeros((16,), _F32)
        one16 = jnp.ones((16,), _F32)

        def z2(i, carry):
            r = i // (K_TARGET // 16)
            col = (i % (K_TARGET // 16)) * 16
            a_loc[r, pl.ds(col, 16)] = zero16
            return carry
        lax.fori_loop(_I32(0), _I32(ROWS * (K_TARGET // 16)), z2, 0)

        def tloop(t, carry):
            pltpu.sync_copy(cu_h.at[t], cu_v)
            pltpu.sync_copy(cv_h.at[t], cv_v)

            def g(gi, carry2):
                sl = pl.ds(gi * 16, 16)
                cu = cu_v[sl]
                cv = cv_v[sl]
                m = (cu >= lo) & (cu < lo + ROWS)
                cur = jnp.where(m, cu - lo, 0)
                plsc.store_scatter(a_loc, [cur, cv], one16, mask=m)
                return carry2
            lax.fori_loop(_I32(0), _I32(G), g, 0)
            return carry
        lax.fori_loop(_I32(0), _I32(_TILES), tloop, 0)
        pltpu.sync_copy(a_loc, a_h.at[pl.ds(lo, ROWS)])

    return k(cu2d, cv2d)


def _pool_body(cid_ref, x1g_ref, sums_ref, cnt_ref):
    i = pl.program_id(0)

    @pl.when(i == 0)
    def _():
        sums_ref[...] = jnp.zeros_like(sums_ref)
        cnt_ref[...] = jnp.zeros_like(cnt_ref)

    onehot = (lax.broadcasted_iota(_I32, (cid_ref.shape[0], K_TARGET), 1)
              == cid_ref[...]).astype(_F32)
    sums_ref[...] += lax.dot_general(onehot, x1g_ref[...],
                                     (((0,), (0,)), ((), ())),
                                     preferred_element_type=_F32,
                                     precision=lax.Precision.HIGHEST)
    cnt_ref[...] += jnp.sum(onehot, axis=0)[None, :]


def _pool(cluster_id, x1g):
    B = 1000
    _i32 = lambda v: jnp.asarray(v, _I32)
    return pl.pallas_call(
        _pool_body,
        grid=(N_NODES // B,),
        in_specs=[
            pl.BlockSpec((B, 1), lambda i: (_i32(i), _i32(0))),
            pl.BlockSpec((B, HID), lambda i: (_i32(i), _i32(0))),
        ],
        out_specs=[
            pl.BlockSpec((K_TARGET, HID), lambda i: (_i32(0), _i32(0))),
            pl.BlockSpec((1, K_TARGET), lambda i: (_i32(0), _i32(0))),
        ],
        out_shape=[
            jax.ShapeDtypeStruct((K_TARGET, HID), _F32),
            jax.ShapeDtypeStruct((1, K_TARGET), _F32),
        ],
        compiler_params=pltpu.CompilerParams(
            dimension_semantics=("arbitrary",)),
    )(cluster_id[:, None], x1g)


def _pgcn_body(a_ref, sums_ref, cnt_ref, w2_ref, b2_ref, out_ref):
    K = K_TARGET
    ii = lax.broadcasted_iota(_I32, (K, K), 0)
    jj = lax.broadcasted_iota(_I32, (K, K), 1)
    a_hat = jnp.where(ii == jj, 1.0, a_ref[...])
    degp = jnp.sum(a_hat, axis=0)
    dinvp = lax.rsqrt(degp)
    recip = 1.0 / jnp.maximum(cnt_ref[0, :], 1.0)
    x_p = sums_ref[...] * recip[:, None]
    xw = jnp.dot(x_p, w2_ref[...], preferred_element_type=_F32,
                 precision=lax.Precision.HIGHEST)
    z = dinvp[:, None] * xw
    x_p2 = dinvp[:, None] * lax.dot_general(
        a_hat, z, (((0,), (0,)), ((), ())), preferred_element_type=_F32,
        precision=lax.Precision.HIGHEST)
    out_ref[...] = x_p2 + b2_ref[...]


def _pgcn(A, sums, cnt, W2, b2):
    K = K_TARGET
    return pl.pallas_call(
        _pgcn_body,
        out_shape=jax.ShapeDtypeStruct((K, OUT), _F32),
    )(A, sums, cnt, W2, b2[None, :])


def _bcast_body(cid_ref, xp2_ref, skip_ref, out_ref):
    onehot = (lax.broadcasted_iota(_I32, (cid_ref.shape[0], K_TARGET), 1)
              == cid_ref[...]).astype(_F32)
    out_ref[...] = jnp.dot(onehot, xp2_ref[...],
                           preferred_element_type=_F32,
                           precision=lax.Precision.HIGHEST) + skip_ref[...]


def _bcast(cluster_id, x_p2, skip):
    B = 1000
    _i32 = lambda v: jnp.asarray(v, _I32)
    return pl.pallas_call(
        _bcast_body,
        grid=(N_NODES // B,),
        in_specs=[
            pl.BlockSpec((B, 1), lambda i: (_i32(i), _i32(0))),
            pl.BlockSpec((K_TARGET, OUT), lambda i: (_i32(0), _i32(0))),
            pl.BlockSpec((B, OUT), lambda i: (_i32(i), _i32(0))),
        ],
        out_specs=pl.BlockSpec((B, OUT), lambda i: (_i32(i), _i32(0))),
        out_shape=jax.ShapeDtypeStruct((N_NODES, OUT), _F32),
    )(cluster_id[:, None], x_p2, skip)


def kernel(x, edge_index, W1, b1, W2, b2, Wskip, bskip, Wscore):
    out_dtype = jnp.result_type(x.dtype, W1.dtype)
    x = x.astype(_F32)
    W1 = W1.astype(_F32)
    b1 = b1.astype(_F32)
    W2 = W2.astype(_F32)
    b2 = b2.astype(_F32)
    Wskip = Wskip.astype(_F32)
    bskip = bskip.astype(_F32)
    Wscore = Wscore.astype(_F32)
    src = edge_index[0].astype(_I32)
    dst = edge_index[1].astype(_I32)
    N, E, K = N_NODES, E_EDGES, K_TARGET

    deg_dst = jnp.zeros((N,), _I32).at[dst].add(1)
    deg_src = jnp.zeros((N,), _I32).at[src].add(1)
    dinv = lax.rsqrt(deg_dst.astype(_F32) + 1.0)

    y = dinv[:, None] * x
    pad = _EPAD - E
    src2d = jnp.concatenate([src, jnp.zeros((pad,), _I32)]).reshape(
        _TILES * _CPT, _CHUNK)
    dst2d = jnp.concatenate([dst, jnp.full((pad,), _NPAD_A - 1, _I32)]).reshape(
        _TILES * _CPT, _CHUNK)
    zrows = jnp.zeros((_RPT_A, _HALF), _F32)
    outA, outB = _sc_aggregate(y[:, :_HALF], y[:, _HALF:], src2d, dst2d, zrows)
    agg = jnp.concatenate([outA[:N], outB[:N]], axis=1)


    x1g, skip, raw = _dense1(agg, x, dinv, W1, b1, Wscore, Wskip, bskip)

    _, kept = lax.top_k(raw, K)
    keep_mask = jnp.zeros((N,), bool).at[kept].set(True)
    cluster_rank = jnp.cumsum(keep_mask.astype(_I32)) - 1

    maxdeg = jnp.max(jnp.where(keep_mask, deg_src, -1))
    elig = keep_mask & (deg_src == maxdeg)
    bg_node = jnp.argmax(jnp.where(elig, raw, -jnp.inf))
    best_global_cluster = cluster_rank[bg_node]

    npadding = (0, _NPAD - N)
    cid_pad, cu2d, cv2d = _sc_cluster(
        src.reshape(_TILES, E // _TILES),
        dst.reshape(_TILES, E // _TILES),
        jnp.pad(keep_mask.astype(_I32), npadding),
        jnp.pad(deg_src, npadding),
        jnp.pad(cluster_rank, npadding),
        jnp.full((16,), best_global_cluster, _I32),
    )
    cluster_id = cid_pad[:N]

    sums, cnt = _pool(cluster_id, x1g)

    A = _sc_adj(cu2d, cv2d)
    x_p2 = _pgcn(A, sums, cnt, W2, b2)

    out = _bcast(cluster_id, x_p2, skip)
    return (out.astype(out_dtype), 0.0)

# --- scband reference (transcript-rebuilt; emitter-appended) ---
"""Pipeline reference for scband-top-kpool-broadcast-gcn-51247549776544 (READ-ONLY COPY).

The authoritative reference and input builder live on the scoring server;
editing this copy changes nothing except your own understanding.
"""

import jax, jax.numpy as jnp
import numpy as np
jax.config.update("jax_enable_x64", True)

N_NODES = 10000
E_EDGES = 160000
IN_DIM = 256
HID = 512
OUT = 256
K_TARGET = 1024


def setup_inputs(seed: int = 0) -> dict:
    key = jax.random.key(seed)
    ks = jax.random.split(key, 8)
    x = jax.random.normal(ks[0], (N_NODES, IN_DIM), dtype=jnp.float32)
    edge_index = jax.random.randint(ks[1], (2, E_EDGES), 0, N_NODES, dtype=jnp.int64)
    W1 = jax.random.normal(ks[2], (IN_DIM, HID), dtype=jnp.float32) / np.sqrt(IN_DIM)
    b1 = jnp.zeros((HID,), jnp.float32)
    W2 = jax.random.normal(ks[3], (HID, OUT), dtype=jnp.float32) / np.sqrt(HID)
    b2 = jnp.zeros((OUT,), jnp.float32)
    Wskip = jax.random.normal(ks[4], (HID, OUT), dtype=jnp.float32) / np.sqrt(HID)
    bskip = jnp.zeros((OUT,), jnp.float32)
    Wscore = jax.random.normal(ks[5], (HID, 1), dtype=jnp.float32) / np.sqrt(HID)
    return {"x": x, "edge_index": edge_index, "W1": W1, "b1": b1, "W2": W2,
            "b2": b2, "Wskip": Wskip, "bskip": bskip, "Wscore": Wscore}


def _gcn_sparse(x, src, dst, W, b):
    # PyG GCNConv(add_self_loops=True, normalize=True) with unit edge weights
    n = x.shape[0]
    xw = x @ W
    deg = jnp.zeros((n,), xw.dtype).at[dst].add(1.0) + 1.0  # in-degree + self loop
    dinv = 1.0 / jnp.sqrt(deg)
    norm = dinv[src] * dinv[dst]
    out = jnp.zeros((n, xw.shape[1]), xw.dtype).at[dst].add(norm[:, None] * xw[src])
    out = out + (dinv * dinv)[:, None] * xw  # self-loop messages
    return out + b


def _forward(x, W1, b1, W2, b2, Wskip, bskip, Wscore, edge_index):
    N = x.shape[0]
    E = edge_index.shape[1]
    src = edge_index[0]
    dst = edge_index[1]
    x1 = jax.nn.relu(_gcn_sparse(x, src, dst, W1, b1))
    # dropout: eval mode (training=False) -> identity
    raw = (x1 @ Wscore)[:, 0]
    gate = jnp.tanh(raw)[:, None]
    x1g = x1 * gate
    K = min(K_TARGET, N)
    _, kept = jax.lax.top_k(raw, K)
    keep_mask = jnp.zeros((N,), bool).at[kept].set(True)
    deg = jnp.zeros((N,), jnp.int64).at[src].add(1)  # bincount(edge_index[0])
    # flattened neighbor lists matching torch append order:
    # loop over edges i: neigh[a].append(b) (pos 2i), neigh[b].append(a) (pos 2i+1)
    ar = jnp.arange(E, dtype=jnp.int64)
    nodes = jnp.concatenate([src, dst])
    nbrs = jnp.concatenate([dst, src])
    pos = jnp.concatenate([2 * ar, 2 * ar + 1])
    twoE = jnp.int64(2 * E)
    valid = keep_mask[nbrs]
    # composite key: max degree wins, ties broken by earliest position in neigh list
    key_ = jnp.where(valid, deg[nbrs] * twoE + (twoE - 1 - pos), jnp.int64(-1))
    best_key = jax.ops.segment_max(key_, nodes, num_segments=N)
    has_cand = best_key >= 0
    pos_best = jnp.clip(twoE - 1 - jnp.where(has_cand, best_key % twoE, 0), 0, twoE - 1)
    i_best = pos_best // 2
    dir_best = pos_best % 2
    nb_best = jnp.where(dir_best == 0, dst[i_best], src[i_best])
    cluster = jnp.full((N,), -1, dtype=jnp.int64).at[kept].set(jnp.arange(K, dtype=jnp.int64))
    best_global_cluster = jnp.argmax(deg[kept]).astype(jnp.int64)  # cluster of highest-degree kept node
    assigned = jnp.where(has_cand, cluster[nb_best], best_global_cluster)
    cluster_id = jnp.where(keep_mask, cluster, assigned)
    # Kc = cluster_id.max() + 1 == K always (kept nodes carry ids 0..K-1)
    # pool_by_partition: mean-pool features per cluster
    Fdim = x1g.shape[1]
    sums = jnp.zeros((K, Fdim), x1g.dtype).at[cluster_id].add(x1g)
    counts = jnp.zeros((K,), jnp.int64).at[cluster_id].add(1)
    counts = jnp.maximum(counts, 1).astype(x1g.dtype)[:, None]
    x_p = sums / counts
    # pooled edge set: unique (cu, cv) with cu != cv -> dense 0/1 adjacency (dedup via set)
    cu = cluster_id[src]
    cv = cluster_id[dst]
    A = jnp.zeros((K, K), x1g.dtype).at[cu, cv].set(1.0)
    A = A * (1.0 - jnp.eye(K, dtype=x1g.dtype))  # drop a==b pairs
    # GCNConv on pooled graph (dense): add self loops + symmetric norm
    A_hat = A + jnp.eye(K, dtype=x1g.dtype)
    degp = A_hat.sum(axis=0)  # target-side degree
    dinvp = 1.0 / jnp.sqrt(degp)
    xw = x_p @ W2
    x_p2 = (A_hat * dinvp[:, None] * dinvp[None, :]).T @ xw + b2
    up = x_p2[cluster_id]
    skip = x1 @ Wskip + bskip
    return up + skip


def reference(x, edge_index, W1, b1, W2, b2, Wskip, bskip, Wscore):
    logits = _forward(x, W1, b1, W2, b2, Wskip, bskip, Wscore, edge_index)
    return (logits, 0.0)

if __name__ == "__main__":
    import jax
    _d = setup_inputs()
    print(jax.jit(kernel)(*tuple(_d.values())))

</pallas_src>

<mosaic_0001>
#map = affine_map<(d0, d1) -> (0, 0)>
module attributes {stable_mosaic.version = 14 : i64} {
  func.func @k(%arg0: i32, %arg1: i32, %arg2: memref<10000x128xf32, #tpu.memory_space<hbm>>, %arg3: memref<10000x128xf32, #tpu.memory_space<hbm>>, %arg4: memref<1280x128xi32, #tpu.memory_space<hbm>>, %arg5: memref<1280x128xi32, #tpu.memory_space<hbm>>, %arg6: memref<640x128xf32, #tpu.memory_space<hbm>>, %arg7: memref<10240x128xf32, #tpu.memory_space<hbm>>, %arg8: memref<10240x128xf32, #tpu.memory_space<hbm>>, %arg9: memref<80x128xi32, #tpu.memory_space<vmem>>, %arg10: memref<80x128xi32, #tpu.memory_space<vmem>>, %arg11: memref<128x128xf32, #tpu.memory_space<vmem>>, %arg12: memref<10240x128xf32, #tpu.memory_space<vmem_shared>>, %arg13: memref<!tpu.dma_semaphore, #tpu.memory_space<semaphore_mem>>) attributes {dimension_semantics = [#tpu.dimension_semantics<core_parallel>, #tpu.dimension_semantics<subcore_parallel>], iteration_bounds = array<i64: 2, 16>, scalar_prefetch = 0 : i64, scratch_operands = 5 : i64, tpu.core_type = #tpu.core_type<sc_vector_subcore>, window_params = [{transform_indices = #map}, {transform_indices = #map}, {transform_indices = #map}, {transform_indices = #map}, {transform_indices = #map}, {transform_indices = #map}, {transform_indices = #map}]} {
    %eq3A = arith.constant 0 : i32
    %eq3A_0 = arith.cmpi eq, %arg0, %eq3A : i32
    %convert_element_type3A = arith.extui %eq3A_0 : i1 to i32
    %cond3A = arith.constant 0 : i32
    %cond3A_1 = arith.cmpi ne, %convert_element_type3A, %cond3A : i32
    scf.if %cond3A_1 {
      %mul3A = arith.constant 80 : i32
      %mul3A_7 = arith.muli %arg1, %mul3A : i32
      "tpu.region"() ({
        %run_scoped3A = tpu.sem_alloc : memref<!tpu.dma_semaphore, #tpu.memory_space<semaphore_mem>>
        %dma_start3A = arith.constant 0 : i32
        %dma_start3A_25 = tpu.memref_slice %arg4[%mul3A_7, %dma_start3A] : memref<1280x128xi32, #tpu.memory_space<hbm>> -> memref<80x128xi32, #tpu.memory_space<hbm>>
        %dma_start3A_26 = arith.constant 0 : i32
        %dma_start3A_27 = tpu.memref_slice %arg4[%mul3A_7, %dma_start3A_26] : memref<1280x128xi32, #tpu.memory_space<hbm>> -> memref<80x128xi32, #tpu.memory_space<hbm>>
        tpu.enqueue_dma source(%dma_start3A_27 : memref<80x128xi32, #tpu.memory_space<hbm>>) target(%arg9 : memref<80x128xi32, #tpu.memory_space<vmem>>) target_semaphore(%run_scoped3A : memref<!tpu.dma_semaphore, #tpu.memory_space<semaphore_mem>>)
        %dma_wait3A = arith.constant 0 : i32
        %dma_wait3A_28 = tpu.memref_slice %arg4[%mul3A_7, %dma_wait3A] : memref<1280x128xi32, #tpu.memory_space<hbm>> -> memref<80x128xi32, #tpu.memory_space<hbm>>
        %dma_wait3A_29 = arith.constant 0 : i32
        %dma_wait3A_30 = tpu.memref_slice %arg4[%mul3A_7, %dma_wait3A_29] : memref<1280x128xi32, #tpu.memory_space<hbm>> -> memref<80x128xi32, #tpu.memory_space<hbm>>
        tpu.wait_dma2 semaphore(%run_scoped3A : memref<!tpu.dma_semaphore, #tpu.memory_space<semaphore_mem>>) src(%dma_wait3A_30 : memref<80x128xi32, #tpu.memory_space<hbm>>) dst(%arg9 : memref<80x128xi32, #tpu.memory_space<vmem>>)
        tpu.yield
      }) : () -> ()
      "tpu.region"() ({
        %run_scoped3A = tpu.sem_alloc : memref<!tpu.dma_semaphore, #tpu.memory_space<semaphore_mem>>
        %dma_start3A = arith.constant 0 : i32
        %dma_start3A_25 = tpu.memref_slice %arg5[%mul3A_7, %dma_start3A] : memref<1280x128xi32, #tpu.memory_space<hbm>> -> memref<80x128xi32, #tpu.memory_space<hbm>>
        %dma_start3A_26 = arith.constant 0 : i32
        %dma_start3A_27 = tpu.memref_slice %arg5[%mul3A_7, %dma_start3A_26] : memref<1280x128xi32, #tpu.memory_space<hbm>> -> memref<80x128xi32, #tpu.memory_space<hbm>>
        tpu.enqueue_dma source(%dma_start3A_27 : memref<80x128xi32, #tpu.memory_space<hbm>>) target(%arg10 : memref<80x128xi32, #tpu.memory_space<vmem>>) target_semaphore(%run_scoped3A : memref<!tpu.dma_semaphore, #tpu.memory_space<semaphore_mem>>)
        %dma_wait3A = arith.constant 0 : i32
        %dma_wait3A_28 = tpu.memref_slice %arg5[%mul3A_7, %dma_wait3A] : memref<1280x128xi32, #tpu.memory_space<hbm>> -> memref<80x128xi32, #tpu.memory_space<hbm>>
        %dma_wait3A_29 = arith.constant 0 : i32
        %dma_wait3A_30 = tpu.memref_slice %arg5[%mul3A_7, %dma_wait3A_29] : memref<1280x128xi32, #tpu.memory_space<hbm>> -> memref<80x128xi32, #tpu.memory_space<hbm>>
        tpu.wait_dma2 semaphore(%run_scoped3A : memref<!tpu.dma_semaphore, #tpu.memory_space<semaphore_mem>>) src(%dma_wait3A_30 : memref<80x128xi32, #tpu.memory_space<hbm>>) dst(%arg10 : memref<80x128xi32, #tpu.memory_space<vmem>>)
        tpu.yield
      }) : () -> ()
      %mul3A_8 = arith.constant 640 : i32
      %mul3A_9 = arith.muli %arg1, %mul3A_8 : i32
      "tpu.region"() ({
        %run_scoped3A = tpu.sem_alloc : memref<!tpu.dma_semaphore, #tpu.memory_space<semaphore_mem>>
        %dma_start3A = arith.constant 0 : i32
        %dma_start3A_25 = tpu.memref_slice %arg12[%mul3A_9, %dma_start3A] : memref<10240x128xf32, #tpu.memory_space<vmem_shared>> -> memref<640x128xf32, #tpu.memory_space<vmem_shared>>
        tpu.enqueue_dma source(%arg6 : memref<640x128xf32, #tpu.memory_space<hbm>>) target(%dma_start3A_25 : memref<640x128xf32, #tpu.memory_space<vmem_shared>>) target_semaphore(%run_scoped3A : memref<!tpu.dma_semaphore, #tpu.memory_space<semaphore_mem>>)
        %dma_wait3A = arith.constant 0 : i32
        %dma_wait3A_26 = tpu.memref_slice %arg12[%mul3A_9, %dma_wait3A] : memref<10240x128xf32, #tpu.memory_space<vmem_shared>> -> memref<640x128xf32, #tpu.memory_space<vmem_shared>>
        tpu.wait_dma2 semaphore(%run_scoped3A : memref<!tpu.dma_semaphore, #tpu.memory_space<semaphore_mem>>) src(%arg6 : memref<640x128xf32, #tpu.memory_space<hbm>>) dst(%dma_wait3A_26 : memref<640x128xf32, #tpu.memory_space<vmem_shared>>)
        tpu.yield
      }) : () -> ()
      %barrier3A = arith.constant 0 : index
      tpu.barrier barrier_id(%barrier3A)
      %while3A = arith.constant 0 : i64
      %while3A_10 = arith.constant 0 : i32
      %while3A_11 = arith.constant 80 : i32
      %while3A_12 = arith.subi %while3A_11, %while3A_10 : i32
      %while3A_13 = arith.addi %while3A_10, %while3A_12 : i32
      %while3A_14 = arith.constant 1 : i32
      %while3A_15 = arith.divsi %while3A_12, %while3A_14 : i32
      %while3A_16 = arith.muli %while3A_15, %while3A_14 : i32
      %while3A_17 = arith.addi %while3A_10, %while3A_16 : i32
      %while3A_18 = arith.constant 1 : i32
      scf.for %while3A_25 = %while3A_10 to %while3A_17 step %while3A_18  : i32 {
        %dma_start3A = arith.constant 0 : i32
        %dma_start3A_26 = tpu.memref_slice %arg9[%while3A_25, %dma_start3A] : memref<80x128xi32, #tpu.memory_space<vmem>> -> memref<1x128xi32, #tpu.memory_space<vmem>>
        %dma_start3A_27 = tpu.memref_squeeze %dma_start3A_26 : memref<1x128xi32, #tpu.memory_space<vmem>> -> memref<128xi32, #tpu.memory_space<vmem>>
        %dma_start3A_28 = arith.constant 0 : i32
        %dma_start3A_29 = arith.constant 0 : i32
        %dma_start3A_30 = tpu.memref_slice %arg2[%dma_start3A_28, %dma_start3A_29] : memref<10000x128xf32, #tpu.memory_space<hbm>> -> memref<10000x128xf32, #tpu.memory_space<hbm>>
        tpu.enqueue_indirect_dma source(%dma_start3A_30 : memref<10000x128xf32, #tpu.memory_space<hbm>>) target(%arg11 : memref<128x128xf32, #tpu.memory_space<vmem>>) offsets(%dma_start3A_27 : memref<128xi32, #tpu.memory_space<vmem>>) semaphore(%arg13 : memref<!tpu.dma_semaphore, #tpu.memory_space<semaphore_mem>>)
        %dma_wait3A = arith.constant 0 : i32
        %dma_wait3A_31 = tpu.memref_slice %arg9[%while3A_25, %dma_wait3A] : memref<80x128xi32, #tpu.memory_space<vmem>> -> memref<1x128xi32, #tpu.memory_space<vmem>>
        %dma_wait3A_32 = tpu.memref_squeeze %dma_wait3A_31 : memref<1x128xi32, #tpu.memory_space<vmem>> -> memref<128xi32, #tpu.memory_space<vmem>>
        %dma_wait3A_33 = arith.constant 0 : i32
        %dma_wait3A_34 = arith.constant 0 : i32
        %dma_wait3A_35 = tpu.memref_slice %arg2[%dma_wait3A_33, %dma_wait3A_34] : memref<10000x128xf32, #tpu.memory_space<hbm>> -> memref<10000x128xf32, #tpu.memory_space<hbm>>
        tpu.wait_indirect_dma semaphore(%arg13 : memref<!tpu.dma_semaphore, #tpu.memory_space<semaphore_mem>>) src(%dma_wait3A_35 : memref<10000x128xf32, #tpu.memory_space<hbm>>) dst(%arg11 : memref<128x128xf32, #tpu.memory_space<vmem>>)
        "tpu.region"() ({
          %run_scoped3A = tpu.sem_alloc : memref<!tpu.dma_semaphore, #tpu.memory_space<semaphore_mem>>
          %dma_start3A_36 = arith.constant 0 : i32
          %dma_start3A_37 = tpu.memref_slice %arg10[%while3A_25, %dma_start3A_36] : memref<80x128xi32, #tpu.memory_space<vmem>> -> memref<1x128xi32, #tpu.memory_space<vmem>>
          %dma_start3A_38 = tpu.memref_squeeze %dma_start3A_37 : memref<1x128xi32, #tpu.memory_space<vmem>> -> memref<128xi32, #tpu.memory_space<vmem>>
          %dma_start3A_39 = arith.constant 0 : i32
          %dma_start3A_40 = arith.constant 0 : i32
          %dma_start3A_41 = tpu.memref_slice %arg12[%dma_start3A_39, %dma_start3A_40] : memref<10240x128xf32, #tpu.memory_space<vmem_shared>> -> memref<10240x128xf32, #tpu.memory_space<vmem_shared>>
          tpu.enqueue_indirect_dma source(%arg11 : memref<128x128xf32, #tpu.memory_space<vmem>>) target(%dma_start3A_41 : memref<10240x128xf32, #tpu.memory_space<vmem_shared>>) offsets(%dma_start3A_38 : memref<128xi32, #tpu.memory_space<vmem>>) semaphore(%run_scoped3A : memref<!tpu.dma_semaphore, #tpu.memory_space<semaphore_mem>>) {add = true}
          %dma_wait3A_42 = arith.constant 0 : i32
          %dma_wait3A_43 = tpu.memref_slice %arg10[%while3A_25, %dma_wait3A_42] : memref<80x128xi32, #tpu.memory_space<vmem>> -> memref<1x128xi32, #tpu.memory_space<vmem>>
          %dma_wait3A_44 = tpu.memref_squeeze %dma_wait3A_43 : memref<1x128xi32, #tpu.memory_space<vmem>> -> memref<128xi32, #tpu.memory_space<vmem>>
          %dma_wait3A_45 = arith.constant 0 : i32
          %dma_wait3A_46 = arith.constant 0 : i32
          %dma_wait3A_47 = tpu.memref_slice %arg12[%dma_wait3A_45, %dma_wait3A_46] : memref<10240x128xf32, #tpu.memory_space<vmem_shared>> -> memref<10240x128xf32, #tpu.memory_space<vmem_shared>>
          tpu.wait_indirect_dma semaphore(%run_scoped3A : memref<!tpu.dma_semaphore, #tpu.memory_space<semaphore_mem>>) src(%arg11 : memref<128x128xf32, #tpu.memory_space<vmem>>) dst(%dma_wait3A_47 : memref<10240x128xf32, #tpu.memory_space<vmem_shared>>)
          tpu.yield
        }) : () -> ()
      }
      %while3A_19 = arith.constant 1 : i32
      scf.for %while3A_25 = %while3A_17 to %while3A_13 step %while3A_19  : i32 {
        %dma_start3A = arith.constant 0 : i32
        %dma_start3A_26 = tpu.memref_slice %arg9[%while3A_25, %dma_start3A] : memref<80x128xi32, #tpu.memory_space<vmem>> -> memref<1x128xi32, #tpu.memory_space<vmem>>
        %dma_start3A_27 = tpu.memref_squeeze %dma_start3A_26 : memref<1x128xi32, #tpu.memory_space<vmem>> -> memref<128xi32, #tpu.memory_space<vmem>>
        %dma_start3A_28 = arith.constant 0 : i32
        %dma_start3A_29 = arith.constant 0 : i32
        %dma_start3A_30 = tpu.memref_slice %arg2[%dma_start3A_28, %dma_start3A_29] : memref<10000x128xf32, #tpu.memory_space<hbm>> -> memref<10000x128xf32, #tpu.memory_space<hbm>>
        tpu.enqueue_indirect_dma source(%dma_start3A_30 : memref<10000x128xf32, #tpu.memory_space<hbm>>) target(%arg11 : memref<128x128xf32, #tpu.memory_space<vmem>>) offsets(%dma_start3A_27 : memref<128xi32, #tpu.memory_space<vmem>>) semaphore(%arg13 : memref<!tpu.dma_semaphore, #tpu.memory_space<semaphore_mem>>)
        %dma_wait3A = arith.constant 0 : i32
        %dma_wait3A_31 = tpu.memref_slice %arg9[%while3A_25, %dma_wait3A] : memref<80x128xi32, #tpu.memory_space<vmem>> -> memref<1x128xi32, #tpu.memory_space<vmem>>
        %dma_wait3A_32 = tpu.memref_squeeze %dma_wait3A_31 : memref<1x128xi32, #tpu.memory_space<vmem>> -> memref<128xi32, #tpu.memory_space<vmem>>
        %dma_wait3A_33 = arith.constant 0 : i32
        %dma_wait3A_34 = arith.constant 0 : i32
        %dma_wait3A_35 = tpu.memref_slice %arg2[%dma_wait3A_33, %dma_wait3A_34] : memref<10000x128xf32, #tpu.memory_space<hbm>> -> memref<10000x128xf32, #tpu.memory_space<hbm>>
        tpu.wait_indirect_dma semaphore(%arg13 : memref<!tpu.dma_semaphore, #tpu.memory_space<semaphore_mem>>) src(%dma_wait3A_35 : memref<10000x128xf32, #tpu.memory_space<hbm>>) dst(%arg11 : memref<128x128xf32, #tpu.memory_space<vmem>>)
        "tpu.region"() ({
          %run_scoped3A = tpu.sem_alloc : memref<!tpu.dma_semaphore, #tpu.memory_space<semaphore_mem>>
          %dma_start3A_36 = arith.constant 0 : i32
          %dma_start3A_37 = tpu.memref_slice %arg10[%while3A_25, %dma_start3A_36] : memref<80x128xi32, #tpu.memory_space<vmem>> -> memref<1x128xi32, #tpu.memory_space<vmem>>
          %dma_start3A_38 = tpu.memref_squeeze %dma_start3A_37 : memref<1x128xi32, #tpu.memory_space<vmem>> -> memref<128xi32, #tpu.memory_space<vmem>>
          %dma_start3A_39 = arith.constant 0 : i32
          %dma_start3A_40 = arith.constant 0 : i32
          %dma_start3A_41 = tpu.memref_slice %arg12[%dma_start3A_39, %dma_start3A_40] : memref<10240x128xf32, #tpu.memory_space<vmem_shared>> -> memref<10240x128xf32, #tpu.memory_space<vmem_shared>>
          tpu.enqueue_indirect_dma source(%arg11 : memref<128x128xf32, #tpu.memory_space<vmem>>) target(%dma_start3A_41 : memref<10240x128xf32, #tpu.memory_space<vmem_shared>>) offsets(%dma_start3A_38 : memref<128xi32, #tpu.memory_space<vmem>>) semaphore(%run_scoped3A : memref<!tpu.dma_semaphore, #tpu.memory_space<semaphore_mem>>) {add = true}
          %dma_wait3A_42 = arith.constant 0 : i32
          %dma_wait3A_43 = tpu.memref_slice %arg10[%while3A_25, %dma_wait3A_42] : memref<80x128xi32, #tpu.memory_space<vmem>> -> memref<1x128xi32, #tpu.memory_space<vmem>>
          %dma_wait3A_44 = tpu.memref_squeeze %dma_wait3A_43 : memref<1x128xi32, #tpu.memory_space<vmem>> -> memref<128xi32, #tpu.memory_space<vmem>>
          %dma_wait3A_45 = arith.constant 0 : i32
          %dma_wait3A_46 = arith.constant 0 : i32
          %dma_wait3A_47 = tpu.memref_slice %arg12[%dma_wait3A_45, %dma_wait3A_46] : memref<10240x128xf32, #tpu.memory_space<vmem_shared>> -> memref<10240x128xf32, #tpu.memory_space<vmem_shared>>
          tpu.wait_indirect_dma semaphore(%run_scoped3A : memref<!tpu.dma_semaphore, #tpu.memory_space<semaphore_mem>>) src(%arg11 : memref<128x128xf32, #tpu.memory_space<vmem>>) dst(%dma_wait3A_47 : memref<10240x128xf32, #tpu.memory_space<vmem_shared>>)
          tpu.yield
        }) : () -> ()
      }
      %barrier3A_20 = arith.constant 0 : index
      tpu.barrier barrier_id(%barrier3A_20)
      %mul3A_21 = arith.constant 640 : i32
      %mul3A_22 = arith.muli %arg1, %mul3A_21 : i32
      %mul3A_23 = arith.constant 640 : i32
      %mul3A_24 = arith.muli %arg1, %mul3A_23 : i32
      "tpu.region"() ({
        %run_scoped3A = tpu.sem_alloc : memref<!tpu.dma_semaphore, #tpu.memory_space<semaphore_mem>>
        %dma_start3A = arith.constant 0 : i32
        %dma_start3A_25 = tpu.memref_slice %arg7[%mul3A_24, %dma_start3A] : memref<10240x128xf32, #tpu.memory_space<hbm>> -> memref<640x128xf32, #tpu.memory_space<hbm>>
        %dma_start3A_26 = arith.constant 0 : i32
        %dma_start3A_27 = tpu.memref_slice %arg12[%mul3A_22, %dma_start3A_26] : memref<10240x128xf32, #tpu.memory_space<vmem_shared>> -> memref<640x128xf32, #tpu.memory_space<vmem_shared>>
        tpu.enqueue_dma source(%dma_start3A_27 : memref<640x128xf32, #tpu.memory_space<vmem_shared>>) target(%dma_start3A_25 : memref<640x128xf32, #tpu.memory_space<hbm>>) target_semaphore(%run_scoped3A : memref<!tpu.dma_semaphore, #tpu.memory_space<semaphore_mem>>)
        %dma_wait3A = arith.constant 0 : i32
        %dma_wait3A_28 = tpu.memref_slice %arg7[%mul3A_24, %dma_wait3A] : memref<10240x128xf32, #tpu.memory_space<hbm>> -> memref<640x128xf32, #tpu.memory_space<hbm>>
        %dma_wait3A_29 = arith.constant 0 : i32
        %dma_wait3A_30 = tpu.memref_slice %arg12[%mul3A_22, %dma_wait3A_29] : memref<10240x128xf32, #tpu.memory_space<vmem_shared>> -> memref<640x128xf32, #tpu.memory_space<vmem_shared>>
        tpu.wait_dma2 semaphore(%run_scoped3A : memref<!tpu.dma_semaphore, #tpu.memory_space<semaphore_mem>>) src(%dma_wait3A_30 : memref<640x128xf32, #tpu.memory_space<vmem_shared>>) dst(%dma_wait3A_28 : memref<640x128xf32, #tpu.memory_space<hbm>>)
        tpu.yield
      }) : () -> ()
    } else {
    }
    %eq3A_2 = arith.constant 1 : i32
    %eq3A_3 = arith.cmpi eq, %arg0, %eq3A_2 : i32
    %convert_element_type3A_4 = arith.extui %eq3A_3 : i1 to i32
    %cond3A_5 = arith.constant 0 : i32
    %cond3A_6 = arith.cmpi ne, %convert_element_type3A_4, %cond3A_5 : i32
    scf.if %cond3A_6 {
      %mul3A = arith.constant 80 : i32
      %mul3A_7 = arith.muli %arg1, %mul3A : i32
      "tpu.region"() ({
        %run_scoped3A = tpu.sem_alloc : memref<!tpu.dma_semaphore, #tpu.memory_space<semaphore_mem>>
        %dma_start3A = arith.constant 0 : i32
        %dma_start3A_25 = tpu.memref_slice %arg4[%mul3A_7, %dma_start3A] : memref<1280x128xi32, #tpu.memory_space<hbm>> -> memref<80x128xi32, #tpu.memory_space<hbm>>
        %dma_start3A_26 = arith.constant 0 : i32
        %dma_start3A_27 = tpu.memref_slice %arg4[%mul3A_7, %dma_start3A_26] : memref<1280x128xi32, #tpu.memory_space<hbm>> -> memref<80x128xi32, #tpu.memory_space<hbm>>
        tpu.enqueue_dma source(%dma_start3A_27 : memref<80x128xi32, #tpu.memory_space<hbm>>) target(%arg9 : memref<80x128xi32, #tpu.memory_space<vmem>>) target_semaphore(%run_scoped3A : memref<!tpu.dma_semaphore, #tpu.memory_space<semaphore_mem>>)
        %dma_wait3A = arith.constant 0 : i32
        %dma_wait3A_28 = tpu.memref_slice %arg4[%mul3A_7, %dma_wait3A] : memref<1280x128xi32, #tpu.memory_space<hbm>> -> memref<80x128xi32, #tpu.memory_space<hbm>>
        %dma_wait3A_29 = arith.constant 0 : i32
        %dma_wait3A_30 = tpu.memref_slice %arg4[%mul3A_7, %dma_wait3A_29] : memref<1280x128xi32, #tpu.memory_space<hbm>> -> memref<80x128xi32, #tpu.memory_space<hbm>>
        tpu.wait_dma2 semaphore(%run_scoped3A : memref<!tpu.dma_semaphore, #tpu.memory_space<semaphore_mem>>) src(%dma_wait3A_30 : memref<80x128xi32, #tpu.memory_space<hbm>>) dst(%arg9 : memref<80x128xi32, #tpu.memory_space<vmem>>)
        tpu.yield
      }) : () -> ()
      "tpu.region"() ({
        %run_scoped3A = tpu.sem_alloc : memref<!tpu.dma_semaphore, #tpu.memory_space<semaphore_mem>>
        %dma_start3A = arith.constant 0 : i32
        %dma_start3A_25 = tpu.memref_slice %arg5[%mul3A_7, %dma_start3A] : memref<1280x128xi32, #tpu.memory_space<hbm>> -> memref<80x128xi32, #tpu.memory_space<hbm>>
        %dma_start3A_26 = arith.constant 0 : i32
        %dma_start3A_27 = tpu.memref_slice %arg5[%mul3A_7, %dma_start3A_26] : memref<1280x128xi32, #tpu.memory_space<hbm>> -> memref<80x128xi32, #tpu.memory_space<hbm>>
        tpu.enqueue_dma source(%dma_start3A_27 : memref<80x128xi32, #tpu.memory_space<hbm>>) target(%arg10 : memref<80x128xi32, #tpu.memory_space<vmem>>) target_semaphore(%run_scoped3A : memref<!tpu.dma_semaphore, #tpu.memory_space<semaphore_mem>>)
        %dma_wait3A = arith.constant 0 : i32
        %dma_wait3A_28 = tpu.memref_slice %arg5[%mul3A_7, %dma_wait3A] : memref<1280x128xi32, #tpu.memory_space<hbm>> -> memref<80x128xi32, #tpu.memory_space<hbm>>
        %dma_wait3A_29 = arith.constant 0 : i32
        %dma_wait3A_30 = tpu.memref_slice %arg5[%mul3A_7, %dma_wait3A_29] : memref<1280x128xi32, #tpu.memory_space<hbm>> -> memref<80x128xi32, #tpu.memory_space<hbm>>
        tpu.wait_dma2 semaphore(%run_scoped3A : memref<!tpu.dma_semaphore, #tpu.memory_space<semaphore_mem>>) src(%dma_wait3A_30 : memref<80x128xi32, #tpu.memory_space<hbm>>) dst(%arg10 : memref<80x128xi32, #tpu.memory_space<vmem>>)
        tpu.yield
      }) : () -> ()
      %mul3A_8 = arith.constant 640 : i32
      %mul3A_9 = arith.muli %arg1, %mul3A_8 : i32
      "tpu.region"() ({
        %run_scoped3A = tpu.sem_alloc : memref<!tpu.dma_semaphore, #tpu.memory_space<semaphore_mem>>
        %dma_start3A = arith.constant 0 : i32
        %dma_start3A_25 = tpu.memref_slice %arg12[%mul3A_9, %dma_start3A] : memref<10240x128xf32, #tpu.memory_space<vmem_shared>> -> memref<640x128xf32, #tpu.memory_space<vmem_shared>>
        tpu.enqueue_dma source(%arg6 : memref<640x128xf32, #tpu.memory_space<hbm>>) target(%dma_start3A_25 : memref<640x128xf32, #tpu.memory_space<vmem_shared>>) target_semaphore(%run_scoped3A : memref<!tpu.dma_semaphore, #tpu.memory_space<semaphore_mem>>)
        %dma_wait3A = arith.constant 0 : i32
        %dma_wait3A_26 = tpu.memref_slice %arg12[%mul3A_9, %dma_wait3A] : memref<10240x128xf32, #tpu.memory_space<vmem_shared>> -> memref<640x128xf32, #tpu.memory_space<vmem_shared>>
        tpu.wait_dma2 semaphore(%run_scoped3A : memref<!tpu.dma_semaphore, #tpu.memory_space<semaphore_mem>>) src(%arg6 : memref<640x128xf32, #tpu.memory_space<hbm>>) dst(%dma_wait3A_26 : memref<640x128xf32, #tpu.memory_space<vmem_shared>>)
        tpu.yield
      }) : () -> ()
      %barrier3A = arith.constant 0 : index
      tpu.barrier barrier_id(%barrier3A)
      %while3A = arith.constant 0 : i64
      %while3A_10 = arith.constant 0 : i32
      %while3A_11 = arith.constant 80 : i32
      %while3A_12 = arith.subi %while3A_11, %while3A_10 : i32
      %while3A_13 = arith.addi %while3A_10, %while3A_12 : i32
      %while3A_14 = arith.constant 1 : i32
      %while3A_15 = arith.divsi %while3A_12, %while3A_14 : i32
      %while3A_16 = arith.muli %while3A_15, %while3A_14 : i32
      %while3A_17 = arith.addi %while3A_10, %while3A_16 : i32
      %while3A_18 = arith.constant 1 : i32
      scf.for %while3A_25 = %while3A_10 to %while3A_17 step %while3A_18  : i32 {
        %dma_start3A = arith.constant 0 : i32
        %dma_start3A_26 = tpu.memref_slice %arg9[%while3A_25, %dma_start3A] : memref<80x128xi32, #tpu.memory_space<vmem>> -> memref<1x128xi32, #tpu.memory_space<vmem>>
        %dma_start3A_27 = tpu.memref_squeeze %dma_start3A_26 : memref<1x128xi32, #tpu.memory_space<vmem>> -> memref<128xi32, #tpu.memory_space<vmem>>
        %dma_start3A_28 = arith.constant 0 : i32
        %dma_start3A_29 = arith.constant 0 : i32
        %dma_start3A_30 = tpu.memref_slice %arg3[%dma_start3A_28, %dma_start3A_29] : memref<10000x128xf32, #tpu.memory_space<hbm>> -> memref<10000x128xf32, #tpu.memory_space<hbm>>
        tpu.enqueue_indirect_dma source(%dma_start3A_30 : memref<10000x128xf32, #tpu.memory_space<hbm>>) target(%arg11 : memref<128x128xf32, #tpu.memory_space<vmem>>) offsets(%dma_start3A_27 : memref<128xi32, #tpu.memory_space<vmem>>) semaphore(%arg13 : memref<!tpu.dma_semaphore, #tpu.memory_space<semaphore_mem>>)
        %dma_wait3A = arith.constant 0 : i32
        %dma_wait3A_31 = tpu.memref_slice %arg9[%while3A_25, %dma_wait3A] : memref<80x128xi32, #tpu.memory_space<vmem>> -> memref<1x128xi32, #tpu.memory_space<vmem>>
        %dma_wait3A_32 = tpu.memref_squeeze %dma_wait3A_31 : memref<1x128xi32, #tpu.memory_space<vmem>> -> memref<128xi32, #tpu.memory_space<vmem>>
        %dma_wait3A_33 = arith.constant 0 : i32
        %dma_wait3A_34 = arith.constant 0 : i32
        %dma_wait3A_35 = tpu.memref_slice %arg3[%dma_wait3A_33, %dma_wait3A_34] : memref<10000x128xf32, #tpu.memory_space<hbm>> -> memref<10000x128xf32, #tpu.memory_space<hbm>>
        tpu.wait_indirect_dma semaphore(%arg13 : memref<!tpu.dma_semaphore, #tpu.memory_space<semaphore_mem>>) src(%dma_wait3A_35 : memref<10000x128xf32, #tpu.memory_space<hbm>>) dst(%arg11 : memref<128x128xf32, #tpu.memory_space<vmem>>)
        "tpu.region"() ({
          %run_scoped3A = tpu.sem_alloc : memref<!tpu.dma_semaphore, #tpu.memory_space<semaphore_mem>>
          %dma_start3A_36 = arith.constant 0 : i32
          %dma_start3A_37 = tpu.memref_slice %arg10[%while3A_25, %dma_start3A_36] : memref<80x128xi32, #tpu.memory_space<vmem>> -> memref<1x128xi32, #tpu.memory_space<vmem>>
          %dma_start3A_38 = tpu.memref_squeeze %dma_start3A_37 : memref<1x128xi32, #tpu.memory_space<vmem>> -> memref<128xi32, #tpu.memory_space<vmem>>
          %dma_start3A_39 = arith.constant 0 : i32
          %dma_start3A_40 = arith.constant 0 : i32
          %dma_start3A_41 = tpu.memref_slice %arg12[%dma_start3A_39, %dma_start3A_40] : memref<10240x128xf32, #tpu.memory_space<vmem_shared>> -> memref<10240x128xf32, #tpu.memory_space<vmem_shared>>
          tpu.enqueue_indirect_dma source(%arg11 : memref<128x128xf32, #tpu.memory_space<vmem>>) target(%dma_start3A_41 : memref<10240x128xf32, #tpu.memory_space<vmem_shared>>) offsets(%dma_start3A_38 : memref<128xi32, #tpu.memory_space<vmem>>) semaphore(%run_scoped3A : memref<!tpu.dma_semaphore, #tpu.memory_space<semaphore_mem>>) {add = true}
          %dma_wait3A_42 = arith.constant 0 : i32
          %dma_wait3A_43 = tpu.memref_slice %arg10[%while3A_25, %dma_wait3A_42] : memref<80x128xi32, #tpu.memory_space<vmem>> -> memref<1x128xi32, #tpu.memory_space<vmem>>
          %dma_wait3A_44 = tpu.memref_squeeze %dma_wait3A_43 : memref<1x128xi32, #tpu.memory_space<vmem>> -> memref<128xi32, #tpu.memory_space<vmem>>
          %dma_wait3A_45 = arith.constant 0 : i32
          %dma_wait3A_46 = arith.constant 0 : i32
          %dma_wait3A_47 = tpu.memref_slice %arg12[%dma_wait3A_45, %dma_wait3A_46] : memref<10240x128xf32, #tpu.memory_space<vmem_shared>> -> memref<10240x128xf32, #tpu.memory_space<vmem_shared>>
          tpu.wait_indirect_dma semaphore(%run_scoped3A : memref<!tpu.dma_semaphore, #tpu.memory_space<semaphore_mem>>) src(%arg11 : memref<128x128xf32, #tpu.memory_space<vmem>>) dst(%dma_wait3A_47 : memref<10240x128xf32, #tpu.memory_space<vmem_shared>>)
          tpu.yield
        }) : () -> ()
      }
      %while3A_19 = arith.constant 1 : i32
      scf.for %while3A_25 = %while3A_17 to %while3A_13 step %while3A_19  : i32 {
        %dma_start3A = arith.constant 0 : i32
        %dma_start3A_26 = tpu.memref_slice %arg9[%while3A_25, %dma_start3A] : memref<80x128xi32, #tpu.memory_space<vmem>> -> memref<1x128xi32, #tpu.memory_space<vmem>>
        %dma_start3A_27 = tpu.memref_squeeze %dma_start3A_26 : memref<1x128xi32, #tpu.memory_space<vmem>> -> memref<128xi32, #tpu.memory_space<vmem>>
        %dma_start3A_28 = arith.constant 0 : i32
        %dma_start3A_29 = arith.constant 0 : i32
        %dma_start3A_30 = tpu.memref_slice %arg3[%dma_start3A_28, %dma_start3A_29] : memref<10000x128xf32, #tpu.memory_space<hbm>> -> memref<10000x128xf32, #tpu.memory_space<hbm>>
        tpu.enqueue_indirect_dma source(%dma_start3A_30 : memref<10000x128xf32, #tpu.memory_space<hbm>>) target(%arg11 : memref<128x128xf32, #tpu.memory_space<vmem>>) offsets(%dma_start3A_27 : memref<128xi32, #tpu.memory_space<vmem>>) semaphore(%arg13 : memref<!tpu.dma_semaphore, #tpu.memory_space<semaphore_mem>>)
        %dma_wait3A = arith.constant 0 : i32
        %dma_wait3A_31 = tpu.memref_slice %arg9[%while3A_25, %dma_wait3A] : memref<80x128xi32, #tpu.memory_space<vmem>> -> memref<1x128xi32, #tpu.memory_space<vmem>>
        %dma_wait3A_32 = tpu.memref_squeeze %dma_wait3A_31 : memref<1x128xi32, #tpu.memory_space<vmem>> -> memref<128xi32, #tpu.memory_space<vmem>>
        %dma_wait3A_33 = arith.constant 0 : i32
        %dma_wait3A_34 = arith.constant 0 : i32
        %dma_wait3A_35 = tpu.memref_slice %arg3[%dma_wait3A_33, %dma_wait3A_34] : memref<10000x128xf32, #tpu.memory_space<hbm>> -> memref<10000x128xf32, #tpu.memory_space<hbm>>
        tpu.wait_indirect_dma semaphore(%arg13 : memref<!tpu.dma_semaphore, #tpu.memory_space<semaphore_mem>>) src(%dma_wait3A_35 : memref<10000x128xf32, #tpu.memory_space<hbm>>) dst(%arg11 : memref<128x128xf32, #tpu.memory_space<vmem>>)
        "tpu.region"() ({
          %run_scoped3A = tpu.sem_alloc : memref<!tpu.dma_semaphore, #tpu.memory_space<semaphore_mem>>
          %dma_start3A_36 = arith.constant 0 : i32
          %dma_start3A_37 = tpu.memref_slice %arg10[%while3A_25, %dma_start3A_36] : memref<80x128xi32, #tpu.memory_space<vmem>> -> memref<1x128xi32, #tpu.memory_space<vmem>>
          %dma_start3A_38 = tpu.memref_squeeze %dma_start3A_37 : memref<1x128xi32, #tpu.memory_space<vmem>> -> memref<128xi32, #tpu.memory_space<vmem>>
          %dma_start3A_39 = arith.constant 0 : i32
          %dma_start3A_40 = arith.constant 0 : i32
          %dma_start3A_41 = tpu.memref_slice %arg12[%dma_start3A_39, %dma_start3A_40] : memref<10240x128xf32, #tpu.memory_space<vmem_shared>> -> memref<10240x128xf32, #tpu.memory_space<vmem_shared>>
          tpu.enqueue_indirect_dma source(%arg11 : memref<128x128xf32, #tpu.memory_space<vmem>>) target(%dma_start3A_41 : memref<10240x128xf32, #tpu.memory_space<vmem_shared>>) offsets(%dma_start3A_38 : memref<128xi32, #tpu.memory_space<vmem>>) semaphore(%run_scoped3A : memref<!tpu.dma_semaphore, #tpu.memory_space<semaphore_mem>>) {add = true}
          %dma_wait3A_42 = arith.constant 0 : i32
          %dma_wait3A_43 = tpu.memref_slice %arg10[%while3A_25, %dma_wait3A_42] : memref<80x128xi32, #tpu.memory_space<vmem>> -> memref<1x128xi32, #tpu.memory_space<vmem>>
          %dma_wait3A_44 = tpu.memref_squeeze %dma_wait3A_43 : memref<1x128xi32, #tpu.memory_space<vmem>> -> memref<128xi32, #tpu.memory_space<vmem>>
          %dma_wait3A_45 = arith.constant 0 : i32
          %dma_wait3A_46 = arith.constant 0 : i32
          %dma_wait3A_47 = tpu.memref_slice %arg12[%dma_wait3A_45, %dma_wait3A_46] : memref<10240x128xf32, #tpu.memory_space<vmem_shared>> -> memref<10240x128xf32, #tpu.memory_space<vmem_shared>>
          tpu.wait_indirect_dma semaphore(%run_scoped3A : memref<!tpu.dma_semaphore, #tpu.memory_space<semaphore_mem>>) src(%arg11 : memref<128x128xf32, #tpu.memory_space<vmem>>) dst(%dma_wait3A_47 : memref<10240x128xf32, #tpu.memory_space<vmem_shared>>)
          tpu.yield
        }) : () -> ()
      }
      %barrier3A_20 = arith.constant 0 : index
      tpu.barrier barrier_id(%barrier3A_20)
      %mul3A_21 = arith.constant 640 : i32
      %mul3A_22 = arith.muli %arg1, %mul3A_21 : i32
      %mul3A_23 = arith.constant 640 : i32
      %mul3A_24 = arith.muli %arg1, %mul3A_23 : i32
      "tpu.region"() ({
        %run_scoped3A = tpu.sem_alloc : memref<!tpu.dma_semaphore, #tpu.memory_space<semaphore_mem>>
        %dma_start3A = arith.constant 0 : i32
        %dma_start3A_25 = tpu.memref_slice %arg8[%mul3A_24, %dma_start3A] : memref<10240x128xf32, #tpu.memory_space<hbm>> -> memref<640x128xf32, #tpu.memory_space<hbm>>
        %dma_start3A_26 = arith.constant 0 : i32
        %dma_start3A_27 = tpu.memref_slice %arg12[%mul3A_22, %dma_start3A_26] : memref<10240x128xf32, #tpu.memory_space<vmem_shared>> -> memref<640x128xf32, #tpu.memory_space<vmem_shared>>
        tpu.enqueue_dma source(%dma_start3A_27 : memref<640x128xf32, #tpu.memory_space<vmem_shared>>) target(%dma_start3A_25 : memref<640x128xf32, #tpu.memory_space<hbm>>) target_semaphore(%run_scoped3A : memref<!tpu.dma_semaphore, #tpu.memory_space<semaphore_mem>>)
        %dma_wait3A = arith.constant 0 : i32
        %dma_wait3A_28 = tpu.memref_slice %arg8[%mul3A_24, %dma_wait3A] : memref<10240x128xf32, #tpu.memory_space<hbm>> -> memref<640x128xf32, #tpu.memory_space<hbm>>
        %dma_wait3A_29 = arith.constant 0 : i32
        %dma_wait3A_30 = tpu.memref_slice %arg12[%mul3A_22, %dma_wait3A_29] : memref<10240x128xf32, #tpu.memory_space<vmem_shared>> -> memref<640x128xf32, #tpu.memory_space<vmem_shared>>
        tpu.wait_dma2 semaphore(%run_scoped3A : memref<!tpu.dma_semaphore, #tpu.memory_space<semaphore_mem>>) src(%dma_wait3A_30 : memref<640x128xf32, #tpu.memory_space<vmem_shared>>) dst(%dma_wait3A_28 : memref<640x128xf32, #tpu.memory_space<hbm>>)
        tpu.yield
      }) : () -> ()
    } else {
    }
    return
  }
}

#map = affine_map<(d0, d1) -> (0, 0)>
#map1 = affine_map<(d0, d1) -> (0)>
module attributes {stable_mosaic.version = 14 : i64} {
  func.func @k(%arg0: i32, %arg1: i32, %arg2: memref<16x10000xi32, #tpu.memory_space<hbm>>, %arg3: memref<16x10000xi32, #tpu.memory_space<hbm>>, %arg4: memref<10240xi32, #tpu.memory_space<hbm>>, %arg5: memref<10240xi32, #tpu.memory_space<hbm>>, %arg6: memref<10240xi32, #tpu.memory_space<hbm>>, %arg7: memref<16xi32, #tpu.memory_space<hbm>>, %arg8: memref<10240xi32, #tpu.memory_space<hbm>>, %arg9: memref<16x10000xi32, #tpu.memory_space<hbm>>, %arg10: memref<16x10000xi32, #tpu.memory_space<hbm>>, %arg11: memref<10000xi32, #tpu.memory_space<vmem>>, %arg12: memref<10000xi32, #tpu.memory_space<vmem>>, %arg13: memref<10240xi32, #tpu.memory_space<vmem>>, %arg14: memref<10240xi32, #tpu.memory_space<vmem>>, %arg15: memref<10240xi32, #tpu.memory_space<vmem>>, %arg16: memref<10240xi32, #tpu.memory_space<vmem>>, %arg17: memref<10240xi32, #tpu.memory_space<vmem>>, %arg18: memref<10240xi32, #tpu.memory_space<vmem>>, %arg19: memref<640xi32, #tpu.memory_space<vmem>>, %arg20: memref<640xi32, #tpu.memory_space<vmem>>, %arg21: memref<640xi32, #tpu.memory_space<vmem>>, %arg22: memref<640xi32, #tpu.memory_space<vmem>>, %arg23: memref<640xi32, #tpu.memory_space<vmem>>, %arg24: memref<16xi32, #tpu.memory_space<vmem>>, %arg25: memref<10000xi32, #tpu.memory_space<vmem>>, %arg26: memref<10000xi32, #tpu.memory_space<vmem>>, %arg27: memref<16x10240xi32, #tpu.memory_space<vmem_shared>>, %arg28: memref<16x10240xi32, #tpu.memory_space<vmem_shared>>, %arg29: memref<10240xi32, #tpu.memory_space<vmem_shared>>) attributes {dimension_semantics = [#tpu.dimension_semantics<core_parallel>, #tpu.dimension_semantics<subcore_parallel>], iteration_bounds = array<i64: 2, 16>, scalar_prefetch = 0 : i64, scratch_operands = 19 : i64, tpu.core_type = #tpu.core_type<sc_vector_subcore>, window_params = [{transform_indices = #map}, {transform_indices = #map}, {transform_indices = #map1}, {transform_indices = #map1}, {transform_indices = #map1}, {transform_indices = #map1}, {transform_indices = #map1}, {transform_indices = #map}, {transform_indices = #map}]} {
    %eq3A = arith.constant 0 : i32
    %eq3A_0 = arith.cmpi eq, %arg0, %eq3A : i32
    %convert_element_type3A = arith.extui %eq3A_0 : i1 to i32
    %cond3A = arith.constant 0 : i32
    %cond3A_1 = arith.cmpi ne, %convert_element_type3A, %cond3A : i32
    scf.if %cond3A_1 {
      "tpu.region"() ({
        %run_scoped3A_90 = tpu.sem_alloc : memref<!tpu.dma_semaphore, #tpu.memory_space<semaphore_mem>>
        %dma_start3A = arith.constant 0 : i32
        %dma_start3A_91 = tpu.memref_slice %arg2[%arg1, %dma_start3A] : memref<16x10000xi32, #tpu.memory_space<hbm>> -> memref<1x10000xi32, #tpu.memory_space<hbm>>
        %dma_start3A_92 = tpu.memref_squeeze %dma_start3A_91 : memref<1x10000xi32, #tpu.memory_space<hbm>> -> memref<10000xi32, #tpu.memory_space<hbm>>
        %dma_start3A_93 = arith.constant 0 : i32
        %dma_start3A_94 = tpu.memref_slice %arg2[%arg1, %dma_start3A_93] : memref<16x10000xi32, #tpu.memory_space<hbm>> -> memref<1x10000xi32, #tpu.memory_space<hbm>>
        %dma_start3A_95 = tpu.memref_squeeze %dma_start3A_94 : memref<1x10000xi32, #tpu.memory_space<hbm>> -> memref<10000xi32, #tpu.memory_space<hbm>>
        tpu.enqueue_dma source(%dma_start3A_95 : memref<10000xi32, #tpu.memory_space<hbm>>) target(%arg11 : memref<10000xi32, #tpu.memory_space<vmem>>) target_semaphore(%run_scoped3A_90 : memref<!tpu.dma_semaphore, #tpu.memory_space<semaphore_mem>>)
        %dma_wait3A = arith.constant 0 : i32
        %dma_wait3A_96 = tpu.memref_slice %arg2[%arg1, %dma_wait3A] : memref<16x10000xi32, #tpu.memory_space<hbm>> -> memref<1x10000xi32, #tpu.memory_space<hbm>>
        %dma_wait3A_97 = tpu.memref_squeeze %dma_wait3A_96 : memref<1x10000xi32, #tpu.memory_space<hbm>> -> memref<10000xi32, #tpu.memory_space<hbm>>
        %dma_wait3A_98 = arith.constant 0 : i32
        %dma_wait3A_99 = tpu.memref_slice %arg2[%arg1, %dma_wait3A_98] : memref<16x10000xi32, #tpu.memory_space<hbm>> -> memref<1x10000xi32, #tpu.memory_space<hbm>>
        %dma_wait3A_100 = tpu.memref_squeeze %dma_wait3A_99 : memref<1x10000xi32, #tpu.memory_space<hbm>> -> memref<10000xi32, #tpu.memory_space<hbm>>
        tpu.wait_dma2 semaphore(%run_scoped3A_90 : memref<!tpu.dma_semaphore, #tpu.memory_space<semaphore_mem>>) src(%dma_wait3A_100 : memref<10000xi32, #tpu.memory_space<hbm>>) dst(%arg11 : memref<10000xi32, #tpu.memory_space<vmem>>)
        tpu.yield
      }) : () -> ()
      "tpu.region"() ({
        %run_scoped3A_90 = tpu.sem_alloc : memref<!tpu.dma_semaphore, #tpu.memory_space<semaphore_mem>>
        %dma_start3A = arith.constant 0 : i32
        %dma_start3A_91 = tpu.memref_slice %arg3[%arg1, %dma_start3A] : memref<16x10000xi32, #tpu.memory_space<hbm>> -> memref<1x10000xi32, #tpu.memory_space<hbm>>
        %dma_start3A_92 = tpu.memref_squeeze %dma_start3A_91 : memref<1x10000xi32, #tpu.memory_space<hbm>> -> memref<10000xi32, #tpu.memory_space<hbm>>
        %dma_start3A_93 = arith.constant 0 : i32
        %dma_start3A_94 = tpu.memref_slice %arg3[%arg1, %dma_start3A_93] : memref<16x10000xi32, #tpu.memory_space<hbm>> -> memref<1x10000xi32, #tpu.memory_space<hbm>>
        %dma_start3A_95 = tpu.memref_squeeze %dma_start3A_94 : memref<1x10000xi32, #tpu.memory_space<hbm>> -> memref<10000xi32, #tpu.memory_space<hbm>>
        tpu.enqueue_dma source(%dma_start3A_95 : memref<10000xi32, #tpu.memory_space<hbm>>) target(%arg12 : memref<10000xi32, #tpu.memory_space<vmem>>) target_semaphore(%run_scoped3A_90 : memref<!tpu.dma_semaphore, #tpu.memory_space<semaphore_mem>>)
        %dma_wait3A = arith.constant 0 : i32
        %dma_wait3A_96 = tpu.memref_slice %arg3[%arg1, %dma_wait3A] : memref<16x10000xi32, #tpu.memory_space<hbm>> -> memref<1x10000xi32, #tpu.memory_space<hbm>>
        %dma_wait3A_97 = tpu.memref_squeeze %dma_wait3A_96 : memref<1x10000xi32, #tpu.memory_space<hbm>> -> memref<10000xi32, #tpu.memory_space<hbm>>
        %dma_wait3A_98 = arith.constant 0 : i32
        %dma_wait3A_99 = tpu.memref_slice %arg3[%arg1, %dma_wait3A_98] : memref<16x10000xi32, #tpu.memory_space<hbm>> -> memref<1x10000xi32, #tpu.memory_space<hbm>>
        %dma_wait3A_100 = tpu.memref_squeeze %dma_wait3A_99 : memref<1x10000xi32, #tpu.memory_space<hbm>> -> memref<10000xi32, #tpu.memory_space<hbm>>
        tpu.wait_dma2 semaphore(%run_scoped3A_90 : memref<!tpu.dma_semaphore, #tpu.memory_space<semaphore_mem>>) src(%dma_wait3A_100 : memref<10000xi32, #tpu.memory_space<hbm>>) dst(%arg12 : memref<10000xi32, #tpu.memory_space<vmem>>)
        tpu.yield
      }) : () -> ()
      "tpu.region"() ({
        %run_scoped3A_90 = tpu.sem_alloc : memref<!tpu.dma_semaphore, #tpu.memory_space<semaphore_mem>>
        tpu.enqueue_dma source(%arg4 : memref<10240xi32, #tpu.memory_space<hbm>>) target(%arg13 : memref<10240xi32, #tpu.memory_space<vmem>>) target_semaphore(%run_scoped3A_90 : memref<!tpu.dma_semaphore, #tpu.memory_space<semaphore_mem>>)
        tpu.wait_dma2 semaphore(%run_scoped3A_90 : memref<!tpu.dma_semaphore, #tpu.memory_space<semaphore_mem>>) src(%arg4 : memref<10240xi32, #tpu.memory_space<hbm>>) dst(%arg13 : memref<10240xi32, #tpu.memory_space<vmem>>)
        tpu.yield
      }) : () -> ()
      "tpu.region"() ({
        %run_scoped3A_90 = tpu.sem_alloc : memref<!tpu.dma_semaphore, #tpu.memory_space<semaphore_mem>>
        tpu.enqueue_dma source(%arg5 : memref<10240xi32, #tpu.memory_space<hbm>>) target(%arg14 : memref<10240xi32, #tpu.memory_space<vmem>>) target_semaphore(%run_scoped3A_90 : memref<!tpu.dma_semaphore, #tpu.memory_space<semaphore_mem>>)
        tpu.wait_dma2 semaphore(%run_scoped3A_90 : memref<!tpu.dma_semaphore, #tpu.memory_space<semaphore_mem>>) src(%arg5 : memref<10240xi32, #tpu.memory_space<hbm>>) dst(%arg14 : memref<10240xi32, #tpu.memory_space<vmem>>)
        tpu.yield
      }) : () -> ()
      "tpu.region"() ({
        %run_scoped3A_90 = tpu.sem_alloc : memref<!tpu.dma_semaphore, #tpu.memory_space<semaphore_mem>>
        tpu.enqueue_dma source(%arg6 : memref<10240xi32, #tpu.memory_space<hbm>>) target(%arg15 : memref<10240xi32, #tpu.memory_space<vmem>>) target_semaphore(%run_scoped3A_90 : memref<!tpu.dma_semaphore, #tpu.memory_space<semaphore_mem>>)
        tpu.wait_dma2 semaphore(%run_scoped3A_90 : memref<!tpu.dma_semaphore, #tpu.memory_space<semaphore_mem>>) src(%arg6 : memref<10240xi32, #tpu.memory_space<hbm>>) dst(%arg15 : memref<10240xi32, #tpu.memory_space<vmem>>)
        tpu.yield
      }) : () -> ()
      "tpu.region"() ({
        %run_scoped3A_90 = tpu.sem_alloc : memref<!tpu.dma_semaphore, #tpu.memory_space<semaphore_mem>>
        tpu.enqueue_dma source(%arg7 : memref<16xi32, #tpu.memory_space<hbm>>) target(%arg24 : memref<16xi32, #tpu.memory_space<vmem>>) target_semaphore(%run_scoped3A_90 : memref<!tpu.dma_semaphore, #tpu.memory_space<semaphore_mem>>)
        tpu.wait_dma2 semaphore(%run_scoped3A_90 : memref<!tpu.dma_semaphore, #tpu.memory_space<semaphore_mem>>) src(%arg7 : memref<16xi32, #tpu.memory_space<hbm>>) dst(%arg24 : memref<16xi32, #tpu.memory_space<vmem>>)
        tpu.yield
      }) : () -> ()
      %broadcast_in_dim3A = arith.constant -1 : i32
      %broadcast_in_dim3A_2 = vector.broadcast %broadcast_in_dim3A : i32 to vector<16xi32>
      %broadcast_in_dim3A_3 = arith.constant 320001 : i32
      %broadcast_in_dim3A_4 = vector.broadcast %broadcast_in_dim3A_3 : i32 to vector<16xi32>
      %broadcast_in_dim3A_5 = arith.constant 0 : i32
      %broadcast_in_dim3A_6 = vector.broadcast %broadcast_in_dim3A_5 : i32 to vector<16xi32>
      %while3A = arith.constant 0 : i64
      %while3A_7 = arith.constant 0 : i32
      %while3A_8 = arith.constant 640 : i32
      %while3A_9 = arith.subi %while3A_8, %while3A_7 : i32
      %while3A_10 = arith.addi %while3A_7, %while3A_9 : i32
      %while3A_11 = arith.constant 1 : i32
      %while3A_12 = arith.divsi %while3A_9, %while3A_11 : i32
      %while3A_13 = arith.muli %while3A_12, %while3A_11 : i32
      %while3A_14 = arith.addi %while3A_7, %while3A_13 : i32
      %while3A_15 = arith.constant 1 : i32
      scf.for %while3A_90 = %while3A_7 to %while3A_14 step %while3A_15  : i32 {
        %mul3A_91 = arith.constant 16 : i32
        %mul3A_92 = arith.muli %while3A_90, %mul3A_91 : i32
        %swap3A = arith.index_cast %mul3A_92 : i32 to index
        %swap3A_93 = tpu.vector_load %arg16[%swap3A] {strides = array<i32>} : memref<10240xi32, #tpu.memory_space<vmem>>, vector<16xi32>,
        tpu.vector_store %arg16[%swap3A], %broadcast_in_dim3A_2 {strides = array<i32>} : memref<10240xi32, #tpu.memory_space<vmem>>, vector<16xi32>,
        %mul3A_94 = arith.constant 16 : i32
        %mul3A_95 = arith.muli %while3A_90, %mul3A_94 : i32
        %swap3A_96 = arith.index_cast %mul3A_95 : i32 to index
        %swap3A_97 = tpu.vector_load %arg17[%swap3A_96] {strides = array<i32>} : memref<10240xi32, #tpu.memory_space<vmem>>, vector<16xi32>,
        tpu.vector_store %arg17[%swap3A_96], %broadcast_in_dim3A_4 {strides = array<i32>} : memref<10240xi32, #tpu.memory_space<vmem>>, vector<16xi32>,
        %mul3A_98 = arith.constant 16 : i32
        %mul3A_99 = arith.muli %while3A_90, %mul3A_98 : i32
        %swap3A_100 = arith.index_cast %mul3A_99 : i32 to index
        %swap3A_101 = tpu.vector_load %arg18[%swap3A_100] {strides = array<i32>} : memref<10240xi32, #tpu.memory_space<vmem>>, vector<16xi32>,
        tpu.vector_store %arg18[%swap3A_100], %broadcast_in_dim3A_6 {strides = array<i32>} : memref<10240xi32, #tpu.memory_space<vmem>>, vector<16xi32>,
      }
      %while3A_16 = arith.constant 1 : i32
      scf.for %while3A_90 = %while3A_14 to %while3A_10 step %while3A_16  : i32 {
        %mul3A_91 = arith.constant 16 : i32
        %mul3A_92 = arith.muli %while3A_90, %mul3A_91 : i32
        %swap3A = arith.index_cast %mul3A_92 : i32 to index
        %swap3A_93 = tpu.vector_load %arg16[%swap3A] {strides = array<i32>} : memref<10240xi32, #tpu.memory_space<vmem>>, vector<16xi32>,
        tpu.vector_store %arg16[%swap3A], %broadcast_in_dim3A_2 {strides = array<i32>} : memref<10240xi32, #tpu.memory_space<vmem>>, vector<16xi32>,
        %mul3A_94 = arith.constant 16 : i32
        %mul3A_95 = arith.muli %while3A_90, %mul3A_94 : i32
        %swap3A_96 = arith.index_cast %mul3A_95 : i32 to index
        %swap3A_97 = tpu.vector_load %arg17[%swap3A_96] {strides = array<i32>} : memref<10240xi32, #tpu.memory_space<vmem>>, vector<16xi32>,
        tpu.vector_store %arg17[%swap3A_96], %broadcast_in_dim3A_4 {strides = array<i32>} : memref<10240xi32, #tpu.memory_space<vmem>>, vector<16xi32>,
        %mul3A_98 = arith.constant 16 : i32
        %mul3A_99 = arith.muli %while3A_90, %mul3A_98 : i32
        %swap3A_100 = arith.index_cast %mul3A_99 : i32 to index
        %swap3A_101 = tpu.vector_load %arg18[%swap3A_100] {strides = array<i32>} : memref<10240xi32, #tpu.memory_space<vmem>>, vector<16xi32>,
        tpu.vector_store %arg18[%swap3A_100], %broadcast_in_dim3A_6 {strides = array<i32>} : memref<10240xi32, #tpu.memory_space<vmem>>, vector<16xi32>,
      }
      %while3A_17 = arith.constant 0 : i64
      %while3A_18 = arith.constant 0 : i32
      %while3A_19 = arith.constant 625 : i32
      %while3A_20 = arith.subi %while3A_19, %while3A_18 : i32
      %while3A_21 = arith.addi %while3A_18, %while3A_20 : i32
      %while3A_22 = arith.constant 1 : i32
      %while3A_23 = arith.divsi %while3A_20, %while3A_22 : i32
      %while3A_24 = arith.muli %while3A_23, %while3A_22 : i32
      %while3A_25 = arith.addi %while3A_18, %while3A_24 : i32
      %while3A_26 = arith.constant 1 : i32
      scf.for %while3A_90 = %while3A_18 to %while3A_25 step %while3A_26  : i32 {
        %mul3A_91 = arith.constant 16 : i32
        %mul3A_92 = arith.muli %while3A_90, %mul3A_91 : i32
        %get3A_93 = arith.index_cast %mul3A_92 : i32 to index
        %get3A_94 = tpu.vector_load %arg11[%get3A_93] {strides = array<i32>} : memref<10000xi32, #tpu.memory_space<vmem>>, vector<16xi32>,
        %mul3A_95 = arith.constant 16 : i32
        %mul3A_96 = arith.muli %while3A_90, %mul3A_95 : i32
        %get3A_97 = arith.index_cast %mul3A_96 : i32 to index
        %get3A_98 = tpu.vector_load %arg12[%get3A_97] {strides = array<i32>} : memref<10000xi32, #tpu.memory_space<vmem>>, vector<16xi32>,
        %gather3A = tpu.vector_load_idx %arg14[%get3A_94] : memref<10240xi32, #tpu.memory_space<vmem>>[vector<16xi32>], vector<16xi32>,
        %gather3A_99 = tpu.vector_load_idx %arg14[%get3A_98] : memref<10240xi32, #tpu.memory_space<vmem>>[vector<16xi32>], vector<16xi32>,
        %gather3A_100 = tpu.vector_load_idx %arg13[%get3A_94] : memref<10240xi32, #tpu.memory_space<vmem>>[vector<16xi32>], vector<16xi32>,
        %gather3A_101 = tpu.vector_load_idx %arg13[%get3A_98] : memref<10240xi32, #tpu.memory_space<vmem>>[vector<16xi32>], vector<16xi32>,
        %eq3A_102 = arith.constant 1 : i32
        %eq3A_103 = vector.broadcast %eq3A_102 : i32 to vector<16xi32>
        %eq3A_104 = arith.cmpi eq, %gather3A_101, %eq3A_103 : vector<16xi32>
        %jit3A = arith.constant -1 : i64
        %convert_element_type3A_105 = arith.trunci %jit3A : i64 to i32
        %broadcast_in_dim3A_106 = vector.broadcast %convert_element_type3A_105 : i32 to vector<16xi32>
        %select_n3A = arith.select %eq3A_104, %gather3A_99, %broadcast_in_dim3A_106 : vector<16xi1>, vector<16xi32>
        %broadcast_in_dim3A_107 = arith.constant 1 : i32
        %broadcast_in_dim3A_108 = vector.broadcast %broadcast_in_dim3A_107 : i32 to vector<16xi32>
        %while3A_109 = scf.while (%while3A_120 = %broadcast_in_dim3A_108) : (vector<16xi32>) -> vector<16xi32> {
          %reduce_max3A = arith.constant true
          %reduce_max3A_121 = vector.broadcast %reduce_max3A : i1 to vector<16xi1>
          %reduce_max3A_122 = arith.constant -2147483648 : i32
          %reduce_max3A_123 = vector.broadcast %reduce_max3A_122 : i32 to vector<16xi32>
          %reduce_max3A_124 = arith.xori %while3A_120, %reduce_max3A_123 : vector<16xi32>
          %reduce_max3A_125 = tpu.scan <max>, %reduce_max3A_124 masked %reduce_max3A_121 : vector<16xi32>, vector<16xi1> -> vector<16xi32>
          %reduce_max3A_126 = arith.xori %reduce_max3A_125, %reduce_max3A_123 : vector<16xi32>
          %reduce_max3A_127 = vector.extract %reduce_max3A_126[15] : i32 from vector<16xi32>
          %gt3A = arith.constant 0 : i32
          %gt3A_128 = arith.cmpi sgt, %reduce_max3A_127, %gt3A : i32
          scf.condition(%gt3A_128) %while3A_120 : vector<16xi32>
        } do {
        ^bb0(%while3A_120: vector<16xi32>):
          %gather3A_121 = tpu.vector_load_idx %arg16[%get3A_94] : memref<10240xi32, #tpu.memory_space<vmem>>[vector<16xi32>], vector<16xi32>,
          %ne3A = arith.constant 0 : i32
          %ne3A_122 = vector.broadcast %ne3A : i32 to vector<16xi32>
          %ne3A_123 = arith.cmpi ne, %while3A_120, %ne3A_122 : vector<16xi32>
          %gt3A = arith.cmpi sgt, %select_n3A, %gather3A_121 : vector<16xi32>
          %and3A = arith.andi %ne3A_123, %gt3A : vector<16xi1>
          tpu.vector_store_idx %arg16[%get3A_94], %select_n3A masked %and3A : memref<10240xi32, #tpu.memory_space<vmem>>[vector<16xi32>], vector<16xi32>, vector<16xi1>
          %gather3A_124 = tpu.vector_load_idx %arg16[%get3A_94] : memref<10240xi32, #tpu.memory_space<vmem>>[vector<16xi32>], vector<16xi32>,
          %gt3A_125 = arith.cmpi sgt, %select_n3A, %gather3A_124 : vector<16xi32>
          %and3A_126 = arith.andi %and3A, %gt3A_125 : vector<16xi1>
          %convert_element_type3A_127 = arith.extui %and3A_126 : vector<16xi1> to vector<16xi32>
          scf.yield %convert_element_type3A_127 : vector<16xi32>
        }
        %eq3A_110 = arith.constant 1 : i32
        %eq3A_111 = vector.broadcast %eq3A_110 : i32 to vector<16xi32>
        %eq3A_112 = arith.cmpi eq, %gather3A_100, %eq3A_111 : vector<16xi32>
        %jit3A_113 = arith.constant -1 : i64
        %convert_element_type3A_114 = arith.trunci %jit3A_113 : i64 to i32
        %broadcast_in_dim3A_115 = vector.broadcast %convert_element_type3A_114 : i32 to vector<16xi32>
        %select_n3A_116 = arith.select %eq3A_112, %gather3A, %broadcast_in_dim3A_115 : vector<16xi1>, vector<16xi32>
        %broadcast_in_dim3A_117 = arith.constant 1 : i32
        %broadcast_in_dim3A_118 = vector.broadcast %broadcast_in_dim3A_117 : i32 to vector<16xi32>
        %while3A_119 = scf.while (%while3A_120 = %broadcast_in_dim3A_118) : (vector<16xi32>) -> vector<16xi32> {
          %reduce_max3A = arith.constant true
          %reduce_max3A_121 = vector.broadcast %reduce_max3A : i1 to vector<16xi1>
          %reduce_max3A_122 = arith.constant -2147483648 : i32
          %reduce_max3A_123 = vector.broadcast %reduce_max3A_122 : i32 to vector<16xi32>
          %reduce_max3A_124 = arith.xori %while3A_120, %reduce_max3A_123 : vector<16xi32>
          %reduce_max3A_125 = tpu.scan <max>, %reduce_max3A_124 masked %reduce_max3A_121 : vector<16xi32>, vector<16xi1> -> vector<16xi32>
          %reduce_max3A_126 = arith.xori %reduce_max3A_125, %reduce_max3A_123 : vector<16xi32>
          %reduce_max3A_127 = vector.extract %reduce_max3A_126[15] : i32 from vector<16xi32>
          %gt3A = arith.constant 0 : i32
          %gt3A_128 = arith.cmpi sgt, %reduce_max3A_127, %gt3A : i32
          scf.condition(%gt3A_128) %while3A_120 : vector<16xi32>
        } do {
        ^bb0(%while3A_120: vector<16xi32>):
          %gather3A_121 = tpu.vector_load_idx %arg16[%get3A_98] : memref<10240xi32, #tpu.memory_space<vmem>>[vector<16xi32>], vector<16xi32>,
          %ne3A = arith.constant 0 : i32
          %ne3A_122 = vector.broadcast %ne3A : i32 to vector<16xi32>
          %ne3A_123 = arith.cmpi ne, %while3A_120, %ne3A_122 : vector<16xi32>
          %gt3A = arith.cmpi sgt, %select_n3A_116, %gather3A_121 : vector<16xi32>
          %and3A = arith.andi %ne3A_123, %gt3A : vector<16xi1>
          tpu.vector_store_idx %arg16[%get3A_98], %select_n3A_116 masked %and3A : memref<10240xi32, #tpu.memory_space<vmem>>[vector<16xi32>], vector<16xi32>, vector<16xi1>
          %gather3A_124 = tpu.vector_load_idx %arg16[%get3A_98] : memref<10240xi32, #tpu.memory_space<vmem>>[vector<16xi32>], vector<16xi32>,
          %gt3A_125 = arith.cmpi sgt, %select_n3A_116, %gather3A_124 : vector<16xi32>
          %and3A_126 = arith.andi %and3A, %gt3A_125 : vector<16xi1>
          %convert_element_type3A_127 = arith.extui %and3A_126 : vector<16xi1> to vector<16xi32>
          scf.yield %convert_element_type3A_127 : vector<16xi32>
        }
      }
      %while3A_27 = arith.constant 1 : i32
      scf.for %while3A_90 = %while3A_25 to %while3A_21 step %while3A_27  : i32 {
        %mul3A_91 = arith.constant 16 : i32
        %mul3A_92 = arith.muli %while3A_90, %mul3A_91 : i32
        %get3A_93 = arith.index_cast %mul3A_92 : i32 to index
        %get3A_94 = tpu.vector_load %arg11[%get3A_93] {strides = array<i32>} : memref<10000xi32, #tpu.memory_space<vmem>>, vector<16xi32>,
        %mul3A_95 = arith.constant 16 : i32
        %mul3A_96 = arith.muli %while3A_90, %mul3A_95 : i32
        %get3A_97 = arith.index_cast %mul3A_96 : i32 to index
        %get3A_98 = tpu.vector_load %arg12[%get3A_97] {strides = array<i32>} : memref<10000xi32, #tpu.memory_space<vmem>>, vector<16xi32>,
        %gather3A = tpu.vector_load_idx %arg14[%get3A_94] : memref<10240xi32, #tpu.memory_space<vmem>>[vector<16xi32>], vector<16xi32>,
        %gather3A_99 = tpu.vector_load_idx %arg14[%get3A_98] : memref<10240xi32, #tpu.memory_space<vmem>>[vector<16xi32>], vector<16xi32>,
        %gather3A_100 = tpu.vector_load_idx %arg13[%get3A_94] : memref<10240xi32, #tpu.memory_space<vmem>>[vector<16xi32>], vector<16xi32>,
        %gather3A_101 = tpu.vector_load_idx %arg13[%get3A_98] : memref<10240xi32, #tpu.memory_space<vmem>>[vector<16xi32>], vector<16xi32>,
        %eq3A_102 = arith.constant 1 : i32
        %eq3A_103 = vector.broadcast %eq3A_102 : i32 to vector<16xi32>
        %eq3A_104 = arith.cmpi eq, %gather3A_101, %eq3A_103 : vector<16xi32>
        %jit3A = arith.constant -1 : i64
        %convert_element_type3A_105 = arith.trunci %jit3A : i64 to i32
        %broadcast_in_dim3A_106 = vector.broadcast %convert_element_type3A_105 : i32 to vector<16xi32>
        %select_n3A = arith.select %eq3A_104, %gather3A_99, %broadcast_in_dim3A_106 : vector<16xi1>, vector<16xi32>
        %broadcast_in_dim3A_107 = arith.constant 1 : i32
        %broadcast_in_dim3A_108 = vector.broadcast %broadcast_in_dim3A_107 : i32 to vector<16xi32>
        %while3A_109 = scf.while (%while3A_120 = %broadcast_in_dim3A_108) : (vector<16xi32>) -> vector<16xi32> {
          %reduce_max3A = arith.constant true
          %reduce_max3A_121 = vector.broadcast %reduce_max3A : i1 to vector<16xi1>
          %reduce_max3A_122 = arith.constant -2147483648 : i32
          %reduce_max3A_123 = vector.broadcast %reduce_max3A_122 : i32 to vector<16xi32>
          %reduce_max3A_124 = arith.xori %while3A_120, %reduce_max3A_123 : vector<16xi32>
          %reduce_max3A_125 = tpu.scan <max>, %reduce_max3A_124 masked %reduce_max3A_121 : vector<16xi32>, vector<16xi1> -> vector<16xi32>
          %reduce_max3A_126 = arith.xori %reduce_max3A_125, %reduce_max3A_123 : vector<16xi32>
          %reduce_max3A_127 = vector.extract %reduce_max3A_126[15] : i32 from vector<16xi32>
          %gt3A = arith.constant 0 : i32
          %gt3A_128 = arith.cmpi sgt, %reduce_max3A_127, %gt3A : i32
          scf.condition(%gt3A_128) %while3A_120 : vector<16xi32>
        } do {
        ^bb0(%while3A_120: vector<16xi32>):
          %gather3A_121 = tpu.vector_load_idx %arg16[%get3A_94] : memref<10240xi32, #tpu.memory_space<vmem>>[vector<16xi32>], vector<16xi32>,
          %ne3A = arith.constant 0 : i32
          %ne3A_122 = vector.broadcast %ne3A : i32 to vector<16xi32>
          %ne3A_123 = arith.cmpi ne, %while3A_120, %ne3A_122 : vector<16xi32>
          %gt3A = arith.cmpi sgt, %select_n3A, %gather3A_121 : vector<16xi32>
          %and3A = arith.andi %ne3A_123, %gt3A : vector<16xi1>
          tpu.vector_store_idx %arg16[%get3A_94], %select_n3A masked %and3A : memref<10240xi32, #tpu.memory_space<vmem>>[vector<16xi32>], vector<16xi32>, vector<16xi1>
          %gather3A_124 = tpu.vector_load_idx %arg16[%get3A_94] : memref<10240xi32, #tpu.memory_space<vmem>>[vector<16xi32>], vector<16xi32>,
          %gt3A_125 = arith.cmpi sgt, %select_n3A, %gather3A_124 : vector<16xi32>
          %and3A_126 = arith.andi %and3A, %gt3A_125 : vector<16xi1>
          %convert_element_type3A_127 = arith.extui %and3A_126 : vector<16xi1> to vector<16xi32>
          scf.yield %convert_element_type3A_127 : vector<16xi32>
        }
        %eq3A_110 = arith.constant 1 : i32
        %eq3A_111 = vector.broadcast %eq3A_110 : i32 to vector<16xi32>
        %eq3A_112 = arith.cmpi eq, %gather3A_100, %eq3A_111 : vector<16xi32>
        %jit3A_113 = arith.constant -1 : i64
        %convert_element_type3A_114 = arith.trunci %jit3A_113 : i64 to i32
        %broadcast_in_dim3A_115 = vector.broadcast %convert_element_type3A_114 : i32 to vector<16xi32>
        %select_n3A_116 = arith.select %eq3A_112, %gather3A, %broadcast_in_dim3A_115 : vector<16xi1>, vector<16xi32>
        %broadcast_in_dim3A_117 = arith.constant 1 : i32
        %broadcast_in_dim3A_118 = vector.broadcast %broadcast_in_dim3A_117 : i32 to vector<16xi32>
        %while3A_119 = scf.while (%while3A_120 = %broadcast_in_dim3A_118) : (vector<16xi32>) -> vector<16xi32> {
          %reduce_max3A = arith.constant true
          %reduce_max3A_121 = vector.broadcast %reduce_max3A : i1 to vector<16xi1>
          %reduce_max3A_122 = arith.constant -2147483648 : i32
          %reduce_max3A_123 = vector.broadcast %reduce_max3A_122 : i32 to vector<16xi32>
          %reduce_max3A_124 = arith.xori %while3A_120, %reduce_max3A_123 : vector<16xi32>
          %reduce_max3A_125 = tpu.scan <max>, %reduce_max3A_124 masked %reduce_max3A_121 : vector<16xi32>, vector<16xi1> -> vector<16xi32>
          %reduce_max3A_126 = arith.xori %reduce_max3A_125, %reduce_max3A_123 : vector<16xi32>
          %reduce_max3A_127 = vector.extract %reduce_max3A_126[15] : i32 from vector<16xi32>
          %gt3A = arith.constant 0 : i32
          %gt3A_128 = arith.cmpi sgt, %reduce_max3A_127, %gt3A : i32
          scf.condition(%gt3A_128) %while3A_120 : vector<16xi32>
        } do {
        ^bb0(%while3A_120: vector<16xi32>):
          %gather3A_121 = tpu.vector_load_idx %arg16[%get3A_98] : memref<10240xi32, #tpu.memory_space<vmem>>[vector<16xi32>], vector<16xi32>,
          %ne3A = arith.constant 0 : i32
          %ne3A_122 = vector.broadcast %ne3A : i32 to vector<16xi32>
          %ne3A_123 = arith.cmpi ne, %while3A_120, %ne3A_122 : vector<16xi32>
          %gt3A = arith.cmpi sgt, %select_n3A_116, %gather3A_121 : vector<16xi32>
          %and3A = arith.andi %ne3A_123, %gt3A : vector<16xi1>
          tpu.vector_store_idx %arg16[%get3A_98], %select_n3A_116 masked %and3A : memref<10240xi32, #tpu.memory_space<vmem>>[vector<16xi32>], vector<16xi32>, vector<16xi1>
          %gather3A_124 = tpu.vector_load_idx %arg16[%get3A_98] : memref<10240xi32, #tpu.memory_space<vmem>>[vector<16xi32>], vector<16xi32>,
          %gt3A_125 = arith.cmpi sgt, %select_n3A_116, %gather3A_124 : vector<16xi32>
          %and3A_126 = arith.andi %and3A, %gt3A_125 : vector<16xi1>
          %convert_element_type3A_127 = arith.extui %and3A_126 : vector<16xi1> to vector<16xi32>
          scf.yield %convert_element_type3A_127 : vector<16xi32>
        }
      }
      "tpu.region"() ({
        %run_scoped3A_90 = tpu.sem_alloc : memref<!tpu.dma_semaphore, #tpu.memory_space<semaphore_mem>>
        %dma_start3A = arith.constant 0 : i32
        %dma_start3A_91 = tpu.memref_slice %arg27[%arg1, %dma_start3A] : memref<16x10240xi32, #tpu.memory_space<vmem_shared>> -> memref<1x10240xi32, #tpu.memory_space<vmem_shared>>
        %dma_start3A_92 = tpu.memref_squeeze %dma_start3A_91 : memref<1x10240xi32, #tpu.memory_space<vmem_shared>> -> memref<10240xi32, #tpu.memory_space<vmem_shared>>
        %dma_start3A_93 = arith.constant 0 : i32
        %dma_start3A_94 = tpu.memref_slice %arg27[%arg1, %dma_start3A_93] : memref<16x10240xi32, #tpu.memory_space<vmem_shared>> -> memref<1x10240xi32, #tpu.memory_space<vmem_shared>>
        %dma_start3A_95 = tpu.memref_squeeze %dma_start3A_94 : memref<1x10240xi32, #tpu.memory_space<vmem_shared>> -> memref<10240xi32, #tpu.memory_space<vmem_shared>>
        tpu.enqueue_dma source(%arg16 : memref<10240xi32, #tpu.memory_space<vmem>>) target(%dma_start3A_95 : memref<10240xi32, #tpu.memory_space<vmem_shared>>) target_semaphore(%run_scoped3A_90 : memref<!tpu.dma_semaphore, #tpu.memory_space<semaphore_mem>>)
        %dma_wait3A = arith.constant 0 : i32
        %dma_wait3A_96 = tpu.memref_slice %arg27[%arg1, %dma_wait3A] : memref<16x10240xi32, #tpu.memory_space<vmem_shared>> -> memref<1x10240xi32, #tpu.memory_space<vmem_shared>>
        %dma_wait3A_97 = tpu.memref_squeeze %dma_wait3A_96 : memref<1x10240xi32, #tpu.memory_space<vmem_shared>> -> memref<10240xi32, #tpu.memory_space<vmem_shared>>
        %dma_wait3A_98 = arith.constant 0 : i32
        %dma_wait3A_99 = tpu.memref_slice %arg27[%arg1, %dma_wait3A_98] : memref<16x10240xi32, #tpu.memory_space<vmem_shared>> -> memref<1x10240xi32, #tpu.memory_space<vmem_shared>>
        %dma_wait3A_100 = tpu.memref_squeeze %dma_wait3A_99 : memref<1x10240xi32, #tpu.memory_space<vmem_shared>> -> memref<10240xi32, #tpu.memory_space<vmem_shared>>
        tpu.wait_dma2 semaphore(%run_scoped3A_90 : memref<!tpu.dma_semaphore, #tpu.memory_space<semaphore_mem>>) src(%arg16 : memref<10240xi32, #tpu.memory_space<vmem>>) dst(%dma_wait3A_100 : memref<10240xi32, #tpu.memory_space<vmem_shared>>)
        tpu.yield
      }) : () -> ()
      %barrier3A = arith.constant 0 : index
      tpu.barrier barrier_id(%barrier3A)
      %mul3A = arith.constant 640 : i32
      %mul3A_28 = arith.muli %arg1, %mul3A : i32
      %run_scoped3A = arith.constant 0 : i32
      "tpu.region"() ({
        %run_scoped3A_90 = tpu.sem_alloc : memref<!tpu.dma_semaphore, #tpu.memory_space<semaphore_mem>>
        %dma_start3A = tpu.memref_slice %arg27[%run_scoped3A, %mul3A_28] : memref<16x10240xi32, #tpu.memory_space<vmem_shared>> -> memref<1x640xi32, #tpu.memory_space<vmem_shared>>
        %dma_start3A_91 = tpu.memref_squeeze %dma_start3A : memref<1x640xi32, #tpu.memory_space<vmem_shared>> -> memref<640xi32, #tpu.memory_space<vmem_shared>>
        %dma_start3A_92 = tpu.memref_slice %arg27[%run_scoped3A, %mul3A_28] : memref<16x10240xi32, #tpu.memory_space<vmem_shared>> -> memref<1x640xi32, #tpu.memory_space<vmem_shared>>
        %dma_start3A_93 = tpu.memref_squeeze %dma_start3A_92 : memref<1x640xi32, #tpu.memory_space<vmem_shared>> -> memref<640xi32, #tpu.memory_space<vmem_shared>>
        tpu.enqueue_dma source(%dma_start3A_93 : memref<640xi32, #tpu.memory_space<vmem_shared>>) target(%arg19 : memref<640xi32, #tpu.memory_space<vmem>>) target_semaphore(%run_scoped3A_90 : memref<!tpu.dma_semaphore, #tpu.memory_space<semaphore_mem>>)
        %dma_wait3A = tpu.memref_slice %arg27[%run_scoped3A, %mul3A_28] : memref<16x10240xi32, #tpu.memory_space<vmem_shared>> -> memref<1x640xi32, #tpu.memory_space<vmem_shared>>
        %dma_wait3A_94 = tpu.memref_squeeze %dma_wait3A : memref<1x640xi32, #tpu.memory_space<vmem_shared>> -> memref<640xi32, #tpu.memory_space<vmem_shared>>
        %dma_wait3A_95 = tpu.memref_slice %arg27[%run_scoped3A, %mul3A_28] : memref<16x10240xi32, #tpu.memory_space<vmem_shared>> -> memref<1x640xi32, #tpu.memory_space<vmem_shared>>
        %dma_wait3A_96 = tpu.memref_squeeze %dma_wait3A_95 : memref<1x640xi32, #tpu.memory_space<vmem_shared>> -> memref<640xi32, #tpu.memory_space<vmem_shared>>
        tpu.wait_dma2 semaphore(%run_scoped3A_90 : memref<!tpu.dma_semaphore, #tpu.memory_space<semaphore_mem>>) src(%dma_wait3A_96 : memref<640xi32, #tpu.memory_space<vmem_shared>>) dst(%arg19 : memref<640xi32, #tpu.memory_space<vmem>>)
        tpu.yield
      }) : () -> ()
      %while3A_29 = arith.constant 0 : i64
      %while3A_30 = arith.constant 1 : i32
      %while3A_31 = arith.constant 16 : i32
      %while3A_32 = arith.subi %while3A_31, %while3A_30 : i32
      %while3A_33 = arith.addi %while3A_30, %while3A_32 : i32
      %while3A_34 = arith.constant 1 : i32
      %while3A_35 = arith.divsi %while3A_32, %while3A_34 : i32
      %while3A_36 = arith.muli %while3A_35, %while3A_34 : i32
      %while3A_37 = arith.addi %while3A_30, %while3A_36 : i32
      %while3A_38 = arith.constant 1 : i32
      scf.for %while3A_90 = %while3A_30 to %while3A_37 step %while3A_38  : i32 {
        "tpu.region"() ({
          %run_scoped3A_102 = tpu.sem_alloc : memref<!tpu.dma_semaphore, #tpu.memory_space<semaphore_mem>>
          %dma_start3A = tpu.memref_slice %arg27[%while3A_90, %mul3A_28] : memref<16x10240xi32, #tpu.memory_space<vmem_shared>> -> memref<1x640xi32, #tpu.memory_space<vmem_shared>>
          %dma_start3A_103 = tpu.memref_squeeze %dma_start3A : memref<1x640xi32, #tpu.memory_space<vmem_shared>> -> memref<640xi32, #tpu.memory_space<vmem_shared>>
          %dma_start3A_104 = tpu.memref_slice %arg27[%while3A_90, %mul3A_28] : memref<16x10240xi32, #tpu.memory_space<vmem_shared>> -> memref<1x640xi32, #tpu.memory_space<vmem_shared>>
          %dma_start3A_105 = tpu.memref_squeeze %dma_start3A_104 : memref<1x640xi32, #tpu.memory_space<vmem_shared>> -> memref<640xi32, #tpu.memory_space<vmem_shared>>
          tpu.enqueue_dma source(%dma_start3A_105 : memref<640xi32, #tpu.memory_space<vmem_shared>>) target(%arg20 : memref<640xi32, #tpu.memory_space<vmem>>) target_semaphore(%run_scoped3A_102 : memref<!tpu.dma_semaphore, #tpu.memory_space<semaphore_mem>>)
          %dma_wait3A = tpu.memref_slice %arg27[%while3A_90, %mul3A_28] : memref<16x10240xi32, #tpu.memory_space<vmem_shared>> -> memref<1x640xi32, #tpu.memory_space<vmem_shared>>
          %dma_wait3A_106 = tpu.memref_squeeze %dma_wait3A : memref<1x640xi32, #tpu.memory_space<vmem_shared>> -> memref<640xi32, #tpu.memory_space<vmem_shared>>
          %dma_wait3A_107 = tpu.memref_slice %arg27[%while3A_90, %mul3A_28] : memref<16x10240xi32, #tpu.memory_space<vmem_shared>> -> memref<1x640xi32, #tpu.memory_space<vmem_shared>>
          %dma_wait3A_108 = tpu.memref_squeeze %dma_wait3A_107 : memref<1x640xi32, #tpu.memory_space<vmem_shared>> -> memref<640xi32, #tpu.memory_space<vmem_shared>>
          tpu.wait_dma2 semaphore(%run_scoped3A_102 : memref<!tpu.dma_semaphore, #tpu.memory_space<semaphore_mem>>) src(%dma_wait3A_108 : memref<640xi32, #tpu.memory_space<vmem_shared>>) dst(%arg20 : memref<640xi32, #tpu.memory_space<vmem>>)
          tpu.yield
        }) : () -> ()
        %while3A_91 = arith.constant 0 : i64
        %while3A_92 = arith.constant 0 : i32
        %while3A_93 = arith.constant 40 : i32
        %while3A_94 = arith.subi %while3A_93, %while3A_92 : i32
        %while3A_95 = arith.addi %while3A_92, %while3A_94 : i32
        %while3A_96 = arith.constant 1 : i32
        %while3A_97 = arith.divsi %while3A_94, %while3A_96 : i32
        %while3A_98 = arith.muli %while3A_97, %while3A_96 : i32
        %while3A_99 = arith.addi %while3A_92, %while3A_98 : i32
        %while3A_100 = arith.constant 1 : i32
        scf.for %while3A_102 = %while3A_92 to %while3A_99 step %while3A_100  : i32 {
          %mul3A_103 = arith.constant 16 : i32
          %mul3A_104 = arith.muli %while3A_102, %mul3A_103 : i32
          %get3A_105 = arith.index_cast %mul3A_104 : i32 to index
          %get3A_106 = tpu.vector_load %arg19[%get3A_105] {strides = array<i32>} : memref<640xi32, #tpu.memory_space<vmem>>, vector<16xi32>,
          %get3A_107 = arith.index_cast %mul3A_104 : i32 to index
          %get3A_108 = tpu.vector_load %arg20[%get3A_107] {strides = array<i32>} : memref<640xi32, #tpu.memory_space<vmem>>, vector<16xi32>,
          %max3A = arith.maxsi %get3A_106, %get3A_108 : vector<16xi32>
          %swap3A = arith.index_cast %mul3A_104 : i32 to index
          %swap3A_109 = tpu.vector_load %arg19[%swap3A] {strides = array<i32>} : memref<640xi32, #tpu.memory_space<vmem>>, vector<16xi32>,
          tpu.vector_store %arg19[%swap3A], %max3A {strides = array<i32>} : memref<640xi32, #tpu.memory_space<vmem>>, vector<16xi32>,
        }
        %while3A_101 = arith.constant 1 : i32
        scf.for %while3A_102 = %while3A_99 to %while3A_95 step %while3A_101  : i32 {
          %mul3A_103 = arith.constant 16 : i32
          %mul3A_104 = arith.muli %while3A_102, %mul3A_103 : i32
          %get3A_105 = arith.index_cast %mul3A_104 : i32 to index
          %get3A_106 = tpu.vector_load %arg19[%get3A_105] {strides = array<i32>} : memref<640xi32, #tpu.memory_space<vmem>>, vector<16xi32>,
          %get3A_107 = arith.index_cast %mul3A_104 : i32 to index
          %get3A_108 = tpu.vector_load %arg20[%get3A_107] {strides = array<i32>} : memref<640xi32, #tpu.memory_space<vmem>>, vector<16xi32>,
          %max3A = arith.maxsi %get3A_106, %get3A_108 : vector<16xi32>
          %swap3A = arith.index_cast %mul3A_104 : i32 to index
          %swap3A_109 = tpu.vector_load %arg19[%swap3A] {strides = array<i32>} : memref<640xi32, #tpu.memory_space<vmem>>, vector<16xi32>,
          tpu.vector_store %arg19[%swap3A], %max3A {strides = array<i32>} : memref<640xi32, #tpu.memory_space<vmem>>, vector<16xi32>,
        }
      }
      %while3A_39 = arith.constant 1 : i32
      scf.for %while3A_90 = %while3A_37 to %while3A_33 step %while3A_39  : i32 {
        "tpu.region"() ({
          %run_scoped3A_102 = tpu.sem_alloc : memref<!tpu.dma_semaphore, #tpu.memory_space<semaphore_mem>>
          %dma_start3A = tpu.memref_slice %arg27[%while3A_90, %mul3A_28] : memref<16x10240xi32, #tpu.memory_space<vmem_shared>> -> memref<1x640xi32, #tpu.memory_space<vmem_shared>>
          %dma_start3A_103 = tpu.memref_squeeze %dma_start3A : memref<1x640xi32, #tpu.memory_space<vmem_shared>> -> memref<640xi32, #tpu.memory_space<vmem_shared>>
          %dma_start3A_104 = tpu.memref_slice %arg27[%while3A_90, %mul3A_28] : memref<16x10240xi32, #tpu.memory_space<vmem_shared>> -> memref<1x640xi32, #tpu.memory_space<vmem_shared>>
          %dma_start3A_105 = tpu.memref_squeeze %dma_start3A_104 : memref<1x640xi32, #tpu.memory_space<vmem_shared>> -> memref<640xi32, #tpu.memory_space<vmem_shared>>
          tpu.enqueue_dma source(%dma_start3A_105 : memref<640xi32, #tpu.memory_space<vmem_shared>>) target(%arg20 : memref<640xi32, #tpu.memory_space<vmem>>) target_semaphore(%run_scoped3A_102 : memref<!tpu.dma_semaphore, #tpu.memory_space<semaphore_mem>>)
          %dma_wait3A = tpu.memref_slice %arg27[%while3A_90, %mul3A_28] : memref<16x10240xi32, #tpu.memory_space<vmem_shared>> -> memref<1x640xi32, #tpu.memory_space<vmem_shared>>
          %dma_wait3A_106 = tpu.memref_squeeze %dma_wait3A : memref<1x640xi32, #tpu.memory_space<vmem_shared>> -> memref<640xi32, #tpu.memory_space<vmem_shared>>
          %dma_wait3A_107 = tpu.memref_slice %arg27[%while3A_90, %mul3A_28] : memref<16x10240xi32, #tpu.memory_space<vmem_shared>> -> memref<1x640xi32, #tpu.memory_space<vmem_shared>>
          %dma_wait3A_108 = tpu.memref_squeeze %dma_wait3A_107 : memref<1x640xi32, #tpu.memory_space<vmem_shared>> -> memref<640xi32, #tpu.memory_space<vmem_shared>>
          tpu.wait_dma2 semaphore(%run_scoped3A_102 : memref<!tpu.dma_semaphore, #tpu.memory_space<semaphore_mem>>) src(%dma_wait3A_108 : memref<640xi32, #tpu.memory_space<vmem_shared>>) dst(%arg20 : memref<640xi32, #tpu.memory_space<vmem>>)
          tpu.yield
        }) : () -> ()
        %while3A_91 = arith.constant 0 : i64
        %while3A_92 = arith.constant 0 : i32
        %while3A_93 = arith.constant 40 : i32
        %while3A_94 = arith.subi %while3A_93, %while3A_92 : i32
        %while3A_95 = arith.addi %while3A_92, %while3A_94 : i32
        %while3A_96 = arith.constant 1 : i32
        %while3A_97 = arith.divsi %while3A_94, %while3A_96 : i32
        %while3A_98 = arith.muli %while3A_97, %while3A_96 : i32
        %while3A_99 = arith.addi %while3A_92, %while3A_98 : i32
        %while3A_100 = arith.constant 1 : i32
        scf.for %while3A_102 = %while3A_92 to %while3A_99 step %while3A_100  : i32 {
          %mul3A_103 = arith.constant 16 : i32
          %mul3A_104 = arith.muli %while3A_102, %mul3A_103 : i32
          %get3A_105 = arith.index_cast %mul3A_104 : i32 to index
          %get3A_106 = tpu.vector_load %arg19[%get3A_105] {strides = array<i32>} : memref<640xi32, #tpu.memory_space<vmem>>, vector<16xi32>,
          %get3A_107 = arith.index_cast %mul3A_104 : i32 to index
          %get3A_108 = tpu.vector_load %arg20[%get3A_107] {strides = array<i32>} : memref<640xi32, #tpu.memory_space<vmem>>, vector<16xi32>,
          %max3A = arith.maxsi %get3A_106, %get3A_108 : vector<16xi32>
          %swap3A = arith.index_cast %mul3A_104 : i32 to index
          %swap3A_109 = tpu.vector_load %arg19[%swap3A] {strides = array<i32>} : memref<640xi32, #tpu.memory_space<vmem>>, vector<16xi32>,
          tpu.vector_store %arg19[%swap3A], %max3A {strides = array<i32>} : memref<640xi32, #tpu.memory_space<vmem>>, vector<16xi32>,
        }
        %while3A_101 = arith.constant 1 : i32
        scf.for %while3A_102 = %while3A_99 to %while3A_95 step %while3A_101  : i32 {
          %mul3A_103 = arith.constant 16 : i32
          %mul3A_104 = arith.muli %while3A_102, %mul3A_103 : i32
          %get3A_105 = arith.index_cast %mul3A_104 : i32 to index
          %get3A_106 = tpu.vector_load %arg19[%get3A_105] {strides = array<i32>} : memref<640xi32, #tpu.memory_space<vmem>>, vector<16xi32>,
          %get3A_107 = arith.index_cast %mul3A_104 : i32 to index
          %get3A_108 = tpu.vector_load %arg20[%get3A_107] {strides = array<i32>} : memref<640xi32, #tpu.memory_space<vmem>>, vector<16xi32>,
          %max3A = arith.maxsi %get3A_106, %get3A_108 : vector<16xi32>
          %swap3A = arith.index_cast %mul3A_104 : i32 to index
          %swap3A_109 = tpu.vector_load %arg19[%swap3A] {strides = array<i32>} : memref<640xi32, #tpu.memory_space<vmem>>, vector<16xi32>,
          tpu.vector_store %arg19[%swap3A], %max3A {strides = array<i32>} : memref<640xi32, #tpu.memory_space<vmem>>, vector<16xi32>,
        }
      }
      "tpu.region"() ({
        %run_scoped3A_90 = tpu.sem_alloc : memref<!tpu.dma_semaphore, #tpu.memory_space<semaphore_mem>>
        %dma_start3A = tpu.memref_slice %arg29[%mul3A_28] : memref<10240xi32, #tpu.memory_space<vmem_shared>> -> memref<640xi32, #tpu.memory_space<vmem_shared>>
        %dma_start3A_91 = tpu.memref_slice %arg29[%mul3A_28] : memref<10240xi32, #tpu.memory_space<vmem_shared>> -> memref<640xi32, #tpu.memory_space<vmem_shared>>
        tpu.enqueue_dma source(%arg19 : memref<640xi32, #tpu.memory_space<vmem>>) target(%dma_start3A_91 : memref<640xi32, #tpu.memory_space<vmem_shared>>) target_semaphore(%run_scoped3A_90 : memref<!tpu.dma_semaphore, #tpu.memory_space<semaphore_mem>>)
        %dma_wait3A = tpu.memref_slice %arg29[%mul3A_28] : memref<10240xi32, #tpu.memory_space<vmem_shared>> -> memref<640xi32, #tpu.memory_space<vmem_shared>>
        %dma_wait3A_92 = tpu.memref_slice %arg29[%mul3A_28] : memref<10240xi32, #tpu.memory_space<vmem_shared>> -> memref<640xi32, #tpu.memory_space<vmem_shared>>
        tpu.wait_dma2 semaphore(%run_scoped3A_90 : memref<!tpu.dma_semaphore, #tpu.memory_space<semaphore_mem>>) src(%arg19 : memref<640xi32, #tpu.memory_space<vmem>>) dst(%dma_wait3A_92 : memref<640xi32, #tpu.memory_space<vmem_shared>>)
        tpu.yield
      }) : () -> ()
      %barrier3A_40 = arith.constant 0 : index
      tpu.barrier barrier_id(%barrier3A_40)
      "tpu.region"() ({
        %run_scoped3A_90 = tpu.sem_alloc : memref<!tpu.dma_semaphore, #tpu.memory_space<semaphore_mem>>
        tpu.enqueue_dma source(%arg29 : memref<10240xi32, #tpu.memory_space<vmem_shared>>) target(%arg16 : memref<10240xi32, #tpu.memory_space<vmem>>) target_semaphore(%run_scoped3A_90 : memref<!tpu.dma_semaphore, #tpu.memory_space<semaphore_mem>>)
        tpu.wait_dma2 semaphore(%run_scoped3A_90 : memref<!tpu.dma_semaphore, #tpu.memory_space<semaphore_mem>>) src(%arg29 : memref<10240xi32, #tpu.memory_space<vmem_shared>>) dst(%arg16 : memref<10240xi32, #tpu.memory_space<vmem>>)
        tpu.yield
      }) : () -> ()
      %iota3A = tpu.iota {dimensions = array<i32: 0>} : vector<16xi32>
      %while3A_41 = arith.constant 0 : i64
      %while3A_42 = arith.constant 0 : i32
      %while3A_43 = arith.constant 625 : i32
      %while3A_44 = arith.subi %while3A_43, %while3A_42 : i32
      %while3A_45 = arith.addi %while3A_42, %while3A_44 : i32
      %while3A_46 = arith.constant 1 : i32
      %while3A_47 = arith.divsi %while3A_44, %while3A_46 : i32
      %while3A_48 = arith.muli %while3A_47, %while3A_46 : i32
      %while3A_49 = arith.addi %while3A_42, %while3A_48 : i32
      %while3A_50 = arith.constant 1 : i32
      scf.for %while3A_90 = %while3A_42 to %while3A_49 step %while3A_50  : i32 {
        %mul3A_91 = arith.constant 16 : i32
        %mul3A_92 = arith.muli %while3A_90, %mul3A_91 : i32
        %get3A_93 = arith.index_cast %mul3A_92 : i32 to index
        %get3A_94 = tpu.vector_load %arg11[%get3A_93] {strides = array<i32>} : memref<10000xi32, #tpu.memory_space<vmem>>, vector<16xi32>,
        %mul3A_95 = arith.constant 16 : i32
        %mul3A_96 = arith.muli %while3A_90, %mul3A_95 : i32
        %get3A_97 = arith.index_cast %mul3A_96 : i32 to index
        %get3A_98 = tpu.vector_load %arg12[%get3A_97] {strides = array<i32>} : memref<10000xi32, #tpu.memory_space<vmem>>, vector<16xi32>,
        %gather3A = tpu.vector_load_idx %arg14[%get3A_94] : memref<10240xi32, #tpu.memory_space<vmem>>[vector<16xi32>], vector<16xi32>,
        %gather3A_99 = tpu.vector_load_idx %arg14[%get3A_98] : memref<10240xi32, #tpu.memory_space<vmem>>[vector<16xi32>], vector<16xi32>,
        %gather3A_100 = tpu.vector_load_idx %arg13[%get3A_94] : memref<10240xi32, #tpu.memory_space<vmem>>[vector<16xi32>], vector<16xi32>,
        %gather3A_101 = tpu.vector_load_idx %arg13[%get3A_98] : memref<10240xi32, #tpu.memory_space<vmem>>[vector<16xi32>], vector<16xi32>,
        %gather3A_102 = tpu.vector_load_idx %arg16[%get3A_94] : memref<10240xi32, #tpu.memory_space<vmem>>[vector<16xi32>], vector<16xi32>,
        %gather3A_103 = tpu.vector_load_idx %arg16[%get3A_98] : memref<10240xi32, #tpu.memory_space<vmem>>[vector<16xi32>], vector<16xi32>,
        %mul3A_104 = arith.constant 10000 : i32
        %mul3A_105 = arith.muli %arg1, %mul3A_104 : i32
        %mul3A_106 = arith.constant 16 : i32
        %mul3A_107 = arith.muli %while3A_90, %mul3A_106 : i32
        %add3A = arith.addi %mul3A_105, %mul3A_107 : i32
        %add3A_108 = vector.broadcast %add3A : i32 to vector<16xi32>
        %add3A_109 = arith.addi %add3A_108, %iota3A : vector<16xi32>
        %eq3A_110 = arith.constant 1 : i32
        %eq3A_111 = vector.broadcast %eq3A_110 : i32 to vector<16xi32>
        %eq3A_112 = arith.cmpi eq, %gather3A_101, %eq3A_111 : vector<16xi32>
        %eq3A_113 = arith.cmpi eq, %gather3A_99, %gather3A_102 : vector<16xi32>
        %and3A = arith.andi %eq3A_112, %eq3A_113 : vector<16xi1>
        %mul3A_114 = arith.constant 2 : i32
        %mul3A_115 = vector.broadcast %mul3A_114 : i32 to vector<16xi32>
        %mul3A_116 = arith.muli %mul3A_115, %add3A_109 : vector<16xi32>
        %jit3A = arith.constant 320001 : i64
        %convert_element_type3A_117 = arith.trunci %jit3A : i64 to i32
        %broadcast_in_dim3A_118 = vector.broadcast %convert_element_type3A_117 : i32 to vector<16xi32>
        %select_n3A = arith.select %and3A, %mul3A_116, %broadcast_in_dim3A_118 : vector<16xi1>, vector<16xi32>
        %broadcast_in_dim3A_119 = arith.constant 1 : i32
        %broadcast_in_dim3A_120 = vector.broadcast %broadcast_in_dim3A_119 : i32 to vector<16xi32>
        %while3A_121 = scf.while (%while3A_140 = %broadcast_in_dim3A_120) : (vector<16xi32>) -> vector<16xi32> {
          %reduce_max3A = arith.constant true
          %reduce_max3A_141 = vector.broadcast %reduce_max3A : i1 to vector<16xi1>
          %reduce_max3A_142 = arith.constant -2147483648 : i32
          %reduce_max3A_143 = vector.broadcast %reduce_max3A_142 : i32 to vector<16xi32>
          %reduce_max3A_144 = arith.xori %while3A_140, %reduce_max3A_143 : vector<16xi32>
          %reduce_max3A_145 = tpu.scan <max>, %reduce_max3A_144 masked %reduce_max3A_141 : vector<16xi32>, vector<16xi1> -> vector<16xi32>
          %reduce_max3A_146 = arith.xori %reduce_max3A_145, %reduce_max3A_143 : vector<16xi32>
          %reduce_max3A_147 = vector.extract %reduce_max3A_146[15] : i32 from vector<16xi32>
          %gt3A = arith.constant 0 : i32
          %gt3A_148 = arith.cmpi sgt, %reduce_max3A_147, %gt3A : i32
          scf.condition(%gt3A_148) %while3A_140 : vector<16xi32>
        } do {
        ^bb0(%while3A_140: vector<16xi32>):
          %gather3A_141 = tpu.vector_load_idx %arg17[%get3A_94] : memref<10240xi32, #tpu.memory_space<vmem>>[vector<16xi32>], vector<16xi32>,
          %ne3A = arith.constant 0 : i32
          %ne3A_142 = vector.broadcast %ne3A : i32 to vector<16xi32>
          %ne3A_143 = arith.cmpi ne, %while3A_140, %ne3A_142 : vector<16xi32>
          %lt3A = arith.cmpi slt, %select_n3A, %gather3A_141 : vector<16xi32>
          %and3A_144 = arith.andi %ne3A_143, %lt3A : vector<16xi1>
          tpu.vector_store_idx %arg17[%get3A_94], %select_n3A masked %and3A_144 : memref<10240xi32, #tpu.memory_space<vmem>>[vector<16xi32>], vector<16xi32>, vector<16xi1>
          %gather3A_145 = tpu.vector_load_idx %arg17[%get3A_94] : memref<10240xi32, #tpu.memory_space<vmem>>[vector<16xi32>], vector<16xi32>,
          %eq3A_146 = arith.cmpi eq, %gather3A_145, %select_n3A : vector<16xi32>
          %and3A_147 = arith.andi %and3A_144, %eq3A_146 : vector<16xi1>
          tpu.vector_store_idx %arg18[%get3A_94], %get3A_98 masked %and3A_147 : memref<10240xi32, #tpu.memory_space<vmem>>[vector<16xi32>], vector<16xi32>, vector<16xi1>
          %lt3A_148 = arith.cmpi slt, %select_n3A, %gather3A_145 : vector<16xi32>
          %and3A_149 = arith.andi %and3A_144, %lt3A_148 : vector<16xi1>
          %convert_element_type3A_150 = arith.extui %and3A_149 : vector<16xi1> to vector<16xi32>
          scf.yield %convert_element_type3A_150 : vector<16xi32>
        }
        %eq3A_122 = arith.constant 1 : i32
        %eq3A_123 = vector.broadcast %eq3A_122 : i32 to vector<16xi32>
        %eq3A_124 = arith.cmpi eq, %gather3A_100, %eq3A_123 : vector<16xi32>
        %eq3A_125 = arith.cmpi eq, %gather3A, %gather3A_103 : vector<16xi32>
        %and3A_126 = arith.andi %eq3A_124, %eq3A_125 : vector<16xi1>
        %mul3A_127 = arith.constant 2 : i32
        %mul3A_128 = vector.broadcast %mul3A_127 : i32 to vector<16xi32>
        %mul3A_129 = arith.muli %mul3A_128, %add3A_109 : vector<16xi32>
        %add3A_130 = arith.constant 1 : i32
        %add3A_131 = vector.broadcast %add3A_130 : i32 to vector<16xi32>
        %add3A_132 = arith.addi %mul3A_129, %add3A_131 : vector<16xi32>
        %jit3A_133 = arith.constant 320001 : i64
        %convert_element_type3A_134 = arith.trunci %jit3A_133 : i64 to i32
        %broadcast_in_dim3A_135 = vector.broadcast %convert_element_type3A_134 : i32 to vector<16xi32>
        %select_n3A_136 = arith.select %and3A_126, %add3A_132, %broadcast_in_dim3A_135 : vector<16xi1>, vector<16xi32>
        %broadcast_in_dim3A_137 = arith.constant 1 : i32
        %broadcast_in_dim3A_138 = vector.broadcast %broadcast_in_dim3A_137 : i32 to vector<16xi32>
        %while3A_139 = scf.while (%while3A_140 = %broadcast_in_dim3A_138) : (vector<16xi32>) -> vector<16xi32> {
          %reduce_max3A = arith.constant true
          %reduce_max3A_141 = vector.broadcast %reduce_max3A : i1 to vector<16xi1>
          %reduce_max3A_142 = arith.constant -2147483648 : i32
          %reduce_max3A_143 = vector.broadcast %reduce_max3A_142 : i32 to vector<16xi32>
          %reduce_max3A_144 = arith.xori %while3A_140, %reduce_max3A_143 : vector<16xi32>
          %reduce_max3A_145 = tpu.scan <max>, %reduce_max3A_144 masked %reduce_max3A_141 : vector<16xi32>, vector<16xi1> -> vector<16xi32>
          %reduce_max3A_146 = arith.xori %reduce_max3A_145, %reduce_max3A_143 : vector<16xi32>
          %reduce_max3A_147 = vector.extract %reduce_max3A_146[15] : i32 from vector<16xi32>
          %gt3A = arith.constant 0 : i32
          %gt3A_148 = arith.cmpi sgt, %reduce_max3A_147, %gt3A : i32
          scf.condition(%gt3A_148) %while3A_140 : vector<16xi32>
        } do {
        ^bb0(%while3A_140: vector<16xi32>):
          %gather3A_141 = tpu.vector_load_idx %arg17[%get3A_98] : memref<10240xi32, #tpu.memory_space<vmem>>[vector<16xi32>], vector<16xi32>,
          %ne3A = arith.constant 0 : i32
          %ne3A_142 = vector.broadcast %ne3A : i32 to vector<16xi32>
          %ne3A_143 = arith.cmpi ne, %while3A_140, %ne3A_142 : vector<16xi32>
          %lt3A = arith.cmpi slt, %select_n3A_136, %gather3A_141 : vector<16xi32>
          %and3A_144 = arith.andi %ne3A_143, %lt3A : vector<16xi1>
          tpu.vector_store_idx %arg17[%get3A_98], %select_n3A_136 masked %and3A_144 : memref<10240xi32, #tpu.memory_space<vmem>>[vector<16xi32>], vector<16xi32>, vector<16xi1>
          %gather3A_145 = tpu.vector_load_idx %arg17[%get3A_98] : memref<10240xi32, #tpu.memory_space<vmem>>[vector<16xi32>], vector<16xi32>,
          %eq3A_146 = arith.cmpi eq, %gather3A_145, %select_n3A_136 : vector<16xi32>
          %and3A_147 = arith.andi %and3A_144, %eq3A_146 : vector<16xi1>
          tpu.vector_store_idx %arg18[%get3A_98], %get3A_94 masked %and3A_147 : memref<10240xi32, #tpu.memory_space<vmem>>[vector<16xi32>], vector<16xi32>, vector<16xi1>
          %lt3A_148 = arith.cmpi slt, %select_n3A_136, %gather3A_145 : vector<16xi32>
          %and3A_149 = arith.andi %and3A_144, %lt3A_148 : vector<16xi1>
          %convert_element_type3A_150 = arith.extui %and3A_149 : vector<16xi1> to vector<16xi32>
          scf.yield %convert_element_type3A_150 : vector<16xi32>
        }
      }
      %while3A_51 = arith.constant 1 : i32
      scf.for %while3A_90 = %while3A_49 to %while3A_45 step %while3A_51  : i32 {
        %mul3A_91 = arith.constant 16 : i32
        %mul3A_92 = arith.muli %while3A_90, %mul3A_91 : i32
        %get3A_93 = arith.index_cast %mul3A_92 : i32 to index
        %get3A_94 = tpu.vector_load %arg11[%get3A_93] {strides = array<i32>} : memref<10000xi32, #tpu.memory_space<vmem>>, vector<16xi32>,
        %mul3A_95 = arith.constant 16 : i32
        %mul3A_96 = arith.muli %while3A_90, %mul3A_95 : i32
        %get3A_97 = arith.index_cast %mul3A_96 : i32 to index
        %get3A_98 = tpu.vector_load %arg12[%get3A_97] {strides = array<i32>} : memref<10000xi32, #tpu.memory_space<vmem>>, vector<16xi32>,
        %gather3A = tpu.vector_load_idx %arg14[%get3A_94] : memref<10240xi32, #tpu.memory_space<vmem>>[vector<16xi32>], vector<16xi32>,
        %gather3A_99 = tpu.vector_load_idx %arg14[%get3A_98] : memref<10240xi32, #tpu.memory_space<vmem>>[vector<16xi32>], vector<16xi32>,
        %gather3A_100 = tpu.vector_load_idx %arg13[%get3A_94] : memref<10240xi32, #tpu.memory_space<vmem>>[vector<16xi32>], vector<16xi32>,
        %gather3A_101 = tpu.vector_load_idx %arg13[%get3A_98] : memref<10240xi32, #tpu.memory_space<vmem>>[vector<16xi32>], vector<16xi32>,
        %gather3A_102 = tpu.vector_load_idx %arg16[%get3A_94] : memref<10240xi32, #tpu.memory_space<vmem>>[vector<16xi32>], vector<16xi32>,
        %gather3A_103 = tpu.vector_load_idx %arg16[%get3A_98] : memref<10240xi32, #tpu.memory_space<vmem>>[vector<16xi32>], vector<16xi32>,
        %mul3A_104 = arith.constant 10000 : i32
        %mul3A_105 = arith.muli %arg1, %mul3A_104 : i32
        %mul3A_106 = arith.constant 16 : i32
        %mul3A_107 = arith.muli %while3A_90, %mul3A_106 : i32
        %add3A = arith.addi %mul3A_105, %mul3A_107 : i32
        %add3A_108 = vector.broadcast %add3A : i32 to vector<16xi32>
        %add3A_109 = arith.addi %add3A_108, %iota3A : vector<16xi32>
        %eq3A_110 = arith.constant 1 : i32
        %eq3A_111 = vector.broadcast %eq3A_110 : i32 to vector<16xi32>
        %eq3A_112 = arith.cmpi eq, %gather3A_101, %eq3A_111 : vector<16xi32>
        %eq3A_113 = arith.cmpi eq, %gather3A_99, %gather3A_102 : vector<16xi32>
        %and3A = arith.andi %eq3A_112, %eq3A_113 : vector<16xi1>
        %mul3A_114 = arith.constant 2 : i32
        %mul3A_115 = vector.broadcast %mul3A_114 : i32 to vector<16xi32>
        %mul3A_116 = arith.muli %mul3A_115, %add3A_109 : vector<16xi32>
        %jit3A = arith.constant 320001 : i64
        %convert_element_type3A_117 = arith.trunci %jit3A : i64 to i32
        %broadcast_in_dim3A_118 = vector.broadcast %convert_element_type3A_117 : i32 to vector<16xi32>
        %select_n3A = arith.select %and3A, %mul3A_116, %broadcast_in_dim3A_118 : vector<16xi1>, vector<16xi32>
        %broadcast_in_dim3A_119 = arith.constant 1 : i32
        %broadcast_in_dim3A_120 = vector.broadcast %broadcast_in_dim3A_119 : i32 to vector<16xi32>
        %while3A_121 = scf.while (%while3A_140 = %broadcast_in_dim3A_120) : (vector<16xi32>) -> vector<16xi32> {
          %reduce_max3A = arith.constant true
          %reduce_max3A_141 = vector.broadcast %reduce_max3A : i1 to vector<16xi1>
          %reduce_max3A_142 = arith.constant -2147483648 : i32
          %reduce_max3A_143 = vector.broadcast %reduce_max3A_142 : i32 to vector<16xi32>
          %reduce_max3A_144 = arith.xori %while3A_140, %reduce_max3A_143 : vector<16xi32>
          %reduce_max3A_145 = tpu.scan <max>, %reduce_max3A_144 masked %reduce_max3A_141 : vector<16xi32>, vector<16xi1> -> vector<16xi32>
          %reduce_max3A_146 = arith.xori %reduce_max3A_145, %reduce_max3A_143 : vector<16xi32>
          %reduce_max3A_147 = vector.extract %reduce_max3A_146[15] : i32 from vector<16xi32>
          %gt3A = arith.constant 0 : i32
          %gt3A_148 = arith.cmpi sgt, %reduce_max3A_147, %gt3A : i32
          scf.condition(%gt3A_148) %while3A_140 : vector<16xi32>
        } do {
        ^bb0(%while3A_140: vector<16xi32>):
          %gather3A_141 = tpu.vector_load_idx %arg17[%get3A_94] : memref<10240xi32, #tpu.memory_space<vmem>>[vector<16xi32>], vector<16xi32>,
          %ne3A = arith.constant 0 : i32
          %ne3A_142 = vector.broadcast %ne3A : i32 to vector<16xi32>
          %ne3A_143 = arith.cmpi ne, %while3A_140, %ne3A_142 : vector<16xi32>
          %lt3A = arith.cmpi slt, %select_n3A, %gather3A_141 : vector<16xi32>
          %and3A_144 = arith.andi %ne3A_143, %lt3A : vector<16xi1>
          tpu.vector_store_idx %arg17[%get3A_94], %select_n3A masked %and3A_144 : memref<10240xi32, #tpu.memory_space<vmem>>[vector<16xi32>], vector<16xi32>, vector<16xi1>
          %gather3A_145 = tpu.vector_load_idx %arg17[%get3A_94] : memref<10240xi32, #tpu.memory_space<vmem>>[vector<16xi32>], vector<16xi32>,
          %eq3A_146 = arith.cmpi eq, %gather3A_145, %select_n3A : vector<16xi32>
          %and3A_147 = arith.andi %and3A_144, %eq3A_146 : vector<16xi1>
          tpu.vector_store_idx %arg18[%get3A_94], %get3A_98 masked %and3A_147 : memref<10240xi32, #tpu.memory_space<vmem>>[vector<16xi32>], vector<16xi32>, vector<16xi1>
          %lt3A_148 = arith.cmpi slt, %select_n3A, %gather3A_145 : vector<16xi32>
          %and3A_149 = arith.andi %and3A_144, %lt3A_148 : vector<16xi1>
          %convert_element_type3A_150 = arith.extui %and3A_149 : vector<16xi1> to vector<16xi32>
          scf.yield %convert_element_type3A_150 : vector<16xi32>
        }
        %eq3A_122 = arith.constant 1 : i32
        %eq3A_123 = vector.broadcast %eq3A_122 : i32 to vector<16xi32>
        %eq3A_124 = arith.cmpi eq, %gather3A_100, %eq3A_123 : vector<16xi32>
        %eq3A_125 = arith.cmpi eq, %gather3A, %gather3A_103 : vector<16xi32>
        %and3A_126 = arith.andi %eq3A_124, %eq3A_125 : vector<16xi1>
        %mul3A_127 = arith.constant 2 : i32
        %mul3A_128 = vector.broadcast %mul3A_127 : i32 to vector<16xi32>
        %mul3A_129 = arith.muli %mul3A_128, %add3A_109 : vector<16xi32>
        %add3A_130 = arith.constant 1 : i32
        %add3A_131 = vector.broadcast %add3A_130 : i32 to vector<16xi32>
        %add3A_132 = arith.addi %mul3A_129, %add3A_131 : vector<16xi32>
        %jit3A_133 = arith.constant 320001 : i64
        %convert_element_type3A_134 = arith.trunci %jit3A_133 : i64 to i32
        %broadcast_in_dim3A_135 = vector.broadcast %convert_element_type3A_134 : i32 to vector<16xi32>
        %select_n3A_136 = arith.select %and3A_126, %add3A_132, %broadcast_in_dim3A_135 : vector<16xi1>, vector<16xi32>
        %broadcast_in_dim3A_137 = arith.constant 1 : i32
        %broadcast_in_dim3A_138 = vector.broadcast %broadcast_in_dim3A_137 : i32 to vector<16xi32>
        %while3A_139 = scf.while (%while3A_140 = %broadcast_in_dim3A_138) : (vector<16xi32>) -> vector<16xi32> {
          %reduce_max3A = arith.constant true
          %reduce_max3A_141 = vector.broadcast %reduce_max3A : i1 to vector<16xi1>
          %reduce_max3A_142 = arith.constant -2147483648 : i32
          %reduce_max3A_143 = vector.broadcast %reduce_max3A_142 : i32 to vector<16xi32>
          %reduce_max3A_144 = arith.xori %while3A_140, %reduce_max3A_143 : vector<16xi32>
          %reduce_max3A_145 = tpu.scan <max>, %reduce_max3A_144 masked %reduce_max3A_141 : vector<16xi32>, vector<16xi1> -> vector<16xi32>
          %reduce_max3A_146 = arith.xori %reduce_max3A_145, %reduce_max3A_143 : vector<16xi32>
          %reduce_max3A_147 = vector.extract %reduce_max3A_146[15] : i32 from vector<16xi32>
          %gt3A = arith.constant 0 : i32
          %gt3A_148 = arith.cmpi sgt, %reduce_max3A_147, %gt3A : i32
          scf.condition(%gt3A_148) %while3A_140 : vector<16xi32>
        } do {
        ^bb0(%while3A_140: vector<16xi32>):
          %gather3A_141 = tpu.vector_load_idx %arg17[%get3A_98] : memref<10240xi32, #tpu.memory_space<vmem>>[vector<16xi32>], vector<16xi32>,
          %ne3A = arith.constant 0 : i32
          %ne3A_142 = vector.broadcast %ne3A : i32 to vector<16xi32>
          %ne3A_143 = arith.cmpi ne, %while3A_140, %ne3A_142 : vector<16xi32>
          %lt3A = arith.cmpi slt, %select_n3A_136, %gather3A_141 : vector<16xi32>
          %and3A_144 = arith.andi %ne3A_143, %lt3A : vector<16xi1>
          tpu.vector_store_idx %arg17[%get3A_98], %select_n3A_136 masked %and3A_144 : memref<10240xi32, #tpu.memory_space<vmem>>[vector<16xi32>], vector<16xi32>, vector<16xi1>
          %gather3A_145 = tpu.vector_load_idx %arg17[%get3A_98] : memref<10240xi32, #tpu.memory_space<vmem>>[vector<16xi32>], vector<16xi32>,
          %eq3A_146 = arith.cmpi eq, %gather3A_145, %select_n3A_136 : vector<16xi32>
          %and3A_147 = arith.andi %and3A_144, %eq3A_146 : vector<16xi1>
          tpu.vector_store_idx %arg18[%get3A_98], %get3A_94 masked %and3A_147 : memref<10240xi32, #tpu.memory_space<vmem>>[vector<16xi32>], vector<16xi32>, vector<16xi1>
          %lt3A_148 = arith.cmpi slt, %select_n3A_136, %gather3A_145 : vector<16xi32>
          %and3A_149 = arith.andi %and3A_144, %lt3A_148 : vector<16xi1>
          %convert_element_type3A_150 = arith.extui %and3A_149 : vector<16xi1> to vector<16xi32>
          scf.yield %convert_element_type3A_150 : vector<16xi32>
        }
      }
      "tpu.region"() ({
        %run_scoped3A_90 = tpu.sem_alloc : memref<!tpu.dma_semaphore, #tpu.memory_space<semaphore_mem>>
        %dma_start3A = arith.constant 0 : i32
        %dma_start3A_91 = tpu.memref_slice %arg27[%arg1, %dma_start3A] : memref<16x10240xi32, #tpu.memory_space<vmem_shared>> -> memref<1x10240xi32, #tpu.memory_space<vmem_shared>>
        %dma_start3A_92 = tpu.memref_squeeze %dma_start3A_91 : memref<1x10240xi32, #tpu.memory_space<vmem_shared>> -> memref<10240xi32, #tpu.memory_space<vmem_shared>>
        %dma_start3A_93 = arith.constant 0 : i32
        %dma_start3A_94 = tpu.memref_slice %arg27[%arg1, %dma_start3A_93] : memref<16x10240xi32, #tpu.memory_space<vmem_shared>> -> memref<1x10240xi32, #tpu.memory_space<vmem_shared>>
        %dma_start3A_95 = tpu.memref_squeeze %dma_start3A_94 : memref<1x10240xi32, #tpu.memory_space<vmem_shared>> -> memref<10240xi32, #tpu.memory_space<vmem_shared>>
        tpu.enqueue_dma source(%arg17 : memref<10240xi32, #tpu.memory_space<vmem>>) target(%dma_start3A_95 : memref<10240xi32, #tpu.memory_space<vmem_shared>>) target_semaphore(%run_scoped3A_90 : memref<!tpu.dma_semaphore, #tpu.memory_space<semaphore_mem>>)
        %dma_wait3A = arith.constant 0 : i32
        %dma_wait3A_96 = tpu.memref_slice %arg27[%arg1, %dma_wait3A] : memref<16x10240xi32, #tpu.memory_space<vmem_shared>> -> memref<1x10240xi32, #tpu.memory_space<vmem_shared>>
        %dma_wait3A_97 = tpu.memref_squeeze %dma_wait3A_96 : memref<1x10240xi32, #tpu.memory_space<vmem_shared>> -> memref<10240xi32, #tpu.memory_space<vmem_shared>>
        %dma_wait3A_98 = arith.constant 0 : i32
        %dma_wait3A_99 = tpu.memref_slice %arg27[%arg1, %dma_wait3A_98] : memref<16x10240xi32, #tpu.memory_space<vmem_shared>> -> memref<1x10240xi32, #tpu.memory_space<vmem_shared>>
        %dma_wait3A_100 = tpu.memref_squeeze %dma_wait3A_99 : memref<1x10240xi32, #tpu.memory_space<vmem_shared>> -> memref<10240xi32, #tpu.memory_space<vmem_shared>>
        tpu.wait_dma2 semaphore(%run_scoped3A_90 : memref<!tpu.dma_semaphore, #tpu.memory_space<semaphore_mem>>) src(%arg17 : memref<10240xi32, #tpu.memory_space<vmem>>) dst(%dma_wait3A_100 : memref<10240xi32, #tpu.memory_space<vmem_shared>>)
        tpu.yield
      }) : () -> ()
      "tpu.region"() ({
        %run_scoped3A_90 = tpu.sem_alloc : memref<!tpu.dma_semaphore, #tpu.memory_space<semaphore_mem>>
        %dma_start3A = arith.constant 0 : i32
        %dma_start3A_91 = tpu.memref_slice %arg28[%arg1, %dma_start3A] : memref<16x10240xi32, #tpu.memory_space<vmem_shared>> -> memref<1x10240xi32, #tpu.memory_space<vmem_shared>>
        %dma_start3A_92 = tpu.memref_squeeze %dma_start3A_91 : memref<1x10240xi32, #tpu.memory_space<vmem_shared>> -> memref<10240xi32, #tpu.memory_space<vmem_shared>>
        %dma_start3A_93 = arith.constant 0 : i32
        %dma_start3A_94 = tpu.memref_slice %arg28[%arg1, %dma_start3A_93] : memref<16x10240xi32, #tpu.memory_space<vmem_shared>> -> memref<1x10240xi32, #tpu.memory_space<vmem_shared>>
        %dma_start3A_95 = tpu.memref_squeeze %dma_start3A_94 : memref<1x10240xi32, #tpu.memory_space<vmem_shared>> -> memref<10240xi32, #tpu.memory_space<vmem_shared>>
        tpu.enqueue_dma source(%arg18 : memref<10240xi32, #tpu.memory_space<vmem>>) target(%dma_start3A_95 : memref<10240xi32, #tpu.memory_space<vmem_shared>>) target_semaphore(%run_scoped3A_90 : memref<!tpu.dma_semaphore, #tpu.memory_space<semaphore_mem>>)
        %dma_wait3A = arith.constant 0 : i32
        %dma_wait3A_96 = tpu.memref_slice %arg28[%arg1, %dma_wait3A] : memref<16x10240xi32, #tpu.memory_space<vmem_shared>> -> memref<1x10240xi32, #tpu.memory_space<vmem_shared>>
        %dma_wait3A_97 = tpu.memref_squeeze %dma_wait3A_96 : memref<1x10240xi32, #tpu.memory_space<vmem_shared>> -> memref<10240xi32, #tpu.memory_space<vmem_shared>>
        %dma_wait3A_98 = arith.constant 0 : i32
        %dma_wait3A_99 = tpu.memref_slice %arg28[%arg1, %dma_wait3A_98] : memref<16x10240xi32, #tpu.memory_space<vmem_shared>> -> memref<1x10240xi32, #tpu.memory_space<vmem_shared>>
        %dma_wait3A_100 = tpu.memref_squeeze %dma_wait3A_99 : memref<1x10240xi32, #tpu.memory_space<vmem_shared>> -> memref<10240xi32, #tpu.memory_space<vmem_shared>>
        tpu.wait_dma2 semaphore(%run_scoped3A_90 : memref<!tpu.dma_semaphore, #tpu.memory_space<semaphore_mem>>) src(%arg18 : memref<10240xi32, #tpu.memory_space<vmem>>) dst(%dma_wait3A_100 : memref<10240xi32, #tpu.memory_space<vmem_shared>>)
        tpu.yield
      }) : () -> ()
      %barrier3A_52 = arith.constant 0 : index
      tpu.barrier barrier_id(%barrier3A_52)
      %run_scoped3A_53 = arith.constant 0 : i32
      "tpu.region"() ({
        %run_scoped3A_90 = tpu.sem_alloc : memref<!tpu.dma_semaphore, #tpu.memory_space<semaphore_mem>>
        %dma_start3A = tpu.memref_slice %arg27[%run_scoped3A_53, %mul3A_28] : memref<16x10240xi32, #tpu.memory_space<vmem_shared>> -> memref<1x640xi32, #tpu.memory_space<vmem_shared>>
        %dma_start3A_91 = tpu.memref_squeeze %dma_start3A : memref<1x640xi32, #tpu.memory_space<vmem_shared>> -> memref<640xi32, #tpu.memory_space<vmem_shared>>
        %dma_start3A_92 = tpu.memref_slice %arg27[%run_scoped3A_53, %mul3A_28] : memref<16x10240xi32, #tpu.memory_space<vmem_shared>> -> memref<1x640xi32, #tpu.memory_space<vmem_shared>>
        %dma_start3A_93 = tpu.memref_squeeze %dma_start3A_92 : memref<1x640xi32, #tpu.memory_space<vmem_shared>> -> memref<640xi32, #tpu.memory_space<vmem_shared>>
        tpu.enqueue_dma source(%dma_start3A_93 : memref<640xi32, #tpu.memory_space<vmem_shared>>) target(%arg19 : memref<640xi32, #tpu.memory_space<vmem>>) target_semaphore(%run_scoped3A_90 : memref<!tpu.dma_semaphore, #tpu.memory_space<semaphore_mem>>)
        %dma_wait3A = tpu.memref_slice %arg27[%run_scoped3A_53, %mul3A_28] : memref<16x10240xi32, #tpu.memory_space<vmem_shared>> -> memref<1x640xi32, #tpu.memory_space<vmem_shared>>
        %dma_wait3A_94 = tpu.memref_squeeze %dma_wait3A : memref<1x640xi32, #tpu.memory_space<vmem_shared>> -> memref<640xi32, #tpu.memory_space<vmem_shared>>
        %dma_wait3A_95 = tpu.memref_slice %arg27[%run_scoped3A_53, %mul3A_28] : memref<16x10240xi32, #tpu.memory_space<vmem_shared>> -> memref<1x640xi32, #tpu.memory_space<vmem_shared>>
        %dma_wait3A_96 = tpu.memref_squeeze %dma_wait3A_95 : memref<1x640xi32, #tpu.memory_space<vmem_shared>> -> memref<640xi32, #tpu.memory_space<vmem_shared>>
        tpu.wait_dma2 semaphore(%run_scoped3A_90 : memref<!tpu.dma_semaphore, #tpu.memory_space<semaphore_mem>>) src(%dma_wait3A_96 : memref<640xi32, #tpu.memory_space<vmem_shared>>) dst(%arg19 : memref<640xi32, #tpu.memory_space<vmem>>)
        tpu.yield
      }) : () -> ()
      %run_scoped3A_54 = arith.constant 0 : i32
      "tpu.region"() ({
        %run_scoped3A_90 = tpu.sem_alloc : memref<!tpu.dma_semaphore, #tpu.memory_space<semaphore_mem>>
        %dma_start3A = tpu.memref_slice %arg28[%run_scoped3A_54, %mul3A_28] : memref<16x10240xi32, #tpu.memory_space<vmem_shared>> -> memref<1x640xi32, #tpu.memory_space<vmem_shared>>
        %dma_start3A_91 = tpu.memref_squeeze %dma_start3A : memref<1x640xi32, #tpu.memory_space<vmem_shared>> -> memref<640xi32, #tpu.memory_space<vmem_shared>>
        %dma_start3A_92 = tpu.memref_slice %arg28[%run_scoped3A_54, %mul3A_28] : memref<16x10240xi32, #tpu.memory_space<vmem_shared>> -> memref<1x640xi32, #tpu.memory_space<vmem_shared>>
        %dma_start3A_93 = tpu.memref_squeeze %dma_start3A_92 : memref<1x640xi32, #tpu.memory_space<vmem_shared>> -> memref<640xi32, #tpu.memory_space<vmem_shared>>
        tpu.enqueue_dma source(%dma_start3A_93 : memref<640xi32, #tpu.memory_space<vmem_shared>>) target(%arg21 : memref<640xi32, #tpu.memory_space<vmem>>) target_semaphore(%run_scoped3A_90 : memref<!tpu.dma_semaphore, #tpu.memory_space<semaphore_mem>>)
        %dma_wait3A = tpu.memref_slice %arg28[%run_scoped3A_54, %mul3A_28] : memref<16x10240xi32, #tpu.memory_space<vmem_shared>> -> memref<1x640xi32, #tpu.memory_space<vmem_shared>>
        %dma_wait3A_94 = tpu.memref_squeeze %dma_wait3A : memref<1x640xi32, #tpu.memory_space<vmem_shared>> -> memref<640xi32, #tpu.memory_space<vmem_shared>>
        %dma_wait3A_95 = tpu.memref_slice %arg28[%run_scoped3A_54, %mul3A_28] : memref<16x10240xi32, #tpu.memory_space<vmem_shared>> -> memref<1x640xi32, #tpu.memory_space<vmem_shared>>
        %dma_wait3A_96 = tpu.memref_squeeze %dma_wait3A_95 : memref<1x640xi32, #tpu.memory_space<vmem_shared>> -> memref<640xi32, #tpu.memory_space<vmem_shared>>
        tpu.wait_dma2 semaphore(%run_scoped3A_90 : memref<!tpu.dma_semaphore, #tpu.memory_space<semaphore_mem>>) src(%dma_wait3A_96 : memref<640xi32, #tpu.memory_space<vmem_shared>>) dst(%arg21 : memref<640xi32, #tpu.memory_space<vmem>>)
        tpu.yield
      }) : () -> ()
      %while3A_55 = arith.constant 0 : i64
      %while3A_56 = arith.constant 1 : i32
      %while3A_57 = arith.constant 16 : i32
      %while3A_58 = arith.subi %while3A_57, %while3A_56 : i32
      %while3A_59 = arith.addi %while3A_56, %while3A_58 : i32
      %while3A_60 = arith.constant 1 : i32
      %while3A_61 = arith.divsi %while3A_58, %while3A_60 : i32
      %while3A_62 = arith.muli %while3A_61, %while3A_60 : i32
      %while3A_63 = arith.addi %while3A_56, %while3A_62 : i32
      %while3A_64 = arith.constant 1 : i32
      scf.for %while3A_90 = %while3A_56 to %while3A_63 step %while3A_64  : i32 {
        "tpu.region"() ({
          %run_scoped3A_102 = tpu.sem_alloc : memref<!tpu.dma_semaphore, #tpu.memory_space<semaphore_mem>>
          %dma_start3A = tpu.memref_slice %arg27[%while3A_90, %mul3A_28] : memref<16x10240xi32, #tpu.memory_space<vmem_shared>> -> memref<1x640xi32, #tpu.memory_space<vmem_shared>>
          %dma_start3A_103 = tpu.memref_squeeze %dma_start3A : memref<1x640xi32, #tpu.memory_space<vmem_shared>> -> memref<640xi32, #tpu.memory_space<vmem_shared>>
          %dma_start3A_104 = tpu.memref_slice %arg27[%while3A_90, %mul3A_28] : memref<16x10240xi32, #tpu.memory_space<vmem_shared>> -> memref<1x640xi32, #tpu.memory_space<vmem_shared>>
          %dma_start3A_105 = tpu.memref_squeeze %dma_start3A_104 : memref<1x640xi32, #tpu.memory_space<vmem_shared>> -> memref<640xi32, #tpu.memory_space<vmem_shared>>
          tpu.enqueue_dma source(%dma_start3A_105 : memref<640xi32, #tpu.memory_space<vmem_shared>>) target(%arg20 : memref<640xi32, #tpu.memory_space<vmem>>) target_semaphore(%run_scoped3A_102 : memref<!tpu.dma_semaphore, #tpu.memory_space<semaphore_mem>>)
          %dma_wait3A = tpu.memref_slice %arg27[%while3A_90, %mul3A_28] : memref<16x10240xi32, #tpu.memory_space<vmem_shared>> -> memref<1x640xi32, #tpu.memory_space<vmem_shared>>
          %dma_wait3A_106 = tpu.memref_squeeze %dma_wait3A : memref<1x640xi32, #tpu.memory_space<vmem_shared>> -> memref<640xi32, #tpu.memory_space<vmem_shared>>
          %dma_wait3A_107 = tpu.memref_slice %arg27[%while3A_90, %mul3A_28] : memref<16x10240xi32, #tpu.memory_space<vmem_shared>> -> memref<1x640xi32, #tpu.memory_space<vmem_shared>>
          %dma_wait3A_108 = tpu.memref_squeeze %dma_wait3A_107 : memref<1x640xi32, #tpu.memory_space<vmem_shared>> -> memref<640xi32, #tpu.memory_space<vmem_shared>>
          tpu.wait_dma2 semaphore(%run_scoped3A_102 : memref<!tpu.dma_semaphore, #tpu.memory_space<semaphore_mem>>) src(%dma_wait3A_108 : memref<640xi32, #tpu.memory_space<vmem_shared>>) dst(%arg20 : memref<640xi32, #tpu.memory_space<vmem>>)
          tpu.yield
        }) : () -> ()
        "tpu.region"() ({
          %run_scoped3A_102 = tpu.sem_alloc : memref<!tpu.dma_semaphore, #tpu.memory_space<semaphore_mem>>
          %dma_start3A = tpu.memref_slice %arg28[%while3A_90, %mul3A_28] : memref<16x10240xi32, #tpu.memory_space<vmem_shared>> -> memref<1x640xi32, #tpu.memory_space<vmem_shared>>
          %dma_start3A_103 = tpu.memref_squeeze %dma_start3A : memref<1x640xi32, #tpu.memory_space<vmem_shared>> -> memref<640xi32, #tpu.memory_space<vmem_shared>>
          %dma_start3A_104 = tpu.memref_slice %arg28[%while3A_90, %mul3A_28] : memref<16x10240xi32, #tpu.memory_space<vmem_shared>> -> memref<1x640xi32, #tpu.memory_space<vmem_shared>>
          %dma_start3A_105 = tpu.memref_squeeze %dma_start3A_104 : memref<1x640xi32, #tpu.memory_space<vmem_shared>> -> memref<640xi32, #tpu.memory_space<vmem_shared>>
          tpu.enqueue_dma source(%dma_start3A_105 : memref<640xi32, #tpu.memory_space<vmem_shared>>) target(%arg22 : memref<640xi32, #tpu.memory_space<vmem>>) target_semaphore(%run_scoped3A_102 : memref<!tpu.dma_semaphore, #tpu.memory_space<semaphore_mem>>)
          %dma_wait3A = tpu.memref_slice %arg28[%while3A_90, %mul3A_28] : memref<16x10240xi32, #tpu.memory_space<vmem_shared>> -> memref<1x640xi32, #tpu.memory_space<vmem_shared>>
          %dma_wait3A_106 = tpu.memref_squeeze %dma_wait3A : memref<1x640xi32, #tpu.memory_space<vmem_shared>> -> memref<640xi32, #tpu.memory_space<vmem_shared>>
          %dma_wait3A_107 = tpu.memref_slice %arg28[%while3A_90, %mul3A_28] : memref<16x10240xi32, #tpu.memory_space<vmem_shared>> -> memref<1x640xi32, #tpu.memory_space<vmem_shared>>
          %dma_wait3A_108 = tpu.memref_squeeze %dma_wait3A_107 : memref<1x640xi32, #tpu.memory_space<vmem_shared>> -> memref<640xi32, #tpu.memory_space<vmem_shared>>
          tpu.wait_dma2 semaphore(%run_scoped3A_102 : memref<!tpu.dma_semaphore, #tpu.memory_space<semaphore_mem>>) src(%dma_wait3A_108 : memref<640xi32, #tpu.memory_space<vmem_shared>>) dst(%arg22 : memref<640xi32, #tpu.memory_space<vmem>>)
          tpu.yield
        }) : () -> ()
        %while3A_91 = arith.constant 0 : i64
        %while3A_92 = arith.constant 0 : i32
        %while3A_93 = arith.constant 40 : i32
        %while3A_94 = arith.subi %while3A_93, %while3A_92 : i32
        %while3A_95 = arith.addi %while3A_92, %while3A_94 : i32
        %while3A_96 = arith.constant 1 : i32
        %while3A_97 = arith.divsi %while3A_94, %while3A_96 : i32
        %while3A_98 = arith.muli %while3A_97, %while3A_96 : i32
        %while3A_99 = arith.addi %while3A_92, %while3A_98 : i32
        %while3A_100 = arith.constant 1 : i32
        scf.for %while3A_102 = %while3A_92 to %while3A_99 step %while3A_100  : i32 {
          %mul3A_103 = arith.constant 16 : i32
          %mul3A_104 = arith.muli %while3A_102, %mul3A_103 : i32
          %get3A_105 = arith.index_cast %mul3A_104 : i32 to index
          %get3A_106 = tpu.vector_load %arg20[%get3A_105] {strides = array<i32>} : memref<640xi32, #tpu.memory_space<vmem>>, vector<16xi32>,
          %get3A_107 = arith.index_cast %mul3A_104 : i32 to index
          %get3A_108 = tpu.vector_load %arg19[%get3A_107] {strides = array<i32>} : memref<640xi32, #tpu.memory_space<vmem>>, vector<16xi32>,
          %lt3A = arith.cmpi slt, %get3A_106, %get3A_108 : vector<16xi32>
          %get3A_109 = arith.index_cast %mul3A_104 : i32 to index
          %get3A_110 = tpu.vector_load %arg19[%get3A_109] {strides = array<i32>} : memref<640xi32, #tpu.memory_space<vmem>>, vector<16xi32>,
          %get3A_111 = arith.index_cast %mul3A_104 : i32 to index
          %get3A_112 = tpu.vector_load %arg20[%get3A_111] {strides = array<i32>} : memref<640xi32, #tpu.memory_space<vmem>>, vector<16xi32>,
          %min3A = arith.minsi %get3A_110, %get3A_112 : vector<16xi32>
          %swap3A = arith.index_cast %mul3A_104 : i32 to index
          %swap3A_113 = tpu.vector_load %arg19[%swap3A] {strides = array<i32>} : memref<640xi32, #tpu.memory_space<vmem>>, vector<16xi32>,
          tpu.vector_store %arg19[%swap3A], %min3A {strides = array<i32>} : memref<640xi32, #tpu.memory_space<vmem>>, vector<16xi32>,
          %get3A_114 = arith.index_cast %mul3A_104 : i32 to index
          %get3A_115 = tpu.vector_load %arg22[%get3A_114] {strides = array<i32>} : memref<640xi32, #tpu.memory_space<vmem>>, vector<16xi32>,
          %get3A_116 = arith.index_cast %mul3A_104 : i32 to index
          %get3A_117 = tpu.vector_load %arg21[%get3A_116] {strides = array<i32>} : memref<640xi32, #tpu.memory_space<vmem>>, vector<16xi32>,
          %select_n3A = arith.select %lt3A, %get3A_115, %get3A_117 : vector<16xi1>, vector<16xi32>
          %swap3A_118 = arith.index_cast %mul3A_104 : i32 to index
          %swap3A_119 = tpu.vector_load %arg21[%swap3A_118] {strides = array<i32>} : memref<640xi32, #tpu.memory_space<vmem>>, vector<16xi32>,
          tpu.vector_store %arg21[%swap3A_118], %select_n3A {strides = array<i32>} : memref<640xi32, #tpu.memory_space<vmem>>, vector<16xi32>,
        }
        %while3A_101 = arith.constant 1 : i32
        scf.for %while3A_102 = %while3A_99 to %while3A_95 step %while3A_101  : i32 {
          %mul3A_103 = arith.constant 16 : i32
          %mul3A_104 = arith.muli %while3A_102, %mul3A_103 : i32
          %get3A_105 = arith.index_cast %mul3A_104 : i32 to index
          %get3A_106 = tpu.vector_load %arg20[%get3A_105] {strides = array<i32>} : memref<640xi32, #tpu.memory_space<vmem>>, vector<16xi32>,
          %get3A_107 = arith.index_cast %mul3A_104 : i32 to index
          %get3A_108 = tpu.vector_load %arg19[%get3A_107] {strides = array<i32>} : memref<640xi32, #tpu.memory_space<vmem>>, vector<16xi32>,
          %lt3A = arith.cmpi slt, %get3A_106, %get3A_108 : vector<16xi32>
          %get3A_109 = arith.index_cast %mul3A_104 : i32 to index
          %get3A_110 = tpu.vector_load %arg19[%get3A_109] {strides = array<i32>} : memref<640xi32, #tpu.memory_space<vmem>>, vector<16xi32>,
          %get3A_111 = arith.index_cast %mul3A_104 : i32 to index
          %get3A_112 = tpu.vector_load %arg20[%get3A_111] {strides = array<i32>} : memref<640xi32, #tpu.memory_space<vmem>>, vector<16xi32>,
          %min3A = arith.minsi %get3A_110, %get3A_112 : vector<16xi32>
          %swap3A = arith.index_cast %mul3A_104 : i32 to index
          %swap3A_113 = tpu.vector_load %arg19[%swap3A] {strides = array<i32>} : memref<640xi32, #tpu.memory_space<vmem>>, vector<16xi32>,
          tpu.vector_store %arg19[%swap3A], %min3A {strides = array<i32>} : memref<640xi32, #tpu.memory_space<vmem>>, vector<16xi32>,
          %get3A_114 = arith.index_cast %mul3A_104 : i32 to index
          %get3A_115 = tpu.vector_load %arg22[%get3A_114] {strides = array<i32>} : memref<640xi32, #tpu.memory_space<vmem>>, vector<16xi32>,
          %get3A_116 = arith.index_cast %mul3A_104 : i32 to index
          %get3A_117 = tpu.vector_load %arg21[%get3A_116] {strides = array<i32>} : memref<640xi32, #tpu.memory_space<vmem>>, vector<16xi32>,
          %select_n3A = arith.select %lt3A, %get3A_115, %get3A_117 : vector<16xi1>, vector<16xi32>
          %swap3A_118 = arith.index_cast %mul3A_104 : i32 to index
          %swap3A_119 = tpu.vector_load %arg21[%swap3A_118] {strides = array<i32>} : memref<640xi32, #tpu.memory_space<vmem>>, vector<16xi32>,
          tpu.vector_store %arg21[%swap3A_118], %select_n3A {strides = array<i32>} : memref<640xi32, #tpu.memory_space<vmem>>, vector<16xi32>,
        }
      }
      %while3A_65 = arith.constant 1 : i32
      scf.for %while3A_90 = %while3A_63 to %while3A_59 step %while3A_65  : i32 {
        "tpu.region"() ({
          %run_scoped3A_102 = tpu.sem_alloc : memref<!tpu.dma_semaphore, #tpu.memory_space<semaphore_mem>>
          %dma_start3A = tpu.memref_slice %arg27[%while3A_90, %mul3A_28] : memref<16x10240xi32, #tpu.memory_space<vmem_shared>> -> memref<1x640xi32, #tpu.memory_space<vmem_shared>>
          %dma_start3A_103 = tpu.memref_squeeze %dma_start3A : memref<1x640xi32, #tpu.memory_space<vmem_shared>> -> memref<640xi32, #tpu.memory_space<vmem_shared>>
          %dma_start3A_104 = tpu.memref_slice %arg27[%while3A_90, %mul3A_28] : memref<16x10240xi32, #tpu.memory_space<vmem_shared>> -> memref<1x640xi32, #tpu.memory_space<vmem_shared>>
          %dma_start3A_105 = tpu.memref_squeeze %dma_start3A_104 : memref<1x640xi32, #tpu.memory_space<vmem_shared>> -> memref<640xi32, #tpu.memory_space<vmem_shared>>
          tpu.enqueue_dma source(%dma_start3A_105 : memref<640xi32, #tpu.memory_space<vmem_shared>>) target(%arg20 : memref<640xi32, #tpu.memory_space<vmem>>) target_semaphore(%run_scoped3A_102 : memref<!tpu.dma_semaphore, #tpu.memory_space<semaphore_mem>>)
          %dma_wait3A = tpu.memref_slice %arg27[%while3A_90, %mul3A_28] : memref<16x10240xi32, #tpu.memory_space<vmem_shared>> -> memref<1x640xi32, #tpu.memory_space<vmem_shared>>
          %dma_wait3A_106 = tpu.memref_squeeze %dma_wait3A : memref<1x640xi32, #tpu.memory_space<vmem_shared>> -> memref<640xi32, #tpu.memory_space<vmem_shared>>
          %dma_wait3A_107 = tpu.memref_slice %arg27[%while3A_90, %mul3A_28] : memref<16x10240xi32, #tpu.memory_space<vmem_shared>> -> memref<1x640xi32, #tpu.memory_space<vmem_shared>>
          %dma_wait3A_108 = tpu.memref_squeeze %dma_wait3A_107 : memref<1x640xi32, #tpu.memory_space<vmem_shared>> -> memref<640xi32, #tpu.memory_space<vmem_shared>>
          tpu.wait_dma2 semaphore(%run_scoped3A_102 : memref<!tpu.dma_semaphore, #tpu.memory_space<semaphore_mem>>) src(%dma_wait3A_108 : memref<640xi32, #tpu.memory_space<vmem_shared>>) dst(%arg20 : memref<640xi32, #tpu.memory_space<vmem>>)
          tpu.yield
        }) : () -> ()
        "tpu.region"() ({
          %run_scoped3A_102 = tpu.sem_alloc : memref<!tpu.dma_semaphore, #tpu.memory_space<semaphore_mem>>
          %dma_start3A = tpu.memref_slice %arg28[%while3A_90, %mul3A_28] : memref<16x10240xi32, #tpu.memory_space<vmem_shared>> -> memref<1x640xi32, #tpu.memory_space<vmem_shared>>
          %dma_start3A_103 = tpu.memref_squeeze %dma_start3A : memref<1x640xi32, #tpu.memory_space<vmem_shared>> -> memref<640xi32, #tpu.memory_space<vmem_shared>>
          %dma_start3A_104 = tpu.memref_slice %arg28[%while3A_90, %mul3A_28] : memref<16x10240xi32, #tpu.memory_space<vmem_shared>> -> memref<1x640xi32, #tpu.memory_space<vmem_shared>>
          %dma_start3A_105 = tpu.memref_squeeze %dma_start3A_104 : memref<1x640xi32, #tpu.memory_space<vmem_shared>> -> memref<640xi32, #tpu.memory_space<vmem_shared>>
          tpu.enqueue_dma source(%dma_start3A_105 : memref<640xi32, #tpu.memory_space<vmem_shared>>) target(%arg22 : memref<640xi32, #tpu.memory_space<vmem>>) target_semaphore(%run_scoped3A_102 : memref<!tpu.dma_semaphore, #tpu.memory_space<semaphore_mem>>)
          %dma_wait3A = tpu.memref_slice %arg28[%while3A_90, %mul3A_28] : memref<16x10240xi32, #tpu.memory_space<vmem_shared>> -> memref<1x640xi32, #tpu.memory_space<vmem_shared>>
          %dma_wait3A_106 = tpu.memref_squeeze %dma_wait3A : memref<1x640xi32, #tpu.memory_space<vmem_shared>> -> memref<640xi32, #tpu.memory_space<vmem_shared>>
          %dma_wait3A_107 = tpu.memref_slice %arg28[%while3A_90, %mul3A_28] : memref<16x10240xi32, #tpu.memory_space<vmem_shared>> -> memref<1x640xi32, #tpu.memory_space<vmem_shared>>
          %dma_wait3A_108 = tpu.memref_squeeze %dma_wait3A_107 : memref<1x640xi32, #tpu.memory_space<vmem_shared>> -> memref<640xi32, #tpu.memory_space<vmem_shared>>
          tpu.wait_dma2 semaphore(%run_scoped3A_102 : memref<!tpu.dma_semaphore, #tpu.memory_space<semaphore_mem>>) src(%dma_wait3A_108 : memref<640xi32, #tpu.memory_space<vmem_shared>>) dst(%arg22 : memref<640xi32, #tpu.memory_space<vmem>>)
          tpu.yield
        }) : () -> ()
        %while3A_91 = arith.constant 0 : i64
        %while3A_92 = arith.constant 0 : i32
        %while3A_93 = arith.constant 40 : i32
        %while3A_94 = arith.subi %while3A_93, %while3A_92 : i32
        %while3A_95 = arith.addi %while3A_92, %while3A_94 : i32
        %while3A_96 = arith.constant 1 : i32
        %while3A_97 = arith.divsi %while3A_94, %while3A_96 : i32
        %while3A_98 = arith.muli %while3A_97, %while3A_96 : i32
        %while3A_99 = arith.addi %while3A_92, %while3A_98 : i32
        %while3A_100 = arith.constant 1 : i32
        scf.for %while3A_102 = %while3A_92 to %while3A_99 step %while3A_100  : i32 {
          %mul3A_103 = arith.constant 16 : i32
          %mul3A_104 = arith.muli %while3A_102, %mul3A_103 : i32
          %get3A_105 = arith.index_cast %mul3A_104 : i32 to index
          %get3A_106 = tpu.vector_load %arg20[%get3A_105] {strides = array<i32>} : memref<640xi32, #tpu.memory_space<vmem>>, vector<16xi32>,
          %get3A_107 = arith.index_cast %mul3A_104 : i32 to index
          %get3A_108 = tpu.vector_load %arg19[%get3A_107] {strides = array<i32>} : memref<640xi32, #tpu.memory_space<vmem>>, vector<16xi32>,
          %lt3A = arith.cmpi slt, %get3A_106, %get3A_108 : vector<16xi32>
          %get3A_109 = arith.index_cast %mul3A_104 : i32 to index
          %get3A_110 = tpu.vector_load %arg19[%get3A_109] {strides = array<i32>} : memref<640xi32, #tpu.memory_space<vmem>>, vector<16xi32>,
          %get3A_111 = arith.index_cast %mul3A_104 : i32 to index
          %get3A_112 = tpu.vector_load %arg20[%get3A_111] {strides = array<i32>} : memref<640xi32, #tpu.memory_space<vmem>>, vector<16xi32>,
          %min3A = arith.minsi %get3A_110, %get3A_112 : vector<16xi32>
          %swap3A = arith.index_cast %mul3A_104 : i32 to index
          %swap3A_113 = tpu.vector_load %arg19[%swap3A] {strides = array<i32>} : memref<640xi32, #tpu.memory_space<vmem>>, vector<16xi32>,
          tpu.vector_store %arg19[%swap3A], %min3A {strides = array<i32>} : memref<640xi32, #tpu.memory_space<vmem>>, vector<16xi32>,
          %get3A_114 = arith.index_cast %mul3A_104 : i32 to index
          %get3A_115 = tpu.vector_load %arg22[%get3A_114] {strides = array<i32>} : memref<640xi32, #tpu.memory_space<vmem>>, vector<16xi32>,
          %get3A_116 = arith.index_cast %mul3A_104 : i32 to index
          %get3A_117 = tpu.vector_load %arg21[%get3A_116] {strides = array<i32>} : memref<640xi32, #tpu.memory_space<vmem>>, vector<16xi32>,
          %select_n3A = arith.select %lt3A, %get3A_115, %get3A_117 : vector<16xi1>, vector<16xi32>
          %swap3A_118 = arith.index_cast %mul3A_104 : i32 to index
          %swap3A_119 = tpu.vector_load %arg21[%swap3A_118] {strides = array<i32>} : memref<640xi32, #tpu.memory_space<vmem>>, vector<16xi32>,
          tpu.vector_store %arg21[%swap3A_118], %select_n3A {strides = array<i32>} : memref<640xi32, #tpu.memory_space<vmem>>, vector<16xi32>,
        }
        %while3A_101 = arith.constant 1 : i32
        scf.for %while3A_102 = %while3A_99 to %while3A_95 step %while3A_101  : i32 {
          %mul3A_103 = arith.constant 16 : i32
          %mul3A_104 = arith.muli %while3A_102, %mul3A_103 : i32
          %get3A_105 = arith.index_cast %mul3A_104 : i32 to index
          %get3A_106 = tpu.vector_load %arg20[%get3A_105] {strides = array<i32>} : memref<640xi32, #tpu.memory_space<vmem>>, vector<16xi32>,
          %get3A_107 = arith.index_cast %mul3A_104 : i32 to index
          %get3A_108 = tpu.vector_load %arg19[%get3A_107] {strides = array<i32>} : memref<640xi32, #tpu.memory_space<vmem>>, vector<16xi32>,
          %lt3A = arith.cmpi slt, %get3A_106, %get3A_108 : vector<16xi32>
          %get3A_109 = arith.index_cast %mul3A_104 : i32 to index
          %get3A_110 = tpu.vector_load %arg19[%get3A_109] {strides = array<i32>} : memref<640xi32, #tpu.memory_space<vmem>>, vector<16xi32>,
          %get3A_111 = arith.index_cast %mul3A_104 : i32 to index
          %get3A_112 = tpu.vector_load %arg20[%get3A_111] {strides = array<i32>} : memref<640xi32, #tpu.memory_space<vmem>>, vector<16xi32>,
          %min3A = arith.minsi %get3A_110, %get3A_112 : vector<16xi32>
          %swap3A = arith.index_cast %mul3A_104 : i32 to index
          %swap3A_113 = tpu.vector_load %arg19[%swap3A] {strides = array<i32>} : memref<640xi32, #tpu.memory_space<vmem>>, vector<16xi32>,
          tpu.vector_store %arg19[%swap3A], %min3A {strides = array<i32>} : memref<640xi32, #tpu.memory_space<vmem>>, vector<16xi32>,
          %get3A_114 = arith.index_cast %mul3A_104 : i32 to index
          %get3A_115 = tpu.vector_load %arg22[%get3A_114] {strides = array<i32>} : memref<640xi32, #tpu.memory_space<vmem>>, vector<16xi32>,
          %get3A_116 = arith.index_cast %mul3A_104 : i32 to index
          %get3A_117 = tpu.vector_load %arg21[%get3A_116] {strides = array<i32>} : memref<640xi32, #tpu.memory_space<vmem>>, vector<16xi32>,
          %select_n3A = arith.select %lt3A, %get3A_115, %get3A_117 : vector<16xi1>, vector<16xi32>
          %swap3A_118 = arith.index_cast %mul3A_104 : i32 to index
          %swap3A_119 = tpu.vector_load %arg21[%swap3A_118] {strides = array<i32>} : memref<640xi32, #tpu.memory_space<vmem>>, vector<16xi32>,
          tpu.vector_store %arg21[%swap3A_118], %select_n3A {strides = array<i32>} : memref<640xi32, #tpu.memory_space<vmem>>, vector<16xi32>,
        }
      }
      %get3A = arith.constant 0 : index
      %get3A_66 = tpu.vector_load %arg24[%get3A] {strides = array<i32>} : memref<16xi32, #tpu.memory_space<vmem>>, vector<16xi32>,
      %while3A_67 = arith.constant 0 : i64
      %while3A_68 = arith.constant 0 : i32
      %while3A_69 = arith.constant 40 : i32
      %while3A_70 = arith.subi %while3A_69, %while3A_68 : i32
      %while3A_71 = arith.addi %while3A_68, %while3A_70 : i32
      %while3A_72 = arith.constant 1 : i32
      %while3A_73 = arith.divsi %while3A_70, %while3A_72 : i32
      %while3A_74 = arith.muli %while3A_73, %while3A_72 : i32
      %while3A_75 = arith.addi %while3A_68, %while3A_74 : i32
      %while3A_76 = arith.constant 1 : i32
      scf.for %while3A_90 = %while3A_68 to %while3A_75 step %while3A_76  : i32 {
        %mul3A_91 = arith.constant 16 : i32
        %mul3A_92 = arith.muli %while3A_90, %mul3A_91 : i32
        %mul3A_93 = arith.constant 16 : i32
        %mul3A_94 = arith.muli %while3A_90, %mul3A_93 : i32
        %add3A = arith.addi %mul3A_28, %mul3A_94 : i32
        %get3A_95 = arith.index_cast %add3A : i32 to index
        %get3A_96 = tpu.vector_load %arg16[%get3A_95] {strides = array<i32>} : memref<10240xi32, #tpu.memory_space<vmem>>, vector<16xi32>,
        %ge3A = arith.constant 0 : i32
        %ge3A_97 = vector.broadcast %ge3A : i32 to vector<16xi32>
        %ge3A_98 = arith.cmpi sge, %get3A_96, %ge3A_97 : vector<16xi32>
        %get3A_99 = arith.index_cast %mul3A_92 : i32 to index
        %get3A_100 = tpu.vector_load %arg21[%get3A_99] {strides = array<i32>} : memref<640xi32, #tpu.memory_space<vmem>>, vector<16xi32>,
        %gather3A = tpu.vector_load_idx %arg15[%get3A_100] : memref<10240xi32, #tpu.memory_space<vmem>>[vector<16xi32>], vector<16xi32>,
        %select_n3A = arith.select %ge3A_98, %gather3A, %get3A_66 : vector<16xi1>, vector<16xi32>
        %get3A_101 = arith.index_cast %add3A : i32 to index
        %get3A_102 = tpu.vector_load %arg13[%get3A_101] {strides = array<i32>} : memref<10240xi32, #tpu.memory_space<vmem>>, vector<16xi32>,
        %eq3A_103 = arith.constant 1 : i32
        %eq3A_104 = vector.broadcast %eq3A_103 : i32 to vector<16xi32>
        %eq3A_105 = arith.cmpi eq, %get3A_102, %eq3A_104 : vector<16xi32>
        %get3A_106 = arith.index_cast %add3A : i32 to index
        %get3A_107 = tpu.vector_load %arg15[%get3A_106] {strides = array<i32>} : memref<10240xi32, #tpu.memory_space<vmem>>, vector<16xi32>,
        %select_n3A_108 = arith.select %eq3A_105, %get3A_107, %select_n3A : vector<16xi1>, vector<16xi32>
        %swap3A = arith.index_cast %mul3A_92 : i32 to index
        %swap3A_109 = tpu.vector_load %arg23[%swap3A] {strides = array<i32>} : memref<640xi32, #tpu.memory_space<vmem>>, vector<16xi32>,
        tpu.vector_store %arg23[%swap3A], %select_n3A_108 {strides = array<i32>} : memref<640xi32, #tpu.memory_space<vmem>>, vector<16xi32>,
      }
      %while3A_77 = arith.constant 1 : i32
      scf.for %while3A_90 = %while3A_75 to %while3A_71 step %while3A_77  : i32 {
        %mul3A_91 = arith.constant 16 : i32
        %mul3A_92 = arith.muli %while3A_90, %mul3A_91 : i32
        %mul3A_93 = arith.constant 16 : i32
        %mul3A_94 = arith.muli %while3A_90, %mul3A_93 : i32
        %add3A = arith.addi %mul3A_28, %mul3A_94 : i32
        %get3A_95 = arith.index_cast %add3A : i32 to index
        %get3A_96 = tpu.vector_load %arg16[%get3A_95] {strides = array<i32>} : memref<10240xi32, #tpu.memory_space<vmem>>, vector<16xi32>,
        %ge3A = arith.constant 0 : i32
        %ge3A_97 = vector.broadcast %ge3A : i32 to vector<16xi32>
        %ge3A_98 = arith.cmpi sge, %get3A_96, %ge3A_97 : vector<16xi32>
        %get3A_99 = arith.index_cast %mul3A_92 : i32 to index
        %get3A_100 = tpu.vector_load %arg21[%get3A_99] {strides = array<i32>} : memref<640xi32, #tpu.memory_space<vmem>>, vector<16xi32>,
        %gather3A = tpu.vector_load_idx %arg15[%get3A_100] : memref<10240xi32, #tpu.memory_space<vmem>>[vector<16xi32>], vector<16xi32>,
        %select_n3A = arith.select %ge3A_98, %gather3A, %get3A_66 : vector<16xi1>, vector<16xi32>
        %get3A_101 = arith.index_cast %add3A : i32 to index
        %get3A_102 = tpu.vector_load %arg13[%get3A_101] {strides = array<i32>} : memref<10240xi32, #tpu.memory_space<vmem>>, vector<16xi32>,
        %eq3A_103 = arith.constant 1 : i32
        %eq3A_104 = vector.broadcast %eq3A_103 : i32 to vector<16xi32>
        %eq3A_105 = arith.cmpi eq, %get3A_102, %eq3A_104 : vector<16xi32>
        %get3A_106 = arith.index_cast %add3A : i32 to index
        %get3A_107 = tpu.vector_load %arg15[%get3A_106] {strides = array<i32>} : memref<10240xi32, #tpu.memory_space<vmem>>, vector<16xi32>,
        %select_n3A_108 = arith.select %eq3A_105, %get3A_107, %select_n3A : vector<16xi1>, vector<16xi32>
        %swap3A = arith.index_cast %mul3A_92 : i32 to index
        %swap3A_109 = tpu.vector_load %arg23[%swap3A] {strides = array<i32>} : memref<640xi32, #tpu.memory_space<vmem>>, vector<16xi32>,
        tpu.vector_store %arg23[%swap3A], %select_n3A_108 {strides = array<i32>} : memref<640xi32, #tpu.memory_space<vmem>>, vector<16xi32>,
      }
      "tpu.region"() ({
        %run_scoped3A_90 = tpu.sem_alloc : memref<!tpu.dma_semaphore, #tpu.memory_space<semaphore_mem>>
        %dma_start3A = tpu.memref_slice %arg8[%mul3A_28] : memref<10240xi32, #tpu.memory_space<hbm>> -> memref<640xi32, #tpu.memory_space<hbm>>
        %dma_start3A_91 = tpu.memref_slice %arg8[%mul3A_28] : memref<10240xi32, #tpu.memory_space<hbm>> -> memref<640xi32, #tpu.memory_space<hbm>>
        tpu.enqueue_dma source(%arg23 : memref<640xi32, #tpu.memory_space<vmem>>) target(%dma_start3A_91 : memref<640xi32, #tpu.memory_space<hbm>>) target_semaphore(%run_scoped3A_90 : memref<!tpu.dma_semaphore, #tpu.memory_space<semaphore_mem>>)
        %dma_wait3A = tpu.memref_slice %arg8[%mul3A_28] : memref<10240xi32, #tpu.memory_space<hbm>> -> memref<640xi32, #tpu.memory_space<hbm>>
        %dma_wait3A_92 = tpu.memref_slice %arg8[%mul3A_28] : memref<10240xi32, #tpu.memory_space<hbm>> -> memref<640xi32, #tpu.memory_space<hbm>>
        tpu.wait_dma2 semaphore(%run_scoped3A_90 : memref<!tpu.dma_semaphore, #tpu.memory_space<semaphore_mem>>) src(%arg23 : memref<640xi32, #tpu.memory_space<vmem>>) dst(%dma_wait3A_92 : memref<640xi32, #tpu.memory_space<hbm>>)
        tpu.yield
      }) : () -> ()
      "tpu.region"() ({
        %run_scoped3A_90 = tpu.sem_alloc : memref<!tpu.dma_semaphore, #tpu.memory_space<semaphore_mem>>
        %dma_start3A = tpu.memref_slice %arg29[%mul3A_28] : memref<10240xi32, #tpu.memory_space<vmem_shared>> -> memref<640xi32, #tpu.memory_space<vmem_shared>>
        %dma_start3A_91 = tpu.memref_slice %arg29[%mul3A_28] : memref<10240xi32, #tpu.memory_space<vmem_shared>> -> memref<640xi32, #tpu.memory_space<vmem_shared>>
        tpu.enqueue_dma source(%arg23 : memref<640xi32, #tpu.memory_space<vmem>>) target(%dma_start3A_91 : memref<640xi32, #tpu.memory_space<vmem_shared>>) target_semaphore(%run_scoped3A_90 : memref<!tpu.dma_semaphore, #tpu.memory_space<semaphore_mem>>)
        %dma_wait3A = tpu.memref_slice %arg29[%mul3A_28] : memref<10240xi32, #tpu.memory_space<vmem_shared>> -> memref<640xi32, #tpu.memory_space<vmem_shared>>
        %dma_wait3A_92 = tpu.memref_slice %arg29[%mul3A_28] : memref<10240xi32, #tpu.memory_space<vmem_shared>> -> memref<640xi32, #tpu.memory_space<vmem_shared>>
        tpu.wait_dma2 semaphore(%run_scoped3A_90 : memref<!tpu.dma_semaphore, #tpu.memory_space<semaphore_mem>>) src(%arg23 : memref<640xi32, #tpu.memory_space<vmem>>) dst(%dma_wait3A_92 : memref<640xi32, #tpu.memory_space<vmem_shared>>)
        tpu.yield
      }) : () -> ()
      %barrier3A_78 = arith.constant 0 : index
      tpu.barrier barrier_id(%barrier3A_78)
      "tpu.region"() ({
        %run_scoped3A_90 = tpu.sem_alloc : memref<!tpu.dma_semaphore, #tpu.memory_space<semaphore_mem>>
        tpu.enqueue_dma source(%arg29 : memref<10240xi32, #tpu.memory_space<vmem_shared>>) target(%arg16 : memref<10240xi32, #tpu.memory_space<vmem>>) target_semaphore(%run_scoped3A_90 : memref<!tpu.dma_semaphore, #tpu.memory_space<semaphore_mem>>)
        tpu.wait_dma2 semaphore(%run_scoped3A_90 : memref<!tpu.dma_semaphore, #tpu.memory_space<semaphore_mem>>) src(%arg29 : memref<10240xi32, #tpu.memory_space<vmem_shared>>) dst(%arg16 : memref<10240xi32, #tpu.memory_space<vmem>>)
        tpu.yield
      }) : () -> ()
      %while3A_79 = arith.constant 0 : i64
      %while3A_80 = arith.constant 0 : i32
      %while3A_81 = arith.constant 625 : i32
      %while3A_82 = arith.subi %while3A_81, %while3A_80 : i32
      %while3A_83 = arith.addi %while3A_80, %while3A_82 : i32
      %while3A_84 = arith.constant 1 : i32
      %while3A_85 = arith.divsi %while3A_82, %while3A_84 : i32
      %while3A_86 = arith.muli %while3A_85, %while3A_84 : i32
      %while3A_87 = arith.addi %while3A_80, %while3A_86 : i32
      %while3A_88 = arith.constant 1 : i32
      scf.for %while3A_90 = %while3A_80 to %while3A_87 step %while3A_88  : i32 {
        %mul3A_91 = arith.constant 16 : i32
        %mul3A_92 = arith.muli %while3A_90, %mul3A_91 : i32
        %get3A_93 = arith.index_cast %mul3A_92 : i32 to index
        %get3A_94 = tpu.vector_load %arg11[%get3A_93] {strides = array<i32>} : memref<10000xi32, #tpu.memory_space<vmem>>, vector<16xi32>,
        %gather3A = tpu.vector_load_idx %arg16[%get3A_94] : memref<10240xi32, #tpu.memory_space<vmem>>[vector<16xi32>], vector<16xi32>,
        %swap3A = arith.index_cast %mul3A_92 : i32 to index
        %swap3A_95 = tpu.vector_load %arg25[%swap3A] {strides = array<i32>} : memref<10000xi32, #tpu.memory_space<vmem>>, vector<16xi32>,
        tpu.vector_store %arg25[%swap3A], %gather3A {strides = array<i32>} : memref<10000xi32, #tpu.memory_space<vmem>>, vector<16xi32>,
        %get3A_96 = arith.index_cast %mul3A_92 : i32 to index
        %get3A_97 = tpu.vector_load %arg12[%get3A_96] {strides = array<i32>} : memref<10000xi32, #tpu.memory_space<vmem>>, vector<16xi32>,
        %gather3A_98 = tpu.vector_load_idx %arg16[%get3A_97] : memref<10240xi32, #tpu.memory_space<vmem>>[vector<16xi32>], vector<16xi32>,
        %swap3A_99 = arith.index_cast %mul3A_92 : i32 to index
        %swap3A_100 = tpu.vector_load %arg26[%swap3A_99] {strides = array<i32>} : memref<10000xi32, #tpu.memory_space<vmem>>, vector<16xi32>,
        tpu.vector_store %arg26[%swap3A_99], %gather3A_98 {strides = array<i32>} : memref<10000xi32, #tpu.memory_space<vmem>>, vector<16xi32>,
      }
      %while3A_89 = arith.constant 1 : i32
      scf.for %while3A_90 = %while3A_87 to %while3A_83 step %while3A_89  : i32 {
        %mul3A_91 = arith.constant 16 : i32
        %mul3A_92 = arith.muli %while3A_90, %mul3A_91 : i32
        %get3A_93 = arith.index_cast %mul3A_92 : i32 to index
        %get3A_94 = tpu.vector_load %arg11[%get3A_93] {strides = array<i32>} : memref<10000xi32, #tpu.memory_space<vmem>>, vector<16xi32>,
        %gather3A = tpu.vector_load_idx %arg16[%get3A_94] : memref<10240xi32, #tpu.memory_space<vmem>>[vector<16xi32>], vector<16xi32>,
        %swap3A = arith.index_cast %mul3A_92 : i32 to index
        %swap3A_95 = tpu.vector_load %arg25[%swap3A] {strides = array<i32>} : memref<10000xi32, #tpu.memory_space<vmem>>, vector<16xi32>,
        tpu.vector_store %arg25[%swap3A], %gather3A {strides = array<i32>} : memref<10000xi32, #tpu.memory_space<vmem>>, vector<16xi32>,
        %get3A_96 = arith.index_cast %mul3A_92 : i32 to index
        %get3A_97 = tpu.vector_load %arg12[%get3A_96] {strides = array<i32>} : memref<10000xi32, #tpu.memory_space<vmem>>, vector<16xi32>,
        %gather3A_98 = tpu.vector_load_idx %arg16[%get3A_97] : memref<10240xi32, #tpu.memory_space<vmem>>[vector<16xi32>], vector<16xi32>,
        %swap3A_99 = arith.index_cast %mul3A_92 : i32 to index
        %swap3A_100 = tpu.vector_load %arg26[%swap3A_99] {strides = array<i32>} : memref<10000xi32, #tpu.memory_space<vmem>>, vector<16xi32>,
        tpu.vector_store %arg26[%swap3A_99], %gather3A_98 {strides = array<i32>} : memref<10000xi32, #tpu.memory_space<vmem>>, vector<16xi32>,
      }
      "tpu.region"() ({
        %run_scoped3A_90 = tpu.sem_alloc : memref<!tpu.dma_semaphore, #tpu.memory_space<semaphore_mem>>
        %dma_start3A = arith.constant 0 : i32
        %dma_start3A_91 = tpu.memref_slice %arg9[%arg1, %dma_start3A] : memref<16x10000xi32, #tpu.memory_space<hbm>> -> memref<1x10000xi32, #tpu.memory_space<hbm>>
        %dma_start3A_92 = tpu.memref_squeeze %dma_start3A_91 : memref<1x10000xi32, #tpu.memory_space<hbm>> -> memref<10000xi32, #tpu.memory_space<hbm>>
        %dma_start3A_93 = arith.constant 0 : i32
        %dma_start3A_94 = tpu.memref_slice %arg9[%arg1, %dma_start3A_93] : memref<16x10000xi32, #tpu.memory_space<hbm>> -> memref<1x10000xi32, #tpu.memory_space<hbm>>
        %dma_start3A_95 = tpu.memref_squeeze %dma_start3A_94 : memref<1x10000xi32, #tpu.memory_space<hbm>> -> memref<10000xi32, #tpu.memory_space<hbm>>
        tpu.enqueue_dma source(%arg25 : memref<10000xi32, #tpu.memory_space<vmem>>) target(%dma_start3A_95 : memref<10000xi32, #tpu.memory_space<hbm>>) target_semaphore(%run_scoped3A_90 : memref<!tpu.dma_semaphore, #tpu.memory_space<semaphore_mem>>)
        %dma_wait3A = arith.constant 0 : i32
        %dma_wait3A_96 = tpu.memref_slice %arg9[%arg1, %dma_wait3A] : memref<16x10000xi32, #tpu.memory_space<hbm>> -> memref<1x10000xi32, #tpu.memory_space<hbm>>
        %dma_wait3A_97 = tpu.memref_squeeze %dma_wait3A_96 : memref<1x10000xi32, #tpu.memory_space<hbm>> -> memref<10000xi32, #tpu.memory_space<hbm>>
        %dma_wait3A_98 = arith.constant 0 : i32
        %dma_wait3A_99 = tpu.memref_slice %arg9[%arg1, %dma_wait3A_98] : memref<16x10000xi32, #tpu.memory_space<hbm>> -> memref<1x10000xi32, #tpu.memory_space<hbm>>
        %dma_wait3A_100 = tpu.memref_squeeze %dma_wait3A_99 : memref<1x10000xi32, #tpu.memory_space<hbm>> -> memref<10000xi32, #tpu.memory_space<hbm>>
        tpu.wait_dma2 semaphore(%run_scoped3A_90 : memref<!tpu.dma_semaphore, #tpu.memory_space<semaphore_mem>>) src(%arg25 : memref<10000xi32, #tpu.memory_space<vmem>>) dst(%dma_wait3A_100 : memref<10000xi32, #tpu.memory_space<hbm>>)
        tpu.yield
      }) : () -> ()
      "tpu.region"() ({
        %run_scoped3A_90 = tpu.sem_alloc : memref<!tpu.dma_semaphore, #tpu.memory_space<semaphore_mem>>
        %dma_start3A = arith.constant 0 : i32
        %dma_start3A_91 = tpu.memref_slice %arg10[%arg1, %dma_start3A] : memref<16x10000xi32, #tpu.memory_space<hbm>> -> memref<1x10000xi32, #tpu.memory_space<hbm>>
        %dma_start3A_92 = tpu.memref_squeeze %dma_start3A_91 : memref<1x10000xi32, #tpu.memory_space<hbm>> -> memref<10000xi32, #tpu.memory_space<hbm>>
        %dma_start3A_93 = arith.constant 0 : i32
        %dma_start3A_94 = tpu.memref_slice %arg10[%arg1, %dma_start3A_93] : memref<16x10000xi32, #tpu.memory_space<hbm>> -> memref<1x10000xi32, #tpu.memory_space<hbm>>
        %dma_start3A_95 = tpu.memref_squeeze %dma_start3A_94 : memref<1x10000xi32, #tpu.memory_space<hbm>> -> memref<10000xi32, #tpu.memory_space<hbm>>
        tpu.enqueue_dma source(%arg26 : memref<10000xi32, #tpu.memory_space<vmem>>) target(%dma_start3A_95 : memref<10000xi32, #tpu.memory_space<hbm>>) target_semaphore(%run_scoped3A_90 : memref<!tpu.dma_semaphore, #tpu.memory_space<semaphore_mem>>)
        %dma_wait3A = arith.constant 0 : i32
        %dma_wait3A_96 = tpu.memref_slice %arg10[%arg1, %dma_wait3A] : memref<16x10000xi32, #tpu.memory_space<hbm>> -> memref<1x10000xi32, #tpu.memory_space<hbm>>
        %dma_wait3A_97 = tpu.memref_squeeze %dma_wait3A_96 : memref<1x10000xi32, #tpu.memory_space<hbm>> -> memref<10000xi32, #tpu.memory_space<hbm>>
        %dma_wait3A_98 = arith.constant 0 : i32
        %dma_wait3A_99 = tpu.memref_slice %arg10[%arg1, %dma_wait3A_98] : memref<16x10000xi32, #tpu.memory_space<hbm>> -> memref<1x10000xi32, #tpu.memory_space<hbm>>
        %dma_wait3A_100 = tpu.memref_squeeze %dma_wait3A_99 : memref<1x10000xi32, #tpu.memory_space<hbm>> -> memref<10000xi32, #tpu.memory_space<hbm>>
        tpu.wait_dma2 semaphore(%run_scoped3A_90 : memref<!tpu.dma_semaphore, #tpu.memory_space<semaphore_mem>>) src(%arg26 : memref<10000xi32, #tpu.memory_space<vmem>>) dst(%dma_wait3A_100 : memref<10000xi32, #tpu.memory_space<hbm>>)
        tpu.yield
      }) : () -> ()
    } else {
    }
    return
  }
}

#map = affine_map<(d0, d1) -> (0, 0)>
module attributes {stable_mosaic.version = 14 : i64} {
  func.func @k(%arg0: i32, %arg1: i32, %arg2: memref<16x10000xi32, #tpu.memory_space<hbm>>, %arg3: memref<16x10000xi32, #tpu.memory_space<hbm>>, %arg4: memref<1024x1024xf32, #tpu.memory_space<hbm>>, %arg5: memref<10000xi32, #tpu.memory_space<vmem>>, %arg6: memref<10000xi32, #tpu.memory_space<vmem>>, %arg7: memref<32x1024xf32, #tpu.memory_space<vmem>>) attributes {dimension_semantics = [#tpu.dimension_semantics<core_parallel>, #tpu.dimension_semantics<subcore_parallel>], iteration_bounds = array<i64: 2, 16>, scalar_prefetch = 0 : i64, scratch_operands = 3 : i64, tpu.core_type = #tpu.core_type<sc_vector_subcore>, window_params = [{transform_indices = #map}, {transform_indices = #map}, {transform_indices = #map}]} {
    %mul3A = arith.constant 2 : i32
    %mul3A_0 = arith.muli %arg1, %mul3A : i32
    %add3A = arith.addi %mul3A_0, %arg0 : i32
    %mul3A_1 = arith.constant 32 : i32
    %mul3A_2 = arith.muli %add3A, %mul3A_1 : i32
    %broadcast_in_dim3A = arith.constant 0.000000e+00 : f32
    %broadcast_in_dim3A_3 = vector.broadcast %broadcast_in_dim3A : f32 to vector<16xf32>
    %broadcast_in_dim3A_4 = arith.constant 1.000000e+00 : f32
    %broadcast_in_dim3A_5 = vector.broadcast %broadcast_in_dim3A_4 : f32 to vector<16xf32>
    %while3A = arith.constant 0 : i64
    %while3A_6 = arith.constant 0 : i32
    %while3A_7 = arith.constant 2048 : i32
    %while3A_8 = arith.subi %while3A_7, %while3A_6 : i32
    %while3A_9 = arith.addi %while3A_6, %while3A_8 : i32
    %while3A_10 = arith.constant 1 : i32
    %while3A_11 = arith.divsi %while3A_8, %while3A_10 : i32
    %while3A_12 = arith.muli %while3A_11, %while3A_10 : i32
    %while3A_13 = arith.addi %while3A_6, %while3A_12 : i32
    %while3A_14 = arith.constant 1 : i32
    scf.for %while3A_27 = %while3A_6 to %while3A_13 step %while3A_14  : i32 {
      %jit3A = arith.constant 64 : i64
      %convert_element_type3A = arith.trunci %jit3A : i64 to i32
      %div3A = arith.divsi %while3A_27, %convert_element_type3A : i32
      %sign3A = arith.constant 0 : i32
      %sign3A_28 = arith.cmpi sgt, %while3A_27, %sign3A : i32
      %sign3A_29 = arith.extui %sign3A_28 : i1 to i32
      %sign3A_30 = arith.constant 0 : i32
      %sign3A_31 = arith.cmpi slt, %while3A_27, %sign3A_30 : i32
      %sign3A_32 = arith.extui %sign3A_31 : i1 to i32
      %sign3A_33 = arith.subi %sign3A_29, %sign3A_32 : i32
      %sign3A_34 = arith.constant 0 : i32
      %sign3A_35 = arith.cmpi sgt, %convert_element_type3A, %sign3A_34 : i32
      %sign3A_36 = arith.extui %sign3A_35 : i1 to i32
      %sign3A_37 = arith.constant 0 : i32
      %sign3A_38 = arith.cmpi slt, %convert_element_type3A, %sign3A_37 : i32
      %sign3A_39 = arith.extui %sign3A_38 : i1 to i32
      %sign3A_40 = arith.subi %sign3A_36, %sign3A_39 : i32
      %ne3A = arith.cmpi ne, %sign3A_33, %sign3A_40 : i32
      %rem3A = arith.remsi %while3A_27, %convert_element_type3A : i32
      %ne3A_41 = arith.constant 0 : i32
      %ne3A_42 = arith.cmpi ne, %rem3A, %ne3A_41 : i32
      %and3A = arith.andi %ne3A, %ne3A_42 : i1
      %sub3A = arith.constant 1 : i32
      %sub3A_43 = arith.subi %div3A, %sub3A : i32
      %select_n3A = arith.select %and3A, %sub3A_43, %div3A : i32
      %jit3A_44 = arith.constant 64 : i64
      %convert_element_type3A_45 = arith.trunci %jit3A_44 : i64 to i32
      %eq3A = arith.constant 0 : i32
      %eq3A_46 = arith.cmpi eq, %convert_element_type3A_45, %eq3A : i32
      %jit3A_47 = arith.constant 1 : i32
      %select_n3A_48 = arith.select %eq3A_46, %jit3A_47, %convert_element_type3A_45 : i32
      %rem3A_49 = arith.remsi %while3A_27, %select_n3A_48 : i32
      %ne3A_50 = arith.constant 0 : i32
      %ne3A_51 = arith.cmpi ne, %rem3A_49, %ne3A_50 : i32
      %lt3A = arith.constant 0 : i32
      %lt3A_52 = arith.cmpi slt, %rem3A_49, %lt3A : i32
      %lt3A_53 = arith.constant 0 : i32
      %lt3A_54 = arith.cmpi slt, %select_n3A_48, %lt3A_53 : i32
      %ne3A_55 = arith.xori %lt3A_52, %lt3A_54 : i1
      %and3A_56 = arith.andi %ne3A_55, %ne3A_51 : i1
      %add3A_57 = arith.addi %rem3A_49, %select_n3A_48 : i32
      %select_n3A_58 = arith.select %and3A_56, %add3A_57, %rem3A_49 : i32
      %mul3A_59 = arith.constant 16 : i32
      %mul3A_60 = arith.muli %select_n3A_58, %mul3A_59 : i32
      %swap3A = arith.index_cast %select_n3A : i32 to index
      %swap3A_61 = arith.index_cast %mul3A_60 : i32 to index
      %swap3A_62 = tpu.vector_load %arg7[%swap3A, %swap3A_61] {strides = array<i32>} : memref<32x1024xf32, #tpu.memory_space<vmem>>, vector<16xf32>,
      tpu.vector_store %arg7[%swap3A, %swap3A_61], %broadcast_in_dim3A_3 {strides = array<i32>} : memref<32x1024xf32, #tpu.memory_space<vmem>>, vector<16xf32>,
    }
    %while3A_15 = arith.constant 1 : i32
    scf.for %while3A_27 = %while3A_13 to %while3A_9 step %while3A_15  : i32 {
      %jit3A = arith.constant 64 : i64
      %convert_element_type3A = arith.trunci %jit3A : i64 to i32
      %div3A = arith.divsi %while3A_27, %convert_element_type3A : i32
      %sign3A = arith.constant 0 : i32
      %sign3A_28 = arith.cmpi sgt, %while3A_27, %sign3A : i32
      %sign3A_29 = arith.extui %sign3A_28 : i1 to i32
      %sign3A_30 = arith.constant 0 : i32
      %sign3A_31 = arith.cmpi slt, %while3A_27, %sign3A_30 : i32
      %sign3A_32 = arith.extui %sign3A_31 : i1 to i32
      %sign3A_33 = arith.subi %sign3A_29, %sign3A_32 : i32
      %sign3A_34 = arith.constant 0 : i32
      %sign3A_35 = arith.cmpi sgt, %convert_element_type3A, %sign3A_34 : i32
      %sign3A_36 = arith.extui %sign3A_35 : i1 to i32
      %sign3A_37 = arith.constant 0 : i32
      %sign3A_38 = arith.cmpi slt, %convert_element_type3A, %sign3A_37 : i32
      %sign3A_39 = arith.extui %sign3A_38 : i1 to i32
      %sign3A_40 = arith.subi %sign3A_36, %sign3A_39 : i32
      %ne3A = arith.cmpi ne, %sign3A_33, %sign3A_40 : i32
      %rem3A = arith.remsi %while3A_27, %convert_element_type3A : i32
      %ne3A_41 = arith.constant 0 : i32
      %ne3A_42 = arith.cmpi ne, %rem3A, %ne3A_41 : i32
      %and3A = arith.andi %ne3A, %ne3A_42 : i1
      %sub3A = arith.constant 1 : i32
      %sub3A_43 = arith.subi %div3A, %sub3A : i32
      %select_n3A = arith.select %and3A, %sub3A_43, %div3A : i32
      %jit3A_44 = arith.constant 64 : i64
      %convert_element_type3A_45 = arith.trunci %jit3A_44 : i64 to i32
      %eq3A = arith.constant 0 : i32
      %eq3A_46 = arith.cmpi eq, %convert_element_type3A_45, %eq3A : i32
      %jit3A_47 = arith.constant 1 : i32
      %select_n3A_48 = arith.select %eq3A_46, %jit3A_47, %convert_element_type3A_45 : i32
      %rem3A_49 = arith.remsi %while3A_27, %select_n3A_48 : i32
      %ne3A_50 = arith.constant 0 : i32
      %ne3A_51 = arith.cmpi ne, %rem3A_49, %ne3A_50 : i32
      %lt3A = arith.constant 0 : i32
      %lt3A_52 = arith.cmpi slt, %rem3A_49, %lt3A : i32
      %lt3A_53 = arith.constant 0 : i32
      %lt3A_54 = arith.cmpi slt, %select_n3A_48, %lt3A_53 : i32
      %ne3A_55 = arith.xori %lt3A_52, %lt3A_54 : i1
      %and3A_56 = arith.andi %ne3A_55, %ne3A_51 : i1
      %add3A_57 = arith.addi %rem3A_49, %select_n3A_48 : i32
      %select_n3A_58 = arith.select %and3A_56, %add3A_57, %rem3A_49 : i32
      %mul3A_59 = arith.constant 16 : i32
      %mul3A_60 = arith.muli %select_n3A_58, %mul3A_59 : i32
      %swap3A = arith.index_cast %select_n3A : i32 to index
      %swap3A_61 = arith.index_cast %mul3A_60 : i32 to index
      %swap3A_62 = tpu.vector_load %arg7[%swap3A, %swap3A_61] {strides = array<i32>} : memref<32x1024xf32, #tpu.memory_space<vmem>>, vector<16xf32>,
      tpu.vector_store %arg7[%swap3A, %swap3A_61], %broadcast_in_dim3A_3 {strides = array<i32>} : memref<32x1024xf32, #tpu.memory_space<vmem>>, vector<16xf32>,
    }
    %while3A_16 = arith.constant 0 : i64
    %while3A_17 = arith.constant 0 : i32
    %while3A_18 = arith.constant 16 : i32
    %while3A_19 = arith.subi %while3A_18, %while3A_17 : i32
    %while3A_20 = arith.addi %while3A_17, %while3A_19 : i32
    %while3A_21 = arith.constant 1 : i32
    %while3A_22 = arith.divsi %while3A_19, %while3A_21 : i32
    %while3A_23 = arith.muli %while3A_22, %while3A_21 : i32
    %while3A_24 = arith.addi %while3A_17, %while3A_23 : i32
    %while3A_25 = arith.constant 1 : i32
    scf.for %while3A_27 = %while3A_17 to %while3A_24 step %while3A_25  : i32 {
      "tpu.region"() ({
        %run_scoped3A = tpu.sem_alloc : memref<!tpu.dma_semaphore, #tpu.memory_space<semaphore_mem>>
        %dma_start3A = arith.constant 0 : i32
        %dma_start3A_39 = tpu.memref_slice %arg2[%while3A_27, %dma_start3A] : memref<16x10000xi32, #tpu.memory_space<hbm>> -> memref<1x10000xi32, #tpu.memory_space<hbm>>
        %dma_start3A_40 = tpu.memref_squeeze %dma_start3A_39 : memref<1x10000xi32, #tpu.memory_space<hbm>> -> memref<10000xi32, #tpu.memory_space<hbm>>
        %dma_start3A_41 = arith.constant 0 : i32
        %dma_start3A_42 = tpu.memref_slice %arg2[%while3A_27, %dma_start3A_41] : memref<16x10000xi32, #tpu.memory_space<hbm>> -> memref<1x10000xi32, #tpu.memory_space<hbm>>
        %dma_start3A_43 = tpu.memref_squeeze %dma_start3A_42 : memref<1x10000xi32, #tpu.memory_space<hbm>> -> memref<10000xi32, #tpu.memory_space<hbm>>
        tpu.enqueue_dma source(%dma_start3A_43 : memref<10000xi32, #tpu.memory_space<hbm>>) target(%arg5 : memref<10000xi32, #tpu.memory_space<vmem>>) target_semaphore(%run_scoped3A : memref<!tpu.dma_semaphore, #tpu.memory_space<semaphore_mem>>)
        %dma_wait3A = arith.constant 0 : i32
        %dma_wait3A_44 = tpu.memref_slice %arg2[%while3A_27, %dma_wait3A] : memref<16x10000xi32, #tpu.memory_space<hbm>> -> memref<1x10000xi32, #tpu.memory_space<hbm>>
        %dma_wait3A_45 = tpu.memref_squeeze %dma_wait3A_44 : memref<1x10000xi32, #tpu.memory_space<hbm>> -> memref<10000xi32, #tpu.memory_space<hbm>>
        %dma_wait3A_46 = arith.constant 0 : i32
        %dma_wait3A_47 = tpu.memref_slice %arg2[%while3A_27, %dma_wait3A_46] : memref<16x10000xi32, #tpu.memory_space<hbm>> -> memref<1x10000xi32, #tpu.memory_space<hbm>>
        %dma_wait3A_48 = tpu.memref_squeeze %dma_wait3A_47 : memref<1x10000xi32, #tpu.memory_space<hbm>> -> memref<10000xi32, #tpu.memory_space<hbm>>
        tpu.wait_dma2 semaphore(%run_scoped3A : memref<!tpu.dma_semaphore, #tpu.memory_space<semaphore_mem>>) src(%dma_wait3A_48 : memref<10000xi32, #tpu.memory_space<hbm>>) dst(%arg5 : memref<10000xi32, #tpu.memory_space<vmem>>)
        tpu.yield
      }) : () -> ()
      "tpu.region"() ({
        %run_scoped3A = tpu.sem_alloc : memref<!tpu.dma_semaphore, #tpu.memory_space<semaphore_mem>>
        %dma_start3A = arith.constant 0 : i32
        %dma_start3A_39 = tpu.memref_slice %arg3[%while3A_27, %dma_start3A] : memref<16x10000xi32, #tpu.memory_space<hbm>> -> memref<1x10000xi32, #tpu.memory_space<hbm>>
        %dma_start3A_40 = tpu.memref_squeeze %dma_start3A_39 : memref<1x10000xi32, #tpu.memory_space<hbm>> -> memref<10000xi32, #tpu.memory_space<hbm>>
        %dma_start3A_41 = arith.constant 0 : i32
        %dma_start3A_42 = tpu.memref_slice %arg3[%while3A_27, %dma_start3A_41] : memref<16x10000xi32, #tpu.memory_space<hbm>> -> memref<1x10000xi32, #tpu.memory_space<hbm>>
        %dma_start3A_43 = tpu.memref_squeeze %dma_start3A_42 : memref<1x10000xi32, #tpu.memory_space<hbm>> -> memref<10000xi32, #tpu.memory_space<hbm>>
        tpu.enqueue_dma source(%dma_start3A_43 : memref<10000xi32, #tpu.memory_space<hbm>>) target(%arg6 : memref<10000xi32, #tpu.memory_space<vmem>>) target_semaphore(%run_scoped3A : memref<!tpu.dma_semaphore, #tpu.memory_space<semaphore_mem>>)
        %dma_wait3A = arith.constant 0 : i32
        %dma_wait3A_44 = tpu.memref_slice %arg3[%while3A_27, %dma_wait3A] : memref<16x10000xi32, #tpu.memory_space<hbm>> -> memref<1x10000xi32, #tpu.memory_space<hbm>>
        %dma_wait3A_45 = tpu.memref_squeeze %dma_wait3A_44 : memref<1x10000xi32, #tpu.memory_space<hbm>> -> memref<10000xi32, #tpu.memory_space<hbm>>
        %dma_wait3A_46 = arith.constant 0 : i32
        %dma_wait3A_47 = tpu.memref_slice %arg3[%while3A_27, %dma_wait3A_46] : memref<16x10000xi32, #tpu.memory_space<hbm>> -> memref<1x10000xi32, #tpu.memory_space<hbm>>
        %dma_wait3A_48 = tpu.memref_squeeze %dma_wait3A_47 : memref<1x10000xi32, #tpu.memory_space<hbm>> -> memref<10000xi32, #tpu.memory_space<hbm>>
        tpu.wait_dma2 semaphore(%run_scoped3A : memref<!tpu.dma_semaphore, #tpu.memory_space<semaphore_mem>>) src(%dma_wait3A_48 : memref<10000xi32, #tpu.memory_space<hbm>>) dst(%arg6 : memref<10000xi32, #tpu.memory_space<vmem>>)
        tpu.yield
      }) : () -> ()
      %while3A_28 = arith.constant 0 : i64
      %while3A_29 = arith.constant 0 : i32
      %while3A_30 = arith.constant 625 : i32
      %while3A_31 = arith.subi %while3A_30, %while3A_29 : i32
      %while3A_32 = arith.addi %while3A_29, %while3A_31 : i32
      %while3A_33 = arith.constant 1 : i32
      %while3A_34 = arith.divsi %while3A_31, %while3A_33 : i32
      %while3A_35 = arith.muli %while3A_34, %while3A_33 : i32
      %while3A_36 = arith.addi %while3A_29, %while3A_35 : i32
      %while3A_37 = arith.constant 1 : i32
      scf.for %while3A_39 = %while3A_29 to %while3A_36 step %while3A_37  : i32 {
        %mul3A_40 = arith.constant 16 : i32
        %mul3A_41 = arith.muli %while3A_39, %mul3A_40 : i32
        %get3A = arith.index_cast %mul3A_41 : i32 to index
        %get3A_42 = tpu.vector_load %arg5[%get3A] {strides = array<i32>} : memref<10000xi32, #tpu.memory_space<vmem>>, vector<16xi32>,
        %get3A_43 = arith.index_cast %mul3A_41 : i32 to index
        %get3A_44 = tpu.vector_load %arg6[%get3A_43] {strides = array<i32>} : memref<10000xi32, #tpu.memory_space<vmem>>, vector<16xi32>,
        %ge3A = vector.broadcast %mul3A_2 : i32 to vector<16xi32>
        %ge3A_45 = arith.cmpi sge, %get3A_42, %ge3A : vector<16xi32>
        %add3A_46 = arith.constant 32 : i32
        %add3A_47 = arith.addi %mul3A_2, %add3A_46 : i32
        %lt3A = vector.broadcast %add3A_47 : i32 to vector<16xi32>
        %lt3A_48 = arith.cmpi slt, %get3A_42, %lt3A : vector<16xi32>
        %and3A = arith.andi %ge3A_45, %lt3A_48 : vector<16xi1>
        %sub3A = vector.broadcast %mul3A_2 : i32 to vector<16xi32>
        %sub3A_49 = arith.subi %get3A_42, %sub3A : vector<16xi32>
        %jit3A = arith.constant 0 : i64
        %convert_element_type3A = arith.trunci %jit3A : i64 to i32
        %broadcast_in_dim3A_50 = vector.broadcast %convert_element_type3A : i32 to vector<16xi32>
        %select_n3A = arith.select %and3A, %sub3A_49, %broadcast_in_dim3A_50 : vector<16xi1>, vector<16xi32>
        tpu.vector_store_idx %arg7[%select_n3A, %get3A_44], %broadcast_in_dim3A_5 masked %and3A : memref<32x1024xf32, #tpu.memory_space<vmem>>[vector<16xi32>, vector<16xi32>], vector<16xf32>, vector<16xi1>
      }
      %while3A_38 = arith.constant 1 : i32
      scf.for %while3A_39 = %while3A_36 to %while3A_32 step %while3A_38  : i32 {
        %mul3A_40 = arith.constant 16 : i32
        %mul3A_41 = arith.muli %while3A_39, %mul3A_40 : i32
        %get3A = arith.index_cast %mul3A_41 : i32 to index
        %get3A_42 = tpu.vector_load %arg5[%get3A] {strides = array<i32>} : memref<10000xi32, #tpu.memory_space<vmem>>, vector<16xi32>,
        %get3A_43 = arith.index_cast %mul3A_41 : i32 to index
        %get3A_44 = tpu.vector_load %arg6[%get3A_43] {strides = array<i32>} : memref<10000xi32, #tpu.memory_space<vmem>>, vector<16xi32>,
        %ge3A = vector.broadcast %mul3A_2 : i32 to vector<16xi32>
        %ge3A_45 = arith.cmpi sge, %get3A_42, %ge3A : vector<16xi32>
        %add3A_46 = arith.constant 32 : i32
        %add3A_47 = arith.addi %mul3A_2, %add3A_46 : i32
        %lt3A = vector.broadcast %add3A_47 : i32 to vector<16xi32>
        %lt3A_48 = arith.cmpi slt, %get3A_42, %lt3A : vector<16xi32>
        %and3A = arith.andi %ge3A_45, %lt3A_48 : vector<16xi1>
        %sub3A = vector.broadcast %mul3A_2 : i32 to vector<16xi32>
        %sub3A_49 = arith.subi %get3A_42, %sub3A : vector<16xi32>
        %jit3A = arith.constant 0 : i64
        %convert_element_type3A = arith.trunci %jit3A : i64 to i32
        %broadcast_in_dim3A_50 = vector.broadcast %convert_element_type3A : i32 to vector<16xi32>
        %select_n3A = arith.select %and3A, %sub3A_49, %broadcast_in_dim3A_50 : vector<16xi1>, vector<16xi32>
        tpu.vector_store_idx %arg7[%select_n3A, %get3A_44], %broadcast_in_dim3A_5 masked %and3A : memref<32x1024xf32, #tpu.memory_space<vmem>>[vector<16xi32>, vector<16xi32>], vector<16xf32>, vector<16xi1>
      }
    }
    %while3A_26 = arith.constant 1 : i32
    scf.for %while3A_27 = %while3A_24 to %while3A_20 step %while3A_26  : i32 {
      "tpu.region"() ({
        %run_scoped3A = tpu.sem_alloc : memref<!tpu.dma_semaphore, #tpu.memory_space<semaphore_mem>>
        %dma_start3A = arith.constant 0 : i32
        %dma_start3A_39 = tpu.memref_slice %arg2[%while3A_27, %dma_start3A] : memref<16x10000xi32, #tpu.memory_space<hbm>> -> memref<1x10000xi32, #tpu.memory_space<hbm>>
        %dma_start3A_40 = tpu.memref_squeeze %dma_start3A_39 : memref<1x10000xi32, #tpu.memory_space<hbm>> -> memref<10000xi32, #tpu.memory_space<hbm>>
        %dma_start3A_41 = arith.constant 0 : i32
        %dma_start3A_42 = tpu.memref_slice %arg2[%while3A_27, %dma_start3A_41] : memref<16x10000xi32, #tpu.memory_space<hbm>> -> memref<1x10000xi32, #tpu.memory_space<hbm>>
        %dma_start3A_43 = tpu.memref_squeeze %dma_start3A_42 : memref<1x10000xi32, #tpu.memory_space<hbm>> -> memref<10000xi32, #tpu.memory_space<hbm>>
        tpu.enqueue_dma source(%dma_start3A_43 : memref<10000xi32, #tpu.memory_space<hbm>>) target(%arg5 : memref<10000xi32, #tpu.memory_space<vmem>>) target_semaphore(%run_scoped3A : memref<!tpu.dma_semaphore, #tpu.memory_space<semaphore_mem>>)
        %dma_wait3A = arith.constant 0 : i32
        %dma_wait3A_44 = tpu.memref_slice %arg2[%while3A_27, %dma_wait3A] : memref<16x10000xi32, #tpu.memory_space<hbm>> -> memref<1x10000xi32, #tpu.memory_space<hbm>>
        %dma_wait3A_45 = tpu.memref_squeeze %dma_wait3A_44 : memref<1x10000xi32, #tpu.memory_space<hbm>> -> memref<10000xi32, #tpu.memory_space<hbm>>
        %dma_wait3A_46 = arith.constant 0 : i32
        %dma_wait3A_47 = tpu.memref_slice %arg2[%while3A_27, %dma_wait3A_46] : memref<16x10000xi32, #tpu.memory_space<hbm>> -> memref<1x10000xi32, #tpu.memory_space<hbm>>
        %dma_wait3A_48 = tpu.memref_squeeze %dma_wait3A_47 : memref<1x10000xi32, #tpu.memory_space<hbm>> -> memref<10000xi32, #tpu.memory_space<hbm>>
        tpu.wait_dma2 semaphore(%run_scoped3A : memref<!tpu.dma_semaphore, #tpu.memory_space<semaphore_mem>>) src(%dma_wait3A_48 : memref<10000xi32, #tpu.memory_space<hbm>>) dst(%arg5 : memref<10000xi32, #tpu.memory_space<vmem>>)
        tpu.yield
      }) : () -> ()
      "tpu.region"() ({
        %run_scoped3A = tpu.sem_alloc : memref<!tpu.dma_semaphore, #tpu.memory_space<semaphore_mem>>
        %dma_start3A = arith.constant 0 : i32
        %dma_start3A_39 = tpu.memref_slice %arg3[%while3A_27, %dma_start3A] : memref<16x10000xi32, #tpu.memory_space<hbm>> -> memref<1x10000xi32, #tpu.memory_space<hbm>>
        %dma_start3A_40 = tpu.memref_squeeze %dma_start3A_39 : memref<1x10000xi32, #tpu.memory_space<hbm>> -> memref<10000xi32, #tpu.memory_space<hbm>>
        %dma_start3A_41 = arith.constant 0 : i32
        %dma_start3A_42 = tpu.memref_slice %arg3[%while3A_27, %dma_start3A_41] : memref<16x10000xi32, #tpu.memory_space<hbm>> -> memref<1x10000xi32, #tpu.memory_space<hbm>>
        %dma_start3A_43 = tpu.memref_squeeze %dma_start3A_42 : memref<1x10000xi32, #tpu.memory_space<hbm>> -> memref<10000xi32, #tpu.memory_space<hbm>>
        tpu.enqueue_dma source(%dma_start3A_43 : memref<10000xi32, #tpu.memory_space<hbm>>) target(%arg6 : memref<10000xi32, #tpu.memory_space<vmem>>) target_semaphore(%run_scoped3A : memref<!tpu.dma_semaphore, #tpu.memory_space<semaphore_mem>>)
        %dma_wait3A = arith.constant 0 : i32
        %dma_wait3A_44 = tpu.memref_slice %arg3[%while3A_27, %dma_wait3A] : memref<16x10000xi32, #tpu.memory_space<hbm>> -> memref<1x10000xi32, #tpu.memory_space<hbm>>
        %dma_wait3A_45 = tpu.memref_squeeze %dma_wait3A_44 : memref<1x10000xi32, #tpu.memory_space<hbm>> -> memref<10000xi32, #tpu.memory_space<hbm>>
        %dma_wait3A_46 = arith.constant 0 : i32
        %dma_wait3A_47 = tpu.memref_slice %arg3[%while3A_27, %dma_wait3A_46] : memref<16x10000xi32, #tpu.memory_space<hbm>> -> memref<1x10000xi32, #tpu.memory_space<hbm>>
        %dma_wait3A_48 = tpu.memref_squeeze %dma_wait3A_47 : memref<1x10000xi32, #tpu.memory_space<hbm>> -> memref<10000xi32, #tpu.memory_space<hbm>>
        tpu.wait_dma2 semaphore(%run_scoped3A : memref<!tpu.dma_semaphore, #tpu.memory_space<semaphore_mem>>) src(%dma_wait3A_48 : memref<10000xi32, #tpu.memory_space<hbm>>) dst(%arg6 : memref<10000xi32, #tpu.memory_space<vmem>>)
        tpu.yield
      }) : () -> ()
      %while3A_28 = arith.constant 0 : i64
      %while3A_29 = arith.constant 0 : i32
      %while3A_30 = arith.constant 625 : i32
      %while3A_31 = arith.subi %while3A_30, %while3A_29 : i32
      %while3A_32 = arith.addi %while3A_29, %while3A_31 : i32
      %while3A_33 = arith.constant 1 : i32
      %while3A_34 = arith.divsi %while3A_31, %while3A_33 : i32
      %while3A_35 = arith.muli %while3A_34, %while3A_33 : i32
      %while3A_36 = arith.addi %while3A_29, %while3A_35 : i32
      %while3A_37 = arith.constant 1 : i32
      scf.for %while3A_39 = %while3A_29 to %while3A_36 step %while3A_37  : i32 {
        %mul3A_40 = arith.constant 16 : i32
        %mul3A_41 = arith.muli %while3A_39, %mul3A_40 : i32
        %get3A = arith.index_cast %mul3A_41 : i32 to index
        %get3A_42 = tpu.vector_load %arg5[%get3A] {strides = array<i32>} : memref<10000xi32, #tpu.memory_space<vmem>>, vector<16xi32>,
        %get3A_43 = arith.index_cast %mul3A_41 : i32 to index
        %get3A_44 = tpu.vector_load %arg6[%get3A_43] {strides = array<i32>} : memref<10000xi32, #tpu.memory_space<vmem>>, vector<16xi32>,
        %ge3A = vector.broadcast %mul3A_2 : i32 to vector<16xi32>
        %ge3A_45 = arith.cmpi sge, %get3A_42, %ge3A : vector<16xi32>
        %add3A_46 = arith.constant 32 : i32
        %add3A_47 = arith.addi %mul3A_2, %add3A_46 : i32
        %lt3A = vector.broadcast %add3A_47 : i32 to vector<16xi32>
        %lt3A_48 = arith.cmpi slt, %get3A_42, %lt3A : vector<16xi32>
        %and3A = arith.andi %ge3A_45, %lt3A_48 : vector<16xi1>
        %sub3A = vector.broadcast %mul3A_2 : i32 to vector<16xi32>
        %sub3A_49 = arith.subi %get3A_42, %sub3A : vector<16xi32>
        %jit3A = arith.constant 0 : i64
        %convert_element_type3A = arith.trunci %jit3A : i64 to i32
        %broadcast_in_dim3A_50 = vector.broadcast %convert_element_type3A : i32 to vector<16xi32>
        %select_n3A = arith.select %and3A, %sub3A_49, %broadcast_in_dim3A_50 : vector<16xi1>, vector<16xi32>
        tpu.vector_store_idx %arg7[%select_n3A, %get3A_44], %broadcast_in_dim3A_5 masked %and3A : memref<32x1024xf32, #tpu.memory_space<vmem>>[vector<16xi32>, vector<16xi32>], vector<16xf32>, vector<16xi1>
      }
      %while3A_38 = arith.constant 1 : i32
      scf.for %while3A_39 = %while3A_36 to %while3A_32 step %while3A_38  : i32 {
        %mul3A_40 = arith.constant 16 : i32
        %mul3A_41 = arith.muli %while3A_39, %mul3A_40 : i32
        %get3A = arith.index_cast %mul3A_41 : i32 to index
        %get3A_42 = tpu.vector_load %arg5[%get3A] {strides = array<i32>} : memref<10000xi32, #tpu.memory_space<vmem>>, vector<16xi32>,
        %get3A_43 = arith.index_cast %mul3A_41 : i32 to index
        %get3A_44 = tpu.vector_load %arg6[%get3A_43] {strides = array<i32>} : memref<10000xi32, #tpu.memory_space<vmem>>, vector<16xi32>,
        %ge3A = vector.broadcast %mul3A_2 : i32 to vector<16xi32>
        %ge3A_45 = arith.cmpi sge, %get3A_42, %ge3A : vector<16xi32>
        %add3A_46 = arith.constant 32 : i32
        %add3A_47 = arith.addi %mul3A_2, %add3A_46 : i32
        %lt3A = vector.broadcast %add3A_47 : i32 to vector<16xi32>
        %lt3A_48 = arith.cmpi slt, %get3A_42, %lt3A : vector<16xi32>
        %and3A = arith.andi %ge3A_45, %lt3A_48 : vector<16xi1>
        %sub3A = vector.broadcast %mul3A_2 : i32 to vector<16xi32>
        %sub3A_49 = arith.subi %get3A_42, %sub3A : vector<16xi32>
        %jit3A = arith.constant 0 : i64
        %convert_element_type3A = arith.trunci %jit3A : i64 to i32
        %broadcast_in_dim3A_50 = vector.broadcast %convert_element_type3A : i32 to vector<16xi32>
        %select_n3A = arith.select %and3A, %sub3A_49, %broadcast_in_dim3A_50 : vector<16xi1>, vector<16xi32>
        tpu.vector_store_idx %arg7[%select_n3A, %get3A_44], %broadcast_in_dim3A_5 masked %and3A : memref<32x1024xf32, #tpu.memory_space<vmem>>[vector<16xi32>, vector<16xi32>], vector<16xf32>, vector<16xi1>
      }
    }
    "tpu.region"() ({
      %run_scoped3A = tpu.sem_alloc : memref<!tpu.dma_semaphore, #tpu.memory_space<semaphore_mem>>
      %dma_start3A = arith.constant 0 : i32
      %dma_start3A_27 = tpu.memref_slice %arg4[%mul3A_2, %dma_start3A] : memref<1024x1024xf32, #tpu.memory_space<hbm>> -> memref<32x1024xf32, #tpu.memory_space<hbm>>
      %dma_start3A_28 = arith.constant 0 : i32
      %dma_start3A_29 = tpu.memref_slice %arg4[%mul3A_2, %dma_start3A_28] : memref<1024x1024xf32, #tpu.memory_space<hbm>> -> memref<32x1024xf32, #tpu.memory_space<hbm>>
      tpu.enqueue_dma source(%arg7 : memref<32x1024xf32, #tpu.memory_space<vmem>>) target(%dma_start3A_29 : memref<32x1024xf32, #tpu.memory_space<hbm>>) target_semaphore(%run_scoped3A : memref<!tpu.dma_semaphore, #tpu.memory_space<semaphore_mem>>)
      %dma_wait3A = arith.constant 0 : i32
      %dma_wait3A_30 = tpu.memref_slice %arg4[%mul3A_2, %dma_wait3A] : memref<1024x1024xf32, #tpu.memory_space<hbm>> -> memref<32x1024xf32, #tpu.memory_space<hbm>>
      %dma_wait3A_31 = arith.constant 0 : i32
      %dma_wait3A_32 = tpu.memref_slice %arg4[%mul3A_2, %dma_wait3A_31] : memref<1024x1024xf32, #tpu.memory_space<hbm>> -> memref<32x1024xf32, #tpu.memory_space<hbm>>
      tpu.wait_dma2 semaphore(%run_scoped3A : memref<!tpu.dma_semaphore, #tpu.memory_space<semaphore_mem>>) src(%arg7 : memref<32x1024xf32, #tpu.memory_space<vmem>>) dst(%dma_wait3A_32 : memref<32x1024xf32, #tpu.memory_space<hbm>>)
      tpu.yield
    }) : () -> ()
    return
  }
}

module attributes {stable_mosaic.version = 14 : i64} {
  func.func @_dense1_body(%arg0: i32, %arg1: memref<1000x256xf32, #tpu.memory_space<vmem>>, %arg2: memref<1000x256xf32, #tpu.memory_space<vmem>>, %arg3: memref<1000x1xf32, #tpu.memory_space<vmem>>, %arg4: memref<256x512xf32, #tpu.memory_space<vmem>>, %arg5: memref<1x512xf32, #tpu.memory_space<vmem>>, %arg6: memref<512x128xf32, #tpu.memory_space<vmem>>, %arg7: memref<512x256xf32, #tpu.memory_space<vmem>>, %arg8: memref<1x256xf32, #tpu.memory_space<vmem>>, %arg9: memref<1000x512xf32, #tpu.memory_space<vmem>>, %arg10: memref<1000x256xf32, #tpu.memory_space<vmem>>, %arg11: memref<1000x128xf32, #tpu.memory_space<vmem>>) attributes {dimension_semantics = [#tpu.dimension_semantics<arbitrary>], iteration_bounds = array<i64: 10>, scalar_prefetch = 0 : i64, scratch_operands = 0 : i64, tpu.core_type = #tpu.core_type<tc>, window_params = [{transform_indices = @transform_0, window_bounds = array<i64: 1000, 256>}, {transform_indices = @transform_1, window_bounds = array<i64: 1000, 256>}, {transform_indices = @transform_2, window_bounds = array<i64: 1000, 1>}, {pipeline_mode = #tpu.pipeline_mode<synchronous>, transform_indices = @transform_3, window_bounds = array<i64: 256, 512>}, {pipeline_mode = #tpu.pipeline_mode<synchronous>, transform_indices = @transform_4, window_bounds = array<i64: 1, 512>}, {pipeline_mode = #tpu.pipeline_mode<synchronous>, transform_indices = @transform_5, window_bounds = array<i64: 512, 128>}, {pipeline_mode = #tpu.pipeline_mode<synchronous>, transform_indices = @transform_6, window_bounds = array<i64: 512, 256>}, {pipeline_mode = #tpu.pipeline_mode<synchronous>, transform_indices = @transform_7, window_bounds = array<i64: 1, 256>}, {transform_indices = @transform_8, window_bounds = array<i64: 1000, 512>}, {transform_indices = @transform_9, window_bounds = array<i64: 1000, 256>}, {transform_indices = @transform_10, window_bounds = array<i64: 1000, 128>}]} {
    %get3A = arith.constant 0 : index
    %get3A_0 = arith.constant 0 : index
    %get3A_1 = vector.load %arg3[%get3A, %get3A_0] : memref<1000x1xf32, #tpu.memory_space<vmem>>, vector<1000x1xf32>
    %get3A_2 = arith.constant 0 : index
    %get3A_3 = arith.constant 0 : index
    %get3A_4 = vector.load %arg1[%get3A_2, %get3A_3] : memref<1000x256xf32, #tpu.memory_space<vmem>>, vector<1000x256xf32>
    %mul3A = vector.broadcast %get3A_1 : vector<1000x1xf32> to vector<1000x256xf32>
    %mul3A_5 = arith.mulf %mul3A, %get3A_4 : vector<1000x256xf32>
    %mul3A_6 = arith.mulf %get3A_1, %get3A_1 : vector<1000x1xf32>
    %get3A_7 = arith.constant 0 : index
    %get3A_8 = arith.constant 0 : index
    %get3A_9 = vector.load %arg2[%get3A_7, %get3A_8] : memref<1000x256xf32, #tpu.memory_space<vmem>>, vector<1000x256xf32>
    %mul3A_10 = vector.broadcast %mul3A_6 : vector<1000x1xf32> to vector<1000x256xf32>
    %mul3A_11 = arith.mulf %mul3A_10, %get3A_9 : vector<1000x256xf32>
    %add3A = arith.addf %mul3A_5, %mul3A_11 : vector<1000x256xf32>
    %get3A_12 = arith.constant 0 : index
    %get3A_13 = arith.constant 0 : index
    %get3A_14 = vector.load %arg4[%get3A_12, %get3A_13] : memref<256x512xf32, #tpu.memory_space<vmem>>, vector<256x512xf32>
    %dot_general3A = arith.constant dense<0.000000e+00> : vector<1000x512xf32>
    %dot_general3A_15 = tpu.matmul %add3A, %get3A_14, %dot_general3A {dimension_numbers = #tpu.dot_dimension_numbers<[1], [0], [0], [1], [0, 0, 1, 1], [], []>, precision = #tpu.contract_precision<fp32>, transpose_lhs_hint = false} : vector<1000x256xf32>, vector<256x512xf32>, vector<1000x512xf32> -> vector<1000x512xf32>
    %get3A_16 = arith.constant 0 : index
    %get3A_17 = arith.constant 0 : index
    %get3A_18 = vector.load %arg5[%get3A_16, %get3A_17] : memref<1x512xf32, #tpu.memory_space<vmem>>, vector<1x512xf32>
    %add3A_19 = vector.broadcast %get3A_18 : vector<1x512xf32> to vector<1000x512xf32>
    %add3A_20 = arith.addf %dot_general3A_15, %add3A_19 : vector<1000x512xf32>
    %max3A = arith.constant 0.000000e+00 : f32
    %max3A_21 = vector.broadcast %max3A : f32 to vector<1000x512xf32>
    %max3A_22 = arith.maximumf %add3A_20, %max3A_21 : vector<1000x512xf32>
    %get3A_23 = arith.constant 0 : index
    %get3A_24 = arith.constant 0 : index
    %get3A_25 = vector.load %arg6[%get3A_23, %get3A_24] : memref<512x128xf32, #tpu.memory_space<vmem>>, vector<512x128xf32>
    %dot_general3A_26 = arith.constant dense<0.000000e+00> : vector<1000x128xf32>
    %dot_general3A_27 = tpu.matmul %max3A_22, %get3A_25, %dot_general3A_26 {dimension_numbers = #tpu.dot_dimension_numbers<[1], [0], [0], [1], [0, 0, 1, 1], [], []>, precision = #tpu.contract_precision<fp32>, transpose_lhs_hint = false} : vector<1000x512xf32>, vector<512x128xf32>, vector<1000x128xf32> -> vector<1000x128xf32>
    %slice3A = vector.extract_strided_slice %dot_general3A_27 {offsets = [0, 0], sizes = [1000, 1], strides = [1, 1]} : vector<1000x128xf32> to vector<1000x1xf32>
    %tanh3A = math.tanh %slice3A : vector<1000x1xf32>
    %mul3A_28 = vector.broadcast %tanh3A : vector<1000x1xf32> to vector<1000x512xf32>
    %mul3A_29 = arith.mulf %max3A_22, %mul3A_28 : vector<1000x512xf32>
    %swap3A = arith.constant 0 : index
    %swap3A_30 = arith.constant 0 : index
    %swap3A_31 = vector.load %arg9[%swap3A, %swap3A_30] : memref<1000x512xf32, #tpu.memory_space<vmem>>, vector<1000x512xf32>
    tpu.vector_store %arg9[%swap3A, %swap3A_30], %mul3A_29 {strides = array<i32>} : memref<1000x512xf32, #tpu.memory_space<vmem>>, vector<1000x512xf32>,
    %get3A_32 = arith.constant 0 : index
    %get3A_33 = arith.constant 0 : index
    %get3A_34 = vector.load %arg7[%get3A_32, %get3A_33] : memref<512x256xf32, #tpu.memory_space<vmem>>, vector<512x256xf32>
    %dot_general3A_35 = arith.constant dense<0.000000e+00> : vector<1000x256xf32>
    %dot_general3A_36 = tpu.matmul %max3A_22, %get3A_34, %dot_general3A_35 {dimension_numbers = #tpu.dot_dimension_numbers<[1], [0], [0], [1], [0, 0, 1, 1], [], []>, precision = #tpu.contract_precision<fp32>, transpose_lhs_hint = false} : vector<1000x512xf32>, vector<512x256xf32>, vector<1000x256xf32> -> vector<1000x256xf32>
    %get3A_37 = arith.constant 0 : index
    %get3A_38 = arith.constant 0 : index
    %get3A_39 = vector.load %arg8[%get3A_37, %get3A_38] : memref<1x256xf32, #tpu.memory_space<vmem>>, vector<1x256xf32>
    %add3A_40 = vector.broadcast %get3A_39 : vector<1x256xf32> to vector<1000x256xf32>
    %add3A_41 = arith.addf %dot_general3A_36, %add3A_40 : vector<1000x256xf32>
    %swap3A_42 = arith.constant 0 : index
    %swap3A_43 = arith.constant 0 : index
    %swap3A_44 = vector.load %arg10[%swap3A_42, %swap3A_43] : memref<1000x256xf32, #tpu.memory_space<vmem>>, vector<1000x256xf32>
    tpu.vector_store %arg10[%swap3A_42, %swap3A_43], %add3A_41 {strides = array<i32>} : memref<1000x256xf32, #tpu.memory_space<vmem>>, vector<1000x256xf32>,
    %swap3A_45 = arith.constant 0 : index
    %swap3A_46 = arith.constant 0 : index
    %swap3A_47 = vector.load %arg11[%swap3A_45, %swap3A_46] : memref<1000x128xf32, #tpu.memory_space<vmem>>, vector<1000x128xf32>
    tpu.vector_store %arg11[%swap3A_45, %swap3A_46], %dot_general3A_27 {strides = array<i32>} : memref<1000x128xf32, #tpu.memory_space<vmem>>, vector<1000x128xf32>,
    return
  }
  func.func @transform_0(%arg0: i32) -> (i32, i32) {
    %c0_i32 = arith.constant 0 : i32
    %c0_i32_0 = arith.constant 0 : i32
    return %arg0, %c0_i32 : i32, i32
  }
  func.func @transform_1(%arg0: i32) -> (i32, i32) {
    %c0_i32 = arith.constant 0 : i32
    %c0_i32_0 = arith.constant 0 : i32
    return %arg0, %c0_i32 : i32, i32
  }
  func.func @transform_2(%arg0: i32) -> (i32, i32) {
    %c0_i32 = arith.constant 0 : i32
    %c0_i32_0 = arith.constant 0 : i32
    return %arg0, %c0_i32 : i32, i32
  }
  func.func @transform_3(%arg0: i32) -> (i32, i32) {
    %c0_i32 = arith.constant 0 : i32
    %c0_i32_0 = arith.constant 0 : i32
    %c0_i32_1 = arith.constant 0 : i32
    return %c0_i32, %c0_i32_0 : i32, i32
  }
  func.func @transform_4(%arg0: i32) -> (i32, i32) {
    %c0_i32 = arith.constant 0 : i32
    %c0_i32_0 = arith.constant 0 : i32
    %c0_i32_1 = arith.constant 0 : i32
    return %c0_i32, %c0_i32_0 : i32, i32
  }
  func.func @transform_5(%arg0: i32) -> (i32, i32) {
    %c0_i32 = arith.constant 0 : i32
    %c0_i32_0 = arith.constant 0 : i32
    %c0_i32_1 = arith.constant 0 : i32
    return %c0_i32, %c0_i32_0 : i32, i32
  }
  func.func @transform_6(%arg0: i32) -> (i32, i32) {
    %c0_i32 = arith.constant 0 : i32
    %c0_i32_0 = arith.constant 0 : i32
    %c0_i32_1 = arith.constant 0 : i32
    return %c0_i32, %c0_i32_0 : i32, i32
  }
  func.func @transform_7(%arg0: i32) -> (i32, i32) {
    %c0_i32 = arith.constant 0 : i32
    %c0_i32_0 = arith.constant 0 : i32
    %c0_i32_1 = arith.constant 0 : i32
    return %c0_i32, %c0_i32_0 : i32, i32
  }
  func.func @transform_8(%arg0: i32) -> (i32, i32) {
    %c0_i32 = arith.constant 0 : i32
    %c0_i32_0 = arith.constant 0 : i32
    return %arg0, %c0_i32 : i32, i32
  }
  func.func @transform_9(%arg0: i32) -> (i32, i32) {
    %c0_i32 = arith.constant 0 : i32
    %c0_i32_0 = arith.constant 0 : i32
    return %arg0, %c0_i32 : i32, i32
  }
  func.func @transform_10(%arg0: i32) -> (i32, i32) {
    %c0_i32 = arith.constant 0 : i32
    %c0_i32_0 = arith.constant 0 : i32
    return %arg0, %c0_i32 : i32, i32
  }
}

module attributes {stable_mosaic.version = 14 : i64} {
  func.func @_pool_body(%arg0: i32, %arg1: memref<1000x1xi32, #tpu.memory_space<vmem>>, %arg2: memref<1000x512xf32, #tpu.memory_space<vmem>>, %arg3: memref<1024x512xf32, #tpu.memory_space<vmem>>, %arg4: memref<1x1024xf32, #tpu.memory_space<vmem>>) attributes {dimension_semantics = [#tpu.dimension_semantics<arbitrary>], iteration_bounds = array<i64: 10>, scalar_prefetch = 0 : i64, scratch_operands = 0 : i64, tpu.core_type = #tpu.core_type<tc>, window_params = [{transform_indices = @transform_0, window_bounds = array<i64: 1000, 1>}, {transform_indices = @transform_1, window_bounds = array<i64: 1000, 512>}, {pipeline_mode = #tpu.pipeline_mode<synchronous>, transform_indices = @transform_2, window_bounds = array<i64: 1024, 512>}, {pipeline_mode = #tpu.pipeline_mode<synchronous>, transform_indices = @transform_3, window_bounds = array<i64: 1, 1024>}]} {
    %eq3A = arith.constant 0 : i32
    %eq3A_0 = arith.cmpi eq, %arg0, %eq3A : i32
    %convert_element_type3A = arith.extui %eq3A_0 : i1 to i32
    %cond3A = arith.constant 0 : i32
    %cond3A_1 = arith.cmpi ne, %convert_element_type3A, %cond3A : i32
    scf.if %cond3A_1 {
      %broadcast_in_dim3A_25 = arith.constant 0.000000e+00 : f32
      %broadcast_in_dim3A_26 = vector.broadcast %broadcast_in_dim3A_25 : f32 to vector<1024x512xf32>
      %swap3A_27 = arith.constant 0 : index
      %swap3A_28 = arith.constant 0 : index
      %swap3A_29 = vector.load %arg3[%swap3A_27, %swap3A_28] : memref<1024x512xf32, #tpu.memory_space<vmem>>, vector<1024x512xf32>
      tpu.vector_store %arg3[%swap3A_27, %swap3A_28], %broadcast_in_dim3A_26 {strides = array<i32>} : memref<1024x512xf32, #tpu.memory_space<vmem>>, vector<1024x512xf32>,
      %broadcast_in_dim3A_30 = arith.constant 0.000000e+00 : f32
      %broadcast_in_dim3A_31 = vector.broadcast %broadcast_in_dim3A_30 : f32 to vector<1x1024xf32>
      %swap3A_32 = arith.constant 0 : index
      %swap3A_33 = arith.constant 0 : index
      %swap3A_34 = vector.load %arg4[%swap3A_32, %swap3A_33] : memref<1x1024xf32, #tpu.memory_space<vmem>>, vector<1x1024xf32>
      tpu.vector_store %arg4[%swap3A_32, %swap3A_33], %broadcast_in_dim3A_31 {strides = array<i32>} : memref<1x1024xf32, #tpu.memory_space<vmem>>, vector<1x1024xf32>,
    } else {
    }
    %iota3A = tpu.iota {dimensions = array<i32: 1>} : vector<1000x1024xi32>
    %get3A = arith.constant 0 : index
    %get3A_2 = arith.constant 0 : index
    %get3A_3 = vector.load %arg1[%get3A, %get3A_2] : memref<1000x1xi32, #tpu.memory_space<vmem>>, vector<1000x1xi32>
    %eq3A_4 = vector.broadcast %get3A_3 : vector<1000x1xi32> to vector<1000x1024xi32>
    %eq3A_5 = arith.cmpi eq, %iota3A, %eq3A_4 : vector<1000x1024xi32>
    %convert_element_type3A_6 = arith.extui %eq3A_5 : vector<1000x1024xi1> to vector<1000x1024xi32>
    %convert_element_type3A_7 = arith.sitofp %convert_element_type3A_6 : vector<1000x1024xi32> to vector<1000x1024xf32>
    %get3A_8 = arith.constant 0 : index
    %get3A_9 = arith.constant 0 : index
    %get3A_10 = vector.load %arg3[%get3A_8, %get3A_9] : memref<1024x512xf32, #tpu.memory_space<vmem>>, vector<1024x512xf32>
    %get3A_11 = arith.constant 0 : index
    %get3A_12 = arith.constant 0 : index
    %get3A_13 = vector.load %arg2[%get3A_11, %get3A_12] : memref<1000x512xf32, #tpu.memory_space<vmem>>, vector<1000x512xf32>
    %dot_general3A = arith.constant dense<0.000000e+00> : vector<1024x512xf32>
    %dot_general3A_14 = tpu.matmul %convert_element_type3A_7, %get3A_13, %dot_general3A {dimension_numbers = #tpu.dot_dimension_numbers<[0], [0], [1], [1], [0, 1, 1, 1], [], []>, precision = #tpu.contract_precision<fp32>, transpose_lhs_hint = false} : vector<1000x1024xf32>, vector<1000x512xf32>, vector<1024x512xf32> -> vector<1024x512xf32>
    %add3A = arith.addf %get3A_10, %dot_general3A_14 : vector<1024x512xf32>
    %swap3A = arith.constant 0 : index
    %swap3A_15 = arith.constant 0 : index
    %swap3A_16 = vector.load %arg3[%swap3A, %swap3A_15] : memref<1024x512xf32, #tpu.memory_space<vmem>>, vector<1024x512xf32>
    tpu.vector_store %arg3[%swap3A, %swap3A_15], %add3A {strides = array<i32>} : memref<1024x512xf32, #tpu.memory_space<vmem>>, vector<1024x512xf32>,
    %get3A_17 = arith.constant 0 : index
    %get3A_18 = arith.constant 0 : index
    %get3A_19 = vector.load %arg4[%get3A_17, %get3A_18] : memref<1x1024xf32, #tpu.memory_space<vmem>>, vector<1x1024xf32>
    %reduce_sum3A = arith.constant dense<0.000000e+00> : vector<1024xf32>
    %reduce_sum3A_20 = vector.multi_reduction <add>, %convert_element_type3A_7, %reduce_sum3A [0] : vector<1000x1024xf32> to vector<1024xf32>
    %broadcast_in_dim3A = vector.shape_cast %reduce_sum3A_20 : vector<1024xf32> to vector<1x1024xf32>
    %add3A_21 = arith.addf %get3A_19, %broadcast_in_dim3A : vector<1x1024xf32>
    %swap3A_22 = arith.constant 0 : index
    %swap3A_23 = arith.constant 0 : index
    %swap3A_24 = vector.load %arg4[%swap3A_22, %swap3A_23] : memref<1x1024xf32, #tpu.memory_space<vmem>>, vector<1x1024xf32>
    tpu.vector_store %arg4[%swap3A_22, %swap3A_23], %add3A_21 {strides = array<i32>} : memref<1x1024xf32, #tpu.memory_space<vmem>>, vector<1x1024xf32>,
    return
  }
  func.func @transform_0(%arg0: i32) -> (i32, i32) {
    %c0_i32 = arith.constant 0 : i32
    %c0_i32_0 = arith.constant 0 : i32
    return %arg0, %c0_i32 : i32, i32
  }
  func.func @transform_1(%arg0: i32) -> (i32, i32) {
    %c0_i32 = arith.constant 0 : i32
    %c0_i32_0 = arith.constant 0 : i32
    return %arg0, %c0_i32 : i32, i32
  }
  func.func @transform_2(%arg0: i32) -> (i32, i32) {
    %c0_i32 = arith.constant 0 : i32
    %c0_i32_0 = arith.constant 0 : i32
    %c0_i32_1 = arith.constant 0 : i32
    return %c0_i32, %c0_i32_0 : i32, i32
  }
  func.func @transform_3(%arg0: i32) -> (i32, i32) {
    %c0_i32 = arith.constant 0 : i32
    %c0_i32_0 = arith.constant 0 : i32
    %c0_i32_1 = arith.constant 0 : i32
    return %c0_i32, %c0_i32_0 : i32, i32
  }
}

module attributes {stable_mosaic.version = 14 : i64} {
  func.func @_pgcn_body(%arg0: memref<1024x1024xf32, #tpu.memory_space<vmem>>, %arg1: memref<1024x512xf32, #tpu.memory_space<vmem>>, %arg2: memref<1x1024xf32, #tpu.memory_space<vmem>>, %arg3: memref<512x256xf32, #tpu.memory_space<vmem>>, %arg4: memref<1x256xf32, #tpu.memory_space<vmem>>, %arg5: memref<1024x256xf32, #tpu.memory_space<vmem>>) attributes {dimension_semantics = [], scalar_prefetch = 0 : i64, scratch_operands = 0 : i64, tpu.core_type = #tpu.core_type<tc>} {
    %iota3A = tpu.iota {dimensions = array<i32: 0>} : vector<1024x1024xi32>
    %iota3A_0 = tpu.iota {dimensions = array<i32: 1>} : vector<1024x1024xi32>
    %eq3A = arith.cmpi eq, %iota3A, %iota3A_0 : vector<1024x1024xi32>
    %get3A = arith.constant 0 : index
    %get3A_1 = arith.constant 0 : index
    %get3A_2 = vector.load %arg0[%get3A, %get3A_1] : memref<1024x1024xf32, #tpu.memory_space<vmem>>, vector<1024x1024xf32>
    %jit3A = arith.constant 1.000000e+00 : f64
    %convert_element_type3A = arith.truncf %jit3A : f64 to f32
    %broadcast_in_dim3A = vector.broadcast %convert_element_type3A : f32 to vector<1024x1024xf32>
    %select_n3A = arith.select %eq3A, %broadcast_in_dim3A, %get3A_2 : vector<1024x1024xi1>, vector<1024x1024xf32>
    %reduce_sum3A = arith.constant dense<0.000000e+00> : vector<1024xf32>
    %reduce_sum3A_3 = vector.multi_reduction <add>, %select_n3A, %reduce_sum3A [0] : vector<1024x1024xf32> to vector<1024xf32>
    %rsqrt3A = math.rsqrt %reduce_sum3A_3 : vector<1024xf32>
    %get3A_4 = arith.constant 0 : index
    %get3A_5 = arith.constant 0 : index
    %get3A_6 = vector.load %arg2[%get3A_4, %get3A_5] : memref<1x1024xf32, #tpu.memory_space<vmem>>, vector<1x1024xf32>
    %get3A_7 = vector.shape_cast %get3A_6 : vector<1x1024xf32> to vector<1024xf32>
    %max3A = arith.constant 1.000000e+00 : f32
    %max3A_8 = vector.broadcast %max3A : f32 to vector<1024xf32>
    %max3A_9 = arith.maximumf %get3A_7, %max3A_8 : vector<1024xf32>
    %div3A = arith.constant 1.000000e+00 : f32
    %div3A_10 = vector.broadcast %div3A : f32 to vector<1024xf32>
    %div3A_11 = arith.divf %div3A_10, %max3A_9 : vector<1024xf32>
    %get3A_12 = arith.constant 0 : index
    %get3A_13 = arith.constant 0 : index
    %get3A_14 = vector.load %arg1[%get3A_12, %get3A_13] : memref<1024x512xf32, #tpu.memory_space<vmem>>, vector<1024x512xf32>
    %broadcast_in_dim3A_15 = vector.shape_cast %div3A_11 : vector<1024xf32> to vector<1024x1xf32>
    %mul3A = vector.broadcast %broadcast_in_dim3A_15 : vector<1024x1xf32> to vector<1024x512xf32>
    %mul3A_16 = arith.mulf %get3A_14, %mul3A : vector<1024x512xf32>
    %get3A_17 = arith.constant 0 : index
    %get3A_18 = arith.constant 0 : index
    %get3A_19 = vector.load %arg3[%get3A_17, %get3A_18] : memref<512x256xf32, #tpu.memory_space<vmem>>, vector<512x256xf32>
    %dot_general3A = arith.constant dense<0.000000e+00> : vector<1024x256xf32>
    %dot_general3A_20 = tpu.matmul %mul3A_16, %get3A_19, %dot_general3A {dimension_numbers = #tpu.dot_dimension_numbers<[1], [0], [0], [1], [0, 0, 1, 1], [], []>, precision = #tpu.contract_precision<fp32>, transpose_lhs_hint = false} : vector<1024x512xf32>, vector<512x256xf32>, vector<1024x256xf32> -> vector<1024x256xf32>
    %broadcast_in_dim3A_21 = vector.shape_cast %rsqrt3A : vector<1024xf32> to vector<1024x1xf32>
    %mul3A_22 = vector.broadcast %broadcast_in_dim3A_21 : vector<1024x1xf32> to vector<1024x256xf32>
    %mul3A_23 = arith.mulf %mul3A_22, %dot_general3A_20 : vector<1024x256xf32>
    %broadcast_in_dim3A_24 = vector.shape_cast %rsqrt3A : vector<1024xf32> to vector<1024x1xf32>
    %dot_general3A_25 = arith.constant dense<0.000000e+00> : vector<1024x256xf32>
    %dot_general3A_26 = tpu.matmul %select_n3A, %mul3A_23, %dot_general3A_25 {dimension_numbers = #tpu.dot_dimension_numbers<[0], [0], [1], [1], [0, 1, 1, 1], [], []>, precision = #tpu.contract_precision<fp32>, transpose_lhs_hint = false} : vector<1024x1024xf32>, vector<1024x256xf32>, vector<1024x256xf32> -> vector<1024x256xf32>
    %mul3A_27 = vector.broadcast %broadcast_in_dim3A_24 : vector<1024x1xf32> to vector<1024x256xf32>
    %mul3A_28 = arith.mulf %mul3A_27, %dot_general3A_26 : vector<1024x256xf32>
    %get3A_29 = arith.constant 0 : index
    %get3A_30 = arith.constant 0 : index
    %get3A_31 = vector.load %arg4[%get3A_29, %get3A_30] : memref<1x256xf32, #tpu.memory_space<vmem>>, vector<1x256xf32>
    %add3A = vector.broadcast %get3A_31 : vector<1x256xf32> to vector<1024x256xf32>
    %add3A_32 = arith.addf %mul3A_28, %add3A : vector<1024x256xf32>
    %swap3A = arith.constant 0 : index
    %swap3A_33 = arith.constant 0 : index
    %swap3A_34 = vector.load %arg5[%swap3A, %swap3A_33] : memref<1024x256xf32, #tpu.memory_space<vmem>>, vector<1024x256xf32>
    tpu.vector_store %arg5[%swap3A, %swap3A_33], %add3A_32 {strides = array<i32>} : memref<1024x256xf32, #tpu.memory_space<vmem>>, vector<1024x256xf32>,
    return
  }
}

module attributes {stable_mosaic.version = 14 : i64} {
  func.func @_bcast_body(%arg0: i32, %arg1: memref<1000x1xi32, #tpu.memory_space<vmem>>, %arg2: memref<1024x256xf32, #tpu.memory_space<vmem>>, %arg3: memref<1000x256xf32, #tpu.memory_space<vmem>>, %arg4: memref<1000x256xf32, #tpu.memory_space<vmem>>) attributes {dimension_semantics = [#tpu.dimension_semantics<arbitrary>], iteration_bounds = array<i64: 10>, scalar_prefetch = 0 : i64, scratch_operands = 0 : i64, tpu.core_type = #tpu.core_type<tc>, window_params = [{transform_indices = @transform_0, window_bounds = array<i64: 1000, 1>}, {pipeline_mode = #tpu.pipeline_mode<synchronous>, transform_indices = @transform_1, window_bounds = array<i64: 1024, 256>}, {transform_indices = @transform_2, window_bounds = array<i64: 1000, 256>}, {transform_indices = @transform_3, window_bounds = array<i64: 1000, 256>}]} {
    %iota3A = tpu.iota {dimensions = array<i32: 1>} : vector<1000x1024xi32>
    %get3A = arith.constant 0 : index
    %get3A_0 = arith.constant 0 : index
    %get3A_1 = vector.load %arg1[%get3A, %get3A_0] : memref<1000x1xi32, #tpu.memory_space<vmem>>, vector<1000x1xi32>
    %eq3A = vector.broadcast %get3A_1 : vector<1000x1xi32> to vector<1000x1024xi32>
    %eq3A_2 = arith.cmpi eq, %iota3A, %eq3A : vector<1000x1024xi32>
    %convert_element_type3A = arith.extui %eq3A_2 : vector<1000x1024xi1> to vector<1000x1024xi32>
    %convert_element_type3A_3 = arith.sitofp %convert_element_type3A : vector<1000x1024xi32> to vector<1000x1024xf32>
    %get3A_4 = arith.constant 0 : index
    %get3A_5 = arith.constant 0 : index
    %get3A_6 = vector.load %arg2[%get3A_4, %get3A_5] : memref<1024x256xf32, #tpu.memory_space<vmem>>, vector<1024x256xf32>
    %dot_general3A = arith.constant dense<0.000000e+00> : vector<1000x256xf32>
    %dot_general3A_7 = tpu.matmul %convert_element_type3A_3, %get3A_6, %dot_general3A {dimension_numbers = #tpu.dot_dimension_numbers<[1], [0], [0], [1], [0, 0, 1, 1], [], []>, precision = #tpu.contract_precision<fp32>, transpose_lhs_hint = false} : vector<1000x1024xf32>, vector<1024x256xf32>, vector<1000x256xf32> -> vector<1000x256xf32>
    %get3A_8 = arith.constant 0 : index
    %get3A_9 = arith.constant 0 : index
    %get3A_10 = vector.load %arg3[%get3A_8, %get3A_9] : memref<1000x256xf32, #tpu.memory_space<vmem>>, vector<1000x256xf32>
    %add3A = arith.addf %dot_general3A_7, %get3A_10 : vector<1000x256xf32>
    %swap3A = arith.constant 0 : index
    %swap3A_11 = arith.constant 0 : index
    %swap3A_12 = vector.load %arg4[%swap3A, %swap3A_11] : memref<1000x256xf32, #tpu.memory_space<vmem>>, vector<1000x256xf32>
    tpu.vector_store %arg4[%swap3A, %swap3A_11], %add3A {strides = array<i32>} : memref<1000x256xf32, #tpu.memory_space<vmem>>, vector<1000x256xf32>,
    return
  }
  func.func @transform_0(%arg0: i32) -> (i32, i32) {
    %c0_i32 = arith.constant 0 : i32
    %c0_i32_0 = arith.constant 0 : i32
    return %arg0, %c0_i32 : i32, i32
  }
  func.func @transform_1(%arg0: i32) -> (i32, i32) {
    %c0_i32 = arith.constant 0 : i32
    %c0_i32_0 = arith.constant 0 : i32
    %c0_i32_1 = arith.constant 0 : i32
    return %c0_i32, %c0_i32_0 : i32, i32
  }
  func.func @transform_2(%arg0: i32) -> (i32, i32) {
    %c0_i32 = arith.constant 0 : i32
    %c0_i32_0 = arith.constant 0 : i32
    return %arg0, %c0_i32 : i32, i32
  }
  func.func @transform_3(%arg0: i32) -> (i32, i32) {
    %c0_i32 = arith.constant 0 : i32
    %c0_i32_0 = arith.constant 0 : i32
    return %arg0, %c0_i32 : i32, i32
  }
}

</mosaic_0001>

<sc_bundles>
// kernel: kernel.12.cloned.1.call-start
scs
__scs_entry_jumppad:
0x0: {  	(pc) =	sbr.rel $0x88, $3  }
0x1: {  	(tag) =	ssettag $0x0;
	lr =	simm.s32 $0x1  }
0x2: {  	[smem:$0x3F98] =	sst lr;
	_ =	strace $0xD0000000  }
0x3: {  	_ = 	snop  }
0x4: {  	_ = 	snop  }
0x5: {  	_ = 	snop  }
0x6: {  	_ = 	snop  }
0x7: {  	_ = 	snop  }
__scs_overlays_trampoline_lowered:
0x8: {  	[smem:$0x3FA7] =	sst s0  }
0x9: {  	[smem:$0x3FA8] =	sst s1  }
0xa: {  	[smem:$0x3FA9] =	sst s2  }
0xb: {  	[smem:$0x3FAA] =	sst s3  }
0xc: {  	[smem:$0x3FAB] =	sst s4  }
0xd: {  	[smem:$0x3FAC] =	sst s5  }
0xe: {  	[smem:$0x3FAD] =	sst s6  }
0xf: {  	[smem:$0x3FAE] =	sst s7  }
0x10: {  	[smem:$0x3FAF] =	sst s8  }
0x11: {  	[smem:$0x3FB0] =	sst s9;
	s0 =	simm.s32 @!p0 $0x0  }
0x12: {  	s1 =	sld [smem:$0x3F96];
	s0 =	simm.s32 @p0 $0x1  }
0x13: {  	[smem:$0x3FB1] =	sst s0;
	s0 =	simm.s32 @!p1 $0x0  }
0x14: {  	s2 =	sld [smem:$0x3F95];
	s0 =	simm.s32 @p1 $0x1  }
0x15: {  	[smem:$0x3FB2] =	sst s0;
	s0 =	simm.s32 @!p2 $0x0  }
0x16: {  	s3 =	sld [smem:$0x3FDB];
	s0 =	simm.s32 @p2 $0x1  }
0x17: {  	s4 =	simm.s32 $0x1BF5;
	[smem:$0x3FB4] =	sst s0  }
0x18: {  	s0 =	sld [smem:$0x3F97];
	_ =	swait.ge [sflag:s4], $0x0  }
0x19: {  	s7 =	sld [smem:$0x3F98]  }
0x1a: {  	s8 =	sadd.s32 $0xFFFFE003, lr  }
0x1b: {  	s9 =	sadd.s32 $0xFFFFFEF7, lr;
	s5 =	simm.s32 $0xFFFFFFFF;
	p2 =	slt.u32 s8, $0xFFFFF086  }
0x1c: {  	p1 =	slt.u32 s9, $0xF7A;
	s5 =	simm.s32 @!p2 $0x0  }
0x1d: {  	s5 =	simm.s32 @p1 $0x1;
	p0 =	seq.s32 s7, s2  }
0x1e: {  	s7 =	smul.u32 @!p0 $0xF7A, s2;
	p2 =	seq.s32 @!p0 s5, $0x0  }
0x1f: {  	s9 =	smul.u32 $0xF7A, s1;
	s8 =	simm.s32 @!p0 $0x1BF5;
	p2 =	por !p2, p0  }
0x20: {  	[sflag:s8] =	ssyncset.s32 @!p0 $0xFFFFF086;
	s6 =	sadd.s32 @!p0 s3, s7;
	s7 =	simm.s32 @!p0 $0x108  }
0x21: {  	s3 =	sadd.s32 s3, s9;
	s6 =	sadd.s32 @!p0 $0x88, s6;
	s7 =	simm.s32 @p2 $0x1082  }
0x22: {  	[simem:s7], [sflag:s8] =	dma.local @!p0 [hbm:s6], $0xF7A  }
0x23: {  	s9 =	sor.u32 $0xD0000000, s2;
	s6 =	simm.s32 $0x108;
	_ =	swait.ge @!p0 [sflag:s8], $0x0  }
0x24: {  	s3 =	sadd.s32 $0x88, s3;
	s6 =	simm.s32 @!p1 $0x1082;
	[sflag:s4] =	ssyncset.s32 $0xFFFFF086  }
0x25: {  	[simem:s6], [sflag:s4] =	dma.local [hbm:s3], $0xF7A  }
0x26: {  	[smem:$0x3F98] =	sst s1;
	(tag) =	ssettag s2;
	_ =	strace s9  }
0x27: {  	s1 =	sld [smem:$0x3FA8]  }
0x28: {  	s2 =	sld [smem:$0x3FA9]  }
0x29: {  	s4 =	sld [smem:$0x3FAB]  }
0x2a: {  	p0 =	seq.s32 s5, $0x0;
	s5 =	sld [smem:$0x3FAC]  }
0x2b: {  	s6 =	sld [smem:$0x3FAD]  }
0x2c: {  	s7 =	sld [smem:$0x3FAE]  }
0x2d: {  	s3 =	simm.s32 $0x108;
	s8 =	sld [smem:$0x3FAF]  }
0x2e: {  	s3 =	simm.s32 @!p0 $0x1082;
	s9 =	sld [smem:$0x3FB0]  }
0x2f: {  	lr =	sadd.s32 s0, s3;
	s0 =	sld [smem:$0x3FA7]  }
0x30: {  	s3 =	sld [smem:$0x3FAA]  }
0x31: {  	[smem:$0x3FB3] =	sst s10  }
0x32: {  	s10 =	sld [smem:$0x3FB1];
	_ =	sdelay $0x3  }
0x33: {  	p0 =	seq.s32 s10, $0x1;
	s10 =	sld [smem:$0x3FB3];
	_ =	sdelay $0x3  }
0x34: {  	[smem:$0x3FB3] =	sst s10  }
0x35: {  	s10 =	sld [smem:$0x3FB2];
	_ =	sdelay $0x3  }
0x36: {  	p1 =	seq.s32 s10, $0x1;
	s10 =	sld [smem:$0x3FB3];
	_ =	sdelay $0x3  }
0x37: {  	[smem:$0x3FB3] =	sst s10  }
0x38: {  	s10 =	sld [smem:$0x3FB4]  }
0x39: {  	_ = 	snop;
	(pc) =	sbr.ind lr, $3  }
0x3a: {  	_ = 	snop  }
0x3b: {  	_ = 	snop  }
0x3c: {  	p2 =	seq.s32 s10, $0x1;
	s10 =	sld [smem:$0x3FB3]  }
0x3d: {  	_ =	shalt  }
0x3e: {  	_ =	shalt  }
0x3f: {  	_ =	shalt  }
0x40: {  	_ =	shalt  }
0x41: {  	_ =	shalt  }
0x42: {  	_ =	shalt  }
0x43: {  	_ =	shalt  }
0x44: {  	_ =	shalt  }
0x45: {  	_ =	shalt  }
0x46: {  	_ =	shalt  }
0x47: {  	_ =	shalt  }
0x48: {  	_ =	shalt  }
0x49: {  	_ =	shalt  }
0x4a: {  	_ =	shalt  }
0x4b: {  	_ =	shalt  }
0x4c: {  	_ =	shalt  }
0x4d: {  	_ =	shalt  }
0x4e: {  	_ =	shalt  }
0x4f: {  	_ =	shalt  }
0x50: {  	_ =	shalt  }
0x51: {  	_ =	shalt  }
0x52: {  	_ =	shalt  }
0x53: {  	_ =	shalt  }
0x54: {  	_ =	shalt  }
0x55: {  	_ =	shalt  }
0x56: {  	_ =	shalt  }
0x57: {  	_ =	shalt  }
0x58: {  	_ =	shalt  }
0x59: {  	_ =	shalt  }
0x5a: {  	_ =	shalt  }
0x5b: {  	_ =	shalt  }
0x5c: {  	_ =	shalt  }
0x5d: {  	_ =	shalt  }
0x5e: {  	_ =	shalt  }
0x5f: {  	_ =	shalt  }
0x60: {  	_ =	shalt  }
0x61: {  	_ =	shalt  }
0x62: {  	_ =	shalt  }
0x63: {  	_ =	shalt  }
0x64: {  	_ =	shalt  }
0x65: {  	_ =	shalt  }
0x66: {  	_ =	shalt  }
0x67: {  	_ =	shalt  }
0x68: {  	_ =	shalt  }
0x69: {  	_ =	shalt  }
0x6a: {  	_ =	shalt  }
0x6b: {  	_ =	shalt  }
0x6c: {  	_ =	shalt  }
0x6d: {  	_ =	shalt  }
0x6e: {  	_ =	shalt  }
0x6f: {  	_ =	shalt  }
0x70: {  	_ =	shalt  }
0x71: {  	_ =	shalt  }
0x72: {  	_ =	shalt  }
0x73: {  	_ =	shalt  }
0x74: {  	_ =	shalt  }
0x75: {  	_ =	shalt  }
0x76: {  	_ =	shalt  }
0x77: {  	_ =	shalt  }
0x78: {  	_ =	shalt  }
0x79: {  	_ =	shalt  }
0x7a: {  	_ =	shalt  }
0x7b: {  	_ =	shalt  }
0x7c: {  	_ =	shalt  }
0x7d: {  	_ =	shalt  }
0x7e: {  	_ =	shalt  }
0x7f: {  	_ =	shalt  }
0x80: {  	_ =	shalt  }
0x81: {  	_ =	shalt  }
0x82: {  	_ =	shalt  }
0x83: {  	_ =	shalt  }
0x84: {  	_ =	shalt  }
0x85: {  	_ =	shalt  }
0x86: {  	_ =	shalt  }
0x87: {  	_ =	shalt  }
.Lfunc_end0:
.L_simem_size_0:
called_computation.3_lowered:
.L_overlay_start_0:
0x88: {  	s2 =	sld [smem:$0x3FD9]  }
0x89: {  	s3 =	sld [smem:$0x3FFE];
	_ =	sdelay $0x1  }
0x8a: {  	s1 =	srdreg.scid  }
0x8b: {  	s0 =	sand.u32 $0x1, s1  }
0x8c: {  	s16 =	sshll.u32 s0, $0xA;
	s2 =	sadd.s32 s3, s2  }
0x8d: {  	s2 =	sadd.s32 s2, s16  }
0x8e: {  	[smem:$0x3FBF] =	sst s2  }
0x8f: {  	_ = 	snop  }
0x90: {  	(tm) =	ssettm $0x1  }
0x91: {  	s17 =	sld [smem:$0x3FFB];
	_ =	sdelay $0x3  }
0x92: {  	_ =	strace s17  }
0x93: {  	s2 =	sld [smem:$0x3FFC];
	_ =	sdelay $0x3  }
0x94: {  	_ =	strace s2  }
0x95: {  	s2 =	sld [smem:$0x3FFD];
	_ =	sdelay $0x3  }
0x96: {  	_ =	strace s2  }
0x97: {  	_ =	strace $0x8FFFFFFF  }
0x98: {  	s18 =	sld [smem:$0x3FDB];
	_ =	sdelay $0x1  }
0x99: {  	s19 =	simm.s32 $_scs_section_size  }
0x9a: {  	s4 =	simm.s32 $_size__tile_overlayer_lowered;
	s5 =	simm.s32 $_tile_overlayer_lowered  }
0x9b: {  	s22 =	simm.s32 $0x1BFF;
	s21 =	sshll.u32 s5, $0x1;
	s2 =	sadd.s32 s19, s18  }
0x9c: {  	s6 =	simm.s32 $0x0;
	s20 =	sshll.u32 s4, $0x1;
	s4 =	sadd.s32 s21, s2  }
0x9d: {  	[timem:s6], [sflag:s22] =	dma.local [hbm:s4], s20  }
0x9e: {  	_ =	swait.ge [sflag:s22], s20  }
0x9f: {  	s3 =	ssub.s32 $0x0, s20;
	[sflag:s22] =	ssyncset.done $0x0  }
0xa0: {  	[sflag:s22] =	ssyncadd.s32 s3;
	_ =	sdelay $0x1  }
0xa1: {  	s23 =	simm.s32 $0x1B8B  }
0xa2: {  	_ =	swait.ge [sflag:s23], $0x1  }
0xa3: {  	[sflag:s23] =	ssyncset.done $0x0  }
0xa4: {  	s25 =	simm.s32 $0x1B8E;
	s24 =	sld [smem:$0x3FFE];
	[sflag:s23] =	ssyncadd.s32 $0xFFFFFFFF  }
0xa5: {  	s26 =	simm.s32 $execute0_lowered;
	[smem:$0x3FD2] =	sst s25  }
0xa6: {  	s4 =	sshll.u32 s26, $0x1;
	_ =	strace $0x80000052;
	[dreg:$0x1] =	wrdreg $0xFFFFFFFF  }
0xa7: {  	s28 =	simm.s32 $_size_execute0_lowered;
	s2 =	sadd.s32 s2, s4;
	[dreg:$0x0] =	wrdreg $0x0  }
0xa8: {  	s4 =	sshll.u32 s28, $0x1;
	[dreg:$0x2] =	wrdreg s2  }
0xa9: {  	[dreg:$0x3] =	wrdreg s4  }
0xaa: {  	[dreg:$0x4] =	wrdreg $0xC0  }
0xab: {  	_ =	task [dreg:s6], $0x5FFFF  }
0xac: {  	[dreg:$0x1] =	wrdreg $0xFFFFFFFF  }
0xad: {  	[dreg:$0x0] =	wrdreg $0x60  }
0xae: {  	[dreg:$0x2] =	wrdreg s24  }
0xaf: {  	[dreg:$0x3] =	wrdreg $0x19B000  }
0xb0: {  	[dreg:$0x4] =	wrdreg $0x1EB000  }
0xb1: {  	[dreg:$0x5] =	wrdreg $0x1C3000  }
0xb2: {  	[dreg:$0x6] =	wrdreg $0x9  }
0xb3: {  	_ =	task.clear_ibuf [dreg:s6], $0x7FFFF;
	_ =	strace $0x90000052  }
0xb4: {  	s29 =	simm.s32 $0x9;
	_ =	strace $0x80000054  }
0xb5: {  	_ =	swait.ge [sflag:s29], $0x1  }
0xb6: {  	[sflag:s29] =	ssyncadd.s32 $0xFFFFFFFF  }
0xb7: {  	_ =	strace $0x90000054  }
0xb8: {  	_ =	sfence  }
0xb9: {  	s30 =	sld [smem:$0x0];
	_ =	sdelay $0x2  }
0xba: {  	s31 =	sshll.u32 s1, $0xD;
	s1 =	sshrl.u32 s1, $0x2  }
0xbb: {  	s3 =	sand.u32 $0x4000, s31;
	s1 =	sadd.s32 s1, s30  }
0xbc: {  	s0 =	sor.u32 s3, s0;
	s1 =	sshll.u32 s1, $0x11  }
0xbd: {  	s0 =	sor.u32 s1, s0  }
0xbe: {  	s0 =	sadd.s32 $0x8F2B, s0  }
0xbf: {  	[sflag:s0] =	ssyncadd.remote.s32 $0x1  }
0xc0: {  	_ =	sfence.sel $0xFFFF  }
0xc1: {  	[dreg:$0x0] =	wrdreg $0xFFFFFFFF;
	(pc) =	sbr.abs _section_cstart, $3  }
0xc2: {  	[dreg:$0x1] =	wrdreg $0xFFFFFFFF  }
0xc3: {  	_ =	task.clear_ibuf [dreg:s6], $0x2FFFF;
	_ =	strace $0x9FFFFFFF  }
0xc4: {  	(tm) =	ssettm $0x7FFFFFFF  }
0xc5: {  	_ =	shalt  }
tec
execute0_lowered:
.L_overlay_start_1:
0x0: {  	(tag) =	ssettag $0x1  }
0x1: {  	s3 =	rddreg [dreg:$0x0]  }
0x2: {  	s7 =	rddreg [dreg:$0x1]  }
0x3: {  	s2 =	rddreg [dreg:$0x2]  }
0x4: {  	s8 =	rddreg [dreg:$0x3];
	s16 =	simm.s32 $0x0  }
0x5: {  	[smem:$0x7FF] =	sst s16  }
0x6: {  	s0 =	rddreg [dreg:$0x4];
	v0 =	vimm.s32 $0x80000001;
	_ =	strace $0x80000053  }
0x7: {  	(xrf0) =	vmax.scan.msk.u32 $0xffff, v0;
	_ =	sdelay $0x5  }
0x8: {  	v0, _, _ =	vpop (xrf0)  }
0x9: {  	(v2sf) =	vpush v0, $0xF;
	_ =	sdelay $0x7  }
0xa: {  	s1 =	srdreg.scid  }
0xb: {  	s1 =	sand.u32 $0x1, s1  }
0xc: {  	p0 =	seq.s32 s1, $0x1  }
.Ltmp0:
0xd: {  	_ = 	snop;
	(pc) =	sbr.rel @p0 .LBB2_30-.Ltmp0, $2  }
0xe: {  	_ =	sdelay $0x2  }
0xf: {  	s1 =	stileid.u32;
	s17 =	spop (v2sf)  }
0x10: {  	s4 =	sshrl.u32 s1, $0x3  }
0x11: {  	s5 =	sshll.u32 s1, $0x7;
	s6 =	smul.u32 $0x13C00, s4  }
0x12: {  	s9 =	sand.u32 $0x380, s5  }
0x13: {  	s5 =	sor.u32 s9, s6  }
0x14: {  	s19 =	sadd.s32 $0x97800, s3;
	s20 =	simm.s32 $0x80;
	s11 =	sshrl.u32 s5, $0x3  }
0x15: {  	s10 =	simm.s32 $0x400;
	s18 =	simm.s32 $0x1;
	s5 =	sadd.s32 s19, s11  }
0x16: {  	[tilespmem:s16], [sflag:$0x1] =	stream.strided.gather [hbm4b:s5+s20], $0x2780, s10, s20, $0x38;
	[tilespmem:$0x1ED80] =	vst v63  }
0x17: {  	_ =	swait.ge [sflag:s18], $0x2780  }
0x18: {  	[sflag:s18] =	ssyncset.done $0x0  }
0x19: {  	s12 =	simm.s32 $0x2780;
	s21 =	sadd.s32 s3, s11;
	[sflag:s18] =	ssyncadd.s32 $0xFFFFD880  }
0x1a: {  	[tilespmem:s12], [sflag:$0x1] =	stream.strided.gather [hbm4b:s21+s20], $0x2780, s10, s20, $0x38;
	[tilespmem:$0x1ED80] =	vst v63  }
0x1b: {  	_ =	swait.ge [sflag:s18], $0x2780  }
0x1c: {  	[sflag:s18] =	ssyncset.done $0x0  }
0x1d: {  	s22 =	sadd.s32 $0x5000, s3;
	s23 =	simm.s32 $0x4F00;
	[sflag:s18] =	ssyncadd.s32 $0xFFFFD880  }
0x1e: {  	[tilespmem:s23], [sflag:$0x1] =	stream.linear.gather [hbm4b:s22+s16], $0x2800, $0x38;
	[tilespmem:$0x1ED80] =	vst v63  }
0x1f: {  	_ =	swait.ge [sflag:s18], $0x2800  }
0x20: {  	s24 =	sadd.s32 $0x14600, s3;
	s25 =	sadd.s32 $0x5600, s3;
	[sflag:s18] =	ssyncset.done $0x0  }
0x21: {  	s26 =	simm.s32 $0x7700;
	s14 =	sadd.s32 $0x5C00, s3;
	[sflag:s18] =	ssyncadd.s32 $0xFFFFD800  }
0x22: {  	[tilespmem:s26], [sflag:$0x1] =	stream.linear.gather [hbm4b:s24+s16], $0x2800, $0x38;
	[tilespmem:$0x1ED80] =	vst v63  }
0x23: {  	s29 =	simm.s32 $0x9F00;
	s4 =	smul.u32 $0x14000, s4;
	_ =	swait.ge [sflag:s18], $0x2800  }
0x24: {  	s31 =	simm.s32 $0x14B80;
	s15 =	smul.u32 $0x2710, s1;
	[sflag:s18] =	ssyncset.done $0x0  }
0x25: {  	s4 =	sor.u32 s9, s4;
	s5 =	smul.u32 $0x280, s1;
	[sflag:s18] =	ssyncadd.s32 $0xFFFFD800  }
0x26: {  	[tilespmem:s29], [sflag:$0x1] =	stream.linear.gather [hbm4b:s25+s16], $0x2800, $0x38;
	[tilespmem:$0x1ED80] =	vst v63  }
0x27: {  	s13 =	sadd.s32 s4, s7;
	s30 =	sadd.s32 s11, s3;
	_ =	swait.ge [sflag:s18], $0x2800  }
0x28: {  	s28 =	sshrl.u32 s5, $0x3;
	s6 =	sadd.s32 s5, s2;
	[sflag:s18] =	ssyncset.done $0x0  }
0x29: {  	s19 =	sadd.s32 s28, s3;
	s10 =	smul.u32 $0x1400, s1;
	[sflag:s18] =	ssyncadd.s32 $0xFFFFD800  }
0x2a: {  	[tilespmem:s31], [sflag:$0x1] =	stream.linear.gather [hbm4b:s14+s16], $0x80, $0x38;
	[tilespmem:$0x1ED80] =	vst v63  }
0x2b: {  	s3 =	sadd.s32 $0xB400, s30;
	s9 =	sadd.s32 $0x5E00, s19;
	_ =	swait.ge [sflag:s18], $0x80  }
0x2c: {  	s11 =	sadd.s32 s10, s7;
	s12 =	sadd.s32 s10, s8;
	[sflag:s18] =	ssyncset.done $0x0  }
0x2d: {  	v0 =	vimm.s32 $0xFFFFFFFF;
	v1 =	vimm.s32 $0x4E201;
	v2 =	vimm.s32 $0x0;
	s14 =	sadd.s32 s4, s8;
	s4 =	sadd.s32 $0x6400, s30;
	[sflag:s18] =	ssyncadd.s32 $0xFFFFFF80  }
.LBB2_2:
0x2e: {  	p0 =	sne.s32 s16, $0x9FC0  }
.Ltmp1:
0x2f: {  	_ = 	snop;
	(pc) =	sbr.rel @p0 .LBB2_2-.Ltmp1, $4  }
0x30: {  	s18 =	sshra.s32 s16, $0x2  }
0x31: {  	[tilespmem:s18+$0xC700] =	vst v0  }
0x32: {  	[tilespmem:s18+$0xEF00] =	vst v1  }
0x33: {  	s16 =	sadd.s32 $0x40, s16;
	[tilespmem:s18+$0x11700] =	vst v2  }
.Ltmp2:
0x34: {  	(pc) =	sbr.rel .LBB2_4-.Ltmp2, $3  }
0x35: {  	_ =	sdelay $0x1  }
0x36: {  	s16 =	simm.s32 $0x0;
	p0 =	slt.u32 s17, $0x80000001  }
0x37: {  	vm0 =	vmmov $0xffff;
	s17 =	simm.s32 $0x7700;
	s18 =	simm.s32 $0x4F00;
	s19 =	simm.s32 $0xC700;
	v0 =	vimm.s32 $0x0  }
.LBB2_9:
0x38: {  	s16 =	sadd.s32 $0x1, s16  }
0x39: {  	p1 =	sne.s32 s16, $0x271  }
.Ltmp3:
0x3a: {  	_ = 	snop;
	(pc) =	sbr.rel @!p1 .LBB2_10-.Ltmp3, $1  }
0x3b: {  	_ =	sdelay $0x3  }
.LBB2_4:
.Ltmp4:
0x3c: {  	(pc) =	sbr.rel @p0 .LBB2_9-.Ltmp4, $1  }
0x3d: {  	_ =	sdelay $0x3  }
0x3e: {  	s20 =	sshll.u32 s16, $0x4  }
0x3f: {  	v1 =	vld [tilespmem:s20+$0x2780];
	_ =	sdelay $0x4  }
0x40: {  	v2 =	vld [tilespmem:s20+$0x0];
	_ =	sdelay $0x2  }
0x41: {  	v4 =	vld.idx.msk [tilespmem:v1+s18+$0x0], $0xffff  }
0x42: {  	v5 =	vld.idx.msk [tilespmem:v1+s17+$0x0], $0xffff;
	_ =	sdelay $0x3  }
0x43: {  	v3 =	vld.idx.msk [tilespmem:v2+s17+$0x0], $0xffff;
	vm1 =	veq.s32 v4, $0x1  }
0x44: {  	v4 =	vld.idx.msk [tilespmem:v2+s18+$0x0], $0xffff;
	v5 =	vnsel vm1, $0xFFFFFFFF, v5;
	vm1 =	vmmov vm0  }
.LBB2_6:
0x45: {  	v6 =	vld.idx.msk [tilespmem:v2+s19+$0x0], $0xffff;
	_ =	sdelay $0x4  }
0x46: {  	vm2 =	vgt.s32 v5, v6  }
0x47: {  	vm1 =	vmand vm1, vm2;
	_ =	sdelay $0x5  }
0x48: {  	[tilespmem:v2+s19+$0x0] =	vst.idx.msk vm1, v5  }
0x49: {  	v6 =	vld.idx.msk [tilespmem:v2+s19+$0x0], $0xffff;
	_ =	sdelay $0x4  }
0x4a: {  	vm2 =	vgt.s32 v5, v6  }
0x4b: {  	vm1 =	vmand vm1, vm2  }
0x4c: {  	v6 =	vsel vm1, $0x1, v0  }
0x4d: {  	v6 =	vor.u32 $0x80000000, v6  }
0x4e: {  	(xrf0) =	vmax.scan.msk.u32 $0xffff, v6;
	_ =	sdelay $0x5  }
0x4f: {  	v6, _, _ =	vpop (xrf0)  }
0x50: {  	(v2sf) =	vpush v6, $0xF;
	_ =	sdelay $0xe  }
0x51: {  	s20 =	spop (v2sf)  }
0x52: {  	p1 =	sgt.u32 s20, $0x80000000  }
.Ltmp5:
0x53: {  	_ = 	snop;
	(pc) =	sbr.rel @p1 .LBB2_6-.Ltmp5, $1  }
0x54: {  	_ =	sdelay $0x3  }
0x55: {  	vm1 =	veq.s32 v4, $0x1  }
0x56: {  	v2 =	vnsel vm1, $0xFFFFFFFF, v3;
	vm1 =	vmmov vm0  }
.LBB2_8:
0x57: {  	v3 =	vld.idx.msk [tilespmem:v1+s19+$0x0], $0xffff;
	_ =	sdelay $0x4  }
0x58: {  	vm2 =	vgt.s32 v2, v3  }
0x59: {  	vm1 =	vmand vm1, vm2;
	_ =	sdelay $0x5  }
0x5a: {  	[tilespmem:v1+s19+$0x0] =	vst.idx.msk vm1, v2  }
0x5b: {  	v3 =	vld.idx.msk [tilespmem:v1+s19+$0x0], $0xffff;
	_ =	sdelay $0x4  }
0x5c: {  	vm2 =	vgt.s32 v2, v3  }
0x5d: {  	vm1 =	vmand vm1, vm2  }
0x5e: {  	v3 =	vsel vm1, $0x1, v0  }
0x5f: {  	v3 =	vor.u32 $0x80000000, v3  }
0x60: {  	(xrf0) =	vmax.scan.msk.u32 $0xffff, v3;
	_ =	sdelay $0x5  }
0x61: {  	v3, _, _ =	vpop (xrf0)  }
0x62: {  	(v2sf) =	vpush v3, $0xF;
	_ =	sdelay $0xe  }
0x63: {  	s20 =	spop (v2sf)  }
0x64: {  	p1 =	sgt.u32 s20, $0x80000000  }
.Ltmp6:
0x65: {  	_ = 	snop;
	(pc) =	sbr.rel @p1 .LBB2_8-.Ltmp6, $1  }
0x66: {  	_ =	sdelay $0x3  }
.Ltmp7:
0x67: {  	_ = 	snop;
	(pc) =	sbr.rel .LBB2_9-.Ltmp7, $1  }
0x68: {  	_ =	sdelay $0x3  }
.LBB2_10:
0x69: {  	s16 =	simm.s32 $0x80;
	s17 =	simm.s32 $0x400;
	s18 =	simm.s32 $0xC700  }
0x6a: {  	[spmem:s13] =	stream.strided.scatter [tilespmem:s18], [sflag:$0x1], $0x2800, s17, s16, $0x38;
	[tilespmem:$0x1ED80] =	vst v63  }
0x6b: {  	s18 =	simm.s32 $0x1  }
0x6c: {  	_ =	swait.ge [sflag:s18], $0x2800  }
0x6d: {  	[sflag:s18] =	ssyncset.done $0x0  }
0x6e: {  	[sflag:s18] =	ssyncadd.s32 $0xFFFFD800  }
0x6f: {  	s19 =	simm.s32 $0x13F00;
	[bflag:$0x0] =	sbarrier.arrive $0xFFFF  }
0x70: {  	[tilespmem:s19], [sflag:$0x1] =	stream.strided.gather [spmem:s11], $0x280, s17, s16, $0x38;
	[tilespmem:$0x1ED80] =	vst v63  }
0x71: {  	_ =	swait.ge [sflag:s18], $0x280  }
0x72: {  	[sflag:s18] =	ssyncset.done $0x0  }
0x73: {  	s20 =	simm.s32 $0x1;
	s19 =	simm.s32 $0x14180;
	[sflag:s18] =	ssyncadd.s32 $0xFFFFFD80  }
.LBB2_11:
0x74: {  	s21 =	sshrl.u32 s20, $0x3  }
0x75: {  	s21 =	smul.u32 $0x50000, s21;
	_ =	sdelay $0x1  }
0x76: {  	s22 =	sshll.u32 s20, $0x7;
	s21 =	sshra.s32 s21, $0x2  }
0x77: {  	s22 =	sand.u32 $0x380, s22;
	s21 =	sadd.s32 s21, s11  }
0x78: {  	s21 =	sadd.s32 s22, s21  }
0x79: {  	[tilespmem:s19], [sflag:$0x1] =	stream.strided.gather [spmem:s21], $0x280, s17, s16, $0x38;
	[tilespmem:$0x1ED80] =	vst v63  }
0x7a: {  	_ =	swait.ge [sflag:s18], $0x280  }
0x7b: {  	[sflag:s18] =	ssyncset.done $0x0  }
0x7c: {  	s21 =	simm.s32 $0x0;
	[sflag:s18] =	ssyncadd.s32 $0xFFFFFD80  }
0x7d: {  	s22 =	simm.s32 $0x40;
	v0 =	vld [tilespmem:s21+$0x14180]  }
.LBB2_12:
0x7e: {  	p1 =	sne.s32 s22, $0x9C0;
	v1 =	vld [tilespmem:s21+$0x13F00];
	_ =	sdelay $0x2  }
.Ltmp8:
0x7f: {  	(pc) =	sbr.rel @p1 .LBB2_12-.Ltmp8, $4  }
0x80: {  	_ = 	snop  }
0x81: {  	vm0 =	vgt.s32 v1, v0  }
0x82: {  	s23 =	sshra.s32 s22, $0x2;
	v1 =	vsel vm0, v1, v0  }
0x83: {  	s22 =	sadd.s32 $0x40, s22;
	v0 =	vld [tilespmem:s23+$0x14180];
	[tilespmem:s21+$0x13F00] =	vst v1;
	s21 =	smov.u32 s23  }
0x84: {  	v1 =	vld [tilespmem:s21+$0x13F00]  }
0x85: {  	s20 =	sadd.s32 $0x1, s20  }
0x86: {  	p1 =	sne.s32 s20, $0x10  }
.Ltmp9:
0x87: {  	_ = 	snop;
	(pc) =	sbr.rel @p1 .LBB2_11-.Ltmp9, $4  }
0x88: {  	_ = 	snop  }
0x89: {  	vm0 =	vgt.s32 v1, v0  }
0x8a: {  	v0 =	vsel vm0, v1, v0  }
0x8b: {  	[tilespmem:s21+$0x13F00] =	vst v0  }
0x8c: {  	s16 =	simm.s32 $0x13F00;
	s17 =	simm.s32 $0x1  }
0x8d: {  	[spmem:s6] =	stream.linear.scatter [tilespmem:s16], [sflag:$0x1], $0x280, $0x38;
	[tilespmem:$0x1ED80] =	vst v63  }
0x8e: {  	_ =	swait.ge [sflag:s17], $0x280  }
0x8f: {  	[sflag:s17] =	ssyncset.done $0x0  }
0x90: {  	[sflag:s17] =	ssyncadd.s32 $0xFFFFFD80  }
.Ltmp10:
0x91: {  	s16 =	simm.s32 $0xC700;
	[bflag:$0x0] =	sbarrier.arrive $0xFFFF;
	(pc) =	sbr.rel .LBB2_15-.Ltmp10, $4  }
0x92: {  	[tilespmem:s16], [sflag:$0x1] =	stream.linear.gather [spmem:s2], $0x2800, $0x38;
	[tilespmem:$0x1ED80] =	vst v63  }
0x93: {  	s18 =	simm.s32 $0x7700;
	_ =	swait.ge [sflag:s17], $0x2800  }
0x94: {  	v0 =	vlaneseq.u32;
	s19 =	simm.s32 $0x4F00;
	s20 =	simm.s32 $0xEF00;
	[sflag:s17] =	ssyncset.done $0x0  }
0x95: {  	vm0 =	vmmov $0xffff;
	s21 =	simm.s32 $0x11700;
	v1 =	vimm.s32 $0x0;
	v0 =	vmul.u32 $0x2, v0;
	[sflag:s17] =	ssyncadd.s32 $0xFFFFD800;
	s17 =	simm.s32 $0x0  }
.LBB2_20:
0x96: {  	s17 =	sadd.s32 $0x1, s17  }
0x97: {  	p1 =	sne.s32 s17, $0x271  }
.Ltmp11:
0x98: {  	_ = 	snop;
	(pc) =	sbr.rel @!p1 .LBB2_21-.Ltmp11, $1  }
0x99: {  	_ =	sdelay $0x3  }
.LBB2_15:
.Ltmp12:
0x9a: {  	(pc) =	sbr.rel @p0 .LBB2_20-.Ltmp12, $1  }
0x9b: {  	_ =	sdelay $0x3  }
0x9c: {  	s22 =	sshll.u32 s17, $0x4  }
0x9d: {  	v2 =	vld [tilespmem:s22+$0x2780];
	_ =	sdelay $0x1  }
0x9e: {  	v3 =	vld [tilespmem:s22+$0x0];
	_ =	sdelay $0x5  }
0x9f: {  	v5 =	vld.idx.msk [tilespmem:v2+s18+$0x0], $0xffff  }
0xa0: {  	v6 =	vld.idx.msk [tilespmem:v2+s19+$0x0], $0xffff  }
0xa1: {  	v7 =	vld.idx.msk [tilespmem:v3+s16+$0x0], $0xffff;
	_ =	sdelay $0x2  }
0xa2: {  	s22 =	sadd.s32 s15, s22  }
0xa3: {  	v8 =	vmov s22  }
0xa4: {  	v8 =	vshll.u32 v8, $0x1;
	v4 =	vld.idx.msk [tilespmem:v3+s18+$0x0], $0xffff;
	vm1 =	veq.s32 v6, $0x1;
	vm2 =	veq.s32 v5, v7  }
0xa5: {  	v6 =	vld.idx.msk [tilespmem:v3+s19+$0x0], $0xffff;
	v5 =	vor.u32 v0, v8;
	vm1 =	vmand vm1, vm2  }
0xa6: {  	v7 =	vld.idx.msk [tilespmem:v2+s16+$0x0], $0xffff;
	v8 =	vnsel vm1, $0x4E201, v5;
	vm1 =	vmmov vm0  }
.LBB2_17:
0xa7: {  	v9 =	vld.idx.msk [tilespmem:v3+s20+$0x0], $0xffff;
	_ =	sdelay $0x4  }
0xa8: {  	vm2 =	vlt.s32 v8, v9  }
0xa9: {  	vm2 =	vmand vm1, vm2;
	_ =	sdelay $0x5  }
0xaa: {  	[tilespmem:v3+s20+$0x0] =	vst.idx.msk vm2, v8  }
0xab: {  	v9 =	vld.idx.msk [tilespmem:v3+s20+$0x0], $0xffff;
	_ =	sdelay $0x4  }
0xac: {  	vm1 =	vlt.s32 v8, v9  }
0xad: {  	vm1 =	vmand vm2, vm1  }
0xae: {  	v10 =	vsel vm1, $0x1, v1  }
0xaf: {  	v10 =	vor.u32 $0x80000000, v10  }
0xb0: {  	(xrf0) =	vmax.scan.msk.u32 $0xffff, v10;
	_ =	sdelay $0x5  }
0xb1: {  	v10, _, _ =	vpop (xrf0)  }
0xb2: {  	(v2sf) =	vpush v10, $0xF;
	_ =	sdelay $0xd  }
0xb3: {  	vm3 =	veq.s32 v9, v8  }
0xb4: {  	vm2 =	vmand vm2, vm3;
	s22 =	spop (v2sf)  }
0xb5: {  	p1 =	sgt.u32 s22, $0x80000000  }
.Ltmp13:
0xb6: {  	_ = 	snop;
	(pc) =	sbr.rel @p1 .LBB2_17-.Ltmp13, $2  }
0xb7: {  	_ =	sdelay $0x2  }
0xb8: {  	[tilespmem:v3+s21+$0x0] =	vst.idx.msk vm2, v2  }
0xb9: {  	vm1 =	veq.s32 v6, $0x1;
	vm2 =	veq.s32 v4, v7  }
0xba: {  	v4 =	vor.u32 $0x1, v5;
	vm1 =	vmand vm1, vm2  }
0xbb: {  	v4 =	vnsel vm1, $0x4E201, v4;
	vm1 =	vmmov vm0  }
.LBB2_19:
0xbc: {  	v5 =	vld.idx.msk [tilespmem:v2+s20+$0x0], $0xffff;
	_ =	sdelay $0x4  }
0xbd: {  	vm2 =	vlt.s32 v4, v5  }
0xbe: {  	vm2 =	vmand vm1, vm2;
	_ =	sdelay $0x5  }
0xbf: {  	[tilespmem:v2+s20+$0x0] =	vst.idx.msk vm2, v4  }
0xc0: {  	v5 =	vld.idx.msk [tilespmem:v2+s20+$0x0], $0xffff;
	_ =	sdelay $0x4  }
0xc1: {  	vm1 =	vlt.s32 v4, v5  }
0xc2: {  	vm1 =	vmand vm2, vm1  }
0xc3: {  	v6 =	vsel vm1, $0x1, v1  }
0xc4: {  	v6 =	vor.u32 $0x80000000, v6  }
0xc5: {  	(xrf0) =	vmax.scan.msk.u32 $0xffff, v6;
	_ =	sdelay $0x5  }
0xc6: {  	v6, _, _ =	vpop (xrf0)  }
0xc7: {  	(v2sf) =	vpush v6, $0xF;
	_ =	sdelay $0xd  }
0xc8: {  	vm3 =	veq.s32 v5, v4  }
0xc9: {  	vm2 =	vmand vm2, vm3;
	s22 =	spop (v2sf)  }
0xca: {  	p1 =	sgt.u32 s22, $0x80000000  }
.Ltmp14:
0xcb: {  	_ = 	snop;
	(pc) =	sbr.rel @p1 .LBB2_19-.Ltmp14, $2  }
0xcc: {  	_ =	sdelay $0x2  }
0xcd: {  	[tilespmem:v2+s21+$0x0] =	vst.idx.msk vm2, v3  }
.Ltmp15:
0xce: {  	_ = 	snop;
	(pc) =	sbr.rel .LBB2_20-.Ltmp15, $1  }
0xcf: {  	_ =	sdelay $0x3  }
.LBB2_21:
0xd0: {  	s15 =	simm.s32 $0x80;
	s16 =	simm.s32 $0x400;
	s17 =	simm.s32 $0xEF00  }
0xd1: {  	[spmem:s13] =	stream.strided.scatter [tilespmem:s17], [sflag:$0x1], $0x2800, s16, s15, $0x38;
	[tilespmem:$0x1ED80] =	vst v63  }
0xd2: {  	s13 =	simm.s32 $0x1  }
0xd3: {  	_ =	swait.ge [sflag:s13], $0x2800  }
0xd4: {  	[sflag:s13] =	ssyncset.done $0x0  }
0xd5: {  	s29 =	simm.s32 $0x11700;
	[sflag:s13] =	ssyncadd.s32 $0xFFFFD800  }
0xd6: {  	[spmem:s14] =	stream.strided.scatter [tilespmem:s29], [sflag:$0x1], $0x2800, s16, s15, $0x38;
	[tilespmem:$0x1ED80] =	vst v63  }
0xd7: {  	_ =	swait.ge [sflag:s13], $0x2800  }
0xd8: {  	[sflag:s13] =	ssyncset.done $0x0  }
0xd9: {  	[sflag:s13] =	ssyncadd.s32 $0xFFFFD800  }
0xda: {  	s30 =	simm.s32 $0x13F00;
	[bflag:$0x0] =	sbarrier.arrive $0xFFFF  }
0xdb: {  	[tilespmem:s30], [sflag:$0x1] =	stream.strided.gather [spmem:s11], $0x280, s16, s15, $0x38;
	[tilespmem:$0x1ED80] =	vst v63  }
0xdc: {  	_ =	swait.ge [sflag:s13], $0x280  }
0xdd: {  	[sflag:s13] =	ssyncset.done $0x0  }
0xde: {  	s31 =	simm.s32 $0x14400;
	[sflag:s13] =	ssyncadd.s32 $0xFFFFFD80  }
0xdf: {  	[tilespmem:s31], [sflag:$0x1] =	stream.strided.gather [spmem:s12], $0x280, s16, s15, $0x38;
	[tilespmem:$0x1ED80] =	vst v63  }
0xe0: {  	_ =	swait.ge [sflag:s13], $0x280  }
0xe1: {  	s14 =	simm.s32 $0x1;
	[sflag:s13] =	ssyncset.done $0x0  }
0xe2: {  	s11 =	simm.s32 $0x14180;
	s12 =	simm.s32 $0x14680;
	[sflag:s13] =	ssyncadd.s32 $0xFFFFFD80  }
.LBB2_22:
0xe3: {  	s17 =	sshrl.u32 s14, $0x3  }
0xe4: {  	s17 =	smul.u32 $0x14000, s17  }
0xe5: {  	s18 =	sshll.u32 s14, $0x7  }
0xe6: {  	s18 =	sand.u32 $0x380, s18;
	s17 =	sadd.s32 s10, s17  }
0xe7: {  	s17 =	sor.u32 s18, s17  }
0xe8: {  	s18 =	sadd.s32 s17, s7  }
0xe9: {  	[tilespmem:s11], [sflag:$0x1] =	stream.strided.gather [spmem:s18], $0x280, s16, s15, $0x38;
	[tilespmem:$0x1ED80] =	vst v63  }
0xea: {  	_ =	swait.ge [sflag:s13], $0x280  }
0xeb: {  	[sflag:s13] =	ssyncset.done $0x0  }
0xec: {  	s17 =	sadd.s32 s17, s8;
	[sflag:s13] =	ssyncadd.s32 $0xFFFFFD80  }
0xed: {  	[tilespmem:s12], [sflag:$0x1] =	stream.strided.gather [spmem:s17], $0x280, s16, s15, $0x38;
	[tilespmem:$0x1ED80] =	vst v63  }
0xee: {  	_ =	swait.ge [sflag:s13], $0x280  }
0xef: {  	[sflag:s13] =	ssyncset.done $0x0  }
0xf0: {  	s17 =	simm.s32 $0x0;
	[sflag:s13] =	ssyncadd.s32 $0xFFFFFD80  }
0xf1: {  	v1 =	vld [tilespmem:s17+$0x14180]  }
0xf2: {  	v2 =	vld [tilespmem:s17+$0x13F00]  }
0xf3: {  	v3 =	vld [tilespmem:s17+$0x14680]  }
0xf4: {  	v4 =	vld [tilespmem:s17+$0x14400];
	_ =	sdelay $0x2  }
0xf5: {  	s18 =	simm.s32 $0x10;
	vm0 =	vlt.s32 v2, v1  }
0xf6: {  	v0 =	vld [tilespmem:s18+$0x14680];
	vm1 =	vlt.s32 v1, v2;
	v5 =	vsel vm0, v2, v1  }
0xf7: {  	s19 =	simm.s32 $0x80;
	v1 =	vld [tilespmem:s18+$0x14180];
	v2 =	vsel vm1, v3, v4;
	[tilespmem:s17+$0x13F00] =	vst v5  }
.LBB2_23:
0xf8: {  	p0 =	sne.s32 s19, $0x9C0;
	v3 =	vld [tilespmem:s18+$0x13F00];
	[tilespmem:s17+$0x14400] =	vst v2;
	s17 =	smov.u32 s18  }
0xf9: {  	v2 =	vld [tilespmem:s17+$0x14400];
	_ =	sdelay $0x1  }
.Ltmp16:
0xfa: {  	(pc) =	sbr.rel @p0 .LBB2_23-.Ltmp16, $4  }
0xfb: {  	_ = 	snop  }
0xfc: {  	s18 =	sshra.s32 s19, $0x2;
	vm0 =	vlt.s32 v1, v3;
	vm1 =	vlt.s32 v3, v1  }
0xfd: {  	v3 =	vsel vm1, v3, v1;
	v2 =	vsel vm0, v0, v2;
	v0 =	vld [tilespmem:s18+$0x14680]  }
0xfe: {  	s19 =	sadd.s32 $0x40, s19;
	v1 =	vld [tilespmem:s18+$0x14180];
	[tilespmem:s17+$0x13F00] =	vst v3  }
0xff: {  	v3 =	vld [tilespmem:s18+$0x13F00]  }
0x100: {  	[tilespmem:s17+$0x14400] =	vst v2  }
0x101: {  	s14 =	sadd.s32 $0x1, s14;
	v2 =	vld [tilespmem:s18+$0x14400]  }
0x102: {  	p0 =	sne.s32 s14, $0x10  }
.Ltmp17:
0x103: {  	_ = 	snop;
	(pc) =	sbr.rel @p0 .LBB2_22-.Ltmp17, $4  }
0x104: {  	vm0 =	vlt.s32 v3, v1  }
0x105: {  	vm1 =	vlt.s32 v1, v3;
	v63 =	vsel vm0, v3, v1  }
0x106: {  	v0 =	vsel vm1, v0, v2;
	[tilespmem:s18+$0x13F00] =	vst v63  }
0x107: {  	[tilespmem:s18+$0x14400] =	vst v0  }
0x108: {  	s7 =	simm.s32 $0x14400  }
0x109: {  	v1 =	vld [tilespmem:s7+$0x0];
	_ =	sdelay $0x2  }
0x10a: {  	s8 =	simm.s32 $0x0;
	s10 =	sadd.s32 $0x0, s5  }
0x10b: {  	s10 =	sand.u32 $0x7F80, s10;
	s8 =	sand.u32 $0x70, s8  }
0x10c: {  	v0 =	vld [tilespmem:$0x14B80];
	s12 =	sor.u32 s8, s10  }
0x10d: {  	v3 =	vld [tilespmem:s12+$0x4F00]  }
0x10e: {  	s8 =	simm.s32 $0x9F00;
	v4 =	vld [tilespmem:s12+$0xC700]  }
0x10f: {  	v1 =	vld.idx.msk [tilespmem:v1+s8+$0x0], $0xffff  }
0x110: {  	v2 =	vld [tilespmem:s12+$0x9F00];
	_ =	sdelay $0x2  }
0x111: {  	s11 =	simm.s32 $0x10;
	s10 =	simm.s32 $0x14900;
	s12 =	simm.s32 $0x14900;
	vm1 =	vlt.s32 v4, $0x0;
	vm0 =	veq.s32 v3, $0x1  }
.LBB2_26:
0x112: {  	p0 =	sne.s32 s11, $0x270;
	v1 =	vsel vm1, v0, v1;
	s7 =	sadd.s32 $0x10, s7;
	s10 =	sadd.s32 $0x10, s10  }
0x113: {  	s13 =	smov.u32 s11;
	s11 =	sadd.s32 $0x10, s11;
	v1 =	vsel vm0, v2, v1  }
0x114: {  	[tilespmem:s12+$0x0] =	vst v1;
	s12 =	smov.u32 s10  }
0x115: {  	v1 =	vld [tilespmem:s7+$0x0];
	_ =	sdelay $0x2  }
0x116: {  	s14 =	sadd.s32 s13, s5  }
0x117: {  	s13 =	sand.u32 $0x70, s13;
	s14 =	sand.u32 $0x7F80, s14  }
0x118: {  	s13 =	sor.u32 s13, s14  }
0x119: {  	v3 =	vld [tilespmem:s13+$0x4F00]  }
0x11a: {  	v4 =	vld [tilespmem:s13+$0xC700]  }
0x11b: {  	v1 =	vld.idx.msk [tilespmem:v1+s8+$0x0], $0xffff  }
.Ltmp18:
0x11c: {  	v2 =	vld [tilespmem:s13+$0x9F00];
	(pc) =	sbr.rel @p0 .LBB2_26-.Ltmp18, $2  }
0x11d: {  	_ =	sdelay $0x2  }
0x11e: {  	vm0 =	veq.s32 v3, $0x1;
	vm1 =	vlt.s32 v4, $0x0  }
0x11f: {  	v0 =	vsel vm1, v0, v1  }
0x120: {  	v0 =	vsel vm0, v2, v0  }
0x121: {  	s5 =	simm.s32 $0x0;
	s7 =	simm.s32 $0x14900;
	s8 =	simm.s32 $0x1;
	[tilespmem:s12+$0x0] =	vst v0  }
0x122: {  	[hbm4b:s9+s5] =	stream.linear.scatter [tilespmem:s7], [sflag:$0x1], $0x280, $0x38;
	[tilespmem:$0x1ED80] =	vst v63  }
0x123: {  	_ =	swait.ge [sflag:s8], $0x280  }
0x124: {  	[sflag:s8] =	ssyncset.done $0x0  }
0x125: {  	[sflag:s8] =	ssyncadd.s32 $0xFFFFFD80  }
0x126: {  	[spmem:s6] =	stream.linear.scatter [tilespmem:s7], [sflag:$0x1], $0x280, $0x38;
	[tilespmem:$0x1ED80] =	vst v63  }
0x127: {  	_ =	swait.ge [sflag:s8], $0x280  }
0x128: {  	[sflag:s8] =	ssyncset.done $0x0  }
0x129: {  	[sflag:s8] =	ssyncadd.s32 $0xFFFFFD80  }
0x12a: {  	s5 =	simm.s32 $0xC700;
	[bflag:$0x0] =	sbarrier.arrive $0xFFFF  }
0x12b: {  	[tilespmem:s5], [sflag:$0x1] =	stream.linear.gather [spmem:s2], $0x2800, $0x38;
	[tilespmem:$0x1ED80] =	vst v63  }
0x12c: {  	_ =	swait.ge [sflag:s8], $0x2800  }
0x12d: {  	[sflag:s8] =	ssyncset.done $0x0  }
0x12e: {  	s2 =	simm.s32 $0x0;
	[sflag:s8] =	ssyncadd.s32 $0xFFFFD800  }
0x12f: {  	v1 =	vld [tilespmem:s2+$0x0];
	_ =	sdelay $0x5  }
0x130: {  	v0 =	vld [tilespmem:s2+$0x2780];
	_ =	sdelay $0x1  }
0x131: {  	v1 =	vld.idx.msk [tilespmem:v1+s5+$0x0], $0xffff;
	_ =	sdelay $0x3  }
0x132: {  	s6 =	simm.s32 $0x10;
	s7 =	simm.s32 $0x80  }
.LBB2_28:
0x133: {  	p0 =	sne.s32 s7, $0x9C00;
	v2 =	vld [tilespmem:s6+$0x0];
	[tilespmem:s2+$0x14C00] =	vst v1  }
0x134: {  	v1 =	vld.idx.msk [tilespmem:v0+s5+$0x0], $0xffff;
	_ =	sdelay $0x5  }
0x135: {  	v0 =	vld [tilespmem:s6+$0x2780];
	[tilespmem:s2+$0x17380] =	vst v1;
	s2 =	smov.u32 s6  }
0x136: {  	v1 =	vld.idx.msk [tilespmem:v2+s5+$0x0], $0xffff  }
.Ltmp19:
0x137: {  	(pc) =	sbr.rel @p0 .LBB2_28-.Ltmp19, $2  }
0x138: {  	_ =	sdelay $0x2  }
0x139: {  	s6 =	sshra.s32 s7, $0x2;
	s7 =	sadd.s32 $0x40, s7  }
0x13a: {  	_ =	sdelay $0x1  }
0x13b: {  	v2 =	vld [tilespmem:s6+$0x0]  }
0x13c: {  	[tilespmem:s2+$0x14C00] =	vst v1  }
0x13d: {  	v0 =	vld.idx.msk [tilespmem:v0+s5+$0x0], $0xffff;
	_ =	sdelay $0x3  }
0x13e: {  	v1 =	vld [tilespmem:s6+$0x2780]  }
0x13f: {  	[tilespmem:s2+$0x17380] =	vst v0  }
0x140: {  	v0 =	vld.idx.msk [tilespmem:v2+s5+$0x0], $0xffff;
	_ =	sdelay $0x4  }
0x141: {  	[tilespmem:s6+$0x14C00] =	vst v0  }
0x142: {  	v0 =	vld.idx.msk [tilespmem:v1+s5+$0x0], $0xffff;
	_ =	sdelay $0x3  }
0x143: {  	s26 =	simm.s32 $0x80  }
0x144: {  	s28 =	simm.s32 $0x400;
	s29 =	simm.s32 $0x14C00;
	s30 =	simm.s32 $0x1;
	[tilespmem:s6+$0x17380] =	vst v0  }
0x145: {  	[hbm4b:s4+s26] =	stream.strided.scatter [tilespmem:s29], [sflag:$0x1], $0x2780, s28, s26, $0x38;
	[tilespmem:$0x1ED80] =	vst v63  }
0x146: {  	_ =	swait.ge [sflag:s30], $0x2780  }
0x147: {  	[sflag:s30] =	ssyncset.done $0x0  }
0x148: {  	s31 =	simm.s32 $0x17380;
	[sflag:s30] =	ssyncadd.s32 $0xFFFFD880  }
0x149: {  	[hbm4b:s3+s26] =	stream.strided.scatter [tilespmem:s31], [sflag:$0x1], $0x2780, s28, s26, $0x38;
	[tilespmem:$0x1ED80] =	vst v63  }
0x14a: {  	_ =	swait.ge [sflag:s30], $0x2780  }
0x14b: {  	[sflag:s30] =	ssyncset.done $0x0  }
0x14c: {  	[sflag:s30] =	ssyncadd.s32 $0xFFFFD880  }
.LBB2_30:
0x14d: {  	_ =	sfence.sel $0x180000  }
0x14e: {  	[bflag:$0x0] =	sbarrier.arrive $0xFFFF  }
0x14f: {  	p0 =	sne.s32 s1, $0x0;
	_ =	strace $0x90000053  }
0x150: {  	s0 =	sadd.s32 @!p0 $0x100000, s0;
	[bflag:$0x2] =	sbarrier.arrive $0xFFFF  }
0x151: {  	[sflag:s0] =	ssyncadd.tile.s32 @!p0 $0x1;
	_ =	shalt  }
.Lfunc_end2:
_tile_overlayer_lowered:
.L_overlay_start_2:
0x152: {  	(tag) =	ssettag $0x2  }
0x153: {  	s0 =	rddreg [dreg:$0x0];
	s2 =	stileid.u32  }
0x154: {  	s1 =	rddreg [dreg:$0x1];
	p0 =	sne.s32 s2, $0x0  }
0x155: {  	s3 =	rddreg [dreg:$0x2];
	[bflag:$0x3] =	sbarrier.arrive $0xFFFF;
	s2 =	simm.s32 @!p0 $0x1C01  }
0x156: {  	[timem:s3], [sflag:s2] =	dma.local @!p0 [hbm:s0], s1  }
0x157: {  	s0 =	simm.s32 @!p0 $0x1  }
0x158: {  	_ =	swait.ge @!p0 [sflag:s0], s1  }
0x159: {  	s1 =	ssub.s32 @!p0 $0x0, s1;
	[sflag:s0] =	ssyncset.done @!p0 $0x0  }
0x15a: {  	[sflag:s0] =	ssyncadd.s32 @!p0 s1  }
0x15b: {  	[bflag:$0x3] =	sbarrier.arrive $0xFFFF  }
0x15c: {  	_ =	shalt  }

// kernel: kernel.15.cloned.1.call-start
scs
__scs_entry_jumppad:
0x0: {  	(pc) =	sbr.rel $0x88, $3  }
0x1: {  	(tag) =	ssettag $0x0;
	lr =	simm.s32 $0x1  }
0x2: {  	[smem:$0x3F98] =	sst lr;
	_ =	strace $0xD0000000  }
0x3: {  	_ = 	snop  }
0x4: {  	_ = 	snop  }
0x5: {  	_ = 	snop  }
0x6: {  	_ = 	snop  }
0x7: {  	_ = 	snop  }
__scs_overlays_trampoline_lowered:
0x8: {  	[smem:$0x3FA7] =	sst s0  }
0x9: {  	[smem:$0x3FA8] =	sst s1  }
0xa: {  	[smem:$0x3FA9] =	sst s2  }
0xb: {  	[smem:$0x3FAA] =	sst s3  }
0xc: {  	[smem:$0x3FAB] =	sst s4  }
0xd: {  	[smem:$0x3FAC] =	sst s5  }
0xe: {  	[smem:$0x3FAD] =	sst s6  }
0xf: {  	[smem:$0x3FAE] =	sst s7  }
0x10: {  	[smem:$0x3FAF] =	sst s8  }
0x11: {  	[smem:$0x3FB0] =	sst s9;
	s0 =	simm.s32 @!p0 $0x0  }
0x12: {  	s1 =	sld [smem:$0x3F96];
	s0 =	simm.s32 @p0 $0x1  }
0x13: {  	[smem:$0x3FB1] =	sst s0;
	s0 =	simm.s32 @!p1 $0x0  }
0x14: {  	s2 =	sld [smem:$0x3F95];
	s0 =	simm.s32 @p1 $0x1  }
0x15: {  	[smem:$0x3FB2] =	sst s0;
	s0 =	simm.s32 @!p2 $0x0  }
0x16: {  	s3 =	sld [smem:$0x3FDB];
	s0 =	simm.s32 @p2 $0x1  }
0x17: {  	s4 =	simm.s32 $0x1BF5;
	[smem:$0x3FB4] =	sst s0  }
0x18: {  	s0 =	sld [smem:$0x3F97];
	_ =	swait.ge [sflag:s4], $0x0  }
0x19: {  	s7 =	sld [smem:$0x3F98]  }
0x1a: {  	s8 =	sadd.s32 $0xFFFFE003, lr  }
0x1b: {  	s9 =	sadd.s32 $0xFFFFFEF7, lr;
	s5 =	simm.s32 $0xFFFFFFFF;
	p2 =	slt.u32 s8, $0xFFFFF086  }
0x1c: {  	p1 =	slt.u32 s9, $0xF7A;
	s5 =	simm.s32 @!p2 $0x0  }
0x1d: {  	s5 =	simm.s32 @p1 $0x1;
	p0 =	seq.s32 s7, s2  }
0x1e: {  	s7 =	smul.u32 @!p0 $0xF7A, s2;
	p2 =	seq.s32 @!p0 s5, $0x0  }
0x1f: {  	s9 =	smul.u32 $0xF7A, s1;
	s8 =	simm.s32 @!p0 $0x1BF5;
	p2 =	por !p2, p0  }
0x20: {  	[sflag:s8] =	ssyncset.s32 @!p0 $0xFFFFF086;
	s6 =	sadd.s32 @!p0 s3, s7;
	s7 =	simm.s32 @!p0 $0x108  }
0x21: {  	s3 =	sadd.s32 s3, s9;
	s6 =	sadd.s32 @!p0 $0x88, s6;
	s7 =	simm.s32 @p2 $0x1082  }
0x22: {  	[simem:s7], [sflag:s8] =	dma.local @!p0 [hbm:s6], $0xF7A  }
0x23: {  	s9 =	sor.u32 $0xD0000000, s2;
	s6 =	simm.s32 $0x108;
	_ =	swait.ge @!p0 [sflag:s8], $0x0  }
0x24: {  	s3 =	sadd.s32 $0x88, s3;
	s6 =	simm.s32 @!p1 $0x1082;
	[sflag:s4] =	ssyncset.s32 $0xFFFFF086  }
0x25: {  	[simem:s6], [sflag:s4] =	dma.local [hbm:s3], $0xF7A  }
0x26: {  	[smem:$0x3F98] =	sst s1;
	(tag) =	ssettag s2;
	_ =	strace s9  }
0x27: {  	s1 =	sld [smem:$0x3FA8]  }
0x28: {  	s2 =	sld [smem:$0x3FA9]  }
0x29: {  	s4 =	sld [smem:$0x3FAB]  }
0x2a: {  	p0 =	seq.s32 s5, $0x0;
	s5 =	sld [smem:$0x3FAC]  }
0x2b: {  	s6 =	sld [smem:$0x3FAD]  }
0x2c: {  	s7 =	sld [smem:$0x3FAE]  }
0x2d: {  	s3 =	simm.s32 $0x108;
	s8 =	sld [smem:$0x3FAF]  }
0x2e: {  	s3 =	simm.s32 @!p0 $0x1082;
	s9 =	sld [smem:$0x3FB0]  }
0x2f: {  	lr =	sadd.s32 s0, s3;
	s0 =	sld [smem:$0x3FA7]  }
0x30: {  	s3 =	sld [smem:$0x3FAA]  }
0x31: {  	[smem:$0x3FB3] =	sst s10  }
0x32: {  	s10 =	sld [smem:$0x3FB1];
	_ =	sdelay $0x3  }
0x33: {  	p0 =	seq.s32 s10, $0x1;
	s10 =	sld [smem:$0x3FB3];
	_ =	sdelay $0x3  }
0x34: {  	[smem:$0x3FB3] =	sst s10  }
0x35: {  	s10 =	sld [smem:$0x3FB2];
	_ =	sdelay $0x3  }
0x36: {  	p1 =	seq.s32 s10, $0x1;
	s10 =	sld [smem:$0x3FB3];
	_ =	sdelay $0x3  }
0x37: {  	[smem:$0x3FB3] =	sst s10  }
0x38: {  	s10 =	sld [smem:$0x3FB4]  }
0x39: {  	_ = 	snop;
	(pc) =	sbr.ind lr, $3  }
0x3a: {  	_ = 	snop  }
0x3b: {  	_ = 	snop  }
0x3c: {  	p2 =	seq.s32 s10, $0x1;
	s10 =	sld [smem:$0x3FB3]  }
0x3d: {  	_ =	shalt  }
0x3e: {  	_ =	shalt  }
0x3f: {  	_ =	shalt  }
0x40: {  	_ =	shalt  }
0x41: {  	_ =	shalt  }
0x42: {  	_ =	shalt  }
0x43: {  	_ =	shalt  }
0x44: {  	_ =	shalt  }
0x45: {  	_ =	shalt  }
0x46: {  	_ =	shalt  }
0x47: {  	_ =	shalt  }
0x48: {  	_ =	shalt  }
0x49: {  	_ =	shalt  }
0x4a: {  	_ =	shalt  }
0x4b: {  	_ =	shalt  }
0x4c: {  	_ =	shalt  }
0x4d: {  	_ =	shalt  }
0x4e: {  	_ =	shalt  }
0x4f: {  	_ =	shalt  }
0x50: {  	_ =	shalt  }
0x51: {  	_ =	shalt  }
0x52: {  	_ =	shalt  }
0x53: {  	_ =	shalt  }
0x54: {  	_ =	shalt  }
0x55: {  	_ =	shalt  }
0x56: {  	_ =	shalt  }
0x57: {  	_ =	shalt  }
0x58: {  	_ =	shalt  }
0x59: {  	_ =	shalt  }
0x5a: {  	_ =	shalt  }
0x5b: {  	_ =	shalt  }
0x5c: {  	_ =	shalt  }
0x5d: {  	_ =	shalt  }
0x5e: {  	_ =	shalt  }
0x5f: {  	_ =	shalt  }
0x60: {  	_ =	shalt  }
0x61: {  	_ =	shalt  }
0x62: {  	_ =	shalt  }
0x63: {  	_ =	shalt  }
0x64: {  	_ =	shalt  }
0x65: {  	_ =	shalt  }
0x66: {  	_ =	shalt  }
0x67: {  	_ =	shalt  }
0x68: {  	_ =	shalt  }
0x69: {  	_ =	shalt  }
0x6a: {  	_ =	shalt  }
0x6b: {  	_ =	shalt  }
0x6c: {  	_ =	shalt  }
0x6d: {  	_ =	shalt  }
0x6e: {  	_ =	shalt  }
0x6f: {  	_ =	shalt  }
0x70: {  	_ =	shalt  }
0x71: {  	_ =	shalt  }
0x72: {  	_ =	shalt  }
0x73: {  	_ =	shalt  }
0x74: {  	_ =	shalt  }
0x75: {  	_ =	shalt  }
0x76: {  	_ =	shalt  }
0x77: {  	_ =	shalt  }
0x78: {  	_ =	shalt  }
0x79: {  	_ =	shalt  }
0x7a: {  	_ =	shalt  }
0x7b: {  	_ =	shalt  }
0x7c: {  	_ =	shalt  }
0x7d: {  	_ =	shalt  }
0x7e: {  	_ =	shalt  }
0x7f: {  	_ =	shalt  }
0x80: {  	_ =	shalt  }
0x81: {  	_ =	shalt  }
0x82: {  	_ =	shalt  }
0x83: {  	_ =	shalt  }
0x84: {  	_ =	shalt  }
0x85: {  	_ =	shalt  }
0x86: {  	_ =	shalt  }
0x87: {  	_ =	shalt  }
.Lfunc_end0:
.L_simem_size_0:
called_computation.4_lowered:
.L_overlay_start_0:
0x88: {  	s2 =	sld [smem:$0x3FD9]  }
0x89: {  	s3 =	sld [smem:$0x3FFE];
	_ =	sdelay $0x1  }
0x8a: {  	s1 =	srdreg.scid  }
0x8b: {  	s0 =	sand.u32 $0x1, s1  }
0x8c: {  	s16 =	sshll.u32 s0, $0xA;
	s2 =	sadd.s32 s3, s2  }
0x8d: {  	s2 =	sadd.s32 s2, s16  }
0x8e: {  	[smem:$0x3FBF] =	sst s2  }
0x8f: {  	_ = 	snop  }
0x90: {  	(tm) =	ssettm $0x1  }
0x91: {  	s17 =	sld [smem:$0x3FFB];
	_ =	sdelay $0x3  }
0x92: {  	_ =	strace s17  }
0x93: {  	s2 =	sld [smem:$0x3FFC];
	_ =	sdelay $0x3  }
0x94: {  	_ =	strace s2  }
0x95: {  	s2 =	sld [smem:$0x3FFD];
	_ =	sdelay $0x3  }
0x96: {  	_ =	strace s2  }
0x97: {  	_ =	strace $0x8FFFFFFF  }
0x98: {  	s18 =	sld [smem:$0x3FDB];
	_ =	sdelay $0x1  }
0x99: {  	s19 =	simm.s32 $_scs_section_size  }
0x9a: {  	s4 =	simm.s32 $_size__tile_overlayer_lowered;
	s5 =	simm.s32 $_tile_overlayer_lowered  }
0x9b: {  	s22 =	simm.s32 $0x1BFF;
	s21 =	sshll.u32 s5, $0x1;
	s2 =	sadd.s32 s19, s18  }
0x9c: {  	s6 =	simm.s32 $0x0;
	s20 =	sshll.u32 s4, $0x1;
	s4 =	sadd.s32 s21, s2  }
0x9d: {  	[timem:s6], [sflag:s22] =	dma.local [hbm:s4], s20  }
0x9e: {  	_ =	swait.ge [sflag:s22], s20  }
0x9f: {  	s3 =	ssub.s32 $0x0, s20;
	[sflag:s22] =	ssyncset.done $0x0  }
0xa0: {  	[sflag:s22] =	ssyncadd.s32 s3;
	_ =	sdelay $0x1  }
0xa1: {  	s23 =	simm.s32 $0x1B8B  }
0xa2: {  	_ =	swait.ge [sflag:s23], $0x1  }
0xa3: {  	[sflag:s23] =	ssyncset.done $0x0  }
0xa4: {  	s25 =	simm.s32 $0x1B8E;
	s24 =	sld [smem:$0x3FFE];
	[sflag:s23] =	ssyncadd.s32 $0xFFFFFFFF  }
0xa5: {  	s26 =	simm.s32 $execute0_lowered;
	[smem:$0x3FD2] =	sst s25  }
0xa6: {  	s4 =	sshll.u32 s26, $0x1;
	_ =	strace $0x80000055;
	[dreg:$0x1] =	wrdreg $0xFFFFFFFF  }
0xa7: {  	s28 =	simm.s32 $_size_execute0_lowered;
	s2 =	sadd.s32 s2, s4;
	[dreg:$0x0] =	wrdreg $0x0  }
0xa8: {  	s4 =	sshll.u32 s28, $0x1;
	[dreg:$0x2] =	wrdreg s2  }
0xa9: {  	[dreg:$0x3] =	wrdreg s4  }
0xaa: {  	[dreg:$0x4] =	wrdreg $0xC0  }
0xab: {  	_ =	task [dreg:s6], $0x5FFFF  }
0xac: {  	[dreg:$0x1] =	wrdreg $0xFFFFFFFF  }
0xad: {  	[dreg:$0x0] =	wrdreg $0x60  }
0xae: {  	[dreg:$0x2] =	wrdreg s24  }
0xaf: {  	[dreg:$0x3] =	wrdreg $0x9  }
0xb0: {  	_ =	task.clear_ibuf [dreg:s6], $0x4FFFF;
	_ =	strace $0x90000055  }
0xb1: {  	s29 =	simm.s32 $0x9;
	_ =	strace $0x80000057  }
0xb2: {  	_ =	swait.ge [sflag:s29], $0x1  }
0xb3: {  	[sflag:s29] =	ssyncadd.s32 $0xFFFFFFFF  }
0xb4: {  	_ =	strace $0x90000057  }
0xb5: {  	_ =	sfence  }
0xb6: {  	s30 =	sld [smem:$0x0];
	_ =	sdelay $0x2  }
0xb7: {  	s31 =	sshll.u32 s1, $0xD;
	s1 =	sshrl.u32 s1, $0x2  }
0xb8: {  	s3 =	sand.u32 $0x4000, s31;
	s1 =	sadd.s32 s1, s30  }
0xb9: {  	s0 =	sor.u32 s3, s0;
	s1 =	sshll.u32 s1, $0x11  }
0xba: {  	s0 =	sor.u32 s1, s0  }
0xbb: {  	s0 =	sadd.s32 $0x8F2B, s0  }
0xbc: {  	[sflag:s0] =	ssyncadd.remote.s32 $0x1  }
0xbd: {  	_ =	sfence.sel $0xFFFF  }
0xbe: {  	[dreg:$0x0] =	wrdreg $0xFFFFFFFF;
	(pc) =	sbr.abs _section_cstart, $3  }
0xbf: {  	[dreg:$0x1] =	wrdreg $0xFFFFFFFF  }
0xc0: {  	_ =	task.clear_ibuf [dreg:s6], $0x2FFFF;
	_ =	strace $0x9FFFFFFF  }
0xc1: {  	(tm) =	ssettm $0x7FFFFFFF  }
tec
execute0_lowered:
.L_overlay_start_1:
0x0: {  	(tag) =	ssettag $0x1  }
0x1: {  	s5 =	rddreg [dreg:$0x0]  }
0x2: {  	s0 =	rddreg [dreg:$0x1];
	s3 =	srdreg.scid  }
0x3: {  	s2 =	simm.s32 $0x0;
	s1 =	stileid.u32;
	s11 =	simm.s32 $0x4F00  }
0x4: {  	s12 =	simm.s32 $0x0;
	s3 =	sand.u32 $0x1, s3;
	[smem:$0x7FF] =	sst s2  }
0x5: {  	s4 =	sshll.u32 s1, $0x6;
	s6 =	sshll.u32 s3, $0x5;
	_ =	strace $0x80000056  }
0x6: {  	s31 =	ssub.s32 $0x2, s3;
	s3 =	sadd.s32 $0x6400, s5;
	s7 =	sor.u32 s6, s4  }
0x7: {  	s9 =	sshrl.u32 s31, $0x1;
	s4 =	sadd.s32 $0xB400, s5;
	s8 =	sshll.u32 s7, $0x7  }
0x8: {  	s6 =	ssub.s32 s31, s9;
	s10 =	sadd.s32 $0x20, s7;
	v0 =	vmov s7;
	s7 =	simm.s32 $0x80  }
0x9: {  	s9 =	simm.s32 $0x1;
	s5 =	sadd.s32 s8, s5;
	s6 =	smax.u32 s6, $0x1  }
0xa: {  	v2 =	vimm.f32 $0.0e+00;
	v3 =	vimm.f32 $1.000000000e+00;
	s8 =	simm.s32 $0x400;
	v1 =	vmov s10;
	s10 =	simm.s32 $0x2780;
	s5 =	sadd.s32 $0x62E00, s5  }
.LBB2_1:
0xb: {  	s13 =	simm.s32 $0x0  }
0xc: {  	s14 =	sand.u32 $0x1C00, s2;
	s15 =	simm.s32 $0x0;
	s13 =	sand.u32 $0x6000, s13  }
0xd: {  	s15 =	sand.u32 $0x380, s15;
	s13 =	sor.u32 s14, s13  }
0xe: {  	s31 =	sand.u32 $0x70, s2;
	s13 =	sor.u32 s15, s13  }
0xf: {  	s13 =	sor.u32 s31, s13  }
0x10: {  	s16 =	simm.s32 $0x0;
	s14 =	simm.s32 $0x1;
	s15 =	simm.s32 $0x80;
	[tilespmem:s13+$0x4F00] =	vst v2  }
.LBB2_2:
0x11: {  	s13 =	sshll.u32 s14, $0x4;
	p0 =	sne.s32 s14, $0x7FF  }
0x12: {  	s17 =	smov.u32 s14;
	s14 =	sadd.s32 $0x1, s14;
	s18 =	sand.u32 $0x1C00, s15  }
.Ltmp0:
0x13: {  	s13 =	sand.u32 $0x6000, s13;
	s17 =	sshll.u32 s17, $0x1;
	(pc) =	sbr.rel @p0 .LBB2_2-.Ltmp0, $4  }
0x14: {  	s16 =	sadd.s32 $0x10, s16;
	s17 =	sand.u32 $0x380, s17;
	s13 =	sor.u32 s18, s13  }
0x15: {  	s18 =	sand.u32 $0x70, s16;
	s13 =	sor.u32 s17, s13  }
0x16: {  	s13 =	sor.u32 s18, s13  }
0x17: {  	s15 =	sadd.s32 $0x80, s15;
	[tilespmem:s13+$0x4F00] =	vst v2;
	s13 =	simm.s32 $0x0  }
0x18: {  	s14 =	simm.s32 $0x0  }
.LBB2_4:
0x19: {  	s15 =	sshrl.u32 s14, $0x3  }
0x1a: {  	s16 =	sshll.u32 s14, $0x7;
	s15 =	smul.u32 $0x13C00, s15  }
0x1b: {  	s16 =	sand.u32 $0x380, s16  }
0x1c: {  	s15 =	sor.u32 s16, s15  }
0x1d: {  	s15 =	sshrl.u32 s15, $0x3  }
0x1e: {  	s31 =	sadd.s32 s3, s15  }
0x1f: {  	[tilespmem:s13], [sflag:$0x1] =	stream.strided.gather [hbm4b:s31+s7], $0x2780, s8, s7, $0x38;
	[tilespmem:$0xCF00] =	vst v63  }
0x20: {  	_ =	swait.ge [sflag:s9], $0x2780  }
0x21: {  	[sflag:s9] =	ssyncset.done $0x0  }
0x22: {  	s15 =	sadd.s32 s4, s15;
	[sflag:s9] =	ssyncadd.s32 $0xFFFFD880  }
0x23: {  	[tilespmem:s10], [sflag:$0x1] =	stream.strided.gather [hbm4b:s15+s7], $0x2780, s8, s7, $0x38;
	[tilespmem:$0xCF00] =	vst v63  }
0x24: {  	_ =	swait.ge [sflag:s9], $0x2780  }
0x25: {  	[sflag:s9] =	ssyncset.done $0x0  }
0x26: {  	s16 =	simm.s32 $0x0;
	s15 =	simm.s32 $0x40;
	[sflag:s9] =	ssyncadd.s32 $0xFFFFD880  }
.LBB2_5:
0x27: {  	p0 =	sne.s32 s15, $0x9C00;
	v4 =	vld [tilespmem:s16+$0x0];
	_ =	sdelay $0x2  }
0x28: {  	v5 =	vld [tilespmem:s16+$0x2780];
	_ =	sdelay $0x1  }
0x29: {  	vm0 =	vge.s32 v4, v0;
	vm1 =	vlt.s32 v4, v1  }
0x2a: {  	v4 =	vsub.s32 v4, v0;
	vm0 =	vmand vm0, vm1  }
0x2b: {  	v4 =	vnsel vm0, $0x0, v4  }
0x2c: {  	v6 =	vshll.u32 v4, $0xA;
	v7 =	vshll.u32 v5, $0x3  }
0x2d: {  	v4 =	vshll.u32 v4, $0x7;
	v6 =	vand.u32 $0xFFFFE000, v6;
	v7 =	vand.u32 $0xFFFFFC00, v7  }
0x2e: {  	v4 =	vand.u32 $0x380, v4;
	v6 =	vadd.s32 v7, v6  }
0x2f: {  	v5 =	vand.u32 $0x7F, v5;
	v4 =	vor.u32 v4, v6  }
0x30: {  	v4 =	vor.u32 v5, v4  }
.Ltmp1:
0x31: {  	(pc) =	sbr.rel @p0 .LBB2_5-.Ltmp1, $2  }
0x32: {  	_ =	sdelay $0x2  }
0x33: {  	s16 =	sshra.s32 s15, $0x2;
	s15 =	sadd.s32 $0x40, s15;
	[tilespmem:v4+s11+$0x0] =	vst.idx.msk vm0, v3  }
0x34: {  	v4 =	vld [tilespmem:s16+$0x0];
	_ =	sdelay $0x2  }
0x35: {  	v5 =	vld [tilespmem:s16+$0x2780];
	_ =	sdelay $0x1  }
0x36: {  	vm0 =	vge.s32 v4, v0;
	vm1 =	vlt.s32 v4, v1  }
0x37: {  	v4 =	vsub.s32 v4, v0;
	vm0 =	vmand vm0, vm1  }
0x38: {  	v4 =	vnsel vm0, $0x0, v4  }
0x39: {  	v7 =	vshll.u32 v5, $0x3;
	v6 =	vshll.u32 v4, $0xA  }
0x3a: {  	v7 =	vand.u32 $0xFFFFFC00, v7;
	v4 =	vshll.u32 v4, $0x7;
	v6 =	vand.u32 $0xFFFFE000, v6  }
0x3b: {  	v4 =	vand.u32 $0x380, v4;
	v6 =	vadd.s32 v7, v6  }
0x3c: {  	s14 =	sadd.s32 $0x1, s14;
	v5 =	vand.u32 $0x7F, v5;
	v4 =	vor.u32 v4, v6  }
0x3d: {  	p0 =	sne.s32 s14, $0x10;
	v4 =	vor.u32 v5, v4  }
.Ltmp2:
0x3e: {  	_ = 	snop;
	(pc) =	sbr.rel @p0 .LBB2_4-.Ltmp2, $2  }
0x3f: {  	_ =	sdelay $0x2  }
0x40: {  	[tilespmem:v4+s11+$0x0] =	vst.idx.msk vm0, v3  }
0x41: {  	s12 =	sadd.s32 $0x1, s12  }
0x42: {  	p0 =	sne.s32 s12, s6  }
.Ltmp3:
0x43: {  	_ = 	snop;
	(pc) =	sbr.rel @p0 .LBB2_1-.Ltmp3, $4  }
0x44: {  	[hbm4b:s5+s2] =	stream.linear.scatter [tilespmem:s11], [sflag:$0x1], $0x8000, $0x38;
	[tilespmem:$0xCF00] =	vst v63  }
0x45: {  	_ =	swait.ge [sflag:s9], $0x8000  }
0x46: {  	[sflag:s9] =	ssyncset.done $0x0  }
0x47: {  	[sflag:s9] =	ssyncadd.s32 $0xFFFF8000  }
0x48: {  	_ =	sfence.sel $0x180000  }
0x49: {  	[bflag:$0x0] =	sbarrier.arrive $0xFFFF  }
0x4a: {  	p0 =	sne.s32 s1, $0x0;
	_ =	strace $0x90000056  }
0x4b: {  	s0 =	sadd.s32 @!p0 $0x100000, s0;
	[bflag:$0x2] =	sbarrier.arrive $0xFFFF  }
0x4c: {  	[sflag:s0] =	ssyncadd.tile.s32 @!p0 $0x1;
	_ =	shalt  }
.Lfunc_end2:
_tile_overlayer_lowered:
.L_overlay_start_2:
0x4d: {  	(tag) =	ssettag $0x2  }
0x4e: {  	s0 =	rddreg [dreg:$0x0];
	s2 =	stileid.u32  }
0x4f: {  	s1 =	rddreg [dreg:$0x1];
	p0 =	sne.s32 s2, $0x0  }
0x50: {  	s3 =	rddreg [dreg:$0x2];
	[bflag:$0x3] =	sbarrier.arrive $0xFFFF;
	s2 =	simm.s32 @!p0 $0x1C01  }
0x51: {  	[timem:s3], [sflag:s2] =	dma.local @!p0 [hbm:s0], s1  }
0x52: {  	s0 =	simm.s32 @!p0 $0x1  }
0x53: {  	_ =	swait.ge @!p0 [sflag:s0], s1  }
0x54: {  	s1 =	ssub.s32 @!p0 $0x0, s1;
	[sflag:s0] =	ssyncset.done @!p0 $0x0  }
0x55: {  	[sflag:s0] =	ssyncadd.s32 @!p0 s1  }
0x56: {  	[bflag:$0x3] =	sbarrier.arrive $0xFFFF  }
0x57: {  	_ =	shalt  }

// kernel: kernel.9.cloned.1.call-start
scs
__scs_entry_jumppad:
0x0: {  	(pc) =	sbr.rel $0x88, $3  }
0x1: {  	(tag) =	ssettag $0x0;
	lr =	simm.s32 $0x1  }
0x2: {  	[smem:$0x3F98] =	sst lr;
	_ =	strace $0xD0000000  }
0x3: {  	_ = 	snop  }
0x4: {  	_ = 	snop  }
0x5: {  	_ = 	snop  }
0x6: {  	_ = 	snop  }
0x7: {  	_ = 	snop  }
__scs_overlays_trampoline_lowered:
0x8: {  	[smem:$0x3FA7] =	sst s0  }
0x9: {  	[smem:$0x3FA8] =	sst s1  }
0xa: {  	[smem:$0x3FA9] =	sst s2  }
0xb: {  	[smem:$0x3FAA] =	sst s3  }
0xc: {  	[smem:$0x3FAB] =	sst s4  }
0xd: {  	[smem:$0x3FAC] =	sst s5  }
0xe: {  	[smem:$0x3FAD] =	sst s6  }
0xf: {  	[smem:$0x3FAE] =	sst s7  }
0x10: {  	[smem:$0x3FAF] =	sst s8  }
0x11: {  	[smem:$0x3FB0] =	sst s9;
	s0 =	simm.s32 @!p0 $0x0  }
0x12: {  	s1 =	sld [smem:$0x3F96];
	s0 =	simm.s32 @p0 $0x1  }
0x13: {  	[smem:$0x3FB1] =	sst s0;
	s0 =	simm.s32 @!p1 $0x0  }
0x14: {  	s2 =	sld [smem:$0x3F95];
	s0 =	simm.s32 @p1 $0x1  }
0x15: {  	[smem:$0x3FB2] =	sst s0;
	s0 =	simm.s32 @!p2 $0x0  }
0x16: {  	s3 =	sld [smem:$0x3FDB];
	s0 =	simm.s32 @p2 $0x1  }
0x17: {  	s4 =	simm.s32 $0x1BF5;
	[smem:$0x3FB4] =	sst s0  }
0x18: {  	s0 =	sld [smem:$0x3F97];
	_ =	swait.ge [sflag:s4], $0x0  }
0x19: {  	s7 =	sld [smem:$0x3F98]  }
0x1a: {  	s8 =	sadd.s32 $0xFFFFE003, lr  }
0x1b: {  	s9 =	sadd.s32 $0xFFFFFEF7, lr;
	s5 =	simm.s32 $0xFFFFFFFF;
	p2 =	slt.u32 s8, $0xFFFFF086  }
0x1c: {  	p1 =	slt.u32 s9, $0xF7A;
	s5 =	simm.s32 @!p2 $0x0  }
0x1d: {  	s5 =	simm.s32 @p1 $0x1;
	p0 =	seq.s32 s7, s2  }
0x1e: {  	s7 =	smul.u32 @!p0 $0xF7A, s2;
	p2 =	seq.s32 @!p0 s5, $0x0  }
0x1f: {  	s9 =	smul.u32 $0xF7A, s1;
	s8 =	simm.s32 @!p0 $0x1BF5;
	p2 =	por !p2, p0  }
0x20: {  	[sflag:s8] =	ssyncset.s32 @!p0 $0xFFFFF086;
	s6 =	sadd.s32 @!p0 s3, s7;
	s7 =	simm.s32 @!p0 $0x108  }
0x21: {  	s3 =	sadd.s32 s3, s9;
	s6 =	sadd.s32 @!p0 $0x88, s6;
	s7 =	simm.s32 @p2 $0x1082  }
0x22: {  	[simem:s7], [sflag:s8] =	dma.local @!p0 [hbm:s6], $0xF7A  }
0x23: {  	s9 =	sor.u32 $0xD0000000, s2;
	s6 =	simm.s32 $0x108;
	_ =	swait.ge @!p0 [sflag:s8], $0x0  }
0x24: {  	s3 =	sadd.s32 $0x88, s3;
	s6 =	simm.s32 @!p1 $0x1082;
	[sflag:s4] =	ssyncset.s32 $0xFFFFF086  }
0x25: {  	[simem:s6], [sflag:s4] =	dma.local [hbm:s3], $0xF7A  }
0x26: {  	[smem:$0x3F98] =	sst s1;
	(tag) =	ssettag s2;
	_ =	strace s9  }
0x27: {  	s1 =	sld [smem:$0x3FA8]  }
0x28: {  	s2 =	sld [smem:$0x3FA9]  }
0x29: {  	s4 =	sld [smem:$0x3FAB]  }
0x2a: {  	p0 =	seq.s32 s5, $0x0;
	s5 =	sld [smem:$0x3FAC]  }
0x2b: {  	s6 =	sld [smem:$0x3FAD]  }
0x2c: {  	s7 =	sld [smem:$0x3FAE]  }
0x2d: {  	s3 =	simm.s32 $0x108;
	s8 =	sld [smem:$0x3FAF]  }
0x2e: {  	s3 =	simm.s32 @!p0 $0x1082;
	s9 =	sld [smem:$0x3FB0]  }
0x2f: {  	lr =	sadd.s32 s0, s3;
	s0 =	sld [smem:$0x3FA7]  }
0x30: {  	s3 =	sld [smem:$0x3FAA]  }
0x31: {  	[smem:$0x3FB3] =	sst s10  }
0x32: {  	s10 =	sld [smem:$0x3FB1];
	_ =	sdelay $0x3  }
0x33: {  	p0 =	seq.s32 s10, $0x1;
	s10 =	sld [smem:$0x3FB3];
	_ =	sdelay $0x3  }
0x34: {  	[smem:$0x3FB3] =	sst s10  }
0x35: {  	s10 =	sld [smem:$0x3FB2];
	_ =	sdelay $0x3  }
0x36: {  	p1 =	seq.s32 s10, $0x1;
	s10 =	sld [smem:$0x3FB3];
	_ =	sdelay $0x3  }
0x37: {  	[smem:$0x3FB3] =	sst s10  }
0x38: {  	s10 =	sld [smem:$0x3FB4]  }
0x39: {  	_ = 	snop;
	(pc) =	sbr.ind lr, $3  }
0x3a: {  	_ = 	snop  }
0x3b: {  	_ = 	snop  }
0x3c: {  	p2 =	seq.s32 s10, $0x1;
	s10 =	sld [smem:$0x3FB3]  }
0x3d: {  	_ =	shalt  }
0x3e: {  	_ =	shalt  }
0x3f: {  	_ =	shalt  }
0x40: {  	_ =	shalt  }
0x41: {  	_ =	shalt  }
0x42: {  	_ =	shalt  }
0x43: {  	_ =	shalt  }
0x44: {  	_ =	shalt  }
0x45: {  	_ =	shalt  }
0x46: {  	_ =	shalt  }
0x47: {  	_ =	shalt  }
0x48: {  	_ =	shalt  }
0x49: {  	_ =	shalt  }
0x4a: {  	_ =	shalt  }
0x4b: {  	_ =	shalt  }
0x4c: {  	_ =	shalt  }
0x4d: {  	_ =	shalt  }
0x4e: {  	_ =	shalt  }
0x4f: {  	_ =	shalt  }
0x50: {  	_ =	shalt  }
0x51: {  	_ =	shalt  }
0x52: {  	_ =	shalt  }
0x53: {  	_ =	shalt  }
0x54: {  	_ =	shalt  }
0x55: {  	_ =	shalt  }
0x56: {  	_ =	shalt  }
0x57: {  	_ =	shalt  }
0x58: {  	_ =	shalt  }
0x59: {  	_ =	shalt  }
0x5a: {  	_ =	shalt  }
0x5b: {  	_ =	shalt  }
0x5c: {  	_ =	shalt  }
0x5d: {  	_ =	shalt  }
0x5e: {  	_ =	shalt  }
0x5f: {  	_ =	shalt  }
0x60: {  	_ =	shalt  }
0x61: {  	_ =	shalt  }
0x62: {  	_ =	shalt  }
0x63: {  	_ =	shalt  }
0x64: {  	_ =	shalt  }
0x65: {  	_ =	shalt  }
0x66: {  	_ =	shalt  }
0x67: {  	_ =	shalt  }
0x68: {  	_ =	shalt  }
0x69: {  	_ =	shalt  }
0x6a: {  	_ =	shalt  }
0x6b: {  	_ =	shalt  }
0x6c: {  	_ =	shalt  }
0x6d: {  	_ =	shalt  }
0x6e: {  	_ =	shalt  }
0x6f: {  	_ =	shalt  }
0x70: {  	_ =	shalt  }
0x71: {  	_ =	shalt  }
0x72: {  	_ =	shalt  }
0x73: {  	_ =	shalt  }
0x74: {  	_ =	shalt  }
0x75: {  	_ =	shalt  }
0x76: {  	_ =	shalt  }
0x77: {  	_ =	shalt  }
0x78: {  	_ =	shalt  }
0x79: {  	_ =	shalt  }
0x7a: {  	_ =	shalt  }
0x7b: {  	_ =	shalt  }
0x7c: {  	_ =	shalt  }
0x7d: {  	_ =	shalt  }
0x7e: {  	_ =	shalt  }
0x7f: {  	_ =	shalt  }
0x80: {  	_ =	shalt  }
0x81: {  	_ =	shalt  }
0x82: {  	_ =	shalt  }
0x83: {  	_ =	shalt  }
0x84: {  	_ =	shalt  }
0x85: {  	_ =	shalt  }
0x86: {  	_ =	shalt  }
0x87: {  	_ =	shalt  }
.Lfunc_end0:
.L_simem_size_0:
called_computation.2_lowered:
.L_overlay_start_0:
0x88: {  	s2 =	sld [smem:$0x3FD9]  }
0x89: {  	s3 =	sld [smem:$0x3FFE];
	_ =	sdelay $0x1  }
0x8a: {  	s1 =	srdreg.scid  }
0x8b: {  	s0 =	sand.u32 $0x1, s1  }
0x8c: {  	s15 =	sshll.u32 s0, $0xA;
	s2 =	sadd.s32 s3, s2  }
0x8d: {  	s2 =	sadd.s32 s2, s15  }
0x8e: {  	[smem:$0x3FBF] =	sst s2  }
0x8f: {  	_ = 	snop  }
0x90: {  	s2 =	sld [smem:$0x3FD0];
	_ =	sdelay $0x2  }
0x91: {  	s16 =	simm.s32 $0xB;
	s4 =	simm.s32 $0x10  }
0x92: {  	[smem:s4], [sflag:s16] =	dma.local [hbm:s2], $0x1  }
0x93: {  	_ =	swait.eq [sflag:s16], $0x1  }
0x94: {  	[sflag:s16] =	ssyncset.done $0x0  }
0x95: {  	[sflag:s16] =	ssyncadd.s32 $0xFFFFFFFF  }
0x96: {  	s17 =	sld [smem:$0x10];
	(tm) =	ssettm $0x1  }
0x97: {  	s18 =	sld [smem:$0x3FFB];
	_ =	sdelay $0x3  }
0x98: {  	_ =	strace s18  }
0x99: {  	s2 =	sld [smem:$0x3FFC];
	_ =	sdelay $0x3  }
0x9a: {  	_ =	strace s2  }
0x9b: {  	s2 =	sld [smem:$0x3FFD];
	_ =	sdelay $0x3  }
0x9c: {  	_ =	strace s2  }
0x9d: {  	_ =	strace $0x8FFFFFFF  }
0x9e: {  	s19 =	sld [smem:$0x3FDB];
	_ =	sdelay $0x1  }
0x9f: {  	s20 =	simm.s32 $_scs_section_size  }
0xa0: {  	s5 =	simm.s32 $_size__tile_overlayer_lowered;
	s6 =	simm.s32 $_tile_overlayer_lowered  }
0xa1: {  	s7 =	simm.s32 $0x1BFF;
	s21 =	sshll.u32 s6, $0x1;
	s4 =	sadd.s32 s20, s19  }
0xa2: {  	s22 =	simm.s32 $0x0;
	s5 =	sshll.u32 s5, $0x1;
	s6 =	sadd.s32 s21, s4  }
0xa3: {  	[timem:s22], [sflag:s7] =	dma.local [hbm:s6], s5  }
0xa4: {  	_ =	swait.ge [sflag:s7], s5  }
0xa5: {  	s5 =	ssub.s32 $0x0, s5;
	[sflag:s7] =	ssyncset.done $0x0  }
0xa6: {  	[sflag:s7] =	ssyncadd.s32 s5;
	_ =	sdelay $0x1  }
0xa7: {  	s23 =	simm.s32 $0x1B8B  }
0xa8: {  	_ =	swait.ge [sflag:s23], $0x1  }
0xa9: {  	[sflag:s23] =	ssyncset.done $0x0  }
0xaa: {  	[sflag:s23] =	ssyncadd.s32 $0xFFFFFFFF  }
0xab: {  	s5 =	sld [smem:$0x0]  }
0xac: {  	s6 =	sand.u32 $0xFFFFFFFE, s1  }
0xad: {  	p0 =	sne.s32 s1, s6  }
0xae: {  	s6 =	sshll.u32 @p0 s6, $0xE  }
0xaf: {  	s6 =	sadd.s32 @p0 $0x11B8D, s6;
	s7 =	sshll.u32 @p0 s5, $0x11  }
0xb0: {  	s6 =	sor.u32 @p0 s7, s6  }
0xb1: {  	[sflag:s6] =	ssyncadd.remote.s32 @p0 $0x1;
	_ =	sdelay $0x1  }
0xb2: {  	s6 =	simm.s32 @p0 $0x1B8D  }
0xb3: {  	_ =	swait.eq @p0 [sflag:s6], $0x1  }
0xb4: {  	[sflag:s6] =	ssyncadd.s32 @p0 $0xFFFFFFFF  }
0xb5: {  	s7 =	sshll.u32 @!p0 s1, $0xE  }
0xb6: {  	s7 =	sor.u32 @!p0 $0x4000, s7;
	s6 =	simm.s32 @!p0 $0x1B8D  }
0xb7: {  	s5 =	sshll.u32 @!p0 s5, $0x11;
	s7 =	sadd.s32 @!p0 $0x11B8D, s7;
	_ =	swait.eq @!p0 [sflag:s6], $0x1  }
0xb8: {  	s5 =	sor.u32 @!p0 s5, s7;
	[sflag:s6] =	ssyncadd.s32 @!p0 $0xFFFFFFFF  }
0xb9: {  	s25 =	simm.s32 $0x1B8E;
	s24 =	sld [smem:$0x3FFE];
	[sflag:s5] =	ssyncadd.remote.s32 @!p0 $0x1  }
0xba: {  	s26 =	simm.s32 $execute0_lowered;
	[smem:$0x3FD2] =	sst s25  }
0xbb: {  	s6 =	sshll.u32 s26, $0x1;
	_ =	strace $0x8000004F;
	[dreg:$0x1] =	wrdreg $0xFFFFFFFF  }
0xbc: {  	s28 =	simm.s32 $_size_execute0_lowered;
	s4 =	sadd.s32 s4, s6;
	[dreg:$0x0] =	wrdreg $0x0  }
0xbd: {  	s6 =	sshll.u32 s28, $0x1;
	[dreg:$0x2] =	wrdreg s4  }
0xbe: {  	[dreg:$0x3] =	wrdreg s6  }
0xbf: {  	[dreg:$0x4] =	wrdreg $0xC0  }
0xc0: {  	_ =	task [dreg:s22], $0x5FFFF  }
0xc1: {  	[dreg:$0x1] =	wrdreg $0xFFFFFFFF  }
0xc2: {  	[dreg:$0x0] =	wrdreg $0x60  }
0xc3: {  	[dreg:$0x2] =	wrdreg s24  }
0xc4: {  	[dreg:$0x3] =	wrdreg s17  }
0xc5: {  	[dreg:$0x4] =	wrdreg $0x90000  }
0xc6: {  	[dreg:$0x5] =	wrdreg $0xA  }
0xc7: {  	_ =	task.clear_ibuf [dreg:s22], $0x6FFFF;
	_ =	strace $0x9000004F  }
0xc8: {  	s29 =	simm.s32 $0xA;
	_ =	strace $0x80000051  }
0xc9: {  	_ =	swait.ge [sflag:s29], $0x1  }
0xca: {  	[sflag:s29] =	ssyncadd.s32 $0xFFFFFFFF  }
0xcb: {  	_ =	strace $0x90000051  }
0xcc: {  	_ =	sfence  }
0xcd: {  	s30 =	sld [smem:$0x0];
	_ =	sdelay $0x2  }
0xce: {  	s31 =	sshll.u32 s1, $0xD;
	s1 =	sshrl.u32 s1, $0x2  }
0xcf: {  	s4 =	sand.u32 $0x4000, s31;
	s1 =	sadd.s32 s1, s30  }
0xd0: {  	s0 =	sor.u32 s4, s0;
	s1 =	sshll.u32 s1, $0x11  }
0xd1: {  	s0 =	sor.u32 s1, s0  }
0xd2: {  	s0 =	sadd.s32 $0x8F2B, s0  }
0xd3: {  	[sflag:s0] =	ssyncadd.remote.s32 $0x1  }
0xd4: {  	_ =	sfence.sel $0xFFFF  }
0xd5: {  	[dreg:$0x0] =	wrdreg $0xFFFFFFFF;
	(pc) =	sbr.abs _section_cstart, $3  }
0xd6: {  	[dreg:$0x1] =	wrdreg $0xFFFFFFFF  }
0xd7: {  	_ =	task.clear_ibuf [dreg:s22], $0x2FFFF;
	_ =	strace $0x9FFFFFFF  }
0xd8: {  	(tm) =	ssettm $0x7FFFFFFF  }
0xd9: {  	_ =	shalt  }
tec
execute0_lowered:
.L_overlay_start_1:
0x0: {  	(tag) =	ssettag $0x1  }
0x1: {  	s8 =	rddreg [dreg:$0x0]  }
0x2: {  	s1 =	rddreg [dreg:$0x1]  }
0x3: {  	s3 =	rddreg [dreg:$0x2]  }
0x4: {  	s0 =	rddreg [dreg:$0x3]  }
0x5: {  	s4 =	simm.s32 $0x0;
	s2 =	stileid.u32;
	s6 =	srdreg.scid  }
0x6: {  	s14 =	simm.s32 $0x2800;
	s17 =	simm.s32 $0x80;
	s18 =	simm.s32 $0x5000  }
0x7: {  	s19 =	simm.s32 $0x1;
	s20 =	simm.s32 $0x0;
	[smem:$0x7FF] =	sst s4  }
0x8: {  	s7 =	smul.u32 $0x500, s2;
	s5 =	sadd.s32 $0x45E00, s8;
	s9 =	sand.u32 $0x1, s6  }
0x9: {  	s6 =	sadd.s32 $0x1EC00, s8;
	s13 =	smul.u32 $0x50000, s2;
	s15 =	sshll.u32 s2, $0x6  }
0xa: {  	_ =	strace $0x80000050;
	s11 =	ssub.s32 $0x2, s9;
	p0 =	seq.s32 s9, $0x1  }
.Ltmp0:
0xb: {  	s15 =	sor.u32 $0x1C02, s15;
	s10 =	sadd.s32 s7, s8;
	(pc) =	sbr.rel .LBB2_1-.Ltmp0, $4  }
0xc: {  	s7 =	sadd.s32 $0x6D000, s8;
	s12 =	sshrl.u32 s11, $0x1;
	s8 =	sadd.s32 $0x6F800, s8  }
0xd: {  	s31 =	sshrl.u32 s13, $0x2;
	s13 =	simm.s32 $0x2;
	s12 =	ssub.s32 s11, s12  }
0xe: {  	s9 =	sadd.s32 $0x19C00, s10;
	s10 =	sadd.s32 $0x14C00, s10;
	s16 =	sadd.s32 s31, s3  }
0xf: {  	s11 =	smul.u32 $0x2800, s2;
	s12 =	smax.u32 s12, $0x1;
	s16 =	sshrl.u32 s16, $0x3  }
.LBB2_7:
0x10: {  	s21 =	sshra.s32 s21, $0x2;
	[sflag:s13] =	ssyncadd.s32 $0xFFFFC000  }
0x11: {  	[tilespmem:s18], [sflag:$0x1] =	stream.indirect.gather [hbm4b:s6+s17], $0x80, s21, s17, $0xb8;
	[tilespmem:$0x1D000] =	vst v63  }
0x12: {  	_ =	swait.ge [sflag:s19], $0x4000  }
0x13: {  	[sflag:s19] =	ssyncset.done $0x0  }
0x14: {  	s21 =	sadd.s32 $0x2800, s21;
	[sflag:s19] =	ssyncadd.s32 $0xFFFFC000  }
0x15: {  	[spmem:s3] =	stream.indirect.scatter.add.f32 [tilespmem:s18], [sflag:$0x2], $0x80, s21, s17, $0xb8;
	[tilespmem:$0x1D000] =	vst v63  }
0x16: {  	_ =	swait.ge [sflag:s13], $0x4000  }
0x17: {  	[sflag:s13] =	ssyncset.done $0x0  }
0x18: {  	s21 =	smov.u32 s8;
	[sflag:s13] =	ssyncadd.s32 $0xFFFFC000  }
.LBB2_8:
0x19: {  	s20 =	sadd.s32 $0x1, s20  }
0x1a: {  	p1 =	sne.s32 s20, s12  }
.Ltmp1:
0x1b: {  	s21 =	sadd.s32 s21, s11;
	[bflag:$0x0] =	sbarrier.arrive $0xFFFF;
	(pc) =	sbr.rel @!p1 .LBB2_9-.Ltmp1, $4  }
0x1c: {  	[hbm:s21], [sflag:s15] =	dma.local [spmem:s16], $0x2800  }
0x1d: {  	_ =	swait.ge [sflag:s13], $0x2800  }
0x1e: {  	[sflag:s13] =	ssyncset.done $0x0  }
0x1f: {  	[sflag:s13] =	ssyncadd.s32 $0xFFFFD800  }
.LBB2_1:
0x20: {  	[tilespmem:s4], [sflag:$0x2] =	stream.linear.gather [hbm4b:s9+s4], $0x2800, $0x38;
	[tilespmem:$0x1D000] =	vst v63  }
0x21: {  	_ =	swait.ge [sflag:s13], $0x2800  }
0x22: {  	[sflag:s13] =	ssyncset.done $0x0  }
0x23: {  	[sflag:s13] =	ssyncadd.s32 $0xFFFFD800  }
0x24: {  	[tilespmem:s14], [sflag:$0x2] =	stream.linear.gather [hbm4b:s10+s4], $0x2800, $0x38;
	[tilespmem:$0x1D000] =	vst v63  }
0x25: {  	_ =	swait.ge [sflag:s13], $0x2800  }
0x26: {  	[sflag:s13] =	ssyncset.done $0x0  }
0x27: {  	[sflag:s13] =	ssyncadd.s32 $0xFFFFD800  }
0x28: {  	[spmem:s16], [sflag:s15] =	dma.local [hbm:s7], $0x2800  }
.Ltmp2:
0x29: {  	_ =	swait.ge [sflag:s13], $0x2800;
	(pc) =	sbr.rel @!p0 .LBB2_2-.Ltmp2, $4  }
0x2a: {  	[sflag:s13] =	ssyncset.done $0x0  }
0x2b: {  	[sflag:s13] =	ssyncadd.s32 $0xFFFFD800  }
0x2c: {  	[bflag:$0x0] =	sbarrier.arrive $0xFFFF  }
0x2d: {  	s21 =	simm.s32 $0x0  }
0x2e: {  	[tilespmem:s18], [sflag:$0x1] =	stream.indirect.gather [hbm4b:s6+s17], $0x80, s21, s17, $0xb8;
	[tilespmem:$0x1D000] =	vst v63  }
0x2f: {  	_ =	swait.ge [sflag:s19], $0x4000  }
0x30: {  	[sflag:s19] =	ssyncset.done $0x0  }
0x31: {  	s31 =	simm.s32 $0x2800;
	[sflag:s19] =	ssyncadd.s32 $0xFFFFC000  }
0x32: {  	[spmem:s3] =	stream.indirect.scatter.add.f32 [tilespmem:s18], [sflag:$0x2], $0x80, s31, s17, $0xb8;
	[tilespmem:$0x1D000] =	vst v63  }
0x33: {  	_ =	swait.ge [sflag:s13], $0x4000  }
0x34: {  	s21 =	simm.s32 $0x200;
	s22 =	simm.s32 $0x400;
	[sflag:s13] =	ssyncset.done $0x0  }
.LBB2_6:
0x35: {  	s23 =	sshra.s32 s21, $0x2  }
0x36: {  	[sflag:s13] =	ssyncadd.s32 $0xFFFFC000;
	s21 =	smov.u32 s22;
	s24 =	sadd.s32 $0x200, s22  }
0x37: {  	[tilespmem:s18], [sflag:$0x1] =	stream.indirect.gather [hbm4b:s6+s17], $0x80, s23, s17, $0xb8;
	[tilespmem:$0x1D000] =	vst v63  }
0x38: {  	p1 =	sne.s32 s22, $0x9E00;
	_ =	swait.ge [sflag:s19], $0x4000  }
.Ltmp3:
0x39: {  	[sflag:s19] =	ssyncset.done $0x0;
	(pc) =	sbr.rel @p1 .LBB2_6-.Ltmp3, $4  }
0x3a: {  	s22 =	sadd.s32 $0x2800, s23;
	[sflag:s19] =	ssyncadd.s32 $0xFFFFC000  }
0x3b: {  	[spmem:s3] =	stream.indirect.scatter.add.f32 [tilespmem:s18], [sflag:$0x2], $0x80, s22, s17, $0xb8;
	[tilespmem:$0x1D000] =	vst v63  }
0x3c: {  	_ =	swait.ge [sflag:s13], $0x4000  }
0x3d: {  	s22 =	smov.u32 s24;
	[sflag:s13] =	ssyncset.done $0x0  }
.Ltmp4:
0x3e: {  	_ = 	snop;
	(pc) =	sbr.rel .LBB2_7-.Ltmp4, $1  }
0x3f: {  	_ =	sdelay $0x3  }
.LBB2_2:
0x40: {  	[tilespmem:s18], [sflag:$0x1] =	stream.indirect.gather [hbm4b:s5+s17], $0x80, s21, s17, $0xb8;
	[tilespmem:$0x1D000] =	vst v63  }
0x41: {  	_ =	swait.ge [sflag:s19], $0x4000  }
0x42: {  	[sflag:s19] =	ssyncset.done $0x0  }
0x43: {  	s31 =	simm.s32 $0x2800;
	[sflag:s19] =	ssyncadd.s32 $0xFFFFC000  }
0x44: {  	[spmem:s3] =	stream.indirect.scatter.add.f32 [tilespmem:s18], [sflag:$0x2], $0x80, s31, s17, $0xb8;
	[tilespmem:$0x1D000] =	vst v63  }
0x45: {  	_ =	swait.ge [sflag:s13], $0x4000  }
0x46: {  	s21 =	simm.s32 $0x200;
	s22 =	simm.s32 $0x400;
	[sflag:s13] =	ssyncset.done $0x0  }
.LBB2_3:
0x47: {  	s23 =	sshra.s32 s21, $0x2  }
0x48: {  	[sflag:s13] =	ssyncadd.s32 $0xFFFFC000;
	s21 =	smov.u32 s22;
	s24 =	sadd.s32 $0x200, s22  }
0x49: {  	[tilespmem:s18], [sflag:$0x1] =	stream.indirect.gather [hbm4b:s5+s17], $0x80, s23, s17, $0xb8;
	[tilespmem:$0x1D000] =	vst v63  }
0x4a: {  	p1 =	seq.s32 s22, $0x9E00;
	_ =	swait.ge [sflag:s19], $0x4000  }
.Ltmp5:
0x4b: {  	[sflag:s19] =	ssyncset.done $0x0;
	(pc) =	sbr.rel @!p1 .LBB2_3-.Ltmp5, $4  }
0x4c: {  	s22 =	sadd.s32 $0x2800, s23;
	[sflag:s19] =	ssyncadd.s32 $0xFFFFC000  }
0x4d: {  	[spmem:s3] =	stream.indirect.scatter.add.f32 [tilespmem:s18], [sflag:$0x2], $0x80, s22, s17, $0xb8;
	[tilespmem:$0x1D000] =	vst v63  }
0x4e: {  	_ =	swait.ge [sflag:s13], $0x4000  }
0x4f: {  	s22 =	smov.u32 s24;
	[sflag:s13] =	ssyncset.done $0x0  }
0x50: {  	s21 =	sshra.s32 s21, $0x2;
	[sflag:s13] =	ssyncadd.s32 $0xFFFFC000  }
0x51: {  	[tilespmem:s18], [sflag:$0x1] =	stream.indirect.gather [hbm4b:s5+s17], $0x80, s21, s17, $0xb8;
	[tilespmem:$0x1D000] =	vst v63  }
0x52: {  	_ =	swait.ge [sflag:s19], $0x4000  }
0x53: {  	[sflag:s19] =	ssyncset.done $0x0  }
.Ltmp6:
0x54: {  	s21 =	sadd.s32 $0x2800, s21;
	[sflag:s19] =	ssyncadd.s32 $0xFFFFC000;
	(pc) =	sbr.rel .LBB2_8-.Ltmp6, $4  }
0x55: {  	[spmem:s3] =	stream.indirect.scatter.add.f32 [tilespmem:s18], [sflag:$0x2], $0x80, s21, s17, $0xb8;
	[tilespmem:$0x1D000] =	vst v63  }
0x56: {  	_ =	swait.ge [sflag:s13], $0x4000  }
0x57: {  	[sflag:s13] =	ssyncset.done $0x0  }
0x58: {  	s21 =	smov.u32 s1;
	[sflag:s13] =	ssyncadd.s32 $0xFFFFC000  }
.LBB2_9:
0x59: {  	_ =	sfence.sel $0x180000  }
0x5a: {  	[bflag:$0x0] =	sbarrier.arrive $0xFFFF  }
0x5b: {  	p0 =	sne.s32 s2, $0x0;
	_ =	strace $0x90000050  }
0x5c: {  	s0 =	sadd.s32 @!p0 $0x100000, s0;
	[bflag:$0x2] =	sbarrier.arrive $0xFFFF  }
0x5d: {  	[sflag:s0] =	ssyncadd.tile.s32 @!p0 $0x1;
	_ =	shalt  }
.Lfunc_end2:
_tile_overlayer_lowered:
.L_overlay_start_2:
0x5e: {  	(tag) =	ssettag $0x2  }
0x5f: {  	s0 =	rddreg [dreg:$0x0];
	s2 =	stileid.u32  }
0x60: {  	s1 =	rddreg [dreg:$0x1];
	p0 =	sne.s32 s2, $0x0  }
0x61: {  	s3 =	rddreg [dreg:$0x2];
	[bflag:$0x3] =	sbarrier.arrive $0xFFFF;
	s2 =	simm.s32 @!p0 $0x1C02  }
0x62: {  	[timem:s3], [sflag:s2] =	dma.local @!p0 [hbm:s0], s1  }
0x63: {  	s0 =	simm.s32 @!p0 $0x2  }
0x64: {  	_ =	swait.ge @!p0 [sflag:s0], s1  }
0x65: {  	s1 =	ssub.s32 @!p0 $0x0, s1;
	[sflag:s0] =	ssyncset.done @!p0 $0x0  }
0x66: {  	[sflag:s0] =	ssyncadd.s32 @!p0 s1  }
0x67: {  	[bflag:$0x3] =	sbarrier.arrive $0xFFFF  }
0x68: {  	_ =	shalt  }

// kernel: scatter_offload_async_start.1
scs
__scs_entry_jumppad:
0x0: {  	(pc) =	sbr.rel $0x88, $3  }
0x1: {  	(tag) =	ssettag $0x0;
	lr =	simm.s32 $0x1  }
0x2: {  	[smem:$0x3F98] =	sst lr;
	_ =	strace $0xD0000000  }
0x3: {  	_ = 	snop  }
0x4: {  	_ = 	snop  }
0x5: {  	_ = 	snop  }
0x6: {  	_ = 	snop  }
0x7: {  	_ = 	snop  }
__scs_overlays_trampoline_lowered:
0x8: {  	[smem:$0x3FA7] =	sst s0  }
0x9: {  	[smem:$0x3FA8] =	sst s1  }
0xa: {  	[smem:$0x3FA9] =	sst s2  }
0xb: {  	[smem:$0x3FAA] =	sst s3  }
0xc: {  	[smem:$0x3FAB] =	sst s4  }
0xd: {  	[smem:$0x3FAC] =	sst s5  }
0xe: {  	[smem:$0x3FAD] =	sst s6  }
0xf: {  	[smem:$0x3FAE] =	sst s7  }
0x10: {  	[smem:$0x3FAF] =	sst s8  }
0x11: {  	[smem:$0x3FB0] =	sst s9;
	s0 =	simm.s32 @!p0 $0x0  }
0x12: {  	s1 =	sld [smem:$0x3F96];
	s0 =	simm.s32 @p0 $0x1  }
0x13: {  	[smem:$0x3FB1] =	sst s0;
	s0 =	simm.s32 @!p1 $0x0  }
0x14: {  	s2 =	sld [smem:$0x3F95];
	s0 =	simm.s32 @p1 $0x1  }
0x15: {  	[smem:$0x3FB2] =	sst s0;
	s0 =	simm.s32 @!p2 $0x0  }
0x16: {  	s3 =	sld [smem:$0x3FDB];
	s0 =	simm.s32 @p2 $0x1  }
0x17: {  	s4 =	simm.s32 $0x1BF5;
	[smem:$0x3FB4] =	sst s0  }
0x18: {  	s0 =	sld [smem:$0x3F97];
	_ =	swait.ge [sflag:s4], $0x0  }
0x19: {  	s7 =	sld [smem:$0x3F98]  }
0x1a: {  	s8 =	sadd.s32 $0xFFFFE003, lr  }
0x1b: {  	s9 =	sadd.s32 $0xFFFFFEF7, lr;
	s5 =	simm.s32 $0xFFFFFFFF;
	p2 =	slt.u32 s8, $0xFFFFF086  }
0x1c: {  	p1 =	slt.u32 s9, $0xF7A;
	s5 =	simm.s32 @!p2 $0x0  }
0x1d: {  	s5 =	simm.s32 @p1 $0x1;
	p0 =	seq.s32 s7, s2  }
0x1e: {  	s7 =	smul.u32 @!p0 $0xF7A, s2;
	p2 =	seq.s32 @!p0 s5, $0x0  }
0x1f: {  	s9 =	smul.u32 $0xF7A, s1;
	s8 =	simm.s32 @!p0 $0x1BF5;
	p2 =	por !p2, p0  }
0x20: {  	[sflag:s8] =	ssyncset.s32 @!p0 $0xFFFFF086;
	s6 =	sadd.s32 @!p0 s3, s7;
	s7 =	simm.s32 @!p0 $0x108  }
0x21: {  	s3 =	sadd.s32 s3, s9;
	s6 =	sadd.s32 @!p0 $0x88, s6;
	s7 =	simm.s32 @p2 $0x1082  }
0x22: {  	[simem:s7], [sflag:s8] =	dma.local @!p0 [hbm:s6], $0xF7A  }
0x23: {  	s9 =	sor.u32 $0xD0000000, s2;
	s6 =	simm.s32 $0x108;
	_ =	swait.ge @!p0 [sflag:s8], $0x0  }
0x24: {  	s3 =	sadd.s32 $0x88, s3;
	s6 =	simm.s32 @!p1 $0x1082;
	[sflag:s4] =	ssyncset.s32 $0xFFFFF086  }
0x25: {  	[simem:s6], [sflag:s4] =	dma.local [hbm:s3], $0xF7A  }
0x26: {  	[smem:$0x3F98] =	sst s1;
	(tag) =	ssettag s2;
	_ =	strace s9  }
0x27: {  	s1 =	sld [smem:$0x3FA8]  }
0x28: {  	s2 =	sld [smem:$0x3FA9]  }
0x29: {  	s4 =	sld [smem:$0x3FAB]  }
0x2a: {  	p0 =	seq.s32 s5, $0x0;
	s5 =	sld [smem:$0x3FAC]  }
0x2b: {  	s6 =	sld [smem:$0x3FAD]  }
0x2c: {  	s7 =	sld [smem:$0x3FAE]  }
0x2d: {  	s3 =	simm.s32 $0x108;
	s8 =	sld [smem:$0x3FAF]  }
0x2e: {  	s3 =	simm.s32 @!p0 $0x1082;
	s9 =	sld [smem:$0x3FB0]  }
0x2f: {  	lr =	sadd.s32 s0, s3;
	s0 =	sld [smem:$0x3FA7]  }
0x30: {  	s3 =	sld [smem:$0x3FAA]  }
0x31: {  	[smem:$0x3FB3] =	sst s10  }
0x32: {  	s10 =	sld [smem:$0x3FB1];
	_ =	sdelay $0x3  }
0x33: {  	p0 =	seq.s32 s10, $0x1;
	s10 =	sld [smem:$0x3FB3];
	_ =	sdelay $0x3  }
0x34: {  	[smem:$0x3FB3] =	sst s10  }
0x35: {  	s10 =	sld [smem:$0x3FB2];
	_ =	sdelay $0x3  }
0x36: {  	p1 =	seq.s32 s10, $0x1;
	s10 =	sld [smem:$0x3FB3];
	_ =	sdelay $0x3  }
0x37: {  	[smem:$0x3FB3] =	sst s10  }
0x38: {  	s10 =	sld [smem:$0x3FB4]  }
0x39: {  	_ = 	snop;
	(pc) =	sbr.ind lr, $3  }
0x3a: {  	_ = 	snop  }
0x3b: {  	_ = 	snop  }
0x3c: {  	p2 =	seq.s32 s10, $0x1;
	s10 =	sld [smem:$0x3FB3]  }
0x3d: {  	_ =	shalt  }
0x3e: {  	_ =	shalt  }
0x3f: {  	_ =	shalt  }
0x40: {  	_ =	shalt  }
0x41: {  	_ =	shalt  }
0x42: {  	_ =	shalt  }
0x43: {  	_ =	shalt  }
0x44: {  	_ =	shalt  }
0x45: {  	_ =	shalt  }
0x46: {  	_ =	shalt  }
0x47: {  	_ =	shalt  }
0x48: {  	_ =	shalt  }
0x49: {  	_ =	shalt  }
0x4a: {  	_ =	shalt  }
0x4b: {  	_ =	shalt  }
0x4c: {  	_ =	shalt  }
0x4d: {  	_ =	shalt  }
0x4e: {  	_ =	shalt  }
0x4f: {  	_ =	shalt  }
0x50: {  	_ =	shalt  }
0x51: {  	_ =	shalt  }
0x52: {  	_ =	shalt  }
0x53: {  	_ =	shalt  }
0x54: {  	_ =	shalt  }
0x55: {  	_ =	shalt  }
0x56: {  	_ =	shalt  }
0x57: {  	_ =	shalt  }
0x58: {  	_ =	shalt  }
0x59: {  	_ =	shalt  }
0x5a: {  	_ =	shalt  }
0x5b: {  	_ =	shalt  }
0x5c: {  	_ =	shalt  }
0x5d: {  	_ =	shalt  }
0x5e: {  	_ =	shalt  }
0x5f: {  	_ =	shalt  }
0x60: {  	_ =	shalt  }
0x61: {  	_ =	shalt  }
0x62: {  	_ =	shalt  }
0x63: {  	_ =	shalt  }
0x64: {  	_ =	shalt  }
0x65: {  	_ =	shalt  }
0x66: {  	_ =	shalt  }
0x67: {  	_ =	shalt  }
0x68: {  	_ =	shalt  }
0x69: {  	_ =	shalt  }
0x6a: {  	_ =	shalt  }
0x6b: {  	_ =	shalt  }
0x6c: {  	_ =	shalt  }
0x6d: {  	_ =	shalt  }
0x6e: {  	_ =	shalt  }
0x6f: {  	_ =	shalt  }
0x70: {  	_ =	shalt  }
0x71: {  	_ =	shalt  }
0x72: {  	_ =	shalt  }
0x73: {  	_ =	shalt  }
0x74: {  	_ =	shalt  }
0x75: {  	_ =	shalt  }
0x76: {  	_ =	shalt  }
0x77: {  	_ =	shalt  }
0x78: {  	_ =	shalt  }
0x79: {  	_ =	shalt  }
0x7a: {  	_ =	shalt  }
0x7b: {  	_ =	shalt  }
0x7c: {  	_ =	shalt  }
0x7d: {  	_ =	shalt  }
0x7e: {  	_ =	shalt  }
0x7f: {  	_ =	shalt  }
0x80: {  	_ =	shalt  }
0x81: {  	_ =	shalt  }
0x82: {  	_ =	shalt  }
0x83: {  	_ =	shalt  }
0x84: {  	_ =	shalt  }
0x85: {  	_ =	shalt  }
0x86: {  	_ =	shalt  }
0x87: {  	_ =	shalt  }
.Lfunc_end0:
.L_simem_size_0:
called_computation.1_lowered:
.L_overlay_start_0:
0x88: {  	s0 =	sld [smem:$0x3FD9]  }
0x89: {  	s1 =	sld [smem:$0x3FFE];
	_ =	sdelay $0x3  }
0x8a: {  	s0 =	sadd.s32 s1, s0  }
0x8b: {  	[smem:$0x3FBF] =	sst s0  }
0x8c: {  	_ = 	snop  }
0x8d: {  	(tm) =	ssettm $0x1  }
0x8e: {  	s15 =	sld [smem:$0x3FFB];
	_ =	sdelay $0x3  }
0x8f: {  	_ =	strace s15  }
0x90: {  	s0 =	sld [smem:$0x3FFC];
	_ =	sdelay $0x3  }
0x91: {  	_ =	strace s0  }
0x92: {  	s0 =	sld [smem:$0x3FFD];
	_ =	sdelay $0x3  }
0x93: {  	_ =	strace s0  }
0x94: {  	_ =	strace $0x8FFFFFFF  }
0x95: {  	s16 =	sld [smem:$0x3FDB];
	_ =	sdelay $0x1  }
0x96: {  	s17 =	simm.s32 $_scs_section_size  }
0x97: {  	s2 =	simm.s32 $_size__tile_overlayer_lowered;
	s3 =	simm.s32 $_tile_overlayer_lowered  }
0x98: {  	s20 =	simm.s32 $0x1BFF;
	s19 =	sshll.u32 s3, $0x1;
	s0 =	sadd.s32 s17, s16  }
0x99: {  	s4 =	simm.s32 $0x0;
	s18 =	sshll.u32 s2, $0x1;
	s2 =	sadd.s32 s19, s0  }
0x9a: {  	[timem:s4], [sflag:s20] =	dma.local [hbm:s2], s18  }
0x9b: {  	_ =	swait.ge [sflag:s20], s18  }
0x9c: {  	s1 =	ssub.s32 $0x0, s18;
	[sflag:s20] =	ssyncset.done $0x0  }
0x9d: {  	[sflag:s20] =	ssyncadd.s32 s1;
	_ =	sdelay $0x1  }
0x9e: {  	s21 =	simm.s32 $0x1B8B  }
0x9f: {  	_ =	swait.ge [sflag:s21], $0x1  }
0xa0: {  	[sflag:s21] =	ssyncset.done $0x0  }
0xa1: {  	s23 =	simm.s32 $0x1B8E;
	s22 =	sld [smem:$0x3FFE];
	[sflag:s21] =	ssyncadd.s32 $0xFFFFFFFF  }
0xa2: {  	s24 =	simm.s32 $execute0_lowered;
	[smem:$0x3FD2] =	sst s23  }
0xa3: {  	s2 =	sshll.u32 s24, $0x1;
	_ =	strace $0x8000004C;
	[dreg:$0x1] =	wrdreg $0xFFFFFFFF  }
0xa4: {  	s25 =	simm.s32 $_size_execute0_lowered;
	s0 =	sadd.s32 s0, s2;
	[dreg:$0x0] =	wrdreg $0x0  }
0xa5: {  	s2 =	sshll.u32 s25, $0x1;
	[dreg:$0x2] =	wrdreg s0  }
0xa6: {  	[dreg:$0x3] =	wrdreg s2  }
0xa7: {  	[dreg:$0x4] =	wrdreg $0xC0  }
0xa8: {  	_ =	task [dreg:s4], $0x5FFFF  }
0xa9: {  	[dreg:$0x1] =	wrdreg $0xFFFFFFFF  }
0xaa: {  	[dreg:$0x0] =	wrdreg $0x60  }
0xab: {  	[dreg:$0x2] =	wrdreg s22  }
0xac: {  	[dreg:$0x3] =	wrdreg $0x9  }
0xad: {  	_ =	task.clear_ibuf [dreg:s4], $0x4FFFF;
	_ =	strace $0x9000004C  }
0xae: {  	s26 =	simm.s32 $0x9;
	_ =	strace $0x8000004E  }
0xaf: {  	_ =	swait.ge [sflag:s26], $0x1  }
0xb0: {  	[sflag:s26] =	ssyncadd.s32 $0xFFFFFFFF  }
0xb1: {  	_ =	strace $0x9000004E  }
0xb2: {  	_ =	sfence  }
0xb3: {  	s28 =	sld [smem:$0x0];
	_ =	sdelay $0x1  }
0xb4: {  	s29 =	srdreg.scid  }
0xb5: {  	s30 =	sshll.u32 s29, $0xD;
	s31 =	sshrl.u32 s29, $0x2  }
0xb6: {  	s1 =	sand.u32 $0x1, s29;
	s2 =	sand.u32 $0x4000, s30;
	s0 =	sadd.s32 s31, s28  }
0xb7: {  	s1 =	sor.u32 s2, s1;
	s0 =	sshll.u32 s0, $0x11  }
0xb8: {  	s0 =	sor.u32 s0, s1  }
0xb9: {  	s0 =	sadd.s32 $0x8F2B, s0  }
0xba: {  	[sflag:s0] =	ssyncadd.remote.s32 $0x1  }
0xbb: {  	_ =	sfence.sel $0xFFFF  }
0xbc: {  	[dreg:$0x0] =	wrdreg $0xFFFFFFFF;
	(pc) =	sbr.abs _section_cstart, $3  }
0xbd: {  	[dreg:$0x1] =	wrdreg $0xFFFFFFFF  }
0xbe: {  	_ =	task.clear_ibuf [dreg:s4], $0x2FFFF;
	_ =	strace $0x9FFFFFFF  }
0xbf: {  	(tm) =	ssettm $0x7FFFFFFF  }
tec
execute0_lowered:
.L_overlay_start_1:
0x0: {  	(tag) =	ssettag $0x1  }
0x1: {  	s7 =	rddreg [dreg:$0x0]  }
0x2: {  	s0 =	rddreg [dreg:$0x1]  }
0x3: {  	_ =	strace $0x8000004D;
	s3 =	stileid.u32;
	s4 =	simm.s32 $0x3E  }
0x4: {  	s1 =	sadd.s32 $0x14000, s7;
	p0 =	sne.s32 s3, $0x0;
	[sflag:s4] =	ssyncpa.u1 $0x0  }
0x5: {  	s30 =	smin.u32 s3, $0x4;
	s2 =	simm.s32 @!p0 $0x1C3E;
	s5 =	simm.s32 @!p0 $0x0  }
0x6: {  	[spmem:s5], [sflag:s2] =	dma.local @!p0 [hbm:s1], $0x500  }
0x7: {  	s2 =	sadd.s32 s3, s30  }
0x8: {  	p1 =	slt.u32 s3, $0x4;
	s3 =	simm.s32 $0x3E80;
	s2 =	smul.u32 $0x1F40, s2  }
0x9: {  	s3 =	simm.s32 @!p1 $0x1F40  }
0xa: {  	s3 =	sadd.s32 s3, s2  }
0xb: {  	s3 =	smin.u32 s3, $0x27100  }
0xc: {  	s8 =	ssub.s32 s3, s2  }
0xd: {  	p1 =	sgt.s32 s8, $0x0  }
0xe: {  	s8 =	simm.s32 @!p1 $0x0  }
0xf: {  	s5 =	simm.s32 @!p0 $0x3E;
	s31 =	smulhi.u32 $0x10624DD3, s8  }
0x10: {  	_ =	swait.ge @!p0 [sflag:s5], $0x500  }
0x11: {  	s6 =	simm.s32 $0x2;
	[sflag:s5] =	ssyncset.done @!p0 $0x0;
	s9 =	sshrl.u32 s31, $0x9  }
0x12: {  	s11 =	simm.s32 $0x0;
	[sflag:s5] =	ssyncadd.s32 @!p0 $0xFFFFFB00;
	s10 =	smul.u32 $0x1F40, s9  }
.Ltmp0:
0x13: {  	s5 =	sadd.s32 $0xA000, s7;
	[bflag:$0x0] =	sbarrier.arrive $0xFFFF;
	(pc) =	sbr.rel .LBB2_1-.Ltmp0, $4  }
0x14: {  	s7 =	sadd.s32 $0xF000, s7;
	[sflag:s4] =	ssyncpa.u1 $0x1;
	s4 =	simm.s32 $0x1  }
0x15: {  	[sflag:s4] =	ssyncpa.u1 $0x0;
	p1 =	sne.s32 s8, s10;
	s8 =	simm.s32 $0x1  }
0x16: {  	(ifvalue) =	ssetifvalue $0x2800;
	[sflag:s6] =	ssyncpa.u1 $0x0;
	s8 =	simm.s32 @!p1 $0x0  }
0x17: {  	vm0 =	vmmov $0xffff;
	s10 =	smov.u32 s2;
	s8 =	sadd.s32 s8, s9;
	s9 =	simm.s32 $0x0  }
.LBB2_5:
0x18: {  	p2 =	sne.s32 s11, s8  }
.Ltmp1:
0x19: {  	_ = 	snop;
	(pc) =	sbr.rel @!p2 .LBB2_6-.Ltmp1, $4  }
0x1a: {  	_ = 	snop  }
0x1b: {  	s12 =	sadd.s32 $0x1F40, s10  }
0x1c: {  	s10 =	smov.u32 s2;
	s13 =	sadd.s32 $0x1, s11;
	p1 =	slt.s32 s12, s3  }
0x1d: {  	s11 =	smov.u32 s13;
	s10 =	smov.u32 @p1 s12  }
.LBB2_1:
0x1e: {  	p1 =	sge.u32 s11, s8  }
0x1f: {  	s12 =	sxor.u32 @!p1 $0xFFFFFFFF, s11  }
0x20: {  	s12 =	sand.u32 @!p1 $0x1, s12  }
0x21: {  	s12 =	smul.u32 @!p1 $0x1F40, s12  }
0x22: {  	s13 =	sshrl.u32 @!p1 s10, $0x3  }
0x23: {  	s16 =	sand.u32 @!p1 $0x7, s10;
	s14 =	sadd.s32 @!p1 s5, s13;
	s15 =	sadd.s32 @!p1 $0x280, s12  }
0x24: {  	[tilespmem:s15], [sflag:$0x2] =	stream.linear.gather @!p1 [hbm4b:s14+s16], $0x1F40, $0x38;
	[tilespmem:$0x7F80] =	vst v63  }
0x25: {  	s13 =	sadd.s32 @!p1 s7, s13;
	s12 =	sadd.s32 @!p1 $0x4100, s12  }
0x26: {  	[tilespmem:s12], [sflag:$0x2] =	stream.linear.gather @!p1 [hbm4b:s13+s16], $0x1F40, $0x38;
	[tilespmem:$0x7F80] =	vst v63  }
0x27: {  	p1 =	seq.s32 s11, $0x0  }
.Ltmp2:
0x28: {  	_ = 	snop;
	(pc) =	sbr.rel @p1 .LBB2_5-.Ltmp2, $1  }
0x29: {  	_ =	sdelay $0x3  }
0x2a: {  	s12 =	sand.u32 $0x1, s11  }
0x2b: {  	_ =	swait.ge [sflag:s6], $0x3E80;
	p1 =	seq.s32 s12, $0x1;
	s12 =	simm.s32 $0x1F40  }
0x2c: {  	[sflag:s6] =	ssyncset.done $0x0;
	s12 =	simm.s32 @!p1 $0x0  }
0x2d: {  	[sflag:s6] =	ssyncadd.s32 $0xFFFFC180;
	s14 =	sadd.s32 $0x280, s12  }
0x2e: {  	v0 =	vld.msk [tilespmem:s14+$0x0 ss:$0x1], $0xffff;
	_ =	sdelay $0x4  }
0x2f: {  	v0 =	vmin.u32 v0, $0x2800;
	_ =	sdelay $0x3  }
0x30: {  	s13 =	simm.s32 $0x0;
	s12 =	sadd.s32 $0x4100, s12;
	s14 =	sadd.s32 $0x10, s14  }
0x31: {  	[spmem:s9] =	stream.indirect_vreg.scatter.add.s32 [tilespmem:s12], [sflag:$0x1], $0x1, v0, vm0, $0x4038;
	[tilespmem:$0x7F80] =	vst v63  }
.LBB2_3:
0x32: {  	v0 =	vld.msk [tilespmem:s14+$0x0 ss:$0x1], $0xffff;
	s13 =	sadd.s32 $0x10, s13  }
0x33: {  	p1 =	slt.u32 s13, $0x1F30;
	_ =	sdelay $0x4  }
0x34: {  	v0 =	vmin.u32 v0, $0x2800  }
.Ltmp3:
0x35: {  	(pc) =	sbr.rel @p1 .LBB2_3-.Ltmp3, $3  }
0x36: {  	_ =	sdelay $0x1  }
0x37: {  	s14 =	sadd.s32 $0x10, s14;
	s12 =	sadd.s32 $0x10, s12  }
0x38: {  	[spmem:s9] =	stream.indirect_vreg.scatter.add.s32 [tilespmem:s12], [sflag:$0x1], $0x1, v0, vm0, $0x4038;
	[tilespmem:$0x7F80] =	vst v63  }
.Ltmp4:
0x39: {  	(pc) =	sbr.rel .LBB2_5-.Ltmp4, $4  }
0x3a: {  	_ = 	snop  }
0x3b: {  	_ =	swait.ge [sflag:s4], $0x1F40  }
0x3c: {  	[sflag:s4] =	ssyncset.done $0x0  }
0x3d: {  	[sflag:s4] =	ssyncadd.s32 $0xFFFFE0C0  }
.LBB2_6:
0x3e: {  	_ =	sfence.sel $0x180000  }
0x3f: {  	s2 =	simm.s32 $0x2;
	[bflag:$0x0] =	sbarrier.arrive $0xFFFF  }
0x40: {  	s30 =	simm.s32 $0x1;
	[sflag:s2] =	ssyncpa.u1 $0x1  }
0x41: {  	[sflag:s30] =	ssyncpa.u1 $0x1  }
0x42: {  	_ =	sfence.stream.spmem  }
0x43: {  	s31 =	simm.s32 $0x3D;
	[bflag:$0x0] =	sbarrier.arrive $0xFFFF  }
0x44: {  	s2 =	simm.s32 @p0 $0x3D;
	[sflag:s31] =	ssyncpa.u1 $0x0  }
0x45: {  	[sflag:s2] =	ssyncpa.u1 @p0 $0x1  }
0x46: {  	[bflag:$0x0] =	sbarrier.arrive @p0 $0xFFFF  }
0x47: {  	_ =	strace @p0 $0x9000004D  }
0x48: {  	s3 =	simm.s32 @!p0 $0x1C3D;
	s2 =	simm.s32 @!p0 $0x0;
	[bflag:$0x2] =	sbarrier.arrive @p0 $0xFFFF  }
0x49: {  	[hbm:s1], [sflag:s3] =	dma.local @!p0 [spmem:s2], $0x500  }
0x4a: {  	s1 =	simm.s32 @!p0 $0x3D  }
0x4b: {  	_ =	swait.ge @!p0 [sflag:s1], $0x500  }
0x4c: {  	[sflag:s1] =	ssyncset.done @!p0 $0x0  }
0x4d: {  	[sflag:s1] =	ssyncadd.s32 @!p0 $0xFFFFFB00  }
0x4e: {  	[sflag:s1] =	ssyncpa.u1 @!p0 $0x1  }
0x4f: {  	[bflag:$0x0] =	sbarrier.arrive @!p0 $0xFFFF  }
0x50: {  	_ =	strace @!p0 $0x9000004D  }
0x51: {  	s0 =	sadd.s32 @!p0 $0x100000, s0;
	[bflag:$0x2] =	sbarrier.arrive @!p0 $0xFFFF  }
0x52: {  	[sflag:s0] =	ssyncadd.tile.s32 @!p0 $0x1;
	_ =	shalt  }
.Lfunc_end2:
_tile_overlayer_lowered:
.L_overlay_start_2:
0x53: {  	(tag) =	ssettag $0x2  }
0x54: {  	s0 =	rddreg [dreg:$0x0];
	s2 =	stileid.u32  }
0x55: {  	s1 =	rddreg [dreg:$0x1];
	p0 =	sne.s32 s2, $0x0  }
0x56: {  	s3 =	rddreg [dreg:$0x2];
	[bflag:$0x3] =	sbarrier.arrive $0xFFFF;
	s2 =	simm.s32 @!p0 $0x1C01  }
0x57: {  	[timem:s3], [sflag:s2] =	dma.local @!p0 [hbm:s0], s1  }
0x58: {  	s0 =	simm.s32 @!p0 $0x1  }
0x59: {  	_ =	swait.ge @!p0 [sflag:s0], s1  }
0x5a: {  	s1 =	ssub.s32 @!p0 $0x0, s1;
	[sflag:s0] =	ssyncset.done @!p0 $0x0  }
0x5b: {  	[sflag:s0] =	ssyncadd.s32 @!p0 s1  }
0x5c: {  	[bflag:$0x3] =	sbarrier.arrive $0xFFFF  }
0x5d: {  	_ =	shalt  }

// kernel: scatter_offload_async_start
scs
__scs_entry_jumppad:
0x0: {  	(pc) =	sbr.rel $0x88, $3  }
0x1: {  	(tag) =	ssettag $0x0;
	lr =	simm.s32 $0x1  }
0x2: {  	[smem:$0x3F98] =	sst lr;
	_ =	strace $0xD0000000  }
0x3: {  	_ = 	snop  }
0x4: {  	_ = 	snop  }
0x5: {  	_ = 	snop  }
0x6: {  	_ = 	snop  }
0x7: {  	_ = 	snop  }
__scs_overlays_trampoline_lowered:
0x8: {  	[smem:$0x3FA7] =	sst s0  }
0x9: {  	[smem:$0x3FA8] =	sst s1  }
0xa: {  	[smem:$0x3FA9] =	sst s2  }
0xb: {  	[smem:$0x3FAA] =	sst s3  }
0xc: {  	[smem:$0x3FAB] =	sst s4  }
0xd: {  	[smem:$0x3FAC] =	sst s5  }
0xe: {  	[smem:$0x3FAD] =	sst s6  }
0xf: {  	[smem:$0x3FAE] =	sst s7  }
0x10: {  	[smem:$0x3FAF] =	sst s8  }
0x11: {  	[smem:$0x3FB0] =	sst s9;
	s0 =	simm.s32 @!p0 $0x0  }
0x12: {  	s1 =	sld [smem:$0x3F96];
	s0 =	simm.s32 @p0 $0x1  }
0x13: {  	[smem:$0x3FB1] =	sst s0;
	s0 =	simm.s32 @!p1 $0x0  }
0x14: {  	s2 =	sld [smem:$0x3F95];
	s0 =	simm.s32 @p1 $0x1  }
0x15: {  	[smem:$0x3FB2] =	sst s0;
	s0 =	simm.s32 @!p2 $0x0  }
0x16: {  	s3 =	sld [smem:$0x3FDB];
	s0 =	simm.s32 @p2 $0x1  }
0x17: {  	s4 =	simm.s32 $0x1BF5;
	[smem:$0x3FB4] =	sst s0  }
0x18: {  	s0 =	sld [smem:$0x3F97];
	_ =	swait.ge [sflag:s4], $0x0  }
0x19: {  	s7 =	sld [smem:$0x3F98]  }
0x1a: {  	s8 =	sadd.s32 $0xFFFFE003, lr  }
0x1b: {  	s9 =	sadd.s32 $0xFFFFFEF7, lr;
	s5 =	simm.s32 $0xFFFFFFFF;
	p2 =	slt.u32 s8, $0xFFFFF086  }
0x1c: {  	p1 =	slt.u32 s9, $0xF7A;
	s5 =	simm.s32 @!p2 $0x0  }
0x1d: {  	s5 =	simm.s32 @p1 $0x1;
	p0 =	seq.s32 s7, s2  }
0x1e: {  	s7 =	smul.u32 @!p0 $0xF7A, s2;
	p2 =	seq.s32 @!p0 s5, $0x0  }
0x1f: {  	s9 =	smul.u32 $0xF7A, s1;
	s8 =	simm.s32 @!p0 $0x1BF5;
	p2 =	por !p2, p0  }
0x20: {  	[sflag:s8] =	ssyncset.s32 @!p0 $0xFFFFF086;
	s6 =	sadd.s32 @!p0 s3, s7;
	s7 =	simm.s32 @!p0 $0x108  }
0x21: {  	s3 =	sadd.s32 s3, s9;
	s6 =	sadd.s32 @!p0 $0x88, s6;
	s7 =	simm.s32 @p2 $0x1082  }
0x22: {  	[simem:s7], [sflag:s8] =	dma.local @!p0 [hbm:s6], $0xF7A  }
0x23: {  	s9 =	sor.u32 $0xD0000000, s2;
	s6 =	simm.s32 $0x108;
	_ =	swait.ge @!p0 [sflag:s8], $0x0  }
0x24: {  	s3 =	sadd.s32 $0x88, s3;
	s6 =	simm.s32 @!p1 $0x1082;
	[sflag:s4] =	ssyncset.s32 $0xFFFFF086  }
0x25: {  	[simem:s6], [sflag:s4] =	dma.local [hbm:s3], $0xF7A  }
0x26: {  	[smem:$0x3F98] =	sst s1;
	(tag) =	ssettag s2;
	_ =	strace s9  }
0x27: {  	s1 =	sld [smem:$0x3FA8]  }
0x28: {  	s2 =	sld [smem:$0x3FA9]  }
0x29: {  	s4 =	sld [smem:$0x3FAB]  }
0x2a: {  	p0 =	seq.s32 s5, $0x0;
	s5 =	sld [smem:$0x3FAC]  }
0x2b: {  	s6 =	sld [smem:$0x3FAD]  }
0x2c: {  	s7 =	sld [smem:$0x3FAE]  }
0x2d: {  	s3 =	simm.s32 $0x108;
	s8 =	sld [smem:$0x3FAF]  }
0x2e: {  	s3 =	simm.s32 @!p0 $0x1082;
	s9 =	sld [smem:$0x3FB0]  }
0x2f: {  	lr =	sadd.s32 s0, s3;
	s0 =	sld [smem:$0x3FA7]  }
0x30: {  	s3 =	sld [smem:$0x3FAA]  }
0x31: {  	[smem:$0x3FB3] =	sst s10  }
0x32: {  	s10 =	sld [smem:$0x3FB1];
	_ =	sdelay $0x3  }
0x33: {  	p0 =	seq.s32 s10, $0x1;
	s10 =	sld [smem:$0x3FB3];
	_ =	sdelay $0x3  }
0x34: {  	[smem:$0x3FB3] =	sst s10  }
0x35: {  	s10 =	sld [smem:$0x3FB2];
	_ =	sdelay $0x3  }
0x36: {  	p1 =	seq.s32 s10, $0x1;
	s10 =	sld [smem:$0x3FB3];
	_ =	sdelay $0x3  }
0x37: {  	[smem:$0x3FB3] =	sst s10  }
0x38: {  	s10 =	sld [smem:$0x3FB4]  }
0x39: {  	_ = 	snop;
	(pc) =	sbr.ind lr, $3  }
0x3a: {  	_ = 	snop  }
0x3b: {  	_ = 	snop  }
0x3c: {  	p2 =	seq.s32 s10, $0x1;
	s10 =	sld [smem:$0x3FB3]  }
0x3d: {  	_ =	shalt  }
0x3e: {  	_ =	shalt  }
0x3f: {  	_ =	shalt  }
0x40: {  	_ =	shalt  }
0x41: {  	_ =	shalt  }
0x42: {  	_ =	shalt  }
0x43: {  	_ =	shalt  }
0x44: {  	_ =	shalt  }
0x45: {  	_ =	shalt  }
0x46: {  	_ =	shalt  }
0x47: {  	_ =	shalt  }
0x48: {  	_ =	shalt  }
0x49: {  	_ =	shalt  }
0x4a: {  	_ =	shalt  }
0x4b: {  	_ =	shalt  }
0x4c: {  	_ =	shalt  }
0x4d: {  	_ =	shalt  }
0x4e: {  	_ =	shalt  }
0x4f: {  	_ =	shalt  }
0x50: {  	_ =	shalt  }
0x51: {  	_ =	shalt  }
0x52: {  	_ =	shalt  }
0x53: {  	_ =	shalt  }
0x54: {  	_ =	shalt  }
0x55: {  	_ =	shalt  }
0x56: {  	_ =	shalt  }
0x57: {  	_ =	shalt  }
0x58: {  	_ =	shalt  }
0x59: {  	_ =	shalt  }
0x5a: {  	_ =	shalt  }
0x5b: {  	_ =	shalt  }
0x5c: {  	_ =	shalt  }
0x5d: {  	_ =	shalt  }
0x5e: {  	_ =	shalt  }
0x5f: {  	_ =	shalt  }
0x60: {  	_ =	shalt  }
0x61: {  	_ =	shalt  }
0x62: {  	_ =	shalt  }
0x63: {  	_ =	shalt  }
0x64: {  	_ =	shalt  }
0x65: {  	_ =	shalt  }
0x66: {  	_ =	shalt  }
0x67: {  	_ =	shalt  }
0x68: {  	_ =	shalt  }
0x69: {  	_ =	shalt  }
0x6a: {  	_ =	shalt  }
0x6b: {  	_ =	shalt  }
0x6c: {  	_ =	shalt  }
0x6d: {  	_ =	shalt  }
0x6e: {  	_ =	shalt  }
0x6f: {  	_ =	shalt  }
0x70: {  	_ =	shalt  }
0x71: {  	_ =	shalt  }
0x72: {  	_ =	shalt  }
0x73: {  	_ =	shalt  }
0x74: {  	_ =	shalt  }
0x75: {  	_ =	shalt  }
0x76: {  	_ =	shalt  }
0x77: {  	_ =	shalt  }
0x78: {  	_ =	shalt  }
0x79: {  	_ =	shalt  }
0x7a: {  	_ =	shalt  }
0x7b: {  	_ =	shalt  }
0x7c: {  	_ =	shalt  }
0x7d: {  	_ =	shalt  }
0x7e: {  	_ =	shalt  }
0x7f: {  	_ =	shalt  }
0x80: {  	_ =	shalt  }
0x81: {  	_ =	shalt  }
0x82: {  	_ =	shalt  }
0x83: {  	_ =	shalt  }
0x84: {  	_ =	shalt  }
0x85: {  	_ =	shalt  }
0x86: {  	_ =	shalt  }
0x87: {  	_ =	shalt  }
.Lfunc_end0:
.L_simem_size_0:
called_computation_lowered:
.L_overlay_start_0:
0x88: {  	s0 =	sld [smem:$0x3FD9]  }
0x89: {  	s1 =	sld [smem:$0x3FFE];
	_ =	sdelay $0x3  }
0x8a: {  	s0 =	sadd.s32 s1, s0  }
0x8b: {  	[smem:$0x3FBF] =	sst s0  }
0x8c: {  	_ = 	snop  }
0x8d: {  	s0 =	sld [smem:$0x3FD0];
	_ =	sdelay $0x2  }
0x8e: {  	s12 =	simm.s32 $0xB;
	s2 =	simm.s32 $0x10  }
0x8f: {  	[smem:s2], [sflag:s12] =	dma.local [hbm:s0], $0x1  }
0x90: {  	_ =	swait.eq [sflag:s12], $0x1  }
0x91: {  	[sflag:s12] =	ssyncset.done $0x0  }
0x92: {  	[sflag:s12] =	ssyncadd.s32 $0xFFFFFFFF  }
0x93: {  	s13 =	sld [smem:$0x10];
	(tm) =	ssettm $0x1  }
0x94: {  	s14 =	sld [smem:$0x3FFB];
	_ =	sdelay $0x3  }
0x95: {  	_ =	strace s14  }
0x96: {  	s0 =	sld [smem:$0x3FFC];
	_ =	sdelay $0x3  }
0x97: {  	_ =	strace s0  }
0x98: {  	s0 =	sld [smem:$0x3FFD];
	_ =	sdelay $0x3  }
0x99: {  	_ =	strace s0  }
0x9a: {  	_ =	strace $0x8FFFFFFF  }
0x9b: {  	s15 =	sld [smem:$0x3FDB];
	_ =	sdelay $0x1  }
0x9c: {  	s16 =	simm.s32 $_scs_section_size  }
0x9d: {  	s3 =	simm.s32 $_size__tile_overlayer_lowered;
	s4 =	simm.s32 $_tile_overlayer_lowered  }
0x9e: {  	s5 =	simm.s32 $0x1BFF;
	s17 =	sshll.u32 s4, $0x1;
	s2 =	sadd.s32 s16, s15  }
0x9f: {  	s18 =	simm.s32 $0x0;
	s3 =	sshll.u32 s3, $0x1;
	s4 =	sadd.s32 s17, s2  }
0xa0: {  	[timem:s18], [sflag:s5] =	dma.local [hbm:s4], s3  }
0xa1: {  	_ =	swait.ge [sflag:s5], s3  }
0xa2: {  	s3 =	ssub.s32 $0x0, s3;
	[sflag:s5] =	ssyncset.done $0x0  }
0xa3: {  	[sflag:s5] =	ssyncadd.s32 s3;
	_ =	sdelay $0x1  }
0xa4: {  	s19 =	simm.s32 $0x1B8B  }
0xa5: {  	_ =	swait.ge [sflag:s19], $0x1  }
0xa6: {  	[sflag:s19] =	ssyncset.done $0x0  }
0xa7: {  	s21 =	simm.s32 $0x1B8E;
	s20 =	sld [smem:$0x3FFE];
	[sflag:s19] =	ssyncadd.s32 $0xFFFFFFFF  }
0xa8: {  	s22 =	simm.s32 $execute0_lowered;
	[smem:$0x3FD2] =	sst s21  }
0xa9: {  	s4 =	sshll.u32 s22, $0x1;
	_ =	strace $0x80000046;
	[dreg:$0x1] =	wrdreg $0xFFFFFFFF  }
0xaa: {  	s23 =	simm.s32 $_size_execute0_lowered;
	s4 =	sadd.s32 s2, s4;
	[dreg:$0x0] =	wrdreg $0x0  }
0xab: {  	s5 =	sshll.u32 s23, $0x1;
	[dreg:$0x2] =	wrdreg s4  }
0xac: {  	[dreg:$0x3] =	wrdreg s5  }
0xad: {  	[dreg:$0x4] =	wrdreg $0xC0  }
0xae: {  	s24 =	simm.s32 $execute1_lowered;
	_ =	task [dreg:s18], $0x5FFFF  }
0xaf: {  	s4 =	sshll.u32 s24, $0x1;
	[dreg:$0x1] =	wrdreg $0xFFFFFFFF  }
0xb0: {  	s2 =	sadd.s32 s2, s4;
	[dreg:$0x0] =	wrdreg $0x60  }
0xb1: {  	[dreg:$0x2] =	wrdreg s2  }
0xb2: {  	[dreg:$0x3] =	wrdreg s20  }
0xb3: {  	[dreg:$0x4] =	wrdreg $0x9  }
0xb4: {  	_ =	task.clear_ibuf [dreg:s18], $0x5FFFF;
	_ =	strace $0x90000046  }
0xb5: {  	s25 =	simm.s32 $0x9;
	_ =	strace $0x80000048  }
0xb6: {  	_ =	swait.ge [sflag:s25], $0x1  }
0xb7: {  	[sflag:s25] =	ssyncadd.s32 $0xFFFFFFFF  }
0xb8: {  	_ =	strace $0x90000048  }
0xb9: {  	_ =	strace $0x80000049;
	[dreg:$0x1] =	wrdreg $0xFFFFFFFF  }
0xba: {  	[dreg:$0x0] =	wrdreg $0x2030  }
0xbb: {  	[dreg:$0x2] =	wrdreg s20  }
0xbc: {  	[dreg:$0x3] =	wrdreg s13  }
0xbd: {  	[dreg:$0x4] =	wrdreg $0xA  }
0xbe: {  	_ =	task.clear_ibuf [dreg:s18], $0x5FFFF;
	_ =	strace $0x90000049  }
0xbf: {  	s26 =	simm.s32 $0xA;
	_ =	strace $0x8000004B  }
0xc0: {  	_ =	swait.ge [sflag:s26], $0x1  }
0xc1: {  	[sflag:s26] =	ssyncadd.s32 $0xFFFFFFFF  }
0xc2: {  	_ =	strace $0x9000004B  }
0xc3: {  	_ =	sfence  }
0xc4: {  	s28 =	sld [smem:$0x0];
	_ =	sdelay $0x1  }
0xc5: {  	s29 =	srdreg.scid  }
0xc6: {  	s30 =	sshll.u32 s29, $0xD;
	s31 =	sshrl.u32 s29, $0x2  }
0xc7: {  	s3 =	sand.u32 $0x4000, s30;
	s2 =	sand.u32 $0x1, s29;
	s1 =	sadd.s32 s31, s28  }
0xc8: {  	s2 =	sor.u32 s3, s2;
	s1 =	sshll.u32 s1, $0x11  }
0xc9: {  	s1 =	sor.u32 s1, s2  }
0xca: {  	s1 =	sadd.s32 $0x8F2B, s1  }
0xcb: {  	[sflag:s1] =	ssyncadd.remote.s32 $0x1  }
0xcc: {  	_ =	sfence.sel $0xFFFF  }
0xcd: {  	[dreg:$0x0] =	wrdreg $0xFFFFFFFF;
	(pc) =	sbr.abs _section_cstart, $3  }
0xce: {  	[dreg:$0x1] =	wrdreg $0xFFFFFFFF  }
0xcf: {  	_ =	task.clear_ibuf [dreg:s18], $0x2FFFF;
	_ =	strace $0x9FFFFFFF  }
0xd0: {  	(tm) =	ssettm $0x7FFFFFFF  }
0xd1: {  	_ =	shalt  }
tec
execute0_lowered:
.L_overlay_start_1:
0x0: {  	(tag) =	ssettag $0x1  }
0x1: {  	s2 =	rddreg [dreg:$0x0]  }
0x2: {  	s4 =	rddreg [dreg:$0x1]  }
0x3: {  	s0 =	rddreg [dreg:$0x2];
	s3 =	stileid.u32  }
0x4: {  	[bflag:$0x3] =	sbarrier.arrive $0xFFFF;
	s1 =	simm.s32 $_size_execute1_lowered;
	p0 =	sne.s32 s3, $0x0  }
0x5: {  	s1 =	sshll.u32 s1, $0x1;
	s5 =	simm.s32 @!p0 $0x1C3F;
	s6 =	simm.s32 @!p0 $0x4060  }
0x6: {  	[timem:s6], [sflag:s5] =	dma.local @!p0 [hbm:s2], s1  }
0x7: {  	s2 =	smul.u32 $0x280, s3  }
.Ltmp0:
0x8: {  	s31 =	simm.s32 $0x2;
	s7 =	simm.s32 $0x280;
	(pc) =	sbr.rel .LBB2_1-.Ltmp0, $4  }
0x9: {  	s8 =	simm.s32 $0x780;
	s10 =	simm.s32 $0x0;
	s9 =	simm.s32 $0x0  }
0xa: {  	s3 =	simm.s32 $0x1;
	_ =	strace $0x80000047;
	s30 =	sshrl.u32 s2, $0x3  }
0xb: {  	s6 =	simm.s32 $0x0;
	[sflag:s3] =	ssyncpa.u1 $0x0;
	s5 =	sadd.s32 s30, s4  }
0xc: {  	s4 =	sadd.s32 $0x14600, s4;
	[sflag:s31] =	ssyncpa.u1 $0x0;
	s5 =	sadd.s32 $0x14000, s5  }
.LBB2_8:
0xd: {  	p1 =	seq.s32 s9, $0x2  }
.Ltmp1:
0xe: {  	_ = 	snop;
	(pc) =	sbr.rel @p1 .LBB2_10-.Ltmp1, $1  }
0xf: {  	_ =	sdelay $0x3  }
.LBB2_9:
0x10: {  	s9 =	sadd.s32 $0x1, s9;
	s10 =	smov.u32 s2  }
.LBB2_1:
0x11: {  	p1 =	sne.s32 s9, $0x0  }
.Ltmp2:
0x12: {  	_ = 	snop;
	(pc) =	sbr.rel @!p1 .LBB2_2-.Ltmp2, $1  }
0x13: {  	_ =	sdelay $0x3  }
0x14: {  	s11 =	sand.u32 $0x1, s9  }
0x15: {  	p1 =	seq.s32 s11, $0x0  }
.Ltmp3:
0x16: {  	_ = 	snop;
	(pc) =	sbr.rel @p1 .LBB2_8-.Ltmp3, $1  }
0x17: {  	_ =	sdelay $0x3  }
0x18: {  	_ =	swait.ge [sflag:s3], $0x280  }
0x19: {  	[sflag:s3] =	ssyncset.done $0x0  }
0x1a: {  	s11 =	simm.s32 $0x0;
	p1 =	por $0x1, $0x1;
	[sflag:s3] =	ssyncadd.s32 $0xFFFFFD80  }
.LBB2_5:
0x1b: {  	v0 =	vld [tilespmem:s11+$0x280]  }
0x1c: {  	v1 =	vld [tilespmem:s11+$0x290]  }
0x1d: {  	v2 =	vld [tilespmem:s11+$0x2A0]  }
0x1e: {  	v3 =	vld [tilespmem:s11+$0x2B0]  }
0x1f: {  	v4 =	vld [tilespmem:s11+$0x2C0]  }
0x20: {  	v53 =	vld [tilespmem:s11+$0x2D0];
	[tilespmem:s11+$0x780] =	vst v0  }
0x21: {  	v54 =	vld [tilespmem:s11+$0x2E0];
	[tilespmem:s11+$0x790] =	vst v1  }
0x22: {  	v55 =	vld [tilespmem:s11+$0x2F0];
	[tilespmem:s11+$0x7A0] =	vst v2  }
0x23: {  	v56 =	vld [tilespmem:s11+$0x300];
	[tilespmem:s11+$0x7B0] =	vst v3  }
0x24: {  	v57 =	vld [tilespmem:s11+$0x310];
	[tilespmem:s11+$0x7C0] =	vst v4  }
0x25: {  	v58 =	vld [tilespmem:s11+$0x320];
	[tilespmem:s11+$0x7D0] =	vst v53  }
0x26: {  	v59 =	vld [tilespmem:s11+$0x330];
	[tilespmem:s11+$0x7E0] =	vst v54  }
0x27: {  	v60 =	vld [tilespmem:s11+$0x340];
	[tilespmem:s11+$0x7F0] =	vst v55  }
0x28: {  	v61 =	vld [tilespmem:s11+$0x350];
	[tilespmem:s11+$0x800] =	vst v56  }
0x29: {  	v62 =	vld [tilespmem:s11+$0x360];
	[tilespmem:s11+$0x810] =	vst v57  }
0x2a: {  	v63 =	vld [tilespmem:s11+$0x370];
	p2 =	por p1, p1;
	[tilespmem:s11+$0x820] =	vst v58  }
.Ltmp4:
0x2b: {  	[tilespmem:s11+$0x830] =	vst v59;
	(pc) =	sbr.rel @p2 .LBB2_5-.Ltmp4, $4  }
0x2c: {  	[tilespmem:s11+$0x840] =	vst v60  }
0x2d: {  	[tilespmem:s11+$0x850] =	vst v61  }
0x2e: {  	s12 =	simm.s32 $0x1F0;
	s13 =	simm.s32 $0x980;
	[tilespmem:s11+$0x860] =	vst v62  }
0x2f: {  	s14 =	simm.s32 $0x480;
	p1 =	por $0x0, $0x0;
	[tilespmem:s11+$0x870] =	vst v63;
	s11 =	simm.s32 $0x100  }
.LBB2_6:
0x30: {  	s12 =	sadd.s32 $0x10, s12  }
0x31: {  	v0 =	vld [tilespmem:s14+$0x0];
	p1 =	slt.u32 s12, $0x270  }
.Ltmp5:
0x32: {  	_ = 	snop;
	(pc) =	sbr.rel @p1 .LBB2_6-.Ltmp5, $2  }
0x33: {  	_ =	sdelay $0x2  }
0x34: {  	s14 =	sadd.s32 $0x10, s14;
	[tilespmem:s13+$0x0] =	vst v0;
	s13 =	sadd.s32 $0x10, s13  }
.Ltmp6:
0x35: {  	(pc) =	sbr.rel .LBB2_8-.Ltmp6, $4  }
0x36: {  	_ = 	snop  }
0x37: {  	s10 =	sshrl.u32 s10, $0x3  }
0x38: {  	s10 =	sadd.s32 s4, s10  }
0x39: {  	[hbm4b:s10+s6] =	stream.linear.scatter [tilespmem:s8], [sflag:$0x2], $0x280, $0x38;
	[tilespmem:$0xA00] =	vst v63  }
.LBB2_2:
.Ltmp7:
0x3a: {  	(pc) =	sbr.rel .LBB2_9-.Ltmp7, $2  }
0x3b: {  	_ =	sdelay $0x2  }
0x3c: {  	[tilespmem:s7], [sflag:$0x1] =	stream.linear.gather [hbm4b:s5+s6], $0x280, $0x38;
	[tilespmem:$0xA00] =	vst v63  }
.LBB2_10:
0x3d: {  	s2 =	simm.s32 $0x2  }
0x3e: {  	_ =	swait.ge [sflag:s2], $0x280  }
0x3f: {  	[sflag:s2] =	ssyncset.done $0x0  }
0x40: {  	[sflag:s2] =	ssyncadd.s32 $0xFFFFFD80  }
0x41: {  	_ =	sfence.sel $0x180000  }
0x42: {  	s3 =	simm.s32 $0x1;
	[bflag:$0x0] =	sbarrier.arrive $0xFFFF  }
0x43: {  	[sflag:s3] =	ssyncpa.u1 $0x1  }
0x44: {  	[sflag:s2] =	ssyncpa.u1 $0x1  }
0x45: {  	_ =	strace $0x90000047  }
0x46: {  	s0 =	sadd.s32 @!p0 $0x100000, s0;
	[bflag:$0x2] =	sbarrier.arrive $0xFFFF  }
0x47: {  	[sflag:s0] =	ssyncadd.tile.s32 @!p0 $0x1;
	s0 =	simm.s32 @!p0 $0x3F  }
0x48: {  	_ =	swait.ge @!p0 [sflag:s0], s1  }
0x49: {  	s1 =	ssub.s32 @!p0 $0x0, s1;
	[sflag:s0] =	ssyncset.done @!p0 $0x0  }
0x4a: {  	[sflag:s0] =	ssyncadd.s32 @!p0 s1  }
0x4b: {  	[bflag:$0x3] =	sbarrier.arrive $0xFFFF  }
0x4c: {  	_ =	shalt  }
.Lfunc_end2:
execute1_lowered:
.L_overlay_start_2:
0x4d: {  	(tag) =	ssettag $0x2  }
0x4e: {  	s7 =	rddreg [dreg:$0x0]  }
0x4f: {  	s2 =	rddreg [dreg:$0x1]  }
0x50: {  	s0 =	rddreg [dreg:$0x2]  }
0x51: {  	_ =	strace $0x8000004A;
	s4 =	stileid.u32;
	s5 =	simm.s32 $0x3E  }
0x52: {  	s1 =	sadd.s32 $0x14600, s7;
	p0 =	sne.s32 s4, $0x0;
	[sflag:s5] =	ssyncpa.u1 $0x0  }
0x53: {  	s30 =	smin.u32 s4, $0x4;
	s3 =	simm.s32 @!p0 $0x1C3E;
	s6 =	simm.s32 @!p0 $0x0  }
0x54: {  	[spmem:s6], [sflag:s3] =	dma.local @!p0 [hbm:s1], $0x500  }
0x55: {  	s3 =	sadd.s32 s4, s30  }
0x56: {  	p1 =	slt.u32 s4, $0x4;
	s4 =	simm.s32 $0x3E80;
	s3 =	smul.u32 $0x1F40, s3  }
0x57: {  	s4 =	simm.s32 @!p1 $0x1F40  }
0x58: {  	s4 =	sadd.s32 s4, s3  }
0x59: {  	s4 =	smin.u32 s4, $0x27100  }
0x5a: {  	s8 =	ssub.s32 s4, s3  }
0x5b: {  	p1 =	sgt.s32 s8, $0x0  }
0x5c: {  	s8 =	simm.s32 @!p1 $0x0  }
0x5d: {  	s6 =	simm.s32 @!p0 $0x3E;
	s31 =	smulhi.u32 $0x10624DD3, s8  }
0x5e: {  	_ =	swait.ge @!p0 [sflag:s6], $0x500  }
0x5f: {  	[sflag:s6] =	ssyncset.done @!p0 $0x0;
	s9 =	sshrl.u32 s31, $0x9  }
0x60: {  	s11 =	simm.s32 $0x0;
	[sflag:s6] =	ssyncadd.s32 @!p0 $0xFFFFFB00;
	s10 =	smul.u32 $0x1F40, s9  }
.Ltmp8:
0x61: {  	s7 =	sadd.s32 $0xF000, s7;
	[bflag:$0x0] =	sbarrier.arrive $0xFFFF;
	(pc) =	sbr.rel .LBB3_1-.Ltmp8, $4  }
0x62: {  	s6 =	simm.s32 $0x2;
	[sflag:s5] =	ssyncpa.u1 $0x1;
	s5 =	simm.s32 $0x1  }
0x63: {  	[sflag:s5] =	ssyncpa.u1 $0x0;
	p1 =	sne.s32 s8, s10;
	s8 =	simm.s32 $0x1  }
0x64: {  	(ifvalue) =	ssetifvalue $0x2800;
	[sflag:s6] =	ssyncpa.u1 $0x0;
	s8 =	simm.s32 @!p1 $0x0  }
0x65: {  	vm0 =	vmmov $0xffff;
	s10 =	smov.u32 s3;
	s8 =	sadd.s32 s8, s9;
	s9 =	simm.s32 $0x0  }
.LBB3_5:
0x66: {  	p2 =	sne.s32 s11, s8  }
.Ltmp9:
0x67: {  	_ = 	snop;
	(pc) =	sbr.rel @!p2 .LBB3_6-.Ltmp9, $4  }
0x68: {  	_ = 	snop  }
0x69: {  	s12 =	sadd.s32 $0x1F40, s10  }
0x6a: {  	s10 =	smov.u32 s3;
	s13 =	sadd.s32 $0x1, s11;
	p1 =	slt.s32 s12, s4  }
0x6b: {  	s11 =	smov.u32 s13;
	s10 =	smov.u32 @p1 s12  }
.LBB3_1:
0x6c: {  	p1 =	sge.u32 s11, s8  }
0x6d: {  	s12 =	sxor.u32 @!p1 $0xFFFFFFFF, s11  }
0x6e: {  	s12 =	sand.u32 @!p1 $0x1, s12  }
0x6f: {  	s12 =	smul.u32 @!p1 $0x1F40, s12  }
0x70: {  	s13 =	sshrl.u32 @!p1 s10, $0x3  }
0x71: {  	s16 =	sand.u32 @!p1 $0x7, s10;
	s14 =	sadd.s32 @!p1 s2, s13;
	s15 =	sadd.s32 @!p1 $0x280, s12  }
0x72: {  	[tilespmem:s15], [sflag:$0x2] =	stream.linear.gather @!p1 [hbm4b:s14+s16], $0x1F40, $0x38;
	[tilespmem:$0x7F80] =	vst v63  }
0x73: {  	s13 =	sadd.s32 @!p1 s7, s13;
	s12 =	sadd.s32 @!p1 $0x4100, s12  }
0x74: {  	[tilespmem:s12], [sflag:$0x2] =	stream.linear.gather @!p1 [hbm4b:s13+s16], $0x1F40, $0x38;
	[tilespmem:$0x7F80] =	vst v63  }
0x75: {  	p1 =	seq.s32 s11, $0x0  }
.Ltmp10:
0x76: {  	_ = 	snop;
	(pc) =	sbr.rel @p1 .LBB3_5-.Ltmp10, $1  }
0x77: {  	_ =	sdelay $0x3  }
0x78: {  	s12 =	sand.u32 $0x1, s11  }
0x79: {  	_ =	swait.ge [sflag:s6], $0x3E80;
	p1 =	seq.s32 s12, $0x1;
	s12 =	simm.s32 $0x1F40  }
0x7a: {  	[sflag:s6] =	ssyncset.done $0x0;
	s12 =	simm.s32 @!p1 $0x0  }
0x7b: {  	[sflag:s6] =	ssyncadd.s32 $0xFFFFC180;
	s14 =	sadd.s32 $0x280, s12  }
0x7c: {  	v0 =	vld.msk [tilespmem:s14+$0x0 ss:$0x1], $0xffff;
	_ =	sdelay $0x4  }
0x7d: {  	v0 =	vmin.u32 v0, $0x2800;
	_ =	sdelay $0x3  }
0x7e: {  	s13 =	simm.s32 $0x0;
	s12 =	sadd.s32 $0x4100, s12;
	s14 =	sadd.s32 $0x10, s14  }
0x7f: {  	[spmem:s9] =	stream.indirect_vreg.scatter.add.s32 [tilespmem:s12], [sflag:$0x1], $0x1, v0, vm0, $0x4038;
	[tilespmem:$0x7F80] =	vst v63  }
.LBB3_3:
0x80: {  	v0 =	vld.msk [tilespmem:s14+$0x0 ss:$0x1], $0xffff;
	s13 =	sadd.s32 $0x10, s13  }
0x81: {  	p1 =	slt.u32 s13, $0x1F30;
	_ =	sdelay $0x4  }
0x82: {  	v0 =	vmin.u32 v0, $0x2800  }
.Ltmp11:
0x83: {  	(pc) =	sbr.rel @p1 .LBB3_3-.Ltmp11, $3  }
0x84: {  	_ =	sdelay $0x1  }
0x85: {  	s14 =	sadd.s32 $0x10, s14;
	s12 =	sadd.s32 $0x10, s12  }
0x86: {  	[spmem:s9] =	stream.indirect_vreg.scatter.add.s32 [tilespmem:s12], [sflag:$0x1], $0x1, v0, vm0, $0x4038;
	[tilespmem:$0x7F80] =	vst v63  }
.Ltmp12:
0x87: {  	(pc) =	sbr.rel .LBB3_5-.Ltmp12, $4  }
0x88: {  	_ = 	snop  }
0x89: {  	_ =	swait.ge [sflag:s5], $0x1F40  }
0x8a: {  	[sflag:s5] =	ssyncset.done $0x0  }
0x8b: {  	[sflag:s5] =	ssyncadd.s32 $0xFFFFE0C0  }
.LBB3_6:
0x8c: {  	_ =	sfence.sel $0x180000  }
0x8d: {  	s2 =	simm.s32 $0x2;
	[bflag:$0x0] =	sbarrier.arrive $0xFFFF  }
0x8e: {  	s30 =	simm.s32 $0x1;
	[sflag:s2] =	ssyncpa.u1 $0x1  }
0x8f: {  	[sflag:s30] =	ssyncpa.u1 $0x1  }
0x90: {  	_ =	sfence.stream.spmem  }
0x91: {  	s31 =	simm.s32 $0x3D;
	[bflag:$0x0] =	sbarrier.arrive $0xFFFF  }
0x92: {  	s2 =	simm.s32 @p0 $0x3D;
	[sflag:s31] =	ssyncpa.u1 $0x0  }
0x93: {  	[sflag:s2] =	ssyncpa.u1 @p0 $0x1  }
0x94: {  	[bflag:$0x0] =	sbarrier.arrive @p0 $0xFFFF  }
0x95: {  	_ =	strace @p0 $0x9000004A  }
0x96: {  	s3 =	simm.s32 @!p0 $0x1C3D;
	s2 =	simm.s32 @!p0 $0x0;
	[bflag:$0x2] =	sbarrier.arrive @p0 $0xFFFF  }
0x97: {  	[hbm:s1], [sflag:s3] =	dma.local @!p0 [spmem:s2], $0x500  }
0x98: {  	s1 =	simm.s32 @!p0 $0x3D  }
0x99: {  	_ =	swait.ge @!p0 [sflag:s1], $0x500  }
0x9a: {  	[sflag:s1] =	ssyncset.done @!p0 $0x0  }
0x9b: {  	[sflag:s1] =	ssyncadd.s32 @!p0 $0xFFFFFB00  }
0x9c: {  	[sflag:s1] =	ssyncpa.u1 @!p0 $0x1  }
0x9d: {  	[bflag:$0x0] =	sbarrier.arrive @!p0 $0xFFFF  }
0x9e: {  	_ =	strace @!p0 $0x9000004A  }
0x9f: {  	s0 =	sadd.s32 @!p0 $0x100000, s0;
	[bflag:$0x2] =	sbarrier.arrive @!p0 $0xFFFF  }
0xa0: {  	[sflag:s0] =	ssyncadd.tile.s32 @!p0 $0x1;
	_ =	shalt  }
.Lfunc_end3:
_tile_overlayer_lowered:
.L_overlay_start_3:
0xa1: {  	(tag) =	ssettag $0x3  }
0xa2: {  	s0 =	rddreg [dreg:$0x0];
	s2 =	stileid.u32  }
0xa3: {  	s1 =	rddreg [dreg:$0x1];
	p0 =	sne.s32 s2, $0x0  }
0xa4: {  	s3 =	rddreg [dreg:$0x2];
	[bflag:$0x3] =	sbarrier.arrive $0xFFFF;
	s2 =	simm.s32 @!p0 $0x1C01  }
0xa5: {  	[timem:s3], [sflag:s2] =	dma.local @!p0 [hbm:s0], s1  }
0xa6: {  	s0 =	simm.s32 @!p0 $0x1  }
0xa7: {  	_ =	swait.ge @!p0 [sflag:s0], s1  }
0xa8: {  	s1 =	ssub.s32 @!p0 $0x0, s1;
	[sflag:s0] =	ssyncset.done @!p0 $0x0  }
0xa9: {  	[sflag:s0] =	ssyncadd.s32 @!p0 s1  }
0xaa: {  	[bflag:$0x3] =	sbarrier.arrive $0xFFFF  }
0xab: {  	_ =	shalt  }

</sc_bundles>
